<compile_context>
chip_gen: v7x
topology: tpu7x:2x2x1
jax: 0.10.2.dev20260603
libtpu: 0.0.44.dev20260713+nightly
codegen_flags: <defaults>
</compile_context>

<pallas_src>
import functools

import jax
import jax.numpy as jnp
from jax import lax
from jax.experimental import pallas as pl
from jax.experimental.pallas import tpu as pltpu
from jax.experimental.pallas import tpu_sc as plsc

D = 256
LANES = 16
CHUNK = 40


def _norm_body(z_ref, o_ref):
    x = z_ref[...]
    ss = jnp.sum(x * x, axis=1, keepdims=True)
    nrm = jnp.sqrt(ss)
    o_ref[...] = (x / jnp.maximum(nrm, 1e-12)).astype(jnp.bfloat16)


def _normalize(z):
    n, d = z.shape
    blk = 2000
    return pl.pallas_call(
        _norm_body,
        out_shape=jax.ShapeDtypeStruct((n, d), jnp.bfloat16),
        grid=(n // blk,),
        in_specs=[pl.BlockSpec((blk, d), lambda i: (i, 0))],
        out_specs=pl.BlockSpec((blk, d), lambda i: (i, 0)),
    )(z)


@functools.cache
def _make_sc_scorer(num_edges, num_rel):
    info = plsc.get_sparse_core_info()
    nc, ns = info.num_cores, info.num_subcores
    nw = nc * ns
    epw = num_edges // nw
    assert epw * nw == num_edges and epw % CHUNK == 0
    nchunks = epw // CHUNK

    mesh = plsc.VectorSubcoreMesh(core_axis_name="c", subcore_axis_name="s")

    @functools.partial(
        pl.kernel,
        mesh=mesh,
        out_type=jax.ShapeDtypeStruct((num_edges,), jnp.float32),
        compiler_params=pltpu.CompilerParams(
            use_tc_tiling_on_sc=False, needs_layout_passes=False),
        scratch_types=[
            pltpu.VMEM((epw,), jnp.int32),
            pltpu.VMEM((epw,), jnp.int32),
            pltpu.VMEM((epw + LANES,), jnp.int32),
            pltpu.VMEM((epw,), jnp.float32),
            pltpu.VMEM((num_rel, D // 2), jnp.int32),
            pltpu.VMEM((CHUNK, D), jnp.bfloat16),
            pltpu.VMEM((CHUNK, D), jnp.bfloat16),
            pltpu.VMEM((CHUNK, D), jnp.bfloat16),
            pltpu.VMEM((CHUNK, D), jnp.bfloat16),
            pltpu.SemaphoreType.DMA,
            pltpu.SemaphoreType.DMA,
            pltpu.SemaphoreType.DMA,
        ],
    )
    def scorer(zn_hbm, ei_hbm, rt_hbm, rel_hbm, out_hbm,
               src_v, dst_v, rt_v, out_v, relt,
               srows0, drows0, srows1, drows1, s0, s1, srel):
        wid = lax.axis_index("s") * nc + lax.axis_index("c")
        base = pl.multiple_of(wid * epw, 8)
        hrel = pltpu.make_async_copy(rel_hbm, relt, srel)
        hrel.start()
        pltpu.sync_copy(ei_hbm.at[0, pl.ds(base, epw)], src_v)
        pltpu.sync_copy(ei_hbm.at[1, pl.ds(base, epw)], dst_v)
        pltpu.sync_copy(rt_hbm.at[pl.ds(base, epw)], rt_v.at[pl.ds(0, epw)])

        lanes = lax.iota(jnp.int32, LANES)
        bufs = ((srows0, drows0, s0), (srows1, drows1, s1))
        zero = jnp.zeros((LANES,), jnp.float32)

        def _descs(c, b):
            off = pl.multiple_of(c * CHUNK, 8)
            sr, dr, sem = bufs[b]
            return (
                pltpu.make_async_copy(
                    zn_hbm.at[src_v.at[pl.ds(off, CHUNK)]], sr, sem),
                pltpu.make_async_copy(
                    zn_hbm.at[dst_v.at[pl.ds(off, CHUNK)]], dr, sem),
            )

        def _fire(c, b):
            for h in _descs(c, b):
                h.start()

        def _wait(c, b):
            for h in _descs(c, b):
                h.wait()

        def _unpack2(v):
            return plsc.unpack(
                v, format=plsc.PackFormat.INTERLEAVED,
                preferred_element_type=jnp.float32)

        take_dnums = lax.GatherDimensionNumbers(
            offset_dims=(), collapsed_slice_dims=(0,), start_index_map=(0,))

        def _bcast_lane(vec, k):
            idx = jnp.full((LANES, 1), k, dtype=jnp.int32)
            return lax.gather(
                vec, idx, take_dnums, (1,),
                mode=lax.GatherScatterMode.PROMISE_IN_BOUNDS)

        cols = tuple(j * LANES + lanes for j in range(D // 32))

        def _compute(c, b):
            off = pl.multiple_of(c * CHUNK, 8)
            sr, dr, _ = bufs[b]
            for g in range(-(-CHUNK // LANES)):
                nv = min(LANES, CHUNK - g * LANES)
                te_vec = rt_v[pl.ds(off + g * LANES, LANES)]

                def e_body(k, svec):
                    e = g * LANES + k
                    te = _bcast_lane(te_vec, k)
                    acc0 = zero
                    acc1 = zero
                    for j in range(0, D // 32, 2):
                        qq = None
                        for jj in (j, j + 1):
                            vs = sr[e, pl.ds(jj * 32, 32)]
                            vd = dr[e, pl.ds(jj * 32, 32)]
                            vr = plsc.bitcast(
                                plsc.load_gather(relt, [te, cols[jj]]),
                                jnp.bfloat16)
                            t = (vs + vd) - vr
                            q = t * t
                            qq = q if qq is None else qq + q
                        q0, q1 = _unpack2(qq)
                        acc0 = acc0 + q0
                        acc1 = acc1 + q1
                    total = jnp.sum(acc0 + acc1)
                    return jnp.where(lanes == k, -total, svec)

                svec = lax.fori_loop(0, nv, e_body, zero, unroll=2)
                if nv == LANES:
                    out_v[pl.ds(off + g * LANES, LANES)] = svec
                else:
                    plsc.store_scatter(
                        out_v, [off + g * LANES + lanes], svec,
                        mask=lanes < nv)

        _fire(0, 0)
        hrel.wait()

        def pair_body(i, carry):
            c = pl.multiple_of(i * 2, 2)
            _fire(c + 1, 1)
            _wait(c, 0)
            _compute(c, 0)
            _fire(c + 2, 0)
            _wait(c + 1, 1)
            _compute(c + 1, 1)
            return carry

        lax.fori_loop(0, (nchunks - 1) // 2, pair_body, 0)
        _wait(nchunks - 1, 0)
        _compute(nchunks - 1, 0)
        pltpu.sync_copy(out_v, out_hbm.at[pl.ds(base, epw)])

    return scorer


def kernel(z, edge_index, edge_type, rel_emb):
    r = rel_emb.shape[0]
    zn = _normalize(z)
    rel_i = jax.lax.bitcast_convert_type(
        rel_emb.astype(jnp.bfloat16).reshape(r, D // 2, 2), jnp.int32)
    ei = edge_index.astype(jnp.int32)
    rt = edge_type.astype(jnp.int32)
    scorer = _make_sc_scorer(edge_type.shape[0], r)
    return scorer(zn, ei, rt, rel_i)

# --- scband reference (transcript-rebuilt; emitter-appended) ---
"""Pipeline reference for scband-trans-edecoder-30674656428510 (READ-ONLY COPY).

The authoritative reference and input builder live on the scoring server;
editing this copy changes nothing except your own understanding.
"""

import jax, jax.numpy as jnp
import numpy as np

NUM_NODES = 10000
D = 256
NUM_EDGES = 160000
NUM_RELATIONS = 500


def setup_inputs(seed: int = 0) -> dict:
    key = jax.random.key(seed)
    k1, k2, k3, k4 = jax.random.split(key, 4)
    z = jax.random.normal(k1, (NUM_NODES, D), dtype=jnp.float32)
    edge_index = jax.random.randint(k2, (2, NUM_EDGES), 0, NUM_NODES, dtype=jnp.int64)
    edge_type = jax.random.randint(k3, (NUM_EDGES,), 0, NUM_RELATIONS, dtype=jnp.int64)
    # xavier_uniform_ for rel_emb of shape (num_relations, hidden_channels)
    limit = float(np.sqrt(6.0 / (NUM_RELATIONS + D)))
    rel_emb = jax.random.uniform(k4, (NUM_RELATIONS, D), dtype=jnp.float32, minval=-limit, maxval=limit)
    return {"z": z, "edge_index": edge_index, "edge_type": edge_type, "rel_emb": rel_emb}


def reference(z, edge_index, edge_type, rel_emb):
    # F.normalize(z, p=2, dim=1) with eps=1e-12 denominator clamp
    norm = jnp.linalg.norm(z, ord=2, axis=1, keepdims=True)
    zn = z / jnp.maximum(norm, 1e-12)
    # gathers (embedding lookups)
    z_src = jnp.take(zn, edge_index[0], axis=0)
    z_dst = jnp.take(zn, edge_index[1], axis=0)
    rel = jnp.take(rel_emb, edge_type, axis=0)
    # l2_dissimilarity: ||a - b||_2^2
    diff = (z_src + z_dst) - rel
    dissim = jnp.sum(diff * diff, axis=-1)
    return -dissim

if __name__ == "__main__":
    import jax
    _d = setup_inputs()
    print(jax.jit(kernel)(*tuple(_d.values())))

</pallas_src>

<mosaic_0001>
#map = affine_map<(d0, d1) -> (0, 0)>
#map1 = affine_map<(d0, d1) -> (0)>
module attributes {stable_mosaic.version = 14 : i64} {
  func.func @scorer(%arg0: i32, %arg1: i32, %arg2: memref<10000x256xbf16, #tpu.memory_space<hbm>>, %arg3: memref<2x160000xi32, #tpu.memory_space<hbm>>, %arg4: memref<160000xi32, #tpu.memory_space<hbm>>, %arg5: memref<500x128xi32, #tpu.memory_space<hbm>>, %arg6: memref<160000xf32, #tpu.memory_space<hbm>>, %arg7: memref<5000xi32, #tpu.memory_space<vmem>>, %arg8: memref<5000xi32, #tpu.memory_space<vmem>>, %arg9: memref<5016xi32, #tpu.memory_space<vmem>>, %arg10: memref<5000xf32, #tpu.memory_space<vmem>>, %arg11: memref<500x128xi32, #tpu.memory_space<vmem>>, %arg12: memref<40x256xbf16, #tpu.memory_space<vmem>>, %arg13: memref<40x256xbf16, #tpu.memory_space<vmem>>, %arg14: memref<40x256xbf16, #tpu.memory_space<vmem>>, %arg15: memref<40x256xbf16, #tpu.memory_space<vmem>>, %arg16: memref<!tpu.dma_semaphore, #tpu.memory_space<semaphore_mem>>, %arg17: memref<!tpu.dma_semaphore, #tpu.memory_space<semaphore_mem>>, %arg18: memref<!tpu.dma_semaphore, #tpu.memory_space<semaphore_mem>>) attributes {dimension_semantics = [#tpu.dimension_semantics<core_parallel>, #tpu.dimension_semantics<subcore_parallel>], iteration_bounds = array<i64: 2, 16>, scalar_prefetch = 0 : i64, scratch_operands = 12 : i64, tpu.core_type = #tpu.core_type<sc_vector_subcore>, window_params = [{transform_indices = #map}, {transform_indices = #map}, {transform_indices = #map1}, {transform_indices = #map}, {transform_indices = #map1}]} {
    %mul3A = arith.constant 2 : i32
    %mul3A_0 = arith.muli %arg1, %mul3A : i32
    %add3A = arith.addi %mul3A_0, %arg0 : i32
    %mul3A_1 = arith.constant 5000 : i32
    %mul3A_2 = arith.muli %add3A, %mul3A_1 : i32
    %multiple_of3A = tpu.assume_multiple %mul3A_2, 8 : i32
    tpu.enqueue_dma source(%arg5 : memref<500x128xi32, #tpu.memory_space<hbm>>) target(%arg11 : memref<500x128xi32, #tpu.memory_space<vmem>>) target_semaphore(%arg18 : memref<!tpu.dma_semaphore, #tpu.memory_space<semaphore_mem>>)
    %run_scoped3A = arith.constant 0 : i32
    "tpu.region"() ({
      %run_scoped3A_96 = tpu.sem_alloc : memref<!tpu.dma_semaphore, #tpu.memory_space<semaphore_mem>>
      %dma_start3A_97 = tpu.memref_slice %arg3[%run_scoped3A, %multiple_of3A] : memref<2x160000xi32, #tpu.memory_space<hbm>> -> memref<1x5000xi32, #tpu.memory_space<hbm>>
      %dma_start3A_98 = tpu.memref_squeeze %dma_start3A_97 : memref<1x5000xi32, #tpu.memory_space<hbm>> -> memref<5000xi32, #tpu.memory_space<hbm>>
      %dma_start3A_99 = tpu.memref_slice %arg3[%run_scoped3A, %multiple_of3A] : memref<2x160000xi32, #tpu.memory_space<hbm>> -> memref<1x5000xi32, #tpu.memory_space<hbm>>
      %dma_start3A_100 = tpu.memref_squeeze %dma_start3A_99 : memref<1x5000xi32, #tpu.memory_space<hbm>> -> memref<5000xi32, #tpu.memory_space<hbm>>
      tpu.enqueue_dma source(%dma_start3A_100 : memref<5000xi32, #tpu.memory_space<hbm>>) target(%arg7 : memref<5000xi32, #tpu.memory_space<vmem>>) target_semaphore(%run_scoped3A_96 : memref<!tpu.dma_semaphore, #tpu.memory_space<semaphore_mem>>)
      %dma_wait3A_101 = tpu.memref_slice %arg3[%run_scoped3A, %multiple_of3A] : memref<2x160000xi32, #tpu.memory_space<hbm>> -> memref<1x5000xi32, #tpu.memory_space<hbm>>
      %dma_wait3A_102 = tpu.memref_squeeze %dma_wait3A_101 : memref<1x5000xi32, #tpu.memory_space<hbm>> -> memref<5000xi32, #tpu.memory_space<hbm>>
      %dma_wait3A_103 = tpu.memref_slice %arg3[%run_scoped3A, %multiple_of3A] : memref<2x160000xi32, #tpu.memory_space<hbm>> -> memref<1x5000xi32, #tpu.memory_space<hbm>>
      %dma_wait3A_104 = tpu.memref_squeeze %dma_wait3A_103 : memref<1x5000xi32, #tpu.memory_space<hbm>> -> memref<5000xi32, #tpu.memory_space<hbm>>
      tpu.wait_dma2 semaphore(%run_scoped3A_96 : memref<!tpu.dma_semaphore, #tpu.memory_space<semaphore_mem>>) src(%dma_wait3A_104 : memref<5000xi32, #tpu.memory_space<hbm>>) dst(%arg7 : memref<5000xi32, #tpu.memory_space<vmem>>)
      tpu.yield
    }) : () -> ()
    %run_scoped3A_3 = arith.constant 1 : i32
    "tpu.region"() ({
      %run_scoped3A_96 = tpu.sem_alloc : memref<!tpu.dma_semaphore, #tpu.memory_space<semaphore_mem>>
      %dma_start3A_97 = tpu.memref_slice %arg3[%run_scoped3A_3, %multiple_of3A] : memref<2x160000xi32, #tpu.memory_space<hbm>> -> memref<1x5000xi32, #tpu.memory_space<hbm>>
      %dma_start3A_98 = tpu.memref_squeeze %dma_start3A_97 : memref<1x5000xi32, #tpu.memory_space<hbm>> -> memref<5000xi32, #tpu.memory_space<hbm>>
      %dma_start3A_99 = tpu.memref_slice %arg3[%run_scoped3A_3, %multiple_of3A] : memref<2x160000xi32, #tpu.memory_space<hbm>> -> memref<1x5000xi32, #tpu.memory_space<hbm>>
      %dma_start3A_100 = tpu.memref_squeeze %dma_start3A_99 : memref<1x5000xi32, #tpu.memory_space<hbm>> -> memref<5000xi32, #tpu.memory_space<hbm>>
      tpu.enqueue_dma source(%dma_start3A_100 : memref<5000xi32, #tpu.memory_space<hbm>>) target(%arg8 : memref<5000xi32, #tpu.memory_space<vmem>>) target_semaphore(%run_scoped3A_96 : memref<!tpu.dma_semaphore, #tpu.memory_space<semaphore_mem>>)
      %dma_wait3A_101 = tpu.memref_slice %arg3[%run_scoped3A_3, %multiple_of3A] : memref<2x160000xi32, #tpu.memory_space<hbm>> -> memref<1x5000xi32, #tpu.memory_space<hbm>>
      %dma_wait3A_102 = tpu.memref_squeeze %dma_wait3A_101 : memref<1x5000xi32, #tpu.memory_space<hbm>> -> memref<5000xi32, #tpu.memory_space<hbm>>
      %dma_wait3A_103 = tpu.memref_slice %arg3[%run_scoped3A_3, %multiple_of3A] : memref<2x160000xi32, #tpu.memory_space<hbm>> -> memref<1x5000xi32, #tpu.memory_space<hbm>>
      %dma_wait3A_104 = tpu.memref_squeeze %dma_wait3A_103 : memref<1x5000xi32, #tpu.memory_space<hbm>> -> memref<5000xi32, #tpu.memory_space<hbm>>
      tpu.wait_dma2 semaphore(%run_scoped3A_96 : memref<!tpu.dma_semaphore, #tpu.memory_space<semaphore_mem>>) src(%dma_wait3A_104 : memref<5000xi32, #tpu.memory_space<hbm>>) dst(%arg8 : memref<5000xi32, #tpu.memory_space<vmem>>)
      tpu.yield
    }) : () -> ()
    "tpu.region"() ({
      %run_scoped3A_96 = tpu.sem_alloc : memref<!tpu.dma_semaphore, #tpu.memory_space<semaphore_mem>>
      %dma_start3A_97 = arith.constant 0 : i32
      %dma_start3A_98 = tpu.memref_slice %arg9[%dma_start3A_97] : memref<5016xi32, #tpu.memory_space<vmem>> -> memref<5000xi32, #tpu.memory_space<vmem>>
      %dma_start3A_99 = tpu.memref_slice %arg4[%multiple_of3A] : memref<160000xi32, #tpu.memory_space<hbm>> -> memref<5000xi32, #tpu.memory_space<hbm>>
      %dma_start3A_100 = arith.constant 0 : i32
      %dma_start3A_101 = tpu.memref_slice %arg9[%dma_start3A_100] : memref<5016xi32, #tpu.memory_space<vmem>> -> memref<5000xi32, #tpu.memory_space<vmem>>
      %dma_start3A_102 = tpu.memref_slice %arg4[%multiple_of3A] : memref<160000xi32, #tpu.memory_space<hbm>> -> memref<5000xi32, #tpu.memory_space<hbm>>
      tpu.enqueue_dma source(%dma_start3A_102 : memref<5000xi32, #tpu.memory_space<hbm>>) target(%dma_start3A_101 : memref<5000xi32, #tpu.memory_space<vmem>>) target_semaphore(%run_scoped3A_96 : memref<!tpu.dma_semaphore, #tpu.memory_space<semaphore_mem>>)
      %dma_wait3A_103 = arith.constant 0 : i32
      %dma_wait3A_104 = tpu.memref_slice %arg9[%dma_wait3A_103] : memref<5016xi32, #tpu.memory_space<vmem>> -> memref<5000xi32, #tpu.memory_space<vmem>>
      %dma_wait3A_105 = tpu.memref_slice %arg4[%multiple_of3A] : memref<160000xi32, #tpu.memory_space<hbm>> -> memref<5000xi32, #tpu.memory_space<hbm>>
      %dma_wait3A_106 = arith.constant 0 : i32
      %dma_wait3A_107 = tpu.memref_slice %arg9[%dma_wait3A_106] : memref<5016xi32, #tpu.memory_space<vmem>> -> memref<5000xi32, #tpu.memory_space<vmem>>
      %dma_wait3A_108 = tpu.memref_slice %arg4[%multiple_of3A] : memref<160000xi32, #tpu.memory_space<hbm>> -> memref<5000xi32, #tpu.memory_space<hbm>>
      tpu.wait_dma2 semaphore(%run_scoped3A_96 : memref<!tpu.dma_semaphore, #tpu.memory_space<semaphore_mem>>) src(%dma_wait3A_108 : memref<5000xi32, #tpu.memory_space<hbm>>) dst(%dma_wait3A_107 : memref<5000xi32, #tpu.memory_space<vmem>>)
      tpu.yield
    }) : () -> ()
    %iota3A = tpu.iota {dimensions = array<i32: 0>} : vector<16xi32>
    %broadcast_in_dim3A = arith.constant 0.000000e+00 : f32
    %broadcast_in_dim3A_4 = vector.broadcast %broadcast_in_dim3A : f32 to vector<16xf32>
    %add3A_5 = arith.constant 0 : i32
    %add3A_6 = vector.broadcast %add3A_5 : i32 to vector<16xi32>
    %add3A_7 = arith.addi %add3A_6, %iota3A : vector<16xi32>
    %add3A_8 = arith.constant 16 : i32
    %add3A_9 = vector.broadcast %add3A_8 : i32 to vector<16xi32>
    %add3A_10 = arith.addi %add3A_9, %iota3A : vector<16xi32>
    %add3A_11 = arith.constant 32 : i32
    %add3A_12 = vector.broadcast %add3A_11 : i32 to vector<16xi32>
    %add3A_13 = arith.addi %add3A_12, %iota3A : vector<16xi32>
    %add3A_14 = arith.constant 48 : i32
    %add3A_15 = vector.broadcast %add3A_14 : i32 to vector<16xi32>
    %add3A_16 = arith.addi %add3A_15, %iota3A : vector<16xi32>
    %add3A_17 = arith.constant 64 : i32
    %add3A_18 = vector.broadcast %add3A_17 : i32 to vector<16xi32>
    %add3A_19 = arith.addi %add3A_18, %iota3A : vector<16xi32>
    %add3A_20 = arith.constant 80 : i32
    %add3A_21 = vector.broadcast %add3A_20 : i32 to vector<16xi32>
    %add3A_22 = arith.addi %add3A_21, %iota3A : vector<16xi32>
    %add3A_23 = arith.constant 96 : i32
    %add3A_24 = vector.broadcast %add3A_23 : i32 to vector<16xi32>
    %add3A_25 = arith.addi %add3A_24, %iota3A : vector<16xi32>
    %add3A_26 = arith.constant 112 : i32
    %add3A_27 = vector.broadcast %add3A_26 : i32 to vector<16xi32>
    %add3A_28 = arith.addi %add3A_27, %iota3A : vector<16xi32>
    %multiple_of3A_29 = arith.constant 0 : i32
    %multiple_of3A_30 = tpu.assume_multiple %multiple_of3A_29, 8 : i32
    %dma_start3A = tpu.memref_slice %arg7[%multiple_of3A_30] : memref<5000xi32, #tpu.memory_space<vmem>> -> memref<40xi32, #tpu.memory_space<vmem>>
    %dma_start3A_31 = arith.constant 0 : i32
    %dma_start3A_32 = arith.constant 0 : i32
    %dma_start3A_33 = tpu.memref_slice %arg2[%dma_start3A_31, %dma_start3A_32] : memref<10000x256xbf16, #tpu.memory_space<hbm>> -> memref<10000x256xbf16, #tpu.memory_space<hbm>>
    tpu.enqueue_indirect_dma source(%dma_start3A_33 : memref<10000x256xbf16, #tpu.memory_space<hbm>>) target(%arg12 : memref<40x256xbf16, #tpu.memory_space<vmem>>) offsets(%dma_start3A : memref<40xi32, #tpu.memory_space<vmem>>) semaphore(%arg16 : memref<!tpu.dma_semaphore, #tpu.memory_space<semaphore_mem>>)
    %dma_start3A_34 = tpu.memref_slice %arg8[%multiple_of3A_30] : memref<5000xi32, #tpu.memory_space<vmem>> -> memref<40xi32, #tpu.memory_space<vmem>>
    %dma_start3A_35 = arith.constant 0 : i32
    %dma_start3A_36 = arith.constant 0 : i32
    %dma_start3A_37 = tpu.memref_slice %arg2[%dma_start3A_35, %dma_start3A_36] : memref<10000x256xbf16, #tpu.memory_space<hbm>> -> memref<10000x256xbf16, #tpu.memory_space<hbm>>
    tpu.enqueue_indirect_dma source(%dma_start3A_37 : memref<10000x256xbf16, #tpu.memory_space<hbm>>) target(%arg13 : memref<40x256xbf16, #tpu.memory_space<vmem>>) offsets(%dma_start3A_34 : memref<40xi32, #tpu.memory_space<vmem>>) semaphore(%arg16 : memref<!tpu.dma_semaphore, #tpu.memory_space<semaphore_mem>>)
    tpu.wait_dma2 semaphore(%arg18 : memref<!tpu.dma_semaphore, #tpu.memory_space<semaphore_mem>>) src(%arg5 : memref<500x128xi32, #tpu.memory_space<hbm>>) dst(%arg11 : memref<500x128xi32, #tpu.memory_space<vmem>>)
    %scan3A = arith.constant 0 : i32
    %scan3A_38 = arith.constant 0 : i32
    %scan3A_39 = arith.constant 62 : i32
    %scan3A_40 = arith.addi %scan3A_38, %scan3A_39 : i32
    %scan3A_41 = arith.constant 1 : i32
    scf.for %scan3A_96 = %scan3A_38 to %scan3A_40 step %scan3A_41  : i32 {
      %mul3A_97 = arith.constant 2 : i32
      %mul3A_98 = arith.muli %scan3A_96, %mul3A_97 : i32
      %multiple_of3A_99 = tpu.assume_multiple %mul3A_98, 2 : i32
      %add3A_100 = arith.constant 1 : i32
      %add3A_101 = arith.addi %multiple_of3A_99, %add3A_100 : i32
      %mul3A_102 = arith.constant 40 : i32
      %mul3A_103 = arith.muli %add3A_101, %mul3A_102 : i32
      %multiple_of3A_104 = tpu.assume_multiple %mul3A_103, 8 : i32
      %dma_start3A_105 = tpu.memref_slice %arg7[%multiple_of3A_104] : memref<5000xi32, #tpu.memory_space<vmem>> -> memref<40xi32, #tpu.memory_space<vmem>>
      %dma_start3A_106 = arith.constant 0 : i32
      %dma_start3A_107 = arith.constant 0 : i32
      %dma_start3A_108 = tpu.memref_slice %arg2[%dma_start3A_106, %dma_start3A_107] : memref<10000x256xbf16, #tpu.memory_space<hbm>> -> memref<10000x256xbf16, #tpu.memory_space<hbm>>
      tpu.enqueue_indirect_dma source(%dma_start3A_108 : memref<10000x256xbf16, #tpu.memory_space<hbm>>) target(%arg14 : memref<40x256xbf16, #tpu.memory_space<vmem>>) offsets(%dma_start3A_105 : memref<40xi32, #tpu.memory_space<vmem>>) semaphore(%arg17 : memref<!tpu.dma_semaphore, #tpu.memory_space<semaphore_mem>>)
      %dma_start3A_109 = tpu.memref_slice %arg8[%multiple_of3A_104] : memref<5000xi32, #tpu.memory_space<vmem>> -> memref<40xi32, #tpu.memory_space<vmem>>
      %dma_start3A_110 = arith.constant 0 : i32
      %dma_start3A_111 = arith.constant 0 : i32
      %dma_start3A_112 = tpu.memref_slice %arg2[%dma_start3A_110, %dma_start3A_111] : memref<10000x256xbf16, #tpu.memory_space<hbm>> -> memref<10000x256xbf16, #tpu.memory_space<hbm>>
      tpu.enqueue_indirect_dma source(%dma_start3A_112 : memref<10000x256xbf16, #tpu.memory_space<hbm>>) target(%arg15 : memref<40x256xbf16, #tpu.memory_space<vmem>>) offsets(%dma_start3A_109 : memref<40xi32, #tpu.memory_space<vmem>>) semaphore(%arg17 : memref<!tpu.dma_semaphore, #tpu.memory_space<semaphore_mem>>)
      %mul3A_113 = arith.constant 40 : i32
      %mul3A_114 = arith.muli %multiple_of3A_99, %mul3A_113 : i32
      %multiple_of3A_115 = tpu.assume_multiple %mul3A_114, 8 : i32
      %dma_wait3A_116 = tpu.memref_slice %arg7[%multiple_of3A_115] : memref<5000xi32, #tpu.memory_space<vmem>> -> memref<40xi32, #tpu.memory_space<vmem>>
      %dma_wait3A_117 = arith.constant 0 : i32
      %dma_wait3A_118 = arith.constant 0 : i32
      %dma_wait3A_119 = tpu.memref_slice %arg2[%dma_wait3A_117, %dma_wait3A_118] : memref<10000x256xbf16, #tpu.memory_space<hbm>> -> memref<10000x256xbf16, #tpu.memory_space<hbm>>
      tpu.wait_indirect_dma semaphore(%arg16 : memref<!tpu.dma_semaphore, #tpu.memory_space<semaphore_mem>>) src(%dma_wait3A_119 : memref<10000x256xbf16, #tpu.memory_space<hbm>>) dst(%arg12 : memref<40x256xbf16, #tpu.memory_space<vmem>>)
      %dma_wait3A_120 = tpu.memref_slice %arg8[%multiple_of3A_115] : memref<5000xi32, #tpu.memory_space<vmem>> -> memref<40xi32, #tpu.memory_space<vmem>>
      %dma_wait3A_121 = arith.constant 0 : i32
      %dma_wait3A_122 = arith.constant 0 : i32
      %dma_wait3A_123 = tpu.memref_slice %arg2[%dma_wait3A_121, %dma_wait3A_122] : memref<10000x256xbf16, #tpu.memory_space<hbm>> -> memref<10000x256xbf16, #tpu.memory_space<hbm>>
      tpu.wait_indirect_dma semaphore(%arg16 : memref<!tpu.dma_semaphore, #tpu.memory_space<semaphore_mem>>) src(%dma_wait3A_123 : memref<10000x256xbf16, #tpu.memory_space<hbm>>) dst(%arg13 : memref<40x256xbf16, #tpu.memory_space<vmem>>)
      %mul3A_124 = arith.constant 40 : i32
      %mul3A_125 = arith.muli %multiple_of3A_99, %mul3A_124 : i32
      %multiple_of3A_126 = tpu.assume_multiple %mul3A_125, 8 : i32
      %add3A_127 = arith.constant 0 : i32
      %add3A_128 = arith.addi %multiple_of3A_126, %add3A_127 : i32
      %get3A_129 = arith.index_cast %add3A_128 : i32 to index
      %get3A_130 = tpu.vector_load %arg9[%get3A_129] {strides = array<i32>} : memref<5016xi32, #tpu.memory_space<vmem>>, vector<16xi32>,
      %scan3A_131 = arith.constant 0 : i32
      %scan3A_132 = arith.constant 16 : i32
      %scan3A_133 = arith.addi %scan3A_131, %scan3A_132 : i32
      %scan3A_134 = arith.constant 2 : i32
      %scan3A_135 = scf.for %scan3A_248 = %scan3A_131 to %scan3A_133 step %scan3A_134 iter_args(%scan3A_249 = %broadcast_in_dim3A_4) -> (vector<16xf32>)  : i32 {
        %add3A_250 = arith.constant 0 : i32
        %add3A_251 = arith.addi %add3A_250, %scan3A_248 : i32
        %broadcast_in_dim3A_252 = vector.broadcast %scan3A_248 : i32 to vector<16x1xi32>
        %gather3A = vector.shape_cast %broadcast_in_dim3A_252 : vector<16x1xi32> to vector<16xi32>
        %gather3A_253 = tpu.dynamic_gather %get3A_130[%gather3A] in [0] : vector<16xi32>, vector<16xi32> -> vector<16xi32>
        %get3A_254 = arith.index_cast %add3A_251 : i32 to index
        %get3A_255 = arith.constant 0 : index
        %get3A_256 = tpu.vector_load %arg12[%get3A_254, %get3A_255] {strides = array<i32>} : memref<40x256xbf16, #tpu.memory_space<vmem>>, vector<32xbf16>,
        %get3A_257 = arith.index_cast %add3A_251 : i32 to index
        %get3A_258 = arith.constant 0 : index
        %get3A_259 = tpu.vector_load %arg13[%get3A_257, %get3A_258] {strides = array<i32>} : memref<40x256xbf16, #tpu.memory_space<vmem>>, vector<32xbf16>,
        %gather3A_260 = tpu.vector_load_idx %arg11[%gather3A_253, %add3A_7] : memref<500x128xi32, #tpu.memory_space<vmem>>[vector<16xi32>, vector<16xi32>], vector<16xi32>,
        %bitcast3A = vector.bitcast %gather3A_260 : vector<16xi32> to vector<32xbf16>
        %add3A_261 = arith.addf %get3A_256, %get3A_259 : vector<32xbf16>
        %sub3A = arith.subf %add3A_261, %bitcast3A : vector<32xbf16>
        %mul3A_262 = arith.mulf %sub3A, %sub3A : vector<32xbf16>
        %get3A_263 = arith.index_cast %add3A_251 : i32 to index
        %get3A_264 = arith.constant 32 : index
        %get3A_265 = tpu.vector_load %arg12[%get3A_263, %get3A_264] {strides = array<i32>} : memref<40x256xbf16, #tpu.memory_space<vmem>>, vector<32xbf16>,
        %get3A_266 = arith.index_cast %add3A_251 : i32 to index
        %get3A_267 = arith.constant 32 : index
        %get3A_268 = tpu.vector_load %arg13[%get3A_266, %get3A_267] {strides = array<i32>} : memref<40x256xbf16, #tpu.memory_space<vmem>>, vector<32xbf16>,
        %gather3A_269 = tpu.vector_load_idx %arg11[%gather3A_253, %add3A_10] : memref<500x128xi32, #tpu.memory_space<vmem>>[vector<16xi32>, vector<16xi32>], vector<16xi32>,
        %bitcast3A_270 = vector.bitcast %gather3A_269 : vector<16xi32> to vector<32xbf16>
        %add3A_271 = arith.addf %get3A_265, %get3A_268 : vector<32xbf16>
        %sub3A_272 = arith.subf %add3A_271, %bitcast3A_270 : vector<32xbf16>
        %mul3A_273 = arith.mulf %sub3A_272, %sub3A_272 : vector<32xbf16>
        %add3A_274 = arith.addf %mul3A_262, %mul3A_273 : vector<32xbf16>
        %unpack3A = tpu.unpack_subelements %add3A_274, 0 {pack_format = #tpu.pack_format<interleaved>} : vector<32xbf16> -> vector<16xf32>
        %unpack3A_275 = tpu.unpack_subelements %add3A_274, 1 {pack_format = #tpu.pack_format<interleaved>} : vector<32xbf16> -> vector<16xf32>
        %add3A_276 = arith.addf %broadcast_in_dim3A_4, %unpack3A : vector<16xf32>
        %add3A_277 = arith.addf %broadcast_in_dim3A_4, %unpack3A_275 : vector<16xf32>
        %get3A_278 = arith.index_cast %add3A_251 : i32 to index
        %get3A_279 = arith.constant 64 : index
        %get3A_280 = tpu.vector_load %arg12[%get3A_278, %get3A_279] {strides = array<i32>} : memref<40x256xbf16, #tpu.memory_space<vmem>>, vector<32xbf16>,
        %get3A_281 = arith.index_cast %add3A_251 : i32 to index
        %get3A_282 = arith.constant 64 : index
        %get3A_283 = tpu.vector_load %arg13[%get3A_281, %get3A_282] {strides = array<i32>} : memref<40x256xbf16, #tpu.memory_space<vmem>>, vector<32xbf16>,
        %gather3A_284 = tpu.vector_load_idx %arg11[%gather3A_253, %add3A_13] : memref<500x128xi32, #tpu.memory_space<vmem>>[vector<16xi32>, vector<16xi32>], vector<16xi32>,
        %bitcast3A_285 = vector.bitcast %gather3A_284 : vector<16xi32> to vector<32xbf16>
        %add3A_286 = arith.addf %get3A_280, %get3A_283 : vector<32xbf16>
        %sub3A_287 = arith.subf %add3A_286, %bitcast3A_285 : vector<32xbf16>
        %mul3A_288 = arith.mulf %sub3A_287, %sub3A_287 : vector<32xbf16>
        %get3A_289 = arith.index_cast %add3A_251 : i32 to index
        %get3A_290 = arith.constant 96 : index
        %get3A_291 = tpu.vector_load %arg12[%get3A_289, %get3A_290] {strides = array<i32>} : memref<40x256xbf16, #tpu.memory_space<vmem>>, vector<32xbf16>,
        %get3A_292 = arith.index_cast %add3A_251 : i32 to index
        %get3A_293 = arith.constant 96 : index
        %get3A_294 = tpu.vector_load %arg13[%get3A_292, %get3A_293] {strides = array<i32>} : memref<40x256xbf16, #tpu.memory_space<vmem>>, vector<32xbf16>,
        %gather3A_295 = tpu.vector_load_idx %arg11[%gather3A_253, %add3A_16] : memref<500x128xi32, #tpu.memory_space<vmem>>[vector<16xi32>, vector<16xi32>], vector<16xi32>,
        %bitcast3A_296 = vector.bitcast %gather3A_295 : vector<16xi32> to vector<32xbf16>
        %add3A_297 = arith.addf %get3A_291, %get3A_294 : vector<32xbf16>
        %sub3A_298 = arith.subf %add3A_297, %bitcast3A_296 : vector<32xbf16>
        %mul3A_299 = arith.mulf %sub3A_298, %sub3A_298 : vector<32xbf16>
        %add3A_300 = arith.addf %mul3A_288, %mul3A_299 : vector<32xbf16>
        %unpack3A_301 = tpu.unpack_subelements %add3A_300, 0 {pack_format = #tpu.pack_format<interleaved>} : vector<32xbf16> -> vector<16xf32>
        %unpack3A_302 = tpu.unpack_subelements %add3A_300, 1 {pack_format = #tpu.pack_format<interleaved>} : vector<32xbf16> -> vector<16xf32>
        %add3A_303 = arith.addf %add3A_276, %unpack3A_301 : vector<16xf32>
        %add3A_304 = arith.addf %add3A_277, %unpack3A_302 : vector<16xf32>
        %get3A_305 = arith.index_cast %add3A_251 : i32 to index
        %get3A_306 = arith.constant 128 : index
        %get3A_307 = tpu.vector_load %arg12[%get3A_305, %get3A_306] {strides = array<i32>} : memref<40x256xbf16, #tpu.memory_space<vmem>>, vector<32xbf16>,
        %get3A_308 = arith.index_cast %add3A_251 : i32 to index
        %get3A_309 = arith.constant 128 : index
        %get3A_310 = tpu.vector_load %arg13[%get3A_308, %get3A_309] {strides = array<i32>} : memref<40x256xbf16, #tpu.memory_space<vmem>>, vector<32xbf16>,
        %gather3A_311 = tpu.vector_load_idx %arg11[%gather3A_253, %add3A_19] : memref<500x128xi32, #tpu.memory_space<vmem>>[vector<16xi32>, vector<16xi32>], vector<16xi32>,
        %bitcast3A_312 = vector.bitcast %gather3A_311 : vector<16xi32> to vector<32xbf16>
        %add3A_313 = arith.addf %get3A_307, %get3A_310 : vector<32xbf16>
        %sub3A_314 = arith.subf %add3A_313, %bitcast3A_312 : vector<32xbf16>
        %mul3A_315 = arith.mulf %sub3A_314, %sub3A_314 : vector<32xbf16>
        %get3A_316 = arith.index_cast %add3A_251 : i32 to index
        %get3A_317 = arith.constant 160 : index
        %get3A_318 = tpu.vector_load %arg12[%get3A_316, %get3A_317] {strides = array<i32>} : memref<40x256xbf16, #tpu.memory_space<vmem>>, vector<32xbf16>,
        %get3A_319 = arith.index_cast %add3A_251 : i32 to index
        %get3A_320 = arith.constant 160 : index
        %get3A_321 = tpu.vector_load %arg13[%get3A_319, %get3A_320] {strides = array<i32>} : memref<40x256xbf16, #tpu.memory_space<vmem>>, vector<32xbf16>,
        %gather3A_322 = tpu.vector_load_idx %arg11[%gather3A_253, %add3A_22] : memref<500x128xi32, #tpu.memory_space<vmem>>[vector<16xi32>, vector<16xi32>], vector<16xi32>,
        %bitcast3A_323 = vector.bitcast %gather3A_322 : vector<16xi32> to vector<32xbf16>
        %add3A_324 = arith.addf %get3A_318, %get3A_321 : vector<32xbf16>
        %sub3A_325 = arith.subf %add3A_324, %bitcast3A_323 : vector<32xbf16>
        %mul3A_326 = arith.mulf %sub3A_325, %sub3A_325 : vector<32xbf16>
        %add3A_327 = arith.addf %mul3A_315, %mul3A_326 : vector<32xbf16>
        %unpack3A_328 = tpu.unpack_subelements %add3A_327, 0 {pack_format = #tpu.pack_format<interleaved>} : vector<32xbf16> -> vector<16xf32>
        %unpack3A_329 = tpu.unpack_subelements %add3A_327, 1 {pack_format = #tpu.pack_format<interleaved>} : vector<32xbf16> -> vector<16xf32>
        %add3A_330 = arith.addf %add3A_303, %unpack3A_328 : vector<16xf32>
        %add3A_331 = arith.addf %add3A_304, %unpack3A_329 : vector<16xf32>
        %get3A_332 = arith.index_cast %add3A_251 : i32 to index
        %get3A_333 = arith.constant 192 : index
        %get3A_334 = tpu.vector_load %arg12[%get3A_332, %get3A_333] {strides = array<i32>} : memref<40x256xbf16, #tpu.memory_space<vmem>>, vector<32xbf16>,
        %get3A_335 = arith.index_cast %add3A_251 : i32 to index
        %get3A_336 = arith.constant 192 : index
        %get3A_337 = tpu.vector_load %arg13[%get3A_335, %get3A_336] {strides = array<i32>} : memref<40x256xbf16, #tpu.memory_space<vmem>>, vector<32xbf16>,
        %gather3A_338 = tpu.vector_load_idx %arg11[%gather3A_253, %add3A_25] : memref<500x128xi32, #tpu.memory_space<vmem>>[vector<16xi32>, vector<16xi32>], vector<16xi32>,
        %bitcast3A_339 = vector.bitcast %gather3A_338 : vector<16xi32> to vector<32xbf16>
        %add3A_340 = arith.addf %get3A_334, %get3A_337 : vector<32xbf16>
        %sub3A_341 = arith.subf %add3A_340, %bitcast3A_339 : vector<32xbf16>
        %mul3A_342 = arith.mulf %sub3A_341, %sub3A_341 : vector<32xbf16>
        %get3A_343 = arith.index_cast %add3A_251 : i32 to index
        %get3A_344 = arith.constant 224 : index
        %get3A_345 = tpu.vector_load %arg12[%get3A_343, %get3A_344] {strides = array<i32>} : memref<40x256xbf16, #tpu.memory_space<vmem>>, vector<32xbf16>,
        %get3A_346 = arith.index_cast %add3A_251 : i32 to index
        %get3A_347 = arith.constant 224 : index
        %get3A_348 = tpu.vector_load %arg13[%get3A_346, %get3A_347] {strides = array<i32>} : memref<40x256xbf16, #tpu.memory_space<vmem>>, vector<32xbf16>,
        %gather3A_349 = tpu.vector_load_idx %arg11[%gather3A_253, %add3A_28] : memref<500x128xi32, #tpu.memory_space<vmem>>[vector<16xi32>, vector<16xi32>], vector<16xi32>,
        %bitcast3A_350 = vector.bitcast %gather3A_349 : vector<16xi32> to vector<32xbf16>
        %add3A_351 = arith.addf %get3A_345, %get3A_348 : vector<32xbf16>
        %sub3A_352 = arith.subf %add3A_351, %bitcast3A_350 : vector<32xbf16>
        %mul3A_353 = arith.mulf %sub3A_352, %sub3A_352 : vector<32xbf16>
        %add3A_354 = arith.addf %mul3A_342, %mul3A_353 : vector<32xbf16>
        %unpack3A_355 = tpu.unpack_subelements %add3A_354, 0 {pack_format = #tpu.pack_format<interleaved>} : vector<32xbf16> -> vector<16xf32>
        %unpack3A_356 = tpu.unpack_subelements %add3A_354, 1 {pack_format = #tpu.pack_format<interleaved>} : vector<32xbf16> -> vector<16xf32>
        %add3A_357 = arith.addf %add3A_330, %unpack3A_355 : vector<16xf32>
        %add3A_358 = arith.addf %add3A_331, %unpack3A_356 : vector<16xf32>
        %add3A_359 = arith.addf %add3A_357, %add3A_358 : vector<16xf32>
        %reduce_sum3A = arith.constant true
        %reduce_sum3A_360 = vector.broadcast %reduce_sum3A : i1 to vector<16xi1>
        %reduce_sum3A_361 = tpu.scan <sum>, %add3A_359 masked %reduce_sum3A_360 : vector<16xf32>, vector<16xi1> -> vector<16xf32>
        %reduce_sum3A_362 = vector.extract %reduce_sum3A_361[15] : f32 from vector<16xf32>
        %eq3A = vector.broadcast %scan3A_248 : i32 to vector<16xi32>
        %eq3A_363 = arith.cmpi eq, %iota3A, %eq3A : vector<16xi32>
        %neg3A = arith.constant 0.000000e+00 : f32
        %neg3A_364 = arith.subf %neg3A, %reduce_sum3A_362 : f32
        %broadcast_in_dim3A_365 = vector.broadcast %neg3A_364 : f32 to vector<16xf32>
        %select_n3A = arith.select %eq3A_363, %broadcast_in_dim3A_365, %scan3A_249 : vector<16xi1>, vector<16xf32>
        %scan3A_366 = arith.constant 1 : i32
        %scan3A_367 = arith.addi %scan3A_248, %scan3A_366 : i32
        %add3A_368 = arith.constant 0 : i32
        %add3A_369 = arith.addi %add3A_368, %scan3A_367 : i32
        %broadcast_in_dim3A_370 = vector.broadcast %scan3A_367 : i32 to vector<16x1xi32>
        %gather3A_371 = vector.shape_cast %broadcast_in_dim3A_370 : vector<16x1xi32> to vector<16xi32>
        %gather3A_372 = tpu.dynamic_gather %get3A_130[%gather3A_371] in [0] : vector<16xi32>, vector<16xi32> -> vector<16xi32>
        %get3A_373 = arith.index_cast %add3A_369 : i32 to index
        %get3A_374 = arith.constant 0 : index
        %get3A_375 = tpu.vector_load %arg12[%get3A_373, %get3A_374] {strides = array<i32>} : memref<40x256xbf16, #tpu.memory_space<vmem>>, vector<32xbf16>,
        %get3A_376 = arith.index_cast %add3A_369 : i32 to index
        %get3A_377 = arith.constant 0 : index
        %get3A_378 = tpu.vector_load %arg13[%get3A_376, %get3A_377] {strides = array<i32>} : memref<40x256xbf16, #tpu.memory_space<vmem>>, vector<32xbf16>,
        %gather3A_379 = tpu.vector_load_idx %arg11[%gather3A_372, %add3A_7] : memref<500x128xi32, #tpu.memory_space<vmem>>[vector<16xi32>, vector<16xi32>], vector<16xi32>,
        %bitcast3A_380 = vector.bitcast %gather3A_379 : vector<16xi32> to vector<32xbf16>
        %add3A_381 = arith.addf %get3A_375, %get3A_378 : vector<32xbf16>
        %sub3A_382 = arith.subf %add3A_381, %bitcast3A_380 : vector<32xbf16>
        %mul3A_383 = arith.mulf %sub3A_382, %sub3A_382 : vector<32xbf16>
        %get3A_384 = arith.index_cast %add3A_369 : i32 to index
        %get3A_385 = arith.constant 32 : index
        %get3A_386 = tpu.vector_load %arg12[%get3A_384, %get3A_385] {strides = array<i32>} : memref<40x256xbf16, #tpu.memory_space<vmem>>, vector<32xbf16>,
        %get3A_387 = arith.index_cast %add3A_369 : i32 to index
        %get3A_388 = arith.constant 32 : index
        %get3A_389 = tpu.vector_load %arg13[%get3A_387, %get3A_388] {strides = array<i32>} : memref<40x256xbf16, #tpu.memory_space<vmem>>, vector<32xbf16>,
        %gather3A_390 = tpu.vector_load_idx %arg11[%gather3A_372, %add3A_10] : memref<500x128xi32, #tpu.memory_space<vmem>>[vector<16xi32>, vector<16xi32>], vector<16xi32>,
        %bitcast3A_391 = vector.bitcast %gather3A_390 : vector<16xi32> to vector<32xbf16>
        %add3A_392 = arith.addf %get3A_386, %get3A_389 : vector<32xbf16>
        %sub3A_393 = arith.subf %add3A_392, %bitcast3A_391 : vector<32xbf16>
        %mul3A_394 = arith.mulf %sub3A_393, %sub3A_393 : vector<32xbf16>
        %add3A_395 = arith.addf %mul3A_383, %mul3A_394 : vector<32xbf16>
        %unpack3A_396 = tpu.unpack_subelements %add3A_395, 0 {pack_format = #tpu.pack_format<interleaved>} : vector<32xbf16> -> vector<16xf32>
        %unpack3A_397 = tpu.unpack_subelements %add3A_395, 1 {pack_format = #tpu.pack_format<interleaved>} : vector<32xbf16> -> vector<16xf32>
        %add3A_398 = arith.addf %broadcast_in_dim3A_4, %unpack3A_396 : vector<16xf32>
        %add3A_399 = arith.addf %broadcast_in_dim3A_4, %unpack3A_397 : vector<16xf32>
        %get3A_400 = arith.index_cast %add3A_369 : i32 to index
        %get3A_401 = arith.constant 64 : index
        %get3A_402 = tpu.vector_load %arg12[%get3A_400, %get3A_401] {strides = array<i32>} : memref<40x256xbf16, #tpu.memory_space<vmem>>, vector<32xbf16>,
        %get3A_403 = arith.index_cast %add3A_369 : i32 to index
        %get3A_404 = arith.constant 64 : index
        %get3A_405 = tpu.vector_load %arg13[%get3A_403, %get3A_404] {strides = array<i32>} : memref<40x256xbf16, #tpu.memory_space<vmem>>, vector<32xbf16>,
        %gather3A_406 = tpu.vector_load_idx %arg11[%gather3A_372, %add3A_13] : memref<500x128xi32, #tpu.memory_space<vmem>>[vector<16xi32>, vector<16xi32>], vector<16xi32>,
        %bitcast3A_407 = vector.bitcast %gather3A_406 : vector<16xi32> to vector<32xbf16>
        %add3A_408 = arith.addf %get3A_402, %get3A_405 : vector<32xbf16>
        %sub3A_409 = arith.subf %add3A_408, %bitcast3A_407 : vector<32xbf16>
        %mul3A_410 = arith.mulf %sub3A_409, %sub3A_409 : vector<32xbf16>
        %get3A_411 = arith.index_cast %add3A_369 : i32 to index
        %get3A_412 = arith.constant 96 : index
        %get3A_413 = tpu.vector_load %arg12[%get3A_411, %get3A_412] {strides = array<i32>} : memref<40x256xbf16, #tpu.memory_space<vmem>>, vector<32xbf16>,
        %get3A_414 = arith.index_cast %add3A_369 : i32 to index
        %get3A_415 = arith.constant 96 : index
        %get3A_416 = tpu.vector_load %arg13[%get3A_414, %get3A_415] {strides = array<i32>} : memref<40x256xbf16, #tpu.memory_space<vmem>>, vector<32xbf16>,
        %gather3A_417 = tpu.vector_load_idx %arg11[%gather3A_372, %add3A_16] : memref<500x128xi32, #tpu.memory_space<vmem>>[vector<16xi32>, vector<16xi32>], vector<16xi32>,
        %bitcast3A_418 = vector.bitcast %gather3A_417 : vector<16xi32> to vector<32xbf16>
        %add3A_419 = arith.addf %get3A_413, %get3A_416 : vector<32xbf16>
        %sub3A_420 = arith.subf %add3A_419, %bitcast3A_418 : vector<32xbf16>
        %mul3A_421 = arith.mulf %sub3A_420, %sub3A_420 : vector<32xbf16>
        %add3A_422 = arith.addf %mul3A_410, %mul3A_421 : vector<32xbf16>
        %unpack3A_423 = tpu.unpack_subelements %add3A_422, 0 {pack_format = #tpu.pack_format<interleaved>} : vector<32xbf16> -> vector<16xf32>
        %unpack3A_424 = tpu.unpack_subelements %add3A_422, 1 {pack_format = #tpu.pack_format<interleaved>} : vector<32xbf16> -> vector<16xf32>
        %add3A_425 = arith.addf %add3A_398, %unpack3A_423 : vector<16xf32>
        %add3A_426 = arith.addf %add3A_399, %unpack3A_424 : vector<16xf32>
        %get3A_427 = arith.index_cast %add3A_369 : i32 to index
        %get3A_428 = arith.constant 128 : index
        %get3A_429 = tpu.vector_load %arg12[%get3A_427, %get3A_428] {strides = array<i32>} : memref<40x256xbf16, #tpu.memory_space<vmem>>, vector<32xbf16>,
        %get3A_430 = arith.index_cast %add3A_369 : i32 to index
        %get3A_431 = arith.constant 128 : index
        %get3A_432 = tpu.vector_load %arg13[%get3A_430, %get3A_431] {strides = array<i32>} : memref<40x256xbf16, #tpu.memory_space<vmem>>, vector<32xbf16>,
        %gather3A_433 = tpu.vector_load_idx %arg11[%gather3A_372, %add3A_19] : memref<500x128xi32, #tpu.memory_space<vmem>>[vector<16xi32>, vector<16xi32>], vector<16xi32>,
        %bitcast3A_434 = vector.bitcast %gather3A_433 : vector<16xi32> to vector<32xbf16>
        %add3A_435 = arith.addf %get3A_429, %get3A_432 : vector<32xbf16>
        %sub3A_436 = arith.subf %add3A_435, %bitcast3A_434 : vector<32xbf16>
        %mul3A_437 = arith.mulf %sub3A_436, %sub3A_436 : vector<32xbf16>
        %get3A_438 = arith.index_cast %add3A_369 : i32 to index
        %get3A_439 = arith.constant 160 : index
        %get3A_440 = tpu.vector_load %arg12[%get3A_438, %get3A_439] {strides = array<i32>} : memref<40x256xbf16, #tpu.memory_space<vmem>>, vector<32xbf16>,
        %get3A_441 = arith.index_cast %add3A_369 : i32 to index
        %get3A_442 = arith.constant 160 : index
        %get3A_443 = tpu.vector_load %arg13[%get3A_441, %get3A_442] {strides = array<i32>} : memref<40x256xbf16, #tpu.memory_space<vmem>>, vector<32xbf16>,
        %gather3A_444 = tpu.vector_load_idx %arg11[%gather3A_372, %add3A_22] : memref<500x128xi32, #tpu.memory_space<vmem>>[vector<16xi32>, vector<16xi32>], vector<16xi32>,
        %bitcast3A_445 = vector.bitcast %gather3A_444 : vector<16xi32> to vector<32xbf16>
        %add3A_446 = arith.addf %get3A_440, %get3A_443 : vector<32xbf16>
        %sub3A_447 = arith.subf %add3A_446, %bitcast3A_445 : vector<32xbf16>
        %mul3A_448 = arith.mulf %sub3A_447, %sub3A_447 : vector<32xbf16>
        %add3A_449 = arith.addf %mul3A_437, %mul3A_448 : vector<32xbf16>
        %unpack3A_450 = tpu.unpack_subelements %add3A_449, 0 {pack_format = #tpu.pack_format<interleaved>} : vector<32xbf16> -> vector<16xf32>
        %unpack3A_451 = tpu.unpack_subelements %add3A_449, 1 {pack_format = #tpu.pack_format<interleaved>} : vector<32xbf16> -> vector<16xf32>
        %add3A_452 = arith.addf %add3A_425, %unpack3A_450 : vector<16xf32>
        %add3A_453 = arith.addf %add3A_426, %unpack3A_451 : vector<16xf32>
        %get3A_454 = arith.index_cast %add3A_369 : i32 to index
        %get3A_455 = arith.constant 192 : index
        %get3A_456 = tpu.vector_load %arg12[%get3A_454, %get3A_455] {strides = array<i32>} : memref<40x256xbf16, #tpu.memory_space<vmem>>, vector<32xbf16>,
        %get3A_457 = arith.index_cast %add3A_369 : i32 to index
        %get3A_458 = arith.constant 192 : index
        %get3A_459 = tpu.vector_load %arg13[%get3A_457, %get3A_458] {strides = array<i32>} : memref<40x256xbf16, #tpu.memory_space<vmem>>, vector<32xbf16>,
        %gather3A_460 = tpu.vector_load_idx %arg11[%gather3A_372, %add3A_25] : memref<500x128xi32, #tpu.memory_space<vmem>>[vector<16xi32>, vector<16xi32>], vector<16xi32>,
        %bitcast3A_461 = vector.bitcast %gather3A_460 : vector<16xi32> to vector<32xbf16>
        %add3A_462 = arith.addf %get3A_456, %get3A_459 : vector<32xbf16>
        %sub3A_463 = arith.subf %add3A_462, %bitcast3A_461 : vector<32xbf16>
        %mul3A_464 = arith.mulf %sub3A_463, %sub3A_463 : vector<32xbf16>
        %get3A_465 = arith.index_cast %add3A_369 : i32 to index
        %get3A_466 = arith.constant 224 : index
        %get3A_467 = tpu.vector_load %arg12[%get3A_465, %get3A_466] {strides = array<i32>} : memref<40x256xbf16, #tpu.memory_space<vmem>>, vector<32xbf16>,
        %get3A_468 = arith.index_cast %add3A_369 : i32 to index
        %get3A_469 = arith.constant 224 : index
        %get3A_470 = tpu.vector_load %arg13[%get3A_468, %get3A_469] {strides = array<i32>} : memref<40x256xbf16, #tpu.memory_space<vmem>>, vector<32xbf16>,
        %gather3A_471 = tpu.vector_load_idx %arg11[%gather3A_372, %add3A_28] : memref<500x128xi32, #tpu.memory_space<vmem>>[vector<16xi32>, vector<16xi32>], vector<16xi32>,
        %bitcast3A_472 = vector.bitcast %gather3A_471 : vector<16xi32> to vector<32xbf16>
        %add3A_473 = arith.addf %get3A_467, %get3A_470 : vector<32xbf16>
        %sub3A_474 = arith.subf %add3A_473, %bitcast3A_472 : vector<32xbf16>
        %mul3A_475 = arith.mulf %sub3A_474, %sub3A_474 : vector<32xbf16>
        %add3A_476 = arith.addf %mul3A_464, %mul3A_475 : vector<32xbf16>
        %unpack3A_477 = tpu.unpack_subelements %add3A_476, 0 {pack_format = #tpu.pack_format<interleaved>} : vector<32xbf16> -> vector<16xf32>
        %unpack3A_478 = tpu.unpack_subelements %add3A_476, 1 {pack_format = #tpu.pack_format<interleaved>} : vector<32xbf16> -> vector<16xf32>
        %add3A_479 = arith.addf %add3A_452, %unpack3A_477 : vector<16xf32>
        %add3A_480 = arith.addf %add3A_453, %unpack3A_478 : vector<16xf32>
        %add3A_481 = arith.addf %add3A_479, %add3A_480 : vector<16xf32>
        %reduce_sum3A_482 = arith.constant true
        %reduce_sum3A_483 = vector.broadcast %reduce_sum3A_482 : i1 to vector<16xi1>
        %reduce_sum3A_484 = tpu.scan <sum>, %add3A_481 masked %reduce_sum3A_483 : vector<16xf32>, vector<16xi1> -> vector<16xf32>
        %reduce_sum3A_485 = vector.extract %reduce_sum3A_484[15] : f32 from vector<16xf32>
        %eq3A_486 = vector.broadcast %scan3A_367 : i32 to vector<16xi32>
        %eq3A_487 = arith.cmpi eq, %iota3A, %eq3A_486 : vector<16xi32>
        %neg3A_488 = arith.constant 0.000000e+00 : f32
        %neg3A_489 = arith.subf %neg3A_488, %reduce_sum3A_485 : f32
        %broadcast_in_dim3A_490 = vector.broadcast %neg3A_489 : f32 to vector<16xf32>
        %select_n3A_491 = arith.select %eq3A_487, %broadcast_in_dim3A_490, %select_n3A : vector<16xi1>, vector<16xf32>
        scf.yield %select_n3A_491 : vector<16xf32>
      }
      %scan3A_136 = arith.constant 16 : i32
      %add3A_137 = arith.constant 0 : i32
      %add3A_138 = arith.addi %multiple_of3A_126, %add3A_137 : i32
      %swap3A_139 = arith.index_cast %add3A_138 : i32 to index
      %swap3A_140 = tpu.vector_load %arg10[%swap3A_139] {strides = array<i32>} : memref<5000xf32, #tpu.memory_space<vmem>>, vector<16xf32>,
      tpu.vector_store %arg10[%swap3A_139], %scan3A_135 {strides = array<i32>} : memref<5000xf32, #tpu.memory_space<vmem>>, vector<16xf32>,
      %add3A_141 = arith.constant 16 : i32
      %add3A_142 = arith.addi %multiple_of3A_126, %add3A_141 : i32
      %get3A_143 = arith.index_cast %add3A_142 : i32 to index
      %get3A_144 = tpu.vector_load %arg9[%get3A_143] {strides = array<i32>} : memref<5016xi32, #tpu.memory_space<vmem>>, vector<16xi32>,
      %scan3A_145 = arith.constant 0 : i32
      %scan3A_146 = arith.constant 16 : i32
      %scan3A_147 = arith.addi %scan3A_145, %scan3A_146 : i32
      %scan3A_148 = arith.constant 2 : i32
      %scan3A_149 = scf.for %scan3A_248 = %scan3A_145 to %scan3A_147 step %scan3A_148 iter_args(%scan3A_249 = %broadcast_in_dim3A_4) -> (vector<16xf32>)  : i32 {
        %add3A_250 = arith.constant 16 : i32
        %add3A_251 = arith.addi %add3A_250, %scan3A_248 : i32
        %broadcast_in_dim3A_252 = vector.broadcast %scan3A_248 : i32 to vector<16x1xi32>
        %gather3A = vector.shape_cast %broadcast_in_dim3A_252 : vector<16x1xi32> to vector<16xi32>
        %gather3A_253 = tpu.dynamic_gather %get3A_144[%gather3A] in [0] : vector<16xi32>, vector<16xi32> -> vector<16xi32>
        %get3A_254 = arith.index_cast %add3A_251 : i32 to index
        %get3A_255 = arith.constant 0 : index
        %get3A_256 = tpu.vector_load %arg12[%get3A_254, %get3A_255] {strides = array<i32>} : memref<40x256xbf16, #tpu.memory_space<vmem>>, vector<32xbf16>,
        %get3A_257 = arith.index_cast %add3A_251 : i32 to index
        %get3A_258 = arith.constant 0 : index
        %get3A_259 = tpu.vector_load %arg13[%get3A_257, %get3A_258] {strides = array<i32>} : memref<40x256xbf16, #tpu.memory_space<vmem>>, vector<32xbf16>,
        %gather3A_260 = tpu.vector_load_idx %arg11[%gather3A_253, %add3A_7] : memref<500x128xi32, #tpu.memory_space<vmem>>[vector<16xi32>, vector<16xi32>], vector<16xi32>,
        %bitcast3A = vector.bitcast %gather3A_260 : vector<16xi32> to vector<32xbf16>
        %add3A_261 = arith.addf %get3A_256, %get3A_259 : vector<32xbf16>
        %sub3A = arith.subf %add3A_261, %bitcast3A : vector<32xbf16>
        %mul3A_262 = arith.mulf %sub3A, %sub3A : vector<32xbf16>
        %get3A_263 = arith.index_cast %add3A_251 : i32 to index
        %get3A_264 = arith.constant 32 : index
        %get3A_265 = tpu.vector_load %arg12[%get3A_263, %get3A_264] {strides = array<i32>} : memref<40x256xbf16, #tpu.memory_space<vmem>>, vector<32xbf16>,
        %get3A_266 = arith.index_cast %add3A_251 : i32 to index
        %get3A_267 = arith.constant 32 : index
        %get3A_268 = tpu.vector_load %arg13[%get3A_266, %get3A_267] {strides = array<i32>} : memref<40x256xbf16, #tpu.memory_space<vmem>>, vector<32xbf16>,
        %gather3A_269 = tpu.vector_load_idx %arg11[%gather3A_253, %add3A_10] : memref<500x128xi32, #tpu.memory_space<vmem>>[vector<16xi32>, vector<16xi32>], vector<16xi32>,
        %bitcast3A_270 = vector.bitcast %gather3A_269 : vector<16xi32> to vector<32xbf16>
        %add3A_271 = arith.addf %get3A_265, %get3A_268 : vector<32xbf16>
        %sub3A_272 = arith.subf %add3A_271, %bitcast3A_270 : vector<32xbf16>
        %mul3A_273 = arith.mulf %sub3A_272, %sub3A_272 : vector<32xbf16>
        %add3A_274 = arith.addf %mul3A_262, %mul3A_273 : vector<32xbf16>
        %unpack3A = tpu.unpack_subelements %add3A_274, 0 {pack_format = #tpu.pack_format<interleaved>} : vector<32xbf16> -> vector<16xf32>
        %unpack3A_275 = tpu.unpack_subelements %add3A_274, 1 {pack_format = #tpu.pack_format<interleaved>} : vector<32xbf16> -> vector<16xf32>
        %add3A_276 = arith.addf %broadcast_in_dim3A_4, %unpack3A : vector<16xf32>
        %add3A_277 = arith.addf %broadcast_in_dim3A_4, %unpack3A_275 : vector<16xf32>
        %get3A_278 = arith.index_cast %add3A_251 : i32 to index
        %get3A_279 = arith.constant 64 : index
        %get3A_280 = tpu.vector_load %arg12[%get3A_278, %get3A_279] {strides = array<i32>} : memref<40x256xbf16, #tpu.memory_space<vmem>>, vector<32xbf16>,
        %get3A_281 = arith.index_cast %add3A_251 : i32 to index
        %get3A_282 = arith.constant 64 : index
        %get3A_283 = tpu.vector_load %arg13[%get3A_281, %get3A_282] {strides = array<i32>} : memref<40x256xbf16, #tpu.memory_space<vmem>>, vector<32xbf16>,
        %gather3A_284 = tpu.vector_load_idx %arg11[%gather3A_253, %add3A_13] : memref<500x128xi32, #tpu.memory_space<vmem>>[vector<16xi32>, vector<16xi32>], vector<16xi32>,
        %bitcast3A_285 = vector.bitcast %gather3A_284 : vector<16xi32> to vector<32xbf16>
        %add3A_286 = arith.addf %get3A_280, %get3A_283 : vector<32xbf16>
        %sub3A_287 = arith.subf %add3A_286, %bitcast3A_285 : vector<32xbf16>
        %mul3A_288 = arith.mulf %sub3A_287, %sub3A_287 : vector<32xbf16>
        %get3A_289 = arith.index_cast %add3A_251 : i32 to index
        %get3A_290 = arith.constant 96 : index
        %get3A_291 = tpu.vector_load %arg12[%get3A_289, %get3A_290] {strides = array<i32>} : memref<40x256xbf16, #tpu.memory_space<vmem>>, vector<32xbf16>,
        %get3A_292 = arith.index_cast %add3A_251 : i32 to index
        %get3A_293 = arith.constant 96 : index
        %get3A_294 = tpu.vector_load %arg13[%get3A_292, %get3A_293] {strides = array<i32>} : memref<40x256xbf16, #tpu.memory_space<vmem>>, vector<32xbf16>,
        %gather3A_295 = tpu.vector_load_idx %arg11[%gather3A_253, %add3A_16] : memref<500x128xi32, #tpu.memory_space<vmem>>[vector<16xi32>, vector<16xi32>], vector<16xi32>,
        %bitcast3A_296 = vector.bitcast %gather3A_295 : vector<16xi32> to vector<32xbf16>
        %add3A_297 = arith.addf %get3A_291, %get3A_294 : vector<32xbf16>
        %sub3A_298 = arith.subf %add3A_297, %bitcast3A_296 : vector<32xbf16>
        %mul3A_299 = arith.mulf %sub3A_298, %sub3A_298 : vector<32xbf16>
        %add3A_300 = arith.addf %mul3A_288, %mul3A_299 : vector<32xbf16>
        %unpack3A_301 = tpu.unpack_subelements %add3A_300, 0 {pack_format = #tpu.pack_format<interleaved>} : vector<32xbf16> -> vector<16xf32>
        %unpack3A_302 = tpu.unpack_subelements %add3A_300, 1 {pack_format = #tpu.pack_format<interleaved>} : vector<32xbf16> -> vector<16xf32>
        %add3A_303 = arith.addf %add3A_276, %unpack3A_301 : vector<16xf32>
        %add3A_304 = arith.addf %add3A_277, %unpack3A_302 : vector<16xf32>
        %get3A_305 = arith.index_cast %add3A_251 : i32 to index
        %get3A_306 = arith.constant 128 : index
        %get3A_307 = tpu.vector_load %arg12[%get3A_305, %get3A_306] {strides = array<i32>} : memref<40x256xbf16, #tpu.memory_space<vmem>>, vector<32xbf16>,
        %get3A_308 = arith.index_cast %add3A_251 : i32 to index
        %get3A_309 = arith.constant 128 : index
        %get3A_310 = tpu.vector_load %arg13[%get3A_308, %get3A_309] {strides = array<i32>} : memref<40x256xbf16, #tpu.memory_space<vmem>>, vector<32xbf16>,
        %gather3A_311 = tpu.vector_load_idx %arg11[%gather3A_253, %add3A_19] : memref<500x128xi32, #tpu.memory_space<vmem>>[vector<16xi32>, vector<16xi32>], vector<16xi32>,
        %bitcast3A_312 = vector.bitcast %gather3A_311 : vector<16xi32> to vector<32xbf16>
        %add3A_313 = arith.addf %get3A_307, %get3A_310 : vector<32xbf16>
        %sub3A_314 = arith.subf %add3A_313, %bitcast3A_312 : vector<32xbf16>
        %mul3A_315 = arith.mulf %sub3A_314, %sub3A_314 : vector<32xbf16>
        %get3A_316 = arith.index_cast %add3A_251 : i32 to index
        %get3A_317 = arith.constant 160 : index
        %get3A_318 = tpu.vector_load %arg12[%get3A_316, %get3A_317] {strides = array<i32>} : memref<40x256xbf16, #tpu.memory_space<vmem>>, vector<32xbf16>,
        %get3A_319 = arith.index_cast %add3A_251 : i32 to index
        %get3A_320 = arith.constant 160 : index
        %get3A_321 = tpu.vector_load %arg13[%get3A_319, %get3A_320] {strides = array<i32>} : memref<40x256xbf16, #tpu.memory_space<vmem>>, vector<32xbf16>,
        %gather3A_322 = tpu.vector_load_idx %arg11[%gather3A_253, %add3A_22] : memref<500x128xi32, #tpu.memory_space<vmem>>[vector<16xi32>, vector<16xi32>], vector<16xi32>,
        %bitcast3A_323 = vector.bitcast %gather3A_322 : vector<16xi32> to vector<32xbf16>
        %add3A_324 = arith.addf %get3A_318, %get3A_321 : vector<32xbf16>
        %sub3A_325 = arith.subf %add3A_324, %bitcast3A_323 : vector<32xbf16>
        %mul3A_326 = arith.mulf %sub3A_325, %sub3A_325 : vector<32xbf16>
        %add3A_327 = arith.addf %mul3A_315, %mul3A_326 : vector<32xbf16>
        %unpack3A_328 = tpu.unpack_subelements %add3A_327, 0 {pack_format = #tpu.pack_format<interleaved>} : vector<32xbf16> -> vector<16xf32>
        %unpack3A_329 = tpu.unpack_subelements %add3A_327, 1 {pack_format = #tpu.pack_format<interleaved>} : vector<32xbf16> -> vector<16xf32>
        %add3A_330 = arith.addf %add3A_303, %unpack3A_328 : vector<16xf32>
        %add3A_331 = arith.addf %add3A_304, %unpack3A_329 : vector<16xf32>
        %get3A_332 = arith.index_cast %add3A_251 : i32 to index
        %get3A_333 = arith.constant 192 : index
        %get3A_334 = tpu.vector_load %arg12[%get3A_332, %get3A_333] {strides = array<i32>} : memref<40x256xbf16, #tpu.memory_space<vmem>>, vector<32xbf16>,
        %get3A_335 = arith.index_cast %add3A_251 : i32 to index
        %get3A_336 = arith.constant 192 : index
        %get3A_337 = tpu.vector_load %arg13[%get3A_335, %get3A_336] {strides = array<i32>} : memref<40x256xbf16, #tpu.memory_space<vmem>>, vector<32xbf16>,
        %gather3A_338 = tpu.vector_load_idx %arg11[%gather3A_253, %add3A_25] : memref<500x128xi32, #tpu.memory_space<vmem>>[vector<16xi32>, vector<16xi32>], vector<16xi32>,
        %bitcast3A_339 = vector.bitcast %gather3A_338 : vector<16xi32> to vector<32xbf16>
        %add3A_340 = arith.addf %get3A_334, %get3A_337 : vector<32xbf16>
        %sub3A_341 = arith.subf %add3A_340, %bitcast3A_339 : vector<32xbf16>
        %mul3A_342 = arith.mulf %sub3A_341, %sub3A_341 : vector<32xbf16>
        %get3A_343 = arith.index_cast %add3A_251 : i32 to index
        %get3A_344 = arith.constant 224 : index
        %get3A_345 = tpu.vector_load %arg12[%get3A_343, %get3A_344] {strides = array<i32>} : memref<40x256xbf16, #tpu.memory_space<vmem>>, vector<32xbf16>,
        %get3A_346 = arith.index_cast %add3A_251 : i32 to index
        %get3A_347 = arith.constant 224 : index
        %get3A_348 = tpu.vector_load %arg13[%get3A_346, %get3A_347] {strides = array<i32>} : memref<40x256xbf16, #tpu.memory_space<vmem>>, vector<32xbf16>,
        %gather3A_349 = tpu.vector_load_idx %arg11[%gather3A_253, %add3A_28] : memref<500x128xi32, #tpu.memory_space<vmem>>[vector<16xi32>, vector<16xi32>], vector<16xi32>,
        %bitcast3A_350 = vector.bitcast %gather3A_349 : vector<16xi32> to vector<32xbf16>
        %add3A_351 = arith.addf %get3A_345, %get3A_348 : vector<32xbf16>
        %sub3A_352 = arith.subf %add3A_351, %bitcast3A_350 : vector<32xbf16>
        %mul3A_353 = arith.mulf %sub3A_352, %sub3A_352 : vector<32xbf16>
        %add3A_354 = arith.addf %mul3A_342, %mul3A_353 : vector<32xbf16>
        %unpack3A_355 = tpu.unpack_subelements %add3A_354, 0 {pack_format = #tpu.pack_format<interleaved>} : vector<32xbf16> -> vector<16xf32>
        %unpack3A_356 = tpu.unpack_subelements %add3A_354, 1 {pack_format = #tpu.pack_format<interleaved>} : vector<32xbf16> -> vector<16xf32>
        %add3A_357 = arith.addf %add3A_330, %unpack3A_355 : vector<16xf32>
        %add3A_358 = arith.addf %add3A_331, %unpack3A_356 : vector<16xf32>
        %add3A_359 = arith.addf %add3A_357, %add3A_358 : vector<16xf32>
        %reduce_sum3A = arith.constant true
        %reduce_sum3A_360 = vector.broadcast %reduce_sum3A : i1 to vector<16xi1>
        %reduce_sum3A_361 = tpu.scan <sum>, %add3A_359 masked %reduce_sum3A_360 : vector<16xf32>, vector<16xi1> -> vector<16xf32>
        %reduce_sum3A_362 = vector.extract %reduce_sum3A_361[15] : f32 from vector<16xf32>
        %eq3A = vector.broadcast %scan3A_248 : i32 to vector<16xi32>
        %eq3A_363 = arith.cmpi eq, %iota3A, %eq3A : vector<16xi32>
        %neg3A = arith.constant 0.000000e+00 : f32
        %neg3A_364 = arith.subf %neg3A, %reduce_sum3A_362 : f32
        %broadcast_in_dim3A_365 = vector.broadcast %neg3A_364 : f32 to vector<16xf32>
        %select_n3A = arith.select %eq3A_363, %broadcast_in_dim3A_365, %scan3A_249 : vector<16xi1>, vector<16xf32>
        %scan3A_366 = arith.constant 1 : i32
        %scan3A_367 = arith.addi %scan3A_248, %scan3A_366 : i32
        %add3A_368 = arith.constant 16 : i32
        %add3A_369 = arith.addi %add3A_368, %scan3A_367 : i32
        %broadcast_in_dim3A_370 = vector.broadcast %scan3A_367 : i32 to vector<16x1xi32>
        %gather3A_371 = vector.shape_cast %broadcast_in_dim3A_370 : vector<16x1xi32> to vector<16xi32>
        %gather3A_372 = tpu.dynamic_gather %get3A_144[%gather3A_371] in [0] : vector<16xi32>, vector<16xi32> -> vector<16xi32>
        %get3A_373 = arith.index_cast %add3A_369 : i32 to index
        %get3A_374 = arith.constant 0 : index
        %get3A_375 = tpu.vector_load %arg12[%get3A_373, %get3A_374] {strides = array<i32>} : memref<40x256xbf16, #tpu.memory_space<vmem>>, vector<32xbf16>,
        %get3A_376 = arith.index_cast %add3A_369 : i32 to index
        %get3A_377 = arith.constant 0 : index
        %get3A_378 = tpu.vector_load %arg13[%get3A_376, %get3A_377] {strides = array<i32>} : memref<40x256xbf16, #tpu.memory_space<vmem>>, vector<32xbf16>,
        %gather3A_379 = tpu.vector_load_idx %arg11[%gather3A_372, %add3A_7] : memref<500x128xi32, #tpu.memory_space<vmem>>[vector<16xi32>, vector<16xi32>], vector<16xi32>,
        %bitcast3A_380 = vector.bitcast %gather3A_379 : vector<16xi32> to vector<32xbf16>
        %add3A_381 = arith.addf %get3A_375, %get3A_378 : vector<32xbf16>
        %sub3A_382 = arith.subf %add3A_381, %bitcast3A_380 : vector<32xbf16>
        %mul3A_383 = arith.mulf %sub3A_382, %sub3A_382 : vector<32xbf16>
        %get3A_384 = arith.index_cast %add3A_369 : i32 to index
        %get3A_385 = arith.constant 32 : index
        %get3A_386 = tpu.vector_load %arg12[%get3A_384, %get3A_385] {strides = array<i32>} : memref<40x256xbf16, #tpu.memory_space<vmem>>, vector<32xbf16>,
        %get3A_387 = arith.index_cast %add3A_369 : i32 to index
        %get3A_388 = arith.constant 32 : index
        %get3A_389 = tpu.vector_load %arg13[%get3A_387, %get3A_388] {strides = array<i32>} : memref<40x256xbf16, #tpu.memory_space<vmem>>, vector<32xbf16>,
        %gather3A_390 = tpu.vector_load_idx %arg11[%gather3A_372, %add3A_10] : memref<500x128xi32, #tpu.memory_space<vmem>>[vector<16xi32>, vector<16xi32>], vector<16xi32>,
        %bitcast3A_391 = vector.bitcast %gather3A_390 : vector<16xi32> to vector<32xbf16>
        %add3A_392 = arith.addf %get3A_386, %get3A_389 : vector<32xbf16>
        %sub3A_393 = arith.subf %add3A_392, %bitcast3A_391 : vector<32xbf16>
        %mul3A_394 = arith.mulf %sub3A_393, %sub3A_393 : vector<32xbf16>
        %add3A_395 = arith.addf %mul3A_383, %mul3A_394 : vector<32xbf16>
        %unpack3A_396 = tpu.unpack_subelements %add3A_395, 0 {pack_format = #tpu.pack_format<interleaved>} : vector<32xbf16> -> vector<16xf32>
        %unpack3A_397 = tpu.unpack_subelements %add3A_395, 1 {pack_format = #tpu.pack_format<interleaved>} : vector<32xbf16> -> vector<16xf32>
        %add3A_398 = arith.addf %broadcast_in_dim3A_4, %unpack3A_396 : vector<16xf32>
        %add3A_399 = arith.addf %broadcast_in_dim3A_4, %unpack3A_397 : vector<16xf32>
        %get3A_400 = arith.index_cast %add3A_369 : i32 to index
        %get3A_401 = arith.constant 64 : index
        %get3A_402 = tpu.vector_load %arg12[%get3A_400, %get3A_401] {strides = array<i32>} : memref<40x256xbf16, #tpu.memory_space<vmem>>, vector<32xbf16>,
        %get3A_403 = arith.index_cast %add3A_369 : i32 to index
        %get3A_404 = arith.constant 64 : index
        %get3A_405 = tpu.vector_load %arg13[%get3A_403, %get3A_404] {strides = array<i32>} : memref<40x256xbf16, #tpu.memory_space<vmem>>, vector<32xbf16>,
        %gather3A_406 = tpu.vector_load_idx %arg11[%gather3A_372, %add3A_13] : memref<500x128xi32, #tpu.memory_space<vmem>>[vector<16xi32>, vector<16xi32>], vector<16xi32>,
        %bitcast3A_407 = vector.bitcast %gather3A_406 : vector<16xi32> to vector<32xbf16>
        %add3A_408 = arith.addf %get3A_402, %get3A_405 : vector<32xbf16>
        %sub3A_409 = arith.subf %add3A_408, %bitcast3A_407 : vector<32xbf16>
        %mul3A_410 = arith.mulf %sub3A_409, %sub3A_409 : vector<32xbf16>
        %get3A_411 = arith.index_cast %add3A_369 : i32 to index
        %get3A_412 = arith.constant 96 : index
        %get3A_413 = tpu.vector_load %arg12[%get3A_411, %get3A_412] {strides = array<i32>} : memref<40x256xbf16, #tpu.memory_space<vmem>>, vector<32xbf16>,
        %get3A_414 = arith.index_cast %add3A_369 : i32 to index
        %get3A_415 = arith.constant 96 : index
        %get3A_416 = tpu.vector_load %arg13[%get3A_414, %get3A_415] {strides = array<i32>} : memref<40x256xbf16, #tpu.memory_space<vmem>>, vector<32xbf16>,
        %gather3A_417 = tpu.vector_load_idx %arg11[%gather3A_372, %add3A_16] : memref<500x128xi32, #tpu.memory_space<vmem>>[vector<16xi32>, vector<16xi32>], vector<16xi32>,
        %bitcast3A_418 = vector.bitcast %gather3A_417 : vector<16xi32> to vector<32xbf16>
        %add3A_419 = arith.addf %get3A_413, %get3A_416 : vector<32xbf16>
        %sub3A_420 = arith.subf %add3A_419, %bitcast3A_418 : vector<32xbf16>
        %mul3A_421 = arith.mulf %sub3A_420, %sub3A_420 : vector<32xbf16>
        %add3A_422 = arith.addf %mul3A_410, %mul3A_421 : vector<32xbf16>
        %unpack3A_423 = tpu.unpack_subelements %add3A_422, 0 {pack_format = #tpu.pack_format<interleaved>} : vector<32xbf16> -> vector<16xf32>
        %unpack3A_424 = tpu.unpack_subelements %add3A_422, 1 {pack_format = #tpu.pack_format<interleaved>} : vector<32xbf16> -> vector<16xf32>
        %add3A_425 = arith.addf %add3A_398, %unpack3A_423 : vector<16xf32>
        %add3A_426 = arith.addf %add3A_399, %unpack3A_424 : vector<16xf32>
        %get3A_427 = arith.index_cast %add3A_369 : i32 to index
        %get3A_428 = arith.constant 128 : index
        %get3A_429 = tpu.vector_load %arg12[%get3A_427, %get3A_428] {strides = array<i32>} : memref<40x256xbf16, #tpu.memory_space<vmem>>, vector<32xbf16>,
        %get3A_430 = arith.index_cast %add3A_369 : i32 to index
        %get3A_431 = arith.constant 128 : index
        %get3A_432 = tpu.vector_load %arg13[%get3A_430, %get3A_431] {strides = array<i32>} : memref<40x256xbf16, #tpu.memory_space<vmem>>, vector<32xbf16>,
        %gather3A_433 = tpu.vector_load_idx %arg11[%gather3A_372, %add3A_19] : memref<500x128xi32, #tpu.memory_space<vmem>>[vector<16xi32>, vector<16xi32>], vector<16xi32>,
        %bitcast3A_434 = vector.bitcast %gather3A_433 : vector<16xi32> to vector<32xbf16>
        %add3A_435 = arith.addf %get3A_429, %get3A_432 : vector<32xbf16>
        %sub3A_436 = arith.subf %add3A_435, %bitcast3A_434 : vector<32xbf16>
        %mul3A_437 = arith.mulf %sub3A_436, %sub3A_436 : vector<32xbf16>
        %get3A_438 = arith.index_cast %add3A_369 : i32 to index
        %get3A_439 = arith.constant 160 : index
        %get3A_440 = tpu.vector_load %arg12[%get3A_438, %get3A_439] {strides = array<i32>} : memref<40x256xbf16, #tpu.memory_space<vmem>>, vector<32xbf16>,
        %get3A_441 = arith.index_cast %add3A_369 : i32 to index
        %get3A_442 = arith.constant 160 : index
        %get3A_443 = tpu.vector_load %arg13[%get3A_441, %get3A_442] {strides = array<i32>} : memref<40x256xbf16, #tpu.memory_space<vmem>>, vector<32xbf16>,
        %gather3A_444 = tpu.vector_load_idx %arg11[%gather3A_372, %add3A_22] : memref<500x128xi32, #tpu.memory_space<vmem>>[vector<16xi32>, vector<16xi32>], vector<16xi32>,
        %bitcast3A_445 = vector.bitcast %gather3A_444 : vector<16xi32> to vector<32xbf16>
        %add3A_446 = arith.addf %get3A_440, %get3A_443 : vector<32xbf16>
        %sub3A_447 = arith.subf %add3A_446, %bitcast3A_445 : vector<32xbf16>
        %mul3A_448 = arith.mulf %sub3A_447, %sub3A_447 : vector<32xbf16>
        %add3A_449 = arith.addf %mul3A_437, %mul3A_448 : vector<32xbf16>
        %unpack3A_450 = tpu.unpack_subelements %add3A_449, 0 {pack_format = #tpu.pack_format<interleaved>} : vector<32xbf16> -> vector<16xf32>
        %unpack3A_451 = tpu.unpack_subelements %add3A_449, 1 {pack_format = #tpu.pack_format<interleaved>} : vector<32xbf16> -> vector<16xf32>
        %add3A_452 = arith.addf %add3A_425, %unpack3A_450 : vector<16xf32>
        %add3A_453 = arith.addf %add3A_426, %unpack3A_451 : vector<16xf32>
        %get3A_454 = arith.index_cast %add3A_369 : i32 to index
        %get3A_455 = arith.constant 192 : index
        %get3A_456 = tpu.vector_load %arg12[%get3A_454, %get3A_455] {strides = array<i32>} : memref<40x256xbf16, #tpu.memory_space<vmem>>, vector<32xbf16>,
        %get3A_457 = arith.index_cast %add3A_369 : i32 to index
        %get3A_458 = arith.constant 192 : index
        %get3A_459 = tpu.vector_load %arg13[%get3A_457, %get3A_458] {strides = array<i32>} : memref<40x256xbf16, #tpu.memory_space<vmem>>, vector<32xbf16>,
        %gather3A_460 = tpu.vector_load_idx %arg11[%gather3A_372, %add3A_25] : memref<500x128xi32, #tpu.memory_space<vmem>>[vector<16xi32>, vector<16xi32>], vector<16xi32>,
        %bitcast3A_461 = vector.bitcast %gather3A_460 : vector<16xi32> to vector<32xbf16>
        %add3A_462 = arith.addf %get3A_456, %get3A_459 : vector<32xbf16>
        %sub3A_463 = arith.subf %add3A_462, %bitcast3A_461 : vector<32xbf16>
        %mul3A_464 = arith.mulf %sub3A_463, %sub3A_463 : vector<32xbf16>
        %get3A_465 = arith.index_cast %add3A_369 : i32 to index
        %get3A_466 = arith.constant 224 : index
        %get3A_467 = tpu.vector_load %arg12[%get3A_465, %get3A_466] {strides = array<i32>} : memref<40x256xbf16, #tpu.memory_space<vmem>>, vector<32xbf16>,
        %get3A_468 = arith.index_cast %add3A_369 : i32 to index
        %get3A_469 = arith.constant 224 : index
        %get3A_470 = tpu.vector_load %arg13[%get3A_468, %get3A_469] {strides = array<i32>} : memref<40x256xbf16, #tpu.memory_space<vmem>>, vector<32xbf16>,
        %gather3A_471 = tpu.vector_load_idx %arg11[%gather3A_372, %add3A_28] : memref<500x128xi32, #tpu.memory_space<vmem>>[vector<16xi32>, vector<16xi32>], vector<16xi32>,
        %bitcast3A_472 = vector.bitcast %gather3A_471 : vector<16xi32> to vector<32xbf16>
        %add3A_473 = arith.addf %get3A_467, %get3A_470 : vector<32xbf16>
        %sub3A_474 = arith.subf %add3A_473, %bitcast3A_472 : vector<32xbf16>
        %mul3A_475 = arith.mulf %sub3A_474, %sub3A_474 : vector<32xbf16>
        %add3A_476 = arith.addf %mul3A_464, %mul3A_475 : vector<32xbf16>
        %unpack3A_477 = tpu.unpack_subelements %add3A_476, 0 {pack_format = #tpu.pack_format<interleaved>} : vector<32xbf16> -> vector<16xf32>
        %unpack3A_478 = tpu.unpack_subelements %add3A_476, 1 {pack_format = #tpu.pack_format<interleaved>} : vector<32xbf16> -> vector<16xf32>
        %add3A_479 = arith.addf %add3A_452, %unpack3A_477 : vector<16xf32>
        %add3A_480 = arith.addf %add3A_453, %unpack3A_478 : vector<16xf32>
        %add3A_481 = arith.addf %add3A_479, %add3A_480 : vector<16xf32>
        %reduce_sum3A_482 = arith.constant true
        %reduce_sum3A_483 = vector.broadcast %reduce_sum3A_482 : i1 to vector<16xi1>
        %reduce_sum3A_484 = tpu.scan <sum>, %add3A_481 masked %reduce_sum3A_483 : vector<16xf32>, vector<16xi1> -> vector<16xf32>
        %reduce_sum3A_485 = vector.extract %reduce_sum3A_484[15] : f32 from vector<16xf32>
        %eq3A_486 = vector.broadcast %scan3A_367 : i32 to vector<16xi32>
        %eq3A_487 = arith.cmpi eq, %iota3A, %eq3A_486 : vector<16xi32>
        %neg3A_488 = arith.constant 0.000000e+00 : f32
        %neg3A_489 = arith.subf %neg3A_488, %reduce_sum3A_485 : f32
        %broadcast_in_dim3A_490 = vector.broadcast %neg3A_489 : f32 to vector<16xf32>
        %select_n3A_491 = arith.select %eq3A_487, %broadcast_in_dim3A_490, %select_n3A : vector<16xi1>, vector<16xf32>
        scf.yield %select_n3A_491 : vector<16xf32>
      }
      %scan3A_150 = arith.constant 16 : i32
      %add3A_151 = arith.constant 16 : i32
      %add3A_152 = arith.addi %multiple_of3A_126, %add3A_151 : i32
      %swap3A_153 = arith.index_cast %add3A_152 : i32 to index
      %swap3A_154 = tpu.vector_load %arg10[%swap3A_153] {strides = array<i32>} : memref<5000xf32, #tpu.memory_space<vmem>>, vector<16xf32>,
      tpu.vector_store %arg10[%swap3A_153], %scan3A_149 {strides = array<i32>} : memref<5000xf32, #tpu.memory_space<vmem>>, vector<16xf32>,
      %add3A_155 = arith.constant 32 : i32
      %add3A_156 = arith.addi %multiple_of3A_126, %add3A_155 : i32
      %get3A_157 = arith.index_cast %add3A_156 : i32 to index
      %get3A_158 = tpu.vector_load %arg9[%get3A_157] {strides = array<i32>} : memref<5016xi32, #tpu.memory_space<vmem>>, vector<16xi32>,
      %scan3A_159 = arith.constant 0 : i32
      %scan3A_160 = arith.constant 8 : i32
      %scan3A_161 = arith.addi %scan3A_159, %scan3A_160 : i32
      %scan3A_162 = arith.constant 2 : i32
      %scan3A_163 = scf.for %scan3A_248 = %scan3A_159 to %scan3A_161 step %scan3A_162 iter_args(%scan3A_249 = %broadcast_in_dim3A_4) -> (vector<16xf32>)  : i32 {
        %add3A_250 = arith.constant 32 : i32
        %add3A_251 = arith.addi %add3A_250, %scan3A_248 : i32
        %broadcast_in_dim3A_252 = vector.broadcast %scan3A_248 : i32 to vector<16x1xi32>
        %gather3A = vector.shape_cast %broadcast_in_dim3A_252 : vector<16x1xi32> to vector<16xi32>
        %gather3A_253 = tpu.dynamic_gather %get3A_158[%gather3A] in [0] : vector<16xi32>, vector<16xi32> -> vector<16xi32>
        %get3A_254 = arith.index_cast %add3A_251 : i32 to index
        %get3A_255 = arith.constant 0 : index
        %get3A_256 = tpu.vector_load %arg12[%get3A_254, %get3A_255] {strides = array<i32>} : memref<40x256xbf16, #tpu.memory_space<vmem>>, vector<32xbf16>,
        %get3A_257 = arith.index_cast %add3A_251 : i32 to index
        %get3A_258 = arith.constant 0 : index
        %get3A_259 = tpu.vector_load %arg13[%get3A_257, %get3A_258] {strides = array<i32>} : memref<40x256xbf16, #tpu.memory_space<vmem>>, vector<32xbf16>,
        %gather3A_260 = tpu.vector_load_idx %arg11[%gather3A_253, %add3A_7] : memref<500x128xi32, #tpu.memory_space<vmem>>[vector<16xi32>, vector<16xi32>], vector<16xi32>,
        %bitcast3A = vector.bitcast %gather3A_260 : vector<16xi32> to vector<32xbf16>
        %add3A_261 = arith.addf %get3A_256, %get3A_259 : vector<32xbf16>
        %sub3A = arith.subf %add3A_261, %bitcast3A : vector<32xbf16>
        %mul3A_262 = arith.mulf %sub3A, %sub3A : vector<32xbf16>
        %get3A_263 = arith.index_cast %add3A_251 : i32 to index
        %get3A_264 = arith.constant 32 : index
        %get3A_265 = tpu.vector_load %arg12[%get3A_263, %get3A_264] {strides = array<i32>} : memref<40x256xbf16, #tpu.memory_space<vmem>>, vector<32xbf16>,
        %get3A_266 = arith.index_cast %add3A_251 : i32 to index
        %get3A_267 = arith.constant 32 : index
        %get3A_268 = tpu.vector_load %arg13[%get3A_266, %get3A_267] {strides = array<i32>} : memref<40x256xbf16, #tpu.memory_space<vmem>>, vector<32xbf16>,
        %gather3A_269 = tpu.vector_load_idx %arg11[%gather3A_253, %add3A_10] : memref<500x128xi32, #tpu.memory_space<vmem>>[vector<16xi32>, vector<16xi32>], vector<16xi32>,
        %bitcast3A_270 = vector.bitcast %gather3A_269 : vector<16xi32> to vector<32xbf16>
        %add3A_271 = arith.addf %get3A_265, %get3A_268 : vector<32xbf16>
        %sub3A_272 = arith.subf %add3A_271, %bitcast3A_270 : vector<32xbf16>
        %mul3A_273 = arith.mulf %sub3A_272, %sub3A_272 : vector<32xbf16>
        %add3A_274 = arith.addf %mul3A_262, %mul3A_273 : vector<32xbf16>
        %unpack3A = tpu.unpack_subelements %add3A_274, 0 {pack_format = #tpu.pack_format<interleaved>} : vector<32xbf16> -> vector<16xf32>
        %unpack3A_275 = tpu.unpack_subelements %add3A_274, 1 {pack_format = #tpu.pack_format<interleaved>} : vector<32xbf16> -> vector<16xf32>
        %add3A_276 = arith.addf %broadcast_in_dim3A_4, %unpack3A : vector<16xf32>
        %add3A_277 = arith.addf %broadcast_in_dim3A_4, %unpack3A_275 : vector<16xf32>
        %get3A_278 = arith.index_cast %add3A_251 : i32 to index
        %get3A_279 = arith.constant 64 : index
        %get3A_280 = tpu.vector_load %arg12[%get3A_278, %get3A_279] {strides = array<i32>} : memref<40x256xbf16, #tpu.memory_space<vmem>>, vector<32xbf16>,
        %get3A_281 = arith.index_cast %add3A_251 : i32 to index
        %get3A_282 = arith.constant 64 : index
        %get3A_283 = tpu.vector_load %arg13[%get3A_281, %get3A_282] {strides = array<i32>} : memref<40x256xbf16, #tpu.memory_space<vmem>>, vector<32xbf16>,
        %gather3A_284 = tpu.vector_load_idx %arg11[%gather3A_253, %add3A_13] : memref<500x128xi32, #tpu.memory_space<vmem>>[vector<16xi32>, vector<16xi32>], vector<16xi32>,
        %bitcast3A_285 = vector.bitcast %gather3A_284 : vector<16xi32> to vector<32xbf16>
        %add3A_286 = arith.addf %get3A_280, %get3A_283 : vector<32xbf16>
        %sub3A_287 = arith.subf %add3A_286, %bitcast3A_285 : vector<32xbf16>
        %mul3A_288 = arith.mulf %sub3A_287, %sub3A_287 : vector<32xbf16>
        %get3A_289 = arith.index_cast %add3A_251 : i32 to index
        %get3A_290 = arith.constant 96 : index
        %get3A_291 = tpu.vector_load %arg12[%get3A_289, %get3A_290] {strides = array<i32>} : memref<40x256xbf16, #tpu.memory_space<vmem>>, vector<32xbf16>,
        %get3A_292 = arith.index_cast %add3A_251 : i32 to index
        %get3A_293 = arith.constant 96 : index
        %get3A_294 = tpu.vector_load %arg13[%get3A_292, %get3A_293] {strides = array<i32>} : memref<40x256xbf16, #tpu.memory_space<vmem>>, vector<32xbf16>,
        %gather3A_295 = tpu.vector_load_idx %arg11[%gather3A_253, %add3A_16] : memref<500x128xi32, #tpu.memory_space<vmem>>[vector<16xi32>, vector<16xi32>], vector<16xi32>,
        %bitcast3A_296 = vector.bitcast %gather3A_295 : vector<16xi32> to vector<32xbf16>
        %add3A_297 = arith.addf %get3A_291, %get3A_294 : vector<32xbf16>
        %sub3A_298 = arith.subf %add3A_297, %bitcast3A_296 : vector<32xbf16>
        %mul3A_299 = arith.mulf %sub3A_298, %sub3A_298 : vector<32xbf16>
        %add3A_300 = arith.addf %mul3A_288, %mul3A_299 : vector<32xbf16>
        %unpack3A_301 = tpu.unpack_subelements %add3A_300, 0 {pack_format = #tpu.pack_format<interleaved>} : vector<32xbf16> -> vector<16xf32>
        %unpack3A_302 = tpu.unpack_subelements %add3A_300, 1 {pack_format = #tpu.pack_format<interleaved>} : vector<32xbf16> -> vector<16xf32>
        %add3A_303 = arith.addf %add3A_276, %unpack3A_301 : vector<16xf32>
        %add3A_304 = arith.addf %add3A_277, %unpack3A_302 : vector<16xf32>
        %get3A_305 = arith.index_cast %add3A_251 : i32 to index
        %get3A_306 = arith.constant 128 : index
        %get3A_307 = tpu.vector_load %arg12[%get3A_305, %get3A_306] {strides = array<i32>} : memref<40x256xbf16, #tpu.memory_space<vmem>>, vector<32xbf16>,
        %get3A_308 = arith.index_cast %add3A_251 : i32 to index
        %get3A_309 = arith.constant 128 : index
        %get3A_310 = tpu.vector_load %arg13[%get3A_308, %get3A_309] {strides = array<i32>} : memref<40x256xbf16, #tpu.memory_space<vmem>>, vector<32xbf16>,
        %gather3A_311 = tpu.vector_load_idx %arg11[%gather3A_253, %add3A_19] : memref<500x128xi32, #tpu.memory_space<vmem>>[vector<16xi32>, vector<16xi32>], vector<16xi32>,
        %bitcast3A_312 = vector.bitcast %gather3A_311 : vector<16xi32> to vector<32xbf16>
        %add3A_313 = arith.addf %get3A_307, %get3A_310 : vector<32xbf16>
        %sub3A_314 = arith.subf %add3A_313, %bitcast3A_312 : vector<32xbf16>
        %mul3A_315 = arith.mulf %sub3A_314, %sub3A_314 : vector<32xbf16>
        %get3A_316 = arith.index_cast %add3A_251 : i32 to index
        %get3A_317 = arith.constant 160 : index
        %get3A_318 = tpu.vector_load %arg12[%get3A_316, %get3A_317] {strides = array<i32>} : memref<40x256xbf16, #tpu.memory_space<vmem>>, vector<32xbf16>,
        %get3A_319 = arith.index_cast %add3A_251 : i32 to index
        %get3A_320 = arith.constant 160 : index
        %get3A_321 = tpu.vector_load %arg13[%get3A_319, %get3A_320] {strides = array<i32>} : memref<40x256xbf16, #tpu.memory_space<vmem>>, vector<32xbf16>,
        %gather3A_322 = tpu.vector_load_idx %arg11[%gather3A_253, %add3A_22] : memref<500x128xi32, #tpu.memory_space<vmem>>[vector<16xi32>, vector<16xi32>], vector<16xi32>,
        %bitcast3A_323 = vector.bitcast %gather3A_322 : vector<16xi32> to vector<32xbf16>
        %add3A_324 = arith.addf %get3A_318, %get3A_321 : vector<32xbf16>
        %sub3A_325 = arith.subf %add3A_324, %bitcast3A_323 : vector<32xbf16>
        %mul3A_326 = arith.mulf %sub3A_325, %sub3A_325 : vector<32xbf16>
        %add3A_327 = arith.addf %mul3A_315, %mul3A_326 : vector<32xbf16>
        %unpack3A_328 = tpu.unpack_subelements %add3A_327, 0 {pack_format = #tpu.pack_format<interleaved>} : vector<32xbf16> -> vector<16xf32>
        %unpack3A_329 = tpu.unpack_subelements %add3A_327, 1 {pack_format = #tpu.pack_format<interleaved>} : vector<32xbf16> -> vector<16xf32>
        %add3A_330 = arith.addf %add3A_303, %unpack3A_328 : vector<16xf32>
        %add3A_331 = arith.addf %add3A_304, %unpack3A_329 : vector<16xf32>
        %get3A_332 = arith.index_cast %add3A_251 : i32 to index
        %get3A_333 = arith.constant 192 : index
        %get3A_334 = tpu.vector_load %arg12[%get3A_332, %get3A_333] {strides = array<i32>} : memref<40x256xbf16, #tpu.memory_space<vmem>>, vector<32xbf16>,
        %get3A_335 = arith.index_cast %add3A_251 : i32 to index
        %get3A_336 = arith.constant 192 : index
        %get3A_337 = tpu.vector_load %arg13[%get3A_335, %get3A_336] {strides = array<i32>} : memref<40x256xbf16, #tpu.memory_space<vmem>>, vector<32xbf16>,
        %gather3A_338 = tpu.vector_load_idx %arg11[%gather3A_253, %add3A_25] : memref<500x128xi32, #tpu.memory_space<vmem>>[vector<16xi32>, vector<16xi32>], vector<16xi32>,
        %bitcast3A_339 = vector.bitcast %gather3A_338 : vector<16xi32> to vector<32xbf16>
        %add3A_340 = arith.addf %get3A_334, %get3A_337 : vector<32xbf16>
        %sub3A_341 = arith.subf %add3A_340, %bitcast3A_339 : vector<32xbf16>
        %mul3A_342 = arith.mulf %sub3A_341, %sub3A_341 : vector<32xbf16>
        %get3A_343 = arith.index_cast %add3A_251 : i32 to index
        %get3A_344 = arith.constant 224 : index
        %get3A_345 = tpu.vector_load %arg12[%get3A_343, %get3A_344] {strides = array<i32>} : memref<40x256xbf16, #tpu.memory_space<vmem>>, vector<32xbf16>,
        %get3A_346 = arith.index_cast %add3A_251 : i32 to index
        %get3A_347 = arith.constant 224 : index
        %get3A_348 = tpu.vector_load %arg13[%get3A_346, %get3A_347] {strides = array<i32>} : memref<40x256xbf16, #tpu.memory_space<vmem>>, vector<32xbf16>,
        %gather3A_349 = tpu.vector_load_idx %arg11[%gather3A_253, %add3A_28] : memref<500x128xi32, #tpu.memory_space<vmem>>[vector<16xi32>, vector<16xi32>], vector<16xi32>,
        %bitcast3A_350 = vector.bitcast %gather3A_349 : vector<16xi32> to vector<32xbf16>
        %add3A_351 = arith.addf %get3A_345, %get3A_348 : vector<32xbf16>
        %sub3A_352 = arith.subf %add3A_351, %bitcast3A_350 : vector<32xbf16>
        %mul3A_353 = arith.mulf %sub3A_352, %sub3A_352 : vector<32xbf16>
        %add3A_354 = arith.addf %mul3A_342, %mul3A_353 : vector<32xbf16>
        %unpack3A_355 = tpu.unpack_subelements %add3A_354, 0 {pack_format = #tpu.pack_format<interleaved>} : vector<32xbf16> -> vector<16xf32>
        %unpack3A_356 = tpu.unpack_subelements %add3A_354, 1 {pack_format = #tpu.pack_format<interleaved>} : vector<32xbf16> -> vector<16xf32>
        %add3A_357 = arith.addf %add3A_330, %unpack3A_355 : vector<16xf32>
        %add3A_358 = arith.addf %add3A_331, %unpack3A_356 : vector<16xf32>
        %add3A_359 = arith.addf %add3A_357, %add3A_358 : vector<16xf32>
        %reduce_sum3A = arith.constant true
        %reduce_sum3A_360 = vector.broadcast %reduce_sum3A : i1 to vector<16xi1>
        %reduce_sum3A_361 = tpu.scan <sum>, %add3A_359 masked %reduce_sum3A_360 : vector<16xf32>, vector<16xi1> -> vector<16xf32>
        %reduce_sum3A_362 = vector.extract %reduce_sum3A_361[15] : f32 from vector<16xf32>
        %eq3A = vector.broadcast %scan3A_248 : i32 to vector<16xi32>
        %eq3A_363 = arith.cmpi eq, %iota3A, %eq3A : vector<16xi32>
        %neg3A = arith.constant 0.000000e+00 : f32
        %neg3A_364 = arith.subf %neg3A, %reduce_sum3A_362 : f32
        %broadcast_in_dim3A_365 = vector.broadcast %neg3A_364 : f32 to vector<16xf32>
        %select_n3A = arith.select %eq3A_363, %broadcast_in_dim3A_365, %scan3A_249 : vector<16xi1>, vector<16xf32>
        %scan3A_366 = arith.constant 1 : i32
        %scan3A_367 = arith.addi %scan3A_248, %scan3A_366 : i32
        %add3A_368 = arith.constant 32 : i32
        %add3A_369 = arith.addi %add3A_368, %scan3A_367 : i32
        %broadcast_in_dim3A_370 = vector.broadcast %scan3A_367 : i32 to vector<16x1xi32>
        %gather3A_371 = vector.shape_cast %broadcast_in_dim3A_370 : vector<16x1xi32> to vector<16xi32>
        %gather3A_372 = tpu.dynamic_gather %get3A_158[%gather3A_371] in [0] : vector<16xi32>, vector<16xi32> -> vector<16xi32>
        %get3A_373 = arith.index_cast %add3A_369 : i32 to index
        %get3A_374 = arith.constant 0 : index
        %get3A_375 = tpu.vector_load %arg12[%get3A_373, %get3A_374] {strides = array<i32>} : memref<40x256xbf16, #tpu.memory_space<vmem>>, vector<32xbf16>,
        %get3A_376 = arith.index_cast %add3A_369 : i32 to index
        %get3A_377 = arith.constant 0 : index
        %get3A_378 = tpu.vector_load %arg13[%get3A_376, %get3A_377] {strides = array<i32>} : memref<40x256xbf16, #tpu.memory_space<vmem>>, vector<32xbf16>,
        %gather3A_379 = tpu.vector_load_idx %arg11[%gather3A_372, %add3A_7] : memref<500x128xi32, #tpu.memory_space<vmem>>[vector<16xi32>, vector<16xi32>], vector<16xi32>,
        %bitcast3A_380 = vector.bitcast %gather3A_379 : vector<16xi32> to vector<32xbf16>
        %add3A_381 = arith.addf %get3A_375, %get3A_378 : vector<32xbf16>
        %sub3A_382 = arith.subf %add3A_381, %bitcast3A_380 : vector<32xbf16>
        %mul3A_383 = arith.mulf %sub3A_382, %sub3A_382 : vector<32xbf16>
        %get3A_384 = arith.index_cast %add3A_369 : i32 to index
        %get3A_385 = arith.constant 32 : index
        %get3A_386 = tpu.vector_load %arg12[%get3A_384, %get3A_385] {strides = array<i32>} : memref<40x256xbf16, #tpu.memory_space<vmem>>, vector<32xbf16>,
        %get3A_387 = arith.index_cast %add3A_369 : i32 to index
        %get3A_388 = arith.constant 32 : index
        %get3A_389 = tpu.vector_load %arg13[%get3A_387, %get3A_388] {strides = array<i32>} : memref<40x256xbf16, #tpu.memory_space<vmem>>, vector<32xbf16>,
        %gather3A_390 = tpu.vector_load_idx %arg11[%gather3A_372, %add3A_10] : memref<500x128xi32, #tpu.memory_space<vmem>>[vector<16xi32>, vector<16xi32>], vector<16xi32>,
        %bitcast3A_391 = vector.bitcast %gather3A_390 : vector<16xi32> to vector<32xbf16>
        %add3A_392 = arith.addf %get3A_386, %get3A_389 : vector<32xbf16>
        %sub3A_393 = arith.subf %add3A_392, %bitcast3A_391 : vector<32xbf16>
        %mul3A_394 = arith.mulf %sub3A_393, %sub3A_393 : vector<32xbf16>
        %add3A_395 = arith.addf %mul3A_383, %mul3A_394 : vector<32xbf16>
        %unpack3A_396 = tpu.unpack_subelements %add3A_395, 0 {pack_format = #tpu.pack_format<interleaved>} : vector<32xbf16> -> vector<16xf32>
        %unpack3A_397 = tpu.unpack_subelements %add3A_395, 1 {pack_format = #tpu.pack_format<interleaved>} : vector<32xbf16> -> vector<16xf32>
        %add3A_398 = arith.addf %broadcast_in_dim3A_4, %unpack3A_396 : vector<16xf32>
        %add3A_399 = arith.addf %broadcast_in_dim3A_4, %unpack3A_397 : vector<16xf32>
        %get3A_400 = arith.index_cast %add3A_369 : i32 to index
        %get3A_401 = arith.constant 64 : index
        %get3A_402 = tpu.vector_load %arg12[%get3A_400, %get3A_401] {strides = array<i32>} : memref<40x256xbf16, #tpu.memory_space<vmem>>, vector<32xbf16>,
        %get3A_403 = arith.index_cast %add3A_369 : i32 to index
        %get3A_404 = arith.constant 64 : index
        %get3A_405 = tpu.vector_load %arg13[%get3A_403, %get3A_404] {strides = array<i32>} : memref<40x256xbf16, #tpu.memory_space<vmem>>, vector<32xbf16>,
        %gather3A_406 = tpu.vector_load_idx %arg11[%gather3A_372, %add3A_13] : memref<500x128xi32, #tpu.memory_space<vmem>>[vector<16xi32>, vector<16xi32>], vector<16xi32>,
        %bitcast3A_407 = vector.bitcast %gather3A_406 : vector<16xi32> to vector<32xbf16>
        %add3A_408 = arith.addf %get3A_402, %get3A_405 : vector<32xbf16>
        %sub3A_409 = arith.subf %add3A_408, %bitcast3A_407 : vector<32xbf16>
        %mul3A_410 = arith.mulf %sub3A_409, %sub3A_409 : vector<32xbf16>
        %get3A_411 = arith.index_cast %add3A_369 : i32 to index
        %get3A_412 = arith.constant 96 : index
        %get3A_413 = tpu.vector_load %arg12[%get3A_411, %get3A_412] {strides = array<i32>} : memref<40x256xbf16, #tpu.memory_space<vmem>>, vector<32xbf16>,
        %get3A_414 = arith.index_cast %add3A_369 : i32 to index
        %get3A_415 = arith.constant 96 : index
        %get3A_416 = tpu.vector_load %arg13[%get3A_414, %get3A_415] {strides = array<i32>} : memref<40x256xbf16, #tpu.memory_space<vmem>>, vector<32xbf16>,
        %gather3A_417 = tpu.vector_load_idx %arg11[%gather3A_372, %add3A_16] : memref<500x128xi32, #tpu.memory_space<vmem>>[vector<16xi32>, vector<16xi32>], vector<16xi32>,
        %bitcast3A_418 = vector.bitcast %gather3A_417 : vector<16xi32> to vector<32xbf16>
        %add3A_419 = arith.addf %get3A_413, %get3A_416 : vector<32xbf16>
        %sub3A_420 = arith.subf %add3A_419, %bitcast3A_418 : vector<32xbf16>
        %mul3A_421 = arith.mulf %sub3A_420, %sub3A_420 : vector<32xbf16>
        %add3A_422 = arith.addf %mul3A_410, %mul3A_421 : vector<32xbf16>
        %unpack3A_423 = tpu.unpack_subelements %add3A_422, 0 {pack_format = #tpu.pack_format<interleaved>} : vector<32xbf16> -> vector<16xf32>
        %unpack3A_424 = tpu.unpack_subelements %add3A_422, 1 {pack_format = #tpu.pack_format<interleaved>} : vector<32xbf16> -> vector<16xf32>
        %add3A_425 = arith.addf %add3A_398, %unpack3A_423 : vector<16xf32>
        %add3A_426 = arith.addf %add3A_399, %unpack3A_424 : vector<16xf32>
        %get3A_427 = arith.index_cast %add3A_369 : i32 to index
        %get3A_428 = arith.constant 128 : index
        %get3A_429 = tpu.vector_load %arg12[%get3A_427, %get3A_428] {strides = array<i32>} : memref<40x256xbf16, #tpu.memory_space<vmem>>, vector<32xbf16>,
        %get3A_430 = arith.index_cast %add3A_369 : i32 to index
        %get3A_431 = arith.constant 128 : index
        %get3A_432 = tpu.vector_load %arg13[%get3A_430, %get3A_431] {strides = array<i32>} : memref<40x256xbf16, #tpu.memory_space<vmem>>, vector<32xbf16>,
        %gather3A_433 = tpu.vector_load_idx %arg11[%gather3A_372, %add3A_19] : memref<500x128xi32, #tpu.memory_space<vmem>>[vector<16xi32>, vector<16xi32>], vector<16xi32>,
        %bitcast3A_434 = vector.bitcast %gather3A_433 : vector<16xi32> to vector<32xbf16>
        %add3A_435 = arith.addf %get3A_429, %get3A_432 : vector<32xbf16>
        %sub3A_436 = arith.subf %add3A_435, %bitcast3A_434 : vector<32xbf16>
        %mul3A_437 = arith.mulf %sub3A_436, %sub3A_436 : vector<32xbf16>
        %get3A_438 = arith.index_cast %add3A_369 : i32 to index
        %get3A_439 = arith.constant 160 : index
        %get3A_440 = tpu.vector_load %arg12[%get3A_438, %get3A_439] {strides = array<i32>} : memref<40x256xbf16, #tpu.memory_space<vmem>>, vector<32xbf16>,
        %get3A_441 = arith.index_cast %add3A_369 : i32 to index
        %get3A_442 = arith.constant 160 : index
        %get3A_443 = tpu.vector_load %arg13[%get3A_441, %get3A_442] {strides = array<i32>} : memref<40x256xbf16, #tpu.memory_space<vmem>>, vector<32xbf16>,
        %gather3A_444 = tpu.vector_load_idx %arg11[%gather3A_372, %add3A_22] : memref<500x128xi32, #tpu.memory_space<vmem>>[vector<16xi32>, vector<16xi32>], vector<16xi32>,
        %bitcast3A_445 = vector.bitcast %gather3A_444 : vector<16xi32> to vector<32xbf16>
        %add3A_446 = arith.addf %get3A_440, %get3A_443 : vector<32xbf16>
        %sub3A_447 = arith.subf %add3A_446, %bitcast3A_445 : vector<32xbf16>
        %mul3A_448 = arith.mulf %sub3A_447, %sub3A_447 : vector<32xbf16>
        %add3A_449 = arith.addf %mul3A_437, %mul3A_448 : vector<32xbf16>
        %unpack3A_450 = tpu.unpack_subelements %add3A_449, 0 {pack_format = #tpu.pack_format<interleaved>} : vector<32xbf16> -> vector<16xf32>
        %unpack3A_451 = tpu.unpack_subelements %add3A_449, 1 {pack_format = #tpu.pack_format<interleaved>} : vector<32xbf16> -> vector<16xf32>
        %add3A_452 = arith.addf %add3A_425, %unpack3A_450 : vector<16xf32>
        %add3A_453 = arith.addf %add3A_426, %unpack3A_451 : vector<16xf32>
        %get3A_454 = arith.index_cast %add3A_369 : i32 to index
        %get3A_455 = arith.constant 192 : index
        %get3A_456 = tpu.vector_load %arg12[%get3A_454, %get3A_455] {strides = array<i32>} : memref<40x256xbf16, #tpu.memory_space<vmem>>, vector<32xbf16>,
        %get3A_457 = arith.index_cast %add3A_369 : i32 to index
        %get3A_458 = arith.constant 192 : index
        %get3A_459 = tpu.vector_load %arg13[%get3A_457, %get3A_458] {strides = array<i32>} : memref<40x256xbf16, #tpu.memory_space<vmem>>, vector<32xbf16>,
        %gather3A_460 = tpu.vector_load_idx %arg11[%gather3A_372, %add3A_25] : memref<500x128xi32, #tpu.memory_space<vmem>>[vector<16xi32>, vector<16xi32>], vector<16xi32>,
        %bitcast3A_461 = vector.bitcast %gather3A_460 : vector<16xi32> to vector<32xbf16>
        %add3A_462 = arith.addf %get3A_456, %get3A_459 : vector<32xbf16>
        %sub3A_463 = arith.subf %add3A_462, %bitcast3A_461 : vector<32xbf16>
        %mul3A_464 = arith.mulf %sub3A_463, %sub3A_463 : vector<32xbf16>
        %get3A_465 = arith.index_cast %add3A_369 : i32 to index
        %get3A_466 = arith.constant 224 : index
        %get3A_467 = tpu.vector_load %arg12[%get3A_465, %get3A_466] {strides = array<i32>} : memref<40x256xbf16, #tpu.memory_space<vmem>>, vector<32xbf16>,
        %get3A_468 = arith.index_cast %add3A_369 : i32 to index
        %get3A_469 = arith.constant 224 : index
        %get3A_470 = tpu.vector_load %arg13[%get3A_468, %get3A_469] {strides = array<i32>} : memref<40x256xbf16, #tpu.memory_space<vmem>>, vector<32xbf16>,
        %gather3A_471 = tpu.vector_load_idx %arg11[%gather3A_372, %add3A_28] : memref<500x128xi32, #tpu.memory_space<vmem>>[vector<16xi32>, vector<16xi32>], vector<16xi32>,
        %bitcast3A_472 = vector.bitcast %gather3A_471 : vector<16xi32> to vector<32xbf16>
        %add3A_473 = arith.addf %get3A_467, %get3A_470 : vector<32xbf16>
        %sub3A_474 = arith.subf %add3A_473, %bitcast3A_472 : vector<32xbf16>
        %mul3A_475 = arith.mulf %sub3A_474, %sub3A_474 : vector<32xbf16>
        %add3A_476 = arith.addf %mul3A_464, %mul3A_475 : vector<32xbf16>
        %unpack3A_477 = tpu.unpack_subelements %add3A_476, 0 {pack_format = #tpu.pack_format<interleaved>} : vector<32xbf16> -> vector<16xf32>
        %unpack3A_478 = tpu.unpack_subelements %add3A_476, 1 {pack_format = #tpu.pack_format<interleaved>} : vector<32xbf16> -> vector<16xf32>
        %add3A_479 = arith.addf %add3A_452, %unpack3A_477 : vector<16xf32>
        %add3A_480 = arith.addf %add3A_453, %unpack3A_478 : vector<16xf32>
        %add3A_481 = arith.addf %add3A_479, %add3A_480 : vector<16xf32>
        %reduce_sum3A_482 = arith.constant true
        %reduce_sum3A_483 = vector.broadcast %reduce_sum3A_482 : i1 to vector<16xi1>
        %reduce_sum3A_484 = tpu.scan <sum>, %add3A_481 masked %reduce_sum3A_483 : vector<16xf32>, vector<16xi1> -> vector<16xf32>
        %reduce_sum3A_485 = vector.extract %reduce_sum3A_484[15] : f32 from vector<16xf32>
        %eq3A_486 = vector.broadcast %scan3A_367 : i32 to vector<16xi32>
        %eq3A_487 = arith.cmpi eq, %iota3A, %eq3A_486 : vector<16xi32>
        %neg3A_488 = arith.constant 0.000000e+00 : f32
        %neg3A_489 = arith.subf %neg3A_488, %reduce_sum3A_485 : f32
        %broadcast_in_dim3A_490 = vector.broadcast %neg3A_489 : f32 to vector<16xf32>
        %select_n3A_491 = arith.select %eq3A_487, %broadcast_in_dim3A_490, %select_n3A : vector<16xi1>, vector<16xf32>
        scf.yield %select_n3A_491 : vector<16xf32>
      }
      %scan3A_164 = arith.constant 8 : i32
      %add3A_165 = arith.constant 32 : i32
      %add3A_166 = arith.addi %multiple_of3A_126, %add3A_165 : i32
      %add3A_167 = vector.broadcast %add3A_166 : i32 to vector<16xi32>
      %add3A_168 = arith.addi %add3A_167, %iota3A : vector<16xi32>
      %lt3A_169 = arith.constant 8 : i32
      %lt3A_170 = vector.broadcast %lt3A_169 : i32 to vector<16xi32>
      %lt3A_171 = arith.cmpi slt, %iota3A, %lt3A_170 : vector<16xi32>
      tpu.vector_store_idx %arg10[%add3A_168], %scan3A_163 masked %lt3A_171 : memref<5000xf32, #tpu.memory_space<vmem>>[vector<16xi32>], vector<16xf32>, vector<16xi1>
      %add3A_172 = arith.constant 2 : i32
      %add3A_173 = arith.addi %multiple_of3A_99, %add3A_172 : i32
      %mul3A_174 = arith.constant 40 : i32
      %mul3A_175 = arith.muli %add3A_173, %mul3A_174 : i32
      %multiple_of3A_176 = tpu.assume_multiple %mul3A_175, 8 : i32
      %dma_start3A_177 = tpu.memref_slice %arg7[%multiple_of3A_176] : memref<5000xi32, #tpu.memory_space<vmem>> -> memref<40xi32, #tpu.memory_space<vmem>>
      %dma_start3A_178 = arith.constant 0 : i32
      %dma_start3A_179 = arith.constant 0 : i32
      %dma_start3A_180 = tpu.memref_slice %arg2[%dma_start3A_178, %dma_start3A_179] : memref<10000x256xbf16, #tpu.memory_space<hbm>> -> memref<10000x256xbf16, #tpu.memory_space<hbm>>
      tpu.enqueue_indirect_dma source(%dma_start3A_180 : memref<10000x256xbf16, #tpu.memory_space<hbm>>) target(%arg12 : memref<40x256xbf16, #tpu.memory_space<vmem>>) offsets(%dma_start3A_177 : memref<40xi32, #tpu.memory_space<vmem>>) semaphore(%arg16 : memref<!tpu.dma_semaphore, #tpu.memory_space<semaphore_mem>>)
      %dma_start3A_181 = tpu.memref_slice %arg8[%multiple_of3A_176] : memref<5000xi32, #tpu.memory_space<vmem>> -> memref<40xi32, #tpu.memory_space<vmem>>
      %dma_start3A_182 = arith.constant 0 : i32
      %dma_start3A_183 = arith.constant 0 : i32
      %dma_start3A_184 = tpu.memref_slice %arg2[%dma_start3A_182, %dma_start3A_183] : memref<10000x256xbf16, #tpu.memory_space<hbm>> -> memref<10000x256xbf16, #tpu.memory_space<hbm>>
      tpu.enqueue_indirect_dma source(%dma_start3A_184 : memref<10000x256xbf16, #tpu.memory_space<hbm>>) target(%arg13 : memref<40x256xbf16, #tpu.memory_space<vmem>>) offsets(%dma_start3A_181 : memref<40xi32, #tpu.memory_space<vmem>>) semaphore(%arg16 : memref<!tpu.dma_semaphore, #tpu.memory_space<semaphore_mem>>)
      %add3A_185 = arith.constant 1 : i32
      %add3A_186 = arith.addi %multiple_of3A_99, %add3A_185 : i32
      %mul3A_187 = arith.constant 40 : i32
      %mul3A_188 = arith.muli %add3A_186, %mul3A_187 : i32
      %multiple_of3A_189 = tpu.assume_multiple %mul3A_188, 8 : i32
      %dma_wait3A_190 = tpu.memref_slice %arg7[%multiple_of3A_189] : memref<5000xi32, #tpu.memory_space<vmem>> -> memref<40xi32, #tpu.memory_space<vmem>>
      %dma_wait3A_191 = arith.constant 0 : i32
      %dma_wait3A_192 = arith.constant 0 : i32
      %dma_wait3A_193 = tpu.memref_slice %arg2[%dma_wait3A_191, %dma_wait3A_192] : memref<10000x256xbf16, #tpu.memory_space<hbm>> -> memref<10000x256xbf16, #tpu.memory_space<hbm>>
      tpu.wait_indirect_dma semaphore(%arg17 : memref<!tpu.dma_semaphore, #tpu.memory_space<semaphore_mem>>) src(%dma_wait3A_193 : memref<10000x256xbf16, #tpu.memory_space<hbm>>) dst(%arg14 : memref<40x256xbf16, #tpu.memory_space<vmem>>)
      %dma_wait3A_194 = tpu.memref_slice %arg8[%multiple_of3A_189] : memref<5000xi32, #tpu.memory_space<vmem>> -> memref<40xi32, #tpu.memory_space<vmem>>
      %dma_wait3A_195 = arith.constant 0 : i32
      %dma_wait3A_196 = arith.constant 0 : i32
      %dma_wait3A_197 = tpu.memref_slice %arg2[%dma_wait3A_195, %dma_wait3A_196] : memref<10000x256xbf16, #tpu.memory_space<hbm>> -> memref<10000x256xbf16, #tpu.memory_space<hbm>>
      tpu.wait_indirect_dma semaphore(%arg17 : memref<!tpu.dma_semaphore, #tpu.memory_space<semaphore_mem>>) src(%dma_wait3A_197 : memref<10000x256xbf16, #tpu.memory_space<hbm>>) dst(%arg15 : memref<40x256xbf16, #tpu.memory_space<vmem>>)
      %add3A_198 = arith.constant 1 : i32
      %add3A_199 = arith.addi %multiple_of3A_99, %add3A_198 : i32
      %mul3A_200 = arith.constant 40 : i32
      %mul3A_201 = arith.muli %add3A_199, %mul3A_200 : i32
      %multiple_of3A_202 = tpu.assume_multiple %mul3A_201, 8 : i32
      %add3A_203 = arith.constant 0 : i32
      %add3A_204 = arith.addi %multiple_of3A_202, %add3A_203 : i32
      %get3A_205 = arith.index_cast %add3A_204 : i32 to index
      %get3A_206 = tpu.vector_load %arg9[%get3A_205] {strides = array<i32>} : memref<5016xi32, #tpu.memory_space<vmem>>, vector<16xi32>,
      %scan3A_207 = arith.constant 0 : i32
      %scan3A_208 = arith.constant 16 : i32
      %scan3A_209 = arith.addi %scan3A_207, %scan3A_208 : i32
      %scan3A_210 = arith.constant 2 : i32
      %scan3A_211 = scf.for %scan3A_248 = %scan3A_207 to %scan3A_209 step %scan3A_210 iter_args(%scan3A_249 = %broadcast_in_dim3A_4) -> (vector<16xf32>)  : i32 {
        %add3A_250 = arith.constant 0 : i32
        %add3A_251 = arith.addi %add3A_250, %scan3A_248 : i32
        %broadcast_in_dim3A_252 = vector.broadcast %scan3A_248 : i32 to vector<16x1xi32>
        %gather3A = vector.shape_cast %broadcast_in_dim3A_252 : vector<16x1xi32> to vector<16xi32>
        %gather3A_253 = tpu.dynamic_gather %get3A_206[%gather3A] in [0] : vector<16xi32>, vector<16xi32> -> vector<16xi32>
        %get3A_254 = arith.index_cast %add3A_251 : i32 to index
        %get3A_255 = arith.constant 0 : index
        %get3A_256 = tpu.vector_load %arg14[%get3A_254, %get3A_255] {strides = array<i32>} : memref<40x256xbf16, #tpu.memory_space<vmem>>, vector<32xbf16>,
        %get3A_257 = arith.index_cast %add3A_251 : i32 to index
        %get3A_258 = arith.constant 0 : index
        %get3A_259 = tpu.vector_load %arg15[%get3A_257, %get3A_258] {strides = array<i32>} : memref<40x256xbf16, #tpu.memory_space<vmem>>, vector<32xbf16>,
        %gather3A_260 = tpu.vector_load_idx %arg11[%gather3A_253, %add3A_7] : memref<500x128xi32, #tpu.memory_space<vmem>>[vector<16xi32>, vector<16xi32>], vector<16xi32>,
        %bitcast3A = vector.bitcast %gather3A_260 : vector<16xi32> to vector<32xbf16>
        %add3A_261 = arith.addf %get3A_256, %get3A_259 : vector<32xbf16>
        %sub3A = arith.subf %add3A_261, %bitcast3A : vector<32xbf16>
        %mul3A_262 = arith.mulf %sub3A, %sub3A : vector<32xbf16>
        %get3A_263 = arith.index_cast %add3A_251 : i32 to index
        %get3A_264 = arith.constant 32 : index
        %get3A_265 = tpu.vector_load %arg14[%get3A_263, %get3A_264] {strides = array<i32>} : memref<40x256xbf16, #tpu.memory_space<vmem>>, vector<32xbf16>,
        %get3A_266 = arith.index_cast %add3A_251 : i32 to index
        %get3A_267 = arith.constant 32 : index
        %get3A_268 = tpu.vector_load %arg15[%get3A_266, %get3A_267] {strides = array<i32>} : memref<40x256xbf16, #tpu.memory_space<vmem>>, vector<32xbf16>,
        %gather3A_269 = tpu.vector_load_idx %arg11[%gather3A_253, %add3A_10] : memref<500x128xi32, #tpu.memory_space<vmem>>[vector<16xi32>, vector<16xi32>], vector<16xi32>,
        %bitcast3A_270 = vector.bitcast %gather3A_269 : vector<16xi32> to vector<32xbf16>
        %add3A_271 = arith.addf %get3A_265, %get3A_268 : vector<32xbf16>
        %sub3A_272 = arith.subf %add3A_271, %bitcast3A_270 : vector<32xbf16>
        %mul3A_273 = arith.mulf %sub3A_272, %sub3A_272 : vector<32xbf16>
        %add3A_274 = arith.addf %mul3A_262, %mul3A_273 : vector<32xbf16>
        %unpack3A = tpu.unpack_subelements %add3A_274, 0 {pack_format = #tpu.pack_format<interleaved>} : vector<32xbf16> -> vector<16xf32>
        %unpack3A_275 = tpu.unpack_subelements %add3A_274, 1 {pack_format = #tpu.pack_format<interleaved>} : vector<32xbf16> -> vector<16xf32>
        %add3A_276 = arith.addf %broadcast_in_dim3A_4, %unpack3A : vector<16xf32>
        %add3A_277 = arith.addf %broadcast_in_dim3A_4, %unpack3A_275 : vector<16xf32>
        %get3A_278 = arith.index_cast %add3A_251 : i32 to index
        %get3A_279 = arith.constant 64 : index
        %get3A_280 = tpu.vector_load %arg14[%get3A_278, %get3A_279] {strides = array<i32>} : memref<40x256xbf16, #tpu.memory_space<vmem>>, vector<32xbf16>,
        %get3A_281 = arith.index_cast %add3A_251 : i32 to index
        %get3A_282 = arith.constant 64 : index
        %get3A_283 = tpu.vector_load %arg15[%get3A_281, %get3A_282] {strides = array<i32>} : memref<40x256xbf16, #tpu.memory_space<vmem>>, vector<32xbf16>,
        %gather3A_284 = tpu.vector_load_idx %arg11[%gather3A_253, %add3A_13] : memref<500x128xi32, #tpu.memory_space<vmem>>[vector<16xi32>, vector<16xi32>], vector<16xi32>,
        %bitcast3A_285 = vector.bitcast %gather3A_284 : vector<16xi32> to vector<32xbf16>
        %add3A_286 = arith.addf %get3A_280, %get3A_283 : vector<32xbf16>
        %sub3A_287 = arith.subf %add3A_286, %bitcast3A_285 : vector<32xbf16>
        %mul3A_288 = arith.mulf %sub3A_287, %sub3A_287 : vector<32xbf16>
        %get3A_289 = arith.index_cast %add3A_251 : i32 to index
        %get3A_290 = arith.constant 96 : index
        %get3A_291 = tpu.vector_load %arg14[%get3A_289, %get3A_290] {strides = array<i32>} : memref<40x256xbf16, #tpu.memory_space<vmem>>, vector<32xbf16>,
        %get3A_292 = arith.index_cast %add3A_251 : i32 to index
        %get3A_293 = arith.constant 96 : index
        %get3A_294 = tpu.vector_load %arg15[%get3A_292, %get3A_293] {strides = array<i32>} : memref<40x256xbf16, #tpu.memory_space<vmem>>, vector<32xbf16>,
        %gather3A_295 = tpu.vector_load_idx %arg11[%gather3A_253, %add3A_16] : memref<500x128xi32, #tpu.memory_space<vmem>>[vector<16xi32>, vector<16xi32>], vector<16xi32>,
        %bitcast3A_296 = vector.bitcast %gather3A_295 : vector<16xi32> to vector<32xbf16>
        %add3A_297 = arith.addf %get3A_291, %get3A_294 : vector<32xbf16>
        %sub3A_298 = arith.subf %add3A_297, %bitcast3A_296 : vector<32xbf16>
        %mul3A_299 = arith.mulf %sub3A_298, %sub3A_298 : vector<32xbf16>
        %add3A_300 = arith.addf %mul3A_288, %mul3A_299 : vector<32xbf16>
        %unpack3A_301 = tpu.unpack_subelements %add3A_300, 0 {pack_format = #tpu.pack_format<interleaved>} : vector<32xbf16> -> vector<16xf32>
        %unpack3A_302 = tpu.unpack_subelements %add3A_300, 1 {pack_format = #tpu.pack_format<interleaved>} : vector<32xbf16> -> vector<16xf32>
        %add3A_303 = arith.addf %add3A_276, %unpack3A_301 : vector<16xf32>
        %add3A_304 = arith.addf %add3A_277, %unpack3A_302 : vector<16xf32>
        %get3A_305 = arith.index_cast %add3A_251 : i32 to index
        %get3A_306 = arith.constant 128 : index
        %get3A_307 = tpu.vector_load %arg14[%get3A_305, %get3A_306] {strides = array<i32>} : memref<40x256xbf16, #tpu.memory_space<vmem>>, vector<32xbf16>,
        %get3A_308 = arith.index_cast %add3A_251 : i32 to index
        %get3A_309 = arith.constant 128 : index
        %get3A_310 = tpu.vector_load %arg15[%get3A_308, %get3A_309] {strides = array<i32>} : memref<40x256xbf16, #tpu.memory_space<vmem>>, vector<32xbf16>,
        %gather3A_311 = tpu.vector_load_idx %arg11[%gather3A_253, %add3A_19] : memref<500x128xi32, #tpu.memory_space<vmem>>[vector<16xi32>, vector<16xi32>], vector<16xi32>,
        %bitcast3A_312 = vector.bitcast %gather3A_311 : vector<16xi32> to vector<32xbf16>
        %add3A_313 = arith.addf %get3A_307, %get3A_310 : vector<32xbf16>
        %sub3A_314 = arith.subf %add3A_313, %bitcast3A_312 : vector<32xbf16>
        %mul3A_315 = arith.mulf %sub3A_314, %sub3A_314 : vector<32xbf16>
        %get3A_316 = arith.index_cast %add3A_251 : i32 to index
        %get3A_317 = arith.constant 160 : index
        %get3A_318 = tpu.vector_load %arg14[%get3A_316, %get3A_317] {strides = array<i32>} : memref<40x256xbf16, #tpu.memory_space<vmem>>, vector<32xbf16>,
        %get3A_319 = arith.index_cast %add3A_251 : i32 to index
        %get3A_320 = arith.constant 160 : index
        %get3A_321 = tpu.vector_load %arg15[%get3A_319, %get3A_320] {strides = array<i32>} : memref<40x256xbf16, #tpu.memory_space<vmem>>, vector<32xbf16>,
        %gather3A_322 = tpu.vector_load_idx %arg11[%gather3A_253, %add3A_22] : memref<500x128xi32, #tpu.memory_space<vmem>>[vector<16xi32>, vector<16xi32>], vector<16xi32>,
        %bitcast3A_323 = vector.bitcast %gather3A_322 : vector<16xi32> to vector<32xbf16>
        %add3A_324 = arith.addf %get3A_318, %get3A_321 : vector<32xbf16>
        %sub3A_325 = arith.subf %add3A_324, %bitcast3A_323 : vector<32xbf16>
        %mul3A_326 = arith.mulf %sub3A_325, %sub3A_325 : vector<32xbf16>
        %add3A_327 = arith.addf %mul3A_315, %mul3A_326 : vector<32xbf16>
        %unpack3A_328 = tpu.unpack_subelements %add3A_327, 0 {pack_format = #tpu.pack_format<interleaved>} : vector<32xbf16> -> vector<16xf32>
        %unpack3A_329 = tpu.unpack_subelements %add3A_327, 1 {pack_format = #tpu.pack_format<interleaved>} : vector<32xbf16> -> vector<16xf32>
        %add3A_330 = arith.addf %add3A_303, %unpack3A_328 : vector<16xf32>
        %add3A_331 = arith.addf %add3A_304, %unpack3A_329 : vector<16xf32>
        %get3A_332 = arith.index_cast %add3A_251 : i32 to index
        %get3A_333 = arith.constant 192 : index
        %get3A_334 = tpu.vector_load %arg14[%get3A_332, %get3A_333] {strides = array<i32>} : memref<40x256xbf16, #tpu.memory_space<vmem>>, vector<32xbf16>,
        %get3A_335 = arith.index_cast %add3A_251 : i32 to index
        %get3A_336 = arith.constant 192 : index
        %get3A_337 = tpu.vector_load %arg15[%get3A_335, %get3A_336] {strides = array<i32>} : memref<40x256xbf16, #tpu.memory_space<vmem>>, vector<32xbf16>,
        %gather3A_338 = tpu.vector_load_idx %arg11[%gather3A_253, %add3A_25] : memref<500x128xi32, #tpu.memory_space<vmem>>[vector<16xi32>, vector<16xi32>], vector<16xi32>,
        %bitcast3A_339 = vector.bitcast %gather3A_338 : vector<16xi32> to vector<32xbf16>
        %add3A_340 = arith.addf %get3A_334, %get3A_337 : vector<32xbf16>
        %sub3A_341 = arith.subf %add3A_340, %bitcast3A_339 : vector<32xbf16>
        %mul3A_342 = arith.mulf %sub3A_341, %sub3A_341 : vector<32xbf16>
        %get3A_343 = arith.index_cast %add3A_251 : i32 to index
        %get3A_344 = arith.constant 224 : index
        %get3A_345 = tpu.vector_load %arg14[%get3A_343, %get3A_344] {strides = array<i32>} : memref<40x256xbf16, #tpu.memory_space<vmem>>, vector<32xbf16>,
        %get3A_346 = arith.index_cast %add3A_251 : i32 to index
        %get3A_347 = arith.constant 224 : index
        %get3A_348 = tpu.vector_load %arg15[%get3A_346, %get3A_347] {strides = array<i32>} : memref<40x256xbf16, #tpu.memory_space<vmem>>, vector<32xbf16>,
        %gather3A_349 = tpu.vector_load_idx %arg11[%gather3A_253, %add3A_28] : memref<500x128xi32, #tpu.memory_space<vmem>>[vector<16xi32>, vector<16xi32>], vector<16xi32>,
        %bitcast3A_350 = vector.bitcast %gather3A_349 : vector<16xi32> to vector<32xbf16>
        %add3A_351 = arith.addf %get3A_345, %get3A_348 : vector<32xbf16>
        %sub3A_352 = arith.subf %add3A_351, %bitcast3A_350 : vector<32xbf16>
        %mul3A_353 = arith.mulf %sub3A_352, %sub3A_352 : vector<32xbf16>
        %add3A_354 = arith.addf %mul3A_342, %mul3A_353 : vector<32xbf16>
        %unpack3A_355 = tpu.unpack_subelements %add3A_354, 0 {pack_format = #tpu.pack_format<interleaved>} : vector<32xbf16> -> vector<16xf32>
        %unpack3A_356 = tpu.unpack_subelements %add3A_354, 1 {pack_format = #tpu.pack_format<interleaved>} : vector<32xbf16> -> vector<16xf32>
        %add3A_357 = arith.addf %add3A_330, %unpack3A_355 : vector<16xf32>
        %add3A_358 = arith.addf %add3A_331, %unpack3A_356 : vector<16xf32>
        %add3A_359 = arith.addf %add3A_357, %add3A_358 : vector<16xf32>
        %reduce_sum3A = arith.constant true
        %reduce_sum3A_360 = vector.broadcast %reduce_sum3A : i1 to vector<16xi1>
        %reduce_sum3A_361 = tpu.scan <sum>, %add3A_359 masked %reduce_sum3A_360 : vector<16xf32>, vector<16xi1> -> vector<16xf32>
        %reduce_sum3A_362 = vector.extract %reduce_sum3A_361[15] : f32 from vector<16xf32>
        %eq3A = vector.broadcast %scan3A_248 : i32 to vector<16xi32>
        %eq3A_363 = arith.cmpi eq, %iota3A, %eq3A : vector<16xi32>
        %neg3A = arith.constant 0.000000e+00 : f32
        %neg3A_364 = arith.subf %neg3A, %reduce_sum3A_362 : f32
        %broadcast_in_dim3A_365 = vector.broadcast %neg3A_364 : f32 to vector<16xf32>
        %select_n3A = arith.select %eq3A_363, %broadcast_in_dim3A_365, %scan3A_249 : vector<16xi1>, vector<16xf32>
        %scan3A_366 = arith.constant 1 : i32
        %scan3A_367 = arith.addi %scan3A_248, %scan3A_366 : i32
        %add3A_368 = arith.constant 0 : i32
        %add3A_369 = arith.addi %add3A_368, %scan3A_367 : i32
        %broadcast_in_dim3A_370 = vector.broadcast %scan3A_367 : i32 to vector<16x1xi32>
        %gather3A_371 = vector.shape_cast %broadcast_in_dim3A_370 : vector<16x1xi32> to vector<16xi32>
        %gather3A_372 = tpu.dynamic_gather %get3A_206[%gather3A_371] in [0] : vector<16xi32>, vector<16xi32> -> vector<16xi32>
        %get3A_373 = arith.index_cast %add3A_369 : i32 to index
        %get3A_374 = arith.constant 0 : index
        %get3A_375 = tpu.vector_load %arg14[%get3A_373, %get3A_374] {strides = array<i32>} : memref<40x256xbf16, #tpu.memory_space<vmem>>, vector<32xbf16>,
        %get3A_376 = arith.index_cast %add3A_369 : i32 to index
        %get3A_377 = arith.constant 0 : index
        %get3A_378 = tpu.vector_load %arg15[%get3A_376, %get3A_377] {strides = array<i32>} : memref<40x256xbf16, #tpu.memory_space<vmem>>, vector<32xbf16>,
        %gather3A_379 = tpu.vector_load_idx %arg11[%gather3A_372, %add3A_7] : memref<500x128xi32, #tpu.memory_space<vmem>>[vector<16xi32>, vector<16xi32>], vector<16xi32>,
        %bitcast3A_380 = vector.bitcast %gather3A_379 : vector<16xi32> to vector<32xbf16>
        %add3A_381 = arith.addf %get3A_375, %get3A_378 : vector<32xbf16>
        %sub3A_382 = arith.subf %add3A_381, %bitcast3A_380 : vector<32xbf16>
        %mul3A_383 = arith.mulf %sub3A_382, %sub3A_382 : vector<32xbf16>
        %get3A_384 = arith.index_cast %add3A_369 : i32 to index
        %get3A_385 = arith.constant 32 : index
        %get3A_386 = tpu.vector_load %arg14[%get3A_384, %get3A_385] {strides = array<i32>} : memref<40x256xbf16, #tpu.memory_space<vmem>>, vector<32xbf16>,
        %get3A_387 = arith.index_cast %add3A_369 : i32 to index
        %get3A_388 = arith.constant 32 : index
        %get3A_389 = tpu.vector_load %arg15[%get3A_387, %get3A_388] {strides = array<i32>} : memref<40x256xbf16, #tpu.memory_space<vmem>>, vector<32xbf16>,
        %gather3A_390 = tpu.vector_load_idx %arg11[%gather3A_372, %add3A_10] : memref<500x128xi32, #tpu.memory_space<vmem>>[vector<16xi32>, vector<16xi32>], vector<16xi32>,
        %bitcast3A_391 = vector.bitcast %gather3A_390 : vector<16xi32> to vector<32xbf16>
        %add3A_392 = arith.addf %get3A_386, %get3A_389 : vector<32xbf16>
        %sub3A_393 = arith.subf %add3A_392, %bitcast3A_391 : vector<32xbf16>
        %mul3A_394 = arith.mulf %sub3A_393, %sub3A_393 : vector<32xbf16>
        %add3A_395 = arith.addf %mul3A_383, %mul3A_394 : vector<32xbf16>
        %unpack3A_396 = tpu.unpack_subelements %add3A_395, 0 {pack_format = #tpu.pack_format<interleaved>} : vector<32xbf16> -> vector<16xf32>
        %unpack3A_397 = tpu.unpack_subelements %add3A_395, 1 {pack_format = #tpu.pack_format<interleaved>} : vector<32xbf16> -> vector<16xf32>
        %add3A_398 = arith.addf %broadcast_in_dim3A_4, %unpack3A_396 : vector<16xf32>
        %add3A_399 = arith.addf %broadcast_in_dim3A_4, %unpack3A_397 : vector<16xf32>
        %get3A_400 = arith.index_cast %add3A_369 : i32 to index
        %get3A_401 = arith.constant 64 : index
        %get3A_402 = tpu.vector_load %arg14[%get3A_400, %get3A_401] {strides = array<i32>} : memref<40x256xbf16, #tpu.memory_space<vmem>>, vector<32xbf16>,
        %get3A_403 = arith.index_cast %add3A_369 : i32 to index
        %get3A_404 = arith.constant 64 : index
        %get3A_405 = tpu.vector_load %arg15[%get3A_403, %get3A_404] {strides = array<i32>} : memref<40x256xbf16, #tpu.memory_space<vmem>>, vector<32xbf16>,
        %gather3A_406 = tpu.vector_load_idx %arg11[%gather3A_372, %add3A_13] : memref<500x128xi32, #tpu.memory_space<vmem>>[vector<16xi32>, vector<16xi32>], vector<16xi32>,
        %bitcast3A_407 = vector.bitcast %gather3A_406 : vector<16xi32> to vector<32xbf16>
        %add3A_408 = arith.addf %get3A_402, %get3A_405 : vector<32xbf16>
        %sub3A_409 = arith.subf %add3A_408, %bitcast3A_407 : vector<32xbf16>
        %mul3A_410 = arith.mulf %sub3A_409, %sub3A_409 : vector<32xbf16>
        %get3A_411 = arith.index_cast %add3A_369 : i32 to index
        %get3A_412 = arith.constant 96 : index
        %get3A_413 = tpu.vector_load %arg14[%get3A_411, %get3A_412] {strides = array<i32>} : memref<40x256xbf16, #tpu.memory_space<vmem>>, vector<32xbf16>,
        %get3A_414 = arith.index_cast %add3A_369 : i32 to index
        %get3A_415 = arith.constant 96 : index
        %get3A_416 = tpu.vector_load %arg15[%get3A_414, %get3A_415] {strides = array<i32>} : memref<40x256xbf16, #tpu.memory_space<vmem>>, vector<32xbf16>,
        %gather3A_417 = tpu.vector_load_idx %arg11[%gather3A_372, %add3A_16] : memref<500x128xi32, #tpu.memory_space<vmem>>[vector<16xi32>, vector<16xi32>], vector<16xi32>,
        %bitcast3A_418 = vector.bitcast %gather3A_417 : vector<16xi32> to vector<32xbf16>
        %add3A_419 = arith.addf %get3A_413, %get3A_416 : vector<32xbf16>
        %sub3A_420 = arith.subf %add3A_419, %bitcast3A_418 : vector<32xbf16>
        %mul3A_421 = arith.mulf %sub3A_420, %sub3A_420 : vector<32xbf16>
        %add3A_422 = arith.addf %mul3A_410, %mul3A_421 : vector<32xbf16>
        %unpack3A_423 = tpu.unpack_subelements %add3A_422, 0 {pack_format = #tpu.pack_format<interleaved>} : vector<32xbf16> -> vector<16xf32>
        %unpack3A_424 = tpu.unpack_subelements %add3A_422, 1 {pack_format = #tpu.pack_format<interleaved>} : vector<32xbf16> -> vector<16xf32>
        %add3A_425 = arith.addf %add3A_398, %unpack3A_423 : vector<16xf32>
        %add3A_426 = arith.addf %add3A_399, %unpack3A_424 : vector<16xf32>
        %get3A_427 = arith.index_cast %add3A_369 : i32 to index
        %get3A_428 = arith.constant 128 : index
        %get3A_429 = tpu.vector_load %arg14[%get3A_427, %get3A_428] {strides = array<i32>} : memref<40x256xbf16, #tpu.memory_space<vmem>>, vector<32xbf16>,
        %get3A_430 = arith.index_cast %add3A_369 : i32 to index
        %get3A_431 = arith.constant 128 : index
        %get3A_432 = tpu.vector_load %arg15[%get3A_430, %get3A_431] {strides = array<i32>} : memref<40x256xbf16, #tpu.memory_space<vmem>>, vector<32xbf16>,
        %gather3A_433 = tpu.vector_load_idx %arg11[%gather3A_372, %add3A_19] : memref<500x128xi32, #tpu.memory_space<vmem>>[vector<16xi32>, vector<16xi32>], vector<16xi32>,
        %bitcast3A_434 = vector.bitcast %gather3A_433 : vector<16xi32> to vector<32xbf16>
        %add3A_435 = arith.addf %get3A_429, %get3A_432 : vector<32xbf16>
        %sub3A_436 = arith.subf %add3A_435, %bitcast3A_434 : vector<32xbf16>
        %mul3A_437 = arith.mulf %sub3A_436, %sub3A_436 : vector<32xbf16>
        %get3A_438 = arith.index_cast %add3A_369 : i32 to index
        %get3A_439 = arith.constant 160 : index
        %get3A_440 = tpu.vector_load %arg14[%get3A_438, %get3A_439] {strides = array<i32>} : memref<40x256xbf16, #tpu.memory_space<vmem>>, vector<32xbf16>,
        %get3A_441 = arith.index_cast %add3A_369 : i32 to index
        %get3A_442 = arith.constant 160 : index
        %get3A_443 = tpu.vector_load %arg15[%get3A_441, %get3A_442] {strides = array<i32>} : memref<40x256xbf16, #tpu.memory_space<vmem>>, vector<32xbf16>,
        %gather3A_444 = tpu.vector_load_idx %arg11[%gather3A_372, %add3A_22] : memref<500x128xi32, #tpu.memory_space<vmem>>[vector<16xi32>, vector<16xi32>], vector<16xi32>,
        %bitcast3A_445 = vector.bitcast %gather3A_444 : vector<16xi32> to vector<32xbf16>
        %add3A_446 = arith.addf %get3A_440, %get3A_443 : vector<32xbf16>
        %sub3A_447 = arith.subf %add3A_446, %bitcast3A_445 : vector<32xbf16>
        %mul3A_448 = arith.mulf %sub3A_447, %sub3A_447 : vector<32xbf16>
        %add3A_449 = arith.addf %mul3A_437, %mul3A_448 : vector<32xbf16>
        %unpack3A_450 = tpu.unpack_subelements %add3A_449, 0 {pack_format = #tpu.pack_format<interleaved>} : vector<32xbf16> -> vector<16xf32>
        %unpack3A_451 = tpu.unpack_subelements %add3A_449, 1 {pack_format = #tpu.pack_format<interleaved>} : vector<32xbf16> -> vector<16xf32>
        %add3A_452 = arith.addf %add3A_425, %unpack3A_450 : vector<16xf32>
        %add3A_453 = arith.addf %add3A_426, %unpack3A_451 : vector<16xf32>
        %get3A_454 = arith.index_cast %add3A_369 : i32 to index
        %get3A_455 = arith.constant 192 : index
        %get3A_456 = tpu.vector_load %arg14[%get3A_454, %get3A_455] {strides = array<i32>} : memref<40x256xbf16, #tpu.memory_space<vmem>>, vector<32xbf16>,
        %get3A_457 = arith.index_cast %add3A_369 : i32 to index
        %get3A_458 = arith.constant 192 : index
        %get3A_459 = tpu.vector_load %arg15[%get3A_457, %get3A_458] {strides = array<i32>} : memref<40x256xbf16, #tpu.memory_space<vmem>>, vector<32xbf16>,
        %gather3A_460 = tpu.vector_load_idx %arg11[%gather3A_372, %add3A_25] : memref<500x128xi32, #tpu.memory_space<vmem>>[vector<16xi32>, vector<16xi32>], vector<16xi32>,
        %bitcast3A_461 = vector.bitcast %gather3A_460 : vector<16xi32> to vector<32xbf16>
        %add3A_462 = arith.addf %get3A_456, %get3A_459 : vector<32xbf16>
        %sub3A_463 = arith.subf %add3A_462, %bitcast3A_461 : vector<32xbf16>
        %mul3A_464 = arith.mulf %sub3A_463, %sub3A_463 : vector<32xbf16>
        %get3A_465 = arith.index_cast %add3A_369 : i32 to index
        %get3A_466 = arith.constant 224 : index
        %get3A_467 = tpu.vector_load %arg14[%get3A_465, %get3A_466] {strides = array<i32>} : memref<40x256xbf16, #tpu.memory_space<vmem>>, vector<32xbf16>,
        %get3A_468 = arith.index_cast %add3A_369 : i32 to index
        %get3A_469 = arith.constant 224 : index
        %get3A_470 = tpu.vector_load %arg15[%get3A_468, %get3A_469] {strides = array<i32>} : memref<40x256xbf16, #tpu.memory_space<vmem>>, vector<32xbf16>,
        %gather3A_471 = tpu.vector_load_idx %arg11[%gather3A_372, %add3A_28] : memref<500x128xi32, #tpu.memory_space<vmem>>[vector<16xi32>, vector<16xi32>], vector<16xi32>,
        %bitcast3A_472 = vector.bitcast %gather3A_471 : vector<16xi32> to vector<32xbf16>
        %add3A_473 = arith.addf %get3A_467, %get3A_470 : vector<32xbf16>
        %sub3A_474 = arith.subf %add3A_473, %bitcast3A_472 : vector<32xbf16>
        %mul3A_475 = arith.mulf %sub3A_474, %sub3A_474 : vector<32xbf16>
        %add3A_476 = arith.addf %mul3A_464, %mul3A_475 : vector<32xbf16>
        %unpack3A_477 = tpu.unpack_subelements %add3A_476, 0 {pack_format = #tpu.pack_format<interleaved>} : vector<32xbf16> -> vector<16xf32>
        %unpack3A_478 = tpu.unpack_subelements %add3A_476, 1 {pack_format = #tpu.pack_format<interleaved>} : vector<32xbf16> -> vector<16xf32>
        %add3A_479 = arith.addf %add3A_452, %unpack3A_477 : vector<16xf32>
        %add3A_480 = arith.addf %add3A_453, %unpack3A_478 : vector<16xf32>
        %add3A_481 = arith.addf %add3A_479, %add3A_480 : vector<16xf32>
        %reduce_sum3A_482 = arith.constant true
        %reduce_sum3A_483 = vector.broadcast %reduce_sum3A_482 : i1 to vector<16xi1>
        %reduce_sum3A_484 = tpu.scan <sum>, %add3A_481 masked %reduce_sum3A_483 : vector<16xf32>, vector<16xi1> -> vector<16xf32>
        %reduce_sum3A_485 = vector.extract %reduce_sum3A_484[15] : f32 from vector<16xf32>
        %eq3A_486 = vector.broadcast %scan3A_367 : i32 to vector<16xi32>
        %eq3A_487 = arith.cmpi eq, %iota3A, %eq3A_486 : vector<16xi32>
        %neg3A_488 = arith.constant 0.000000e+00 : f32
        %neg3A_489 = arith.subf %neg3A_488, %reduce_sum3A_485 : f32
        %broadcast_in_dim3A_490 = vector.broadcast %neg3A_489 : f32 to vector<16xf32>
        %select_n3A_491 = arith.select %eq3A_487, %broadcast_in_dim3A_490, %select_n3A : vector<16xi1>, vector<16xf32>
        scf.yield %select_n3A_491 : vector<16xf32>
      }
      %scan3A_212 = arith.constant 16 : i32
      %add3A_213 = arith.constant 0 : i32
      %add3A_214 = arith.addi %multiple_of3A_202, %add3A_213 : i32
      %swap3A_215 = arith.index_cast %add3A_214 : i32 to index
      %swap3A_216 = tpu.vector_load %arg10[%swap3A_215] {strides = array<i32>} : memref<5000xf32, #tpu.memory_space<vmem>>, vector<16xf32>,
      tpu.vector_store %arg10[%swap3A_215], %scan3A_211 {strides = array<i32>} : memref<5000xf32, #tpu.memory_space<vmem>>, vector<16xf32>,
      %add3A_217 = arith.constant 16 : i32
      %add3A_218 = arith.addi %multiple_of3A_202, %add3A_217 : i32
      %get3A_219 = arith.index_cast %add3A_218 : i32 to index
      %get3A_220 = tpu.vector_load %arg9[%get3A_219] {strides = array<i32>} : memref<5016xi32, #tpu.memory_space<vmem>>, vector<16xi32>,
      %scan3A_221 = arith.constant 0 : i32
      %scan3A_222 = arith.constant 16 : i32
      %scan3A_223 = arith.addi %scan3A_221, %scan3A_222 : i32
      %scan3A_224 = arith.constant 2 : i32
      %scan3A_225 = scf.for %scan3A_248 = %scan3A_221 to %scan3A_223 step %scan3A_224 iter_args(%scan3A_249 = %broadcast_in_dim3A_4) -> (vector<16xf32>)  : i32 {
        %add3A_250 = arith.constant 16 : i32
        %add3A_251 = arith.addi %add3A_250, %scan3A_248 : i32
        %broadcast_in_dim3A_252 = vector.broadcast %scan3A_248 : i32 to vector<16x1xi32>
        %gather3A = vector.shape_cast %broadcast_in_dim3A_252 : vector<16x1xi32> to vector<16xi32>
        %gather3A_253 = tpu.dynamic_gather %get3A_220[%gather3A] in [0] : vector<16xi32>, vector<16xi32> -> vector<16xi32>
        %get3A_254 = arith.index_cast %add3A_251 : i32 to index
        %get3A_255 = arith.constant 0 : index
        %get3A_256 = tpu.vector_load %arg14[%get3A_254, %get3A_255] {strides = array<i32>} : memref<40x256xbf16, #tpu.memory_space<vmem>>, vector<32xbf16>,
        %get3A_257 = arith.index_cast %add3A_251 : i32 to index
        %get3A_258 = arith.constant 0 : index
        %get3A_259 = tpu.vector_load %arg15[%get3A_257, %get3A_258] {strides = array<i32>} : memref<40x256xbf16, #tpu.memory_space<vmem>>, vector<32xbf16>,
        %gather3A_260 = tpu.vector_load_idx %arg11[%gather3A_253, %add3A_7] : memref<500x128xi32, #tpu.memory_space<vmem>>[vector<16xi32>, vector<16xi32>], vector<16xi32>,
        %bitcast3A = vector.bitcast %gather3A_260 : vector<16xi32> to vector<32xbf16>
        %add3A_261 = arith.addf %get3A_256, %get3A_259 : vector<32xbf16>
        %sub3A = arith.subf %add3A_261, %bitcast3A : vector<32xbf16>
        %mul3A_262 = arith.mulf %sub3A, %sub3A : vector<32xbf16>
        %get3A_263 = arith.index_cast %add3A_251 : i32 to index
        %get3A_264 = arith.constant 32 : index
        %get3A_265 = tpu.vector_load %arg14[%get3A_263, %get3A_264] {strides = array<i32>} : memref<40x256xbf16, #tpu.memory_space<vmem>>, vector<32xbf16>,
        %get3A_266 = arith.index_cast %add3A_251 : i32 to index
        %get3A_267 = arith.constant 32 : index
        %get3A_268 = tpu.vector_load %arg15[%get3A_266, %get3A_267] {strides = array<i32>} : memref<40x256xbf16, #tpu.memory_space<vmem>>, vector<32xbf16>,
        %gather3A_269 = tpu.vector_load_idx %arg11[%gather3A_253, %add3A_10] : memref<500x128xi32, #tpu.memory_space<vmem>>[vector<16xi32>, vector<16xi32>], vector<16xi32>,
        %bitcast3A_270 = vector.bitcast %gather3A_269 : vector<16xi32> to vector<32xbf16>
        %add3A_271 = arith.addf %get3A_265, %get3A_268 : vector<32xbf16>
        %sub3A_272 = arith.subf %add3A_271, %bitcast3A_270 : vector<32xbf16>
        %mul3A_273 = arith.mulf %sub3A_272, %sub3A_272 : vector<32xbf16>
        %add3A_274 = arith.addf %mul3A_262, %mul3A_273 : vector<32xbf16>
        %unpack3A = tpu.unpack_subelements %add3A_274, 0 {pack_format = #tpu.pack_format<interleaved>} : vector<32xbf16> -> vector<16xf32>
        %unpack3A_275 = tpu.unpack_subelements %add3A_274, 1 {pack_format = #tpu.pack_format<interleaved>} : vector<32xbf16> -> vector<16xf32>
        %add3A_276 = arith.addf %broadcast_in_dim3A_4, %unpack3A : vector<16xf32>
        %add3A_277 = arith.addf %broadcast_in_dim3A_4, %unpack3A_275 : vector<16xf32>
        %get3A_278 = arith.index_cast %add3A_251 : i32 to index
        %get3A_279 = arith.constant 64 : index
        %get3A_280 = tpu.vector_load %arg14[%get3A_278, %get3A_279] {strides = array<i32>} : memref<40x256xbf16, #tpu.memory_space<vmem>>, vector<32xbf16>,
        %get3A_281 = arith.index_cast %add3A_251 : i32 to index
        %get3A_282 = arith.constant 64 : index
        %get3A_283 = tpu.vector_load %arg15[%get3A_281, %get3A_282] {strides = array<i32>} : memref<40x256xbf16, #tpu.memory_space<vmem>>, vector<32xbf16>,
        %gather3A_284 = tpu.vector_load_idx %arg11[%gather3A_253, %add3A_13] : memref<500x128xi32, #tpu.memory_space<vmem>>[vector<16xi32>, vector<16xi32>], vector<16xi32>,
        %bitcast3A_285 = vector.bitcast %gather3A_284 : vector<16xi32> to vector<32xbf16>
        %add3A_286 = arith.addf %get3A_280, %get3A_283 : vector<32xbf16>
        %sub3A_287 = arith.subf %add3A_286, %bitcast3A_285 : vector<32xbf16>
        %mul3A_288 = arith.mulf %sub3A_287, %sub3A_287 : vector<32xbf16>
        %get3A_289 = arith.index_cast %add3A_251 : i32 to index
        %get3A_290 = arith.constant 96 : index
        %get3A_291 = tpu.vector_load %arg14[%get3A_289, %get3A_290] {strides = array<i32>} : memref<40x256xbf16, #tpu.memory_space<vmem>>, vector<32xbf16>,
        %get3A_292 = arith.index_cast %add3A_251 : i32 to index
        %get3A_293 = arith.constant 96 : index
        %get3A_294 = tpu.vector_load %arg15[%get3A_292, %get3A_293] {strides = array<i32>} : memref<40x256xbf16, #tpu.memory_space<vmem>>, vector<32xbf16>,
        %gather3A_295 = tpu.vector_load_idx %arg11[%gather3A_253, %add3A_16] : memref<500x128xi32, #tpu.memory_space<vmem>>[vector<16xi32>, vector<16xi32>], vector<16xi32>,
        %bitcast3A_296 = vector.bitcast %gather3A_295 : vector<16xi32> to vector<32xbf16>
        %add3A_297 = arith.addf %get3A_291, %get3A_294 : vector<32xbf16>
        %sub3A_298 = arith.subf %add3A_297, %bitcast3A_296 : vector<32xbf16>
        %mul3A_299 = arith.mulf %sub3A_298, %sub3A_298 : vector<32xbf16>
        %add3A_300 = arith.addf %mul3A_288, %mul3A_299 : vector<32xbf16>
        %unpack3A_301 = tpu.unpack_subelements %add3A_300, 0 {pack_format = #tpu.pack_format<interleaved>} : vector<32xbf16> -> vector<16xf32>
        %unpack3A_302 = tpu.unpack_subelements %add3A_300, 1 {pack_format = #tpu.pack_format<interleaved>} : vector<32xbf16> -> vector<16xf32>
        %add3A_303 = arith.addf %add3A_276, %unpack3A_301 : vector<16xf32>
        %add3A_304 = arith.addf %add3A_277, %unpack3A_302 : vector<16xf32>
        %get3A_305 = arith.index_cast %add3A_251 : i32 to index
        %get3A_306 = arith.constant 128 : index
        %get3A_307 = tpu.vector_load %arg14[%get3A_305, %get3A_306] {strides = array<i32>} : memref<40x256xbf16, #tpu.memory_space<vmem>>, vector<32xbf16>,
        %get3A_308 = arith.index_cast %add3A_251 : i32 to index
        %get3A_309 = arith.constant 128 : index
        %get3A_310 = tpu.vector_load %arg15[%get3A_308, %get3A_309] {strides = array<i32>} : memref<40x256xbf16, #tpu.memory_space<vmem>>, vector<32xbf16>,
        %gather3A_311 = tpu.vector_load_idx %arg11[%gather3A_253, %add3A_19] : memref<500x128xi32, #tpu.memory_space<vmem>>[vector<16xi32>, vector<16xi32>], vector<16xi32>,
        %bitcast3A_312 = vector.bitcast %gather3A_311 : vector<16xi32> to vector<32xbf16>
        %add3A_313 = arith.addf %get3A_307, %get3A_310 : vector<32xbf16>
        %sub3A_314 = arith.subf %add3A_313, %bitcast3A_312 : vector<32xbf16>
        %mul3A_315 = arith.mulf %sub3A_314, %sub3A_314 : vector<32xbf16>
        %get3A_316 = arith.index_cast %add3A_251 : i32 to index
        %get3A_317 = arith.constant 160 : index
        %get3A_318 = tpu.vector_load %arg14[%get3A_316, %get3A_317] {strides = array<i32>} : memref<40x256xbf16, #tpu.memory_space<vmem>>, vector<32xbf16>,
        %get3A_319 = arith.index_cast %add3A_251 : i32 to index
        %get3A_320 = arith.constant 160 : index
        %get3A_321 = tpu.vector_load %arg15[%get3A_319, %get3A_320] {strides = array<i32>} : memref<40x256xbf16, #tpu.memory_space<vmem>>, vector<32xbf16>,
        %gather3A_322 = tpu.vector_load_idx %arg11[%gather3A_253, %add3A_22] : memref<500x128xi32, #tpu.memory_space<vmem>>[vector<16xi32>, vector<16xi32>], vector<16xi32>,
        %bitcast3A_323 = vector.bitcast %gather3A_322 : vector<16xi32> to vector<32xbf16>
        %add3A_324 = arith.addf %get3A_318, %get3A_321 : vector<32xbf16>
        %sub3A_325 = arith.subf %add3A_324, %bitcast3A_323 : vector<32xbf16>
        %mul3A_326 = arith.mulf %sub3A_325, %sub3A_325 : vector<32xbf16>
        %add3A_327 = arith.addf %mul3A_315, %mul3A_326 : vector<32xbf16>
        %unpack3A_328 = tpu.unpack_subelements %add3A_327, 0 {pack_format = #tpu.pack_format<interleaved>} : vector<32xbf16> -> vector<16xf32>
        %unpack3A_329 = tpu.unpack_subelements %add3A_327, 1 {pack_format = #tpu.pack_format<interleaved>} : vector<32xbf16> -> vector<16xf32>
        %add3A_330 = arith.addf %add3A_303, %unpack3A_328 : vector<16xf32>
        %add3A_331 = arith.addf %add3A_304, %unpack3A_329 : vector<16xf32>
        %get3A_332 = arith.index_cast %add3A_251 : i32 to index
        %get3A_333 = arith.constant 192 : index
        %get3A_334 = tpu.vector_load %arg14[%get3A_332, %get3A_333] {strides = array<i32>} : memref<40x256xbf16, #tpu.memory_space<vmem>>, vector<32xbf16>,
        %get3A_335 = arith.index_cast %add3A_251 : i32 to index
        %get3A_336 = arith.constant 192 : index
        %get3A_337 = tpu.vector_load %arg15[%get3A_335, %get3A_336] {strides = array<i32>} : memref<40x256xbf16, #tpu.memory_space<vmem>>, vector<32xbf16>,
        %gather3A_338 = tpu.vector_load_idx %arg11[%gather3A_253, %add3A_25] : memref<500x128xi32, #tpu.memory_space<vmem>>[vector<16xi32>, vector<16xi32>], vector<16xi32>,
        %bitcast3A_339 = vector.bitcast %gather3A_338 : vector<16xi32> to vector<32xbf16>
        %add3A_340 = arith.addf %get3A_334, %get3A_337 : vector<32xbf16>
        %sub3A_341 = arith.subf %add3A_340, %bitcast3A_339 : vector<32xbf16>
        %mul3A_342 = arith.mulf %sub3A_341, %sub3A_341 : vector<32xbf16>
        %get3A_343 = arith.index_cast %add3A_251 : i32 to index
        %get3A_344 = arith.constant 224 : index
        %get3A_345 = tpu.vector_load %arg14[%get3A_343, %get3A_344] {strides = array<i32>} : memref<40x256xbf16, #tpu.memory_space<vmem>>, vector<32xbf16>,
        %get3A_346 = arith.index_cast %add3A_251 : i32 to index
        %get3A_347 = arith.constant 224 : index
        %get3A_348 = tpu.vector_load %arg15[%get3A_346, %get3A_347] {strides = array<i32>} : memref<40x256xbf16, #tpu.memory_space<vmem>>, vector<32xbf16>,
        %gather3A_349 = tpu.vector_load_idx %arg11[%gather3A_253, %add3A_28] : memref<500x128xi32, #tpu.memory_space<vmem>>[vector<16xi32>, vector<16xi32>], vector<16xi32>,
        %bitcast3A_350 = vector.bitcast %gather3A_349 : vector<16xi32> to vector<32xbf16>
        %add3A_351 = arith.addf %get3A_345, %get3A_348 : vector<32xbf16>
        %sub3A_352 = arith.subf %add3A_351, %bitcast3A_350 : vector<32xbf16>
        %mul3A_353 = arith.mulf %sub3A_352, %sub3A_352 : vector<32xbf16>
        %add3A_354 = arith.addf %mul3A_342, %mul3A_353 : vector<32xbf16>
        %unpack3A_355 = tpu.unpack_subelements %add3A_354, 0 {pack_format = #tpu.pack_format<interleaved>} : vector<32xbf16> -> vector<16xf32>
        %unpack3A_356 = tpu.unpack_subelements %add3A_354, 1 {pack_format = #tpu.pack_format<interleaved>} : vector<32xbf16> -> vector<16xf32>
        %add3A_357 = arith.addf %add3A_330, %unpack3A_355 : vector<16xf32>
        %add3A_358 = arith.addf %add3A_331, %unpack3A_356 : vector<16xf32>
        %add3A_359 = arith.addf %add3A_357, %add3A_358 : vector<16xf32>
        %reduce_sum3A = arith.constant true
        %reduce_sum3A_360 = vector.broadcast %reduce_sum3A : i1 to vector<16xi1>
        %reduce_sum3A_361 = tpu.scan <sum>, %add3A_359 masked %reduce_sum3A_360 : vector<16xf32>, vector<16xi1> -> vector<16xf32>
        %reduce_sum3A_362 = vector.extract %reduce_sum3A_361[15] : f32 from vector<16xf32>
        %eq3A = vector.broadcast %scan3A_248 : i32 to vector<16xi32>
        %eq3A_363 = arith.cmpi eq, %iota3A, %eq3A : vector<16xi32>
        %neg3A = arith.constant 0.000000e+00 : f32
        %neg3A_364 = arith.subf %neg3A, %reduce_sum3A_362 : f32
        %broadcast_in_dim3A_365 = vector.broadcast %neg3A_364 : f32 to vector<16xf32>
        %select_n3A = arith.select %eq3A_363, %broadcast_in_dim3A_365, %scan3A_249 : vector<16xi1>, vector<16xf32>
        %scan3A_366 = arith.constant 1 : i32
        %scan3A_367 = arith.addi %scan3A_248, %scan3A_366 : i32
        %add3A_368 = arith.constant 16 : i32
        %add3A_369 = arith.addi %add3A_368, %scan3A_367 : i32
        %broadcast_in_dim3A_370 = vector.broadcast %scan3A_367 : i32 to vector<16x1xi32>
        %gather3A_371 = vector.shape_cast %broadcast_in_dim3A_370 : vector<16x1xi32> to vector<16xi32>
        %gather3A_372 = tpu.dynamic_gather %get3A_220[%gather3A_371] in [0] : vector<16xi32>, vector<16xi32> -> vector<16xi32>
        %get3A_373 = arith.index_cast %add3A_369 : i32 to index
        %get3A_374 = arith.constant 0 : index
        %get3A_375 = tpu.vector_load %arg14[%get3A_373, %get3A_374] {strides = array<i32>} : memref<40x256xbf16, #tpu.memory_space<vmem>>, vector<32xbf16>,
        %get3A_376 = arith.index_cast %add3A_369 : i32 to index
        %get3A_377 = arith.constant 0 : index
        %get3A_378 = tpu.vector_load %arg15[%get3A_376, %get3A_377] {strides = array<i32>} : memref<40x256xbf16, #tpu.memory_space<vmem>>, vector<32xbf16>,
        %gather3A_379 = tpu.vector_load_idx %arg11[%gather3A_372, %add3A_7] : memref<500x128xi32, #tpu.memory_space<vmem>>[vector<16xi32>, vector<16xi32>], vector<16xi32>,
        %bitcast3A_380 = vector.bitcast %gather3A_379 : vector<16xi32> to vector<32xbf16>
        %add3A_381 = arith.addf %get3A_375, %get3A_378 : vector<32xbf16>
        %sub3A_382 = arith.subf %add3A_381, %bitcast3A_380 : vector<32xbf16>
        %mul3A_383 = arith.mulf %sub3A_382, %sub3A_382 : vector<32xbf16>
        %get3A_384 = arith.index_cast %add3A_369 : i32 to index
        %get3A_385 = arith.constant 32 : index
        %get3A_386 = tpu.vector_load %arg14[%get3A_384, %get3A_385] {strides = array<i32>} : memref<40x256xbf16, #tpu.memory_space<vmem>>, vector<32xbf16>,
        %get3A_387 = arith.index_cast %add3A_369 : i32 to index
        %get3A_388 = arith.constant 32 : index
        %get3A_389 = tpu.vector_load %arg15[%get3A_387, %get3A_388] {strides = array<i32>} : memref<40x256xbf16, #tpu.memory_space<vmem>>, vector<32xbf16>,
        %gather3A_390 = tpu.vector_load_idx %arg11[%gather3A_372, %add3A_10] : memref<500x128xi32, #tpu.memory_space<vmem>>[vector<16xi32>, vector<16xi32>], vector<16xi32>,
        %bitcast3A_391 = vector.bitcast %gather3A_390 : vector<16xi32> to vector<32xbf16>
        %add3A_392 = arith.addf %get3A_386, %get3A_389 : vector<32xbf16>
        %sub3A_393 = arith.subf %add3A_392, %bitcast3A_391 : vector<32xbf16>
        %mul3A_394 = arith.mulf %sub3A_393, %sub3A_393 : vector<32xbf16>
        %add3A_395 = arith.addf %mul3A_383, %mul3A_394 : vector<32xbf16>
        %unpack3A_396 = tpu.unpack_subelements %add3A_395, 0 {pack_format = #tpu.pack_format<interleaved>} : vector<32xbf16> -> vector<16xf32>
        %unpack3A_397 = tpu.unpack_subelements %add3A_395, 1 {pack_format = #tpu.pack_format<interleaved>} : vector<32xbf16> -> vector<16xf32>
        %add3A_398 = arith.addf %broadcast_in_dim3A_4, %unpack3A_396 : vector<16xf32>
        %add3A_399 = arith.addf %broadcast_in_dim3A_4, %unpack3A_397 : vector<16xf32>
        %get3A_400 = arith.index_cast %add3A_369 : i32 to index
        %get3A_401 = arith.constant 64 : index
        %get3A_402 = tpu.vector_load %arg14[%get3A_400, %get3A_401] {strides = array<i32>} : memref<40x256xbf16, #tpu.memory_space<vmem>>, vector<32xbf16>,
        %get3A_403 = arith.index_cast %add3A_369 : i32 to index
        %get3A_404 = arith.constant 64 : index
        %get3A_405 = tpu.vector_load %arg15[%get3A_403, %get3A_404] {strides = array<i32>} : memref<40x256xbf16, #tpu.memory_space<vmem>>, vector<32xbf16>,
        %gather3A_406 = tpu.vector_load_idx %arg11[%gather3A_372, %add3A_13] : memref<500x128xi32, #tpu.memory_space<vmem>>[vector<16xi32>, vector<16xi32>], vector<16xi32>,
        %bitcast3A_407 = vector.bitcast %gather3A_406 : vector<16xi32> to vector<32xbf16>
        %add3A_408 = arith.addf %get3A_402, %get3A_405 : vector<32xbf16>
        %sub3A_409 = arith.subf %add3A_408, %bitcast3A_407 : vector<32xbf16>
        %mul3A_410 = arith.mulf %sub3A_409, %sub3A_409 : vector<32xbf16>
        %get3A_411 = arith.index_cast %add3A_369 : i32 to index
        %get3A_412 = arith.constant 96 : index
        %get3A_413 = tpu.vector_load %arg14[%get3A_411, %get3A_412] {strides = array<i32>} : memref<40x256xbf16, #tpu.memory_space<vmem>>, vector<32xbf16>,
        %get3A_414 = arith.index_cast %add3A_369 : i32 to index
        %get3A_415 = arith.constant 96 : index
        %get3A_416 = tpu.vector_load %arg15[%get3A_414, %get3A_415] {strides = array<i32>} : memref<40x256xbf16, #tpu.memory_space<vmem>>, vector<32xbf16>,
        %gather3A_417 = tpu.vector_load_idx %arg11[%gather3A_372, %add3A_16] : memref<500x128xi32, #tpu.memory_space<vmem>>[vector<16xi32>, vector<16xi32>], vector<16xi32>,
        %bitcast3A_418 = vector.bitcast %gather3A_417 : vector<16xi32> to vector<32xbf16>
        %add3A_419 = arith.addf %get3A_413, %get3A_416 : vector<32xbf16>
        %sub3A_420 = arith.subf %add3A_419, %bitcast3A_418 : vector<32xbf16>
        %mul3A_421 = arith.mulf %sub3A_420, %sub3A_420 : vector<32xbf16>
        %add3A_422 = arith.addf %mul3A_410, %mul3A_421 : vector<32xbf16>
        %unpack3A_423 = tpu.unpack_subelements %add3A_422, 0 {pack_format = #tpu.pack_format<interleaved>} : vector<32xbf16> -> vector<16xf32>
        %unpack3A_424 = tpu.unpack_subelements %add3A_422, 1 {pack_format = #tpu.pack_format<interleaved>} : vector<32xbf16> -> vector<16xf32>
        %add3A_425 = arith.addf %add3A_398, %unpack3A_423 : vector<16xf32>
        %add3A_426 = arith.addf %add3A_399, %unpack3A_424 : vector<16xf32>
        %get3A_427 = arith.index_cast %add3A_369 : i32 to index
        %get3A_428 = arith.constant 128 : index
        %get3A_429 = tpu.vector_load %arg14[%get3A_427, %get3A_428] {strides = array<i32>} : memref<40x256xbf16, #tpu.memory_space<vmem>>, vector<32xbf16>,
        %get3A_430 = arith.index_cast %add3A_369 : i32 to index
        %get3A_431 = arith.constant 128 : index
        %get3A_432 = tpu.vector_load %arg15[%get3A_430, %get3A_431] {strides = array<i32>} : memref<40x256xbf16, #tpu.memory_space<vmem>>, vector<32xbf16>,
        %gather3A_433 = tpu.vector_load_idx %arg11[%gather3A_372, %add3A_19] : memref<500x128xi32, #tpu.memory_space<vmem>>[vector<16xi32>, vector<16xi32>], vector<16xi32>,
        %bitcast3A_434 = vector.bitcast %gather3A_433 : vector<16xi32> to vector<32xbf16>
        %add3A_435 = arith.addf %get3A_429, %get3A_432 : vector<32xbf16>
        %sub3A_436 = arith.subf %add3A_435, %bitcast3A_434 : vector<32xbf16>
        %mul3A_437 = arith.mulf %sub3A_436, %sub3A_436 : vector<32xbf16>
        %get3A_438 = arith.index_cast %add3A_369 : i32 to index
        %get3A_439 = arith.constant 160 : index
        %get3A_440 = tpu.vector_load %arg14[%get3A_438, %get3A_439] {strides = array<i32>} : memref<40x256xbf16, #tpu.memory_space<vmem>>, vector<32xbf16>,
        %get3A_441 = arith.index_cast %add3A_369 : i32 to index
        %get3A_442 = arith.constant 160 : index
        %get3A_443 = tpu.vector_load %arg15[%get3A_441, %get3A_442] {strides = array<i32>} : memref<40x256xbf16, #tpu.memory_space<vmem>>, vector<32xbf16>,
        %gather3A_444 = tpu.vector_load_idx %arg11[%gather3A_372, %add3A_22] : memref<500x128xi32, #tpu.memory_space<vmem>>[vector<16xi32>, vector<16xi32>], vector<16xi32>,
        %bitcast3A_445 = vector.bitcast %gather3A_444 : vector<16xi32> to vector<32xbf16>
        %add3A_446 = arith.addf %get3A_440, %get3A_443 : vector<32xbf16>
        %sub3A_447 = arith.subf %add3A_446, %bitcast3A_445 : vector<32xbf16>
        %mul3A_448 = arith.mulf %sub3A_447, %sub3A_447 : vector<32xbf16>
        %add3A_449 = arith.addf %mul3A_437, %mul3A_448 : vector<32xbf16>
        %unpack3A_450 = tpu.unpack_subelements %add3A_449, 0 {pack_format = #tpu.pack_format<interleaved>} : vector<32xbf16> -> vector<16xf32>
        %unpack3A_451 = tpu.unpack_subelements %add3A_449, 1 {pack_format = #tpu.pack_format<interleaved>} : vector<32xbf16> -> vector<16xf32>
        %add3A_452 = arith.addf %add3A_425, %unpack3A_450 : vector<16xf32>
        %add3A_453 = arith.addf %add3A_426, %unpack3A_451 : vector<16xf32>
        %get3A_454 = arith.index_cast %add3A_369 : i32 to index
        %get3A_455 = arith.constant 192 : index
        %get3A_456 = tpu.vector_load %arg14[%get3A_454, %get3A_455] {strides = array<i32>} : memref<40x256xbf16, #tpu.memory_space<vmem>>, vector<32xbf16>,
        %get3A_457 = arith.index_cast %add3A_369 : i32 to index
        %get3A_458 = arith.constant 192 : index
        %get3A_459 = tpu.vector_load %arg15[%get3A_457, %get3A_458] {strides = array<i32>} : memref<40x256xbf16, #tpu.memory_space<vmem>>, vector<32xbf16>,
        %gather3A_460 = tpu.vector_load_idx %arg11[%gather3A_372, %add3A_25] : memref<500x128xi32, #tpu.memory_space<vmem>>[vector<16xi32>, vector<16xi32>], vector<16xi32>,
        %bitcast3A_461 = vector.bitcast %gather3A_460 : vector<16xi32> to vector<32xbf16>
        %add3A_462 = arith.addf %get3A_456, %get3A_459 : vector<32xbf16>
        %sub3A_463 = arith.subf %add3A_462, %bitcast3A_461 : vector<32xbf16>
        %mul3A_464 = arith.mulf %sub3A_463, %sub3A_463 : vector<32xbf16>
        %get3A_465 = arith.index_cast %add3A_369 : i32 to index
        %get3A_466 = arith.constant 224 : index
        %get3A_467 = tpu.vector_load %arg14[%get3A_465, %get3A_466] {strides = array<i32>} : memref<40x256xbf16, #tpu.memory_space<vmem>>, vector<32xbf16>,
        %get3A_468 = arith.index_cast %add3A_369 : i32 to index
        %get3A_469 = arith.constant 224 : index
        %get3A_470 = tpu.vector_load %arg15[%get3A_468, %get3A_469] {strides = array<i32>} : memref<40x256xbf16, #tpu.memory_space<vmem>>, vector<32xbf16>,
        %gather3A_471 = tpu.vector_load_idx %arg11[%gather3A_372, %add3A_28] : memref<500x128xi32, #tpu.memory_space<vmem>>[vector<16xi32>, vector<16xi32>], vector<16xi32>,
        %bitcast3A_472 = vector.bitcast %gather3A_471 : vector<16xi32> to vector<32xbf16>
        %add3A_473 = arith.addf %get3A_467, %get3A_470 : vector<32xbf16>
        %sub3A_474 = arith.subf %add3A_473, %bitcast3A_472 : vector<32xbf16>
        %mul3A_475 = arith.mulf %sub3A_474, %sub3A_474 : vector<32xbf16>
        %add3A_476 = arith.addf %mul3A_464, %mul3A_475 : vector<32xbf16>
        %unpack3A_477 = tpu.unpack_subelements %add3A_476, 0 {pack_format = #tpu.pack_format<interleaved>} : vector<32xbf16> -> vector<16xf32>
        %unpack3A_478 = tpu.unpack_subelements %add3A_476, 1 {pack_format = #tpu.pack_format<interleaved>} : vector<32xbf16> -> vector<16xf32>
        %add3A_479 = arith.addf %add3A_452, %unpack3A_477 : vector<16xf32>
        %add3A_480 = arith.addf %add3A_453, %unpack3A_478 : vector<16xf32>
        %add3A_481 = arith.addf %add3A_479, %add3A_480 : vector<16xf32>
        %reduce_sum3A_482 = arith.constant true
        %reduce_sum3A_483 = vector.broadcast %reduce_sum3A_482 : i1 to vector<16xi1>
        %reduce_sum3A_484 = tpu.scan <sum>, %add3A_481 masked %reduce_sum3A_483 : vector<16xf32>, vector<16xi1> -> vector<16xf32>
        %reduce_sum3A_485 = vector.extract %reduce_sum3A_484[15] : f32 from vector<16xf32>
        %eq3A_486 = vector.broadcast %scan3A_367 : i32 to vector<16xi32>
        %eq3A_487 = arith.cmpi eq, %iota3A, %eq3A_486 : vector<16xi32>
        %neg3A_488 = arith.constant 0.000000e+00 : f32
        %neg3A_489 = arith.subf %neg3A_488, %reduce_sum3A_485 : f32
        %broadcast_in_dim3A_490 = vector.broadcast %neg3A_489 : f32 to vector<16xf32>
        %select_n3A_491 = arith.select %eq3A_487, %broadcast_in_dim3A_490, %select_n3A : vector<16xi1>, vector<16xf32>
        scf.yield %select_n3A_491 : vector<16xf32>
      }
      %scan3A_226 = arith.constant 16 : i32
      %add3A_227 = arith.constant 16 : i32
      %add3A_228 = arith.addi %multiple_of3A_202, %add3A_227 : i32
      %swap3A_229 = arith.index_cast %add3A_228 : i32 to index
      %swap3A_230 = tpu.vector_load %arg10[%swap3A_229] {strides = array<i32>} : memref<5000xf32, #tpu.memory_space<vmem>>, vector<16xf32>,
      tpu.vector_store %arg10[%swap3A_229], %scan3A_225 {strides = array<i32>} : memref<5000xf32, #tpu.memory_space<vmem>>, vector<16xf32>,
      %add3A_231 = arith.constant 32 : i32
      %add3A_232 = arith.addi %multiple_of3A_202, %add3A_231 : i32
      %get3A_233 = arith.index_cast %add3A_232 : i32 to index
      %get3A_234 = tpu.vector_load %arg9[%get3A_233] {strides = array<i32>} : memref<5016xi32, #tpu.memory_space<vmem>>, vector<16xi32>,
      %scan3A_235 = arith.constant 0 : i32
      %scan3A_236 = arith.constant 8 : i32
      %scan3A_237 = arith.addi %scan3A_235, %scan3A_236 : i32
      %scan3A_238 = arith.constant 2 : i32
      %scan3A_239 = scf.for %scan3A_248 = %scan3A_235 to %scan3A_237 step %scan3A_238 iter_args(%scan3A_249 = %broadcast_in_dim3A_4) -> (vector<16xf32>)  : i32 {
        %add3A_250 = arith.constant 32 : i32
        %add3A_251 = arith.addi %add3A_250, %scan3A_248 : i32
        %broadcast_in_dim3A_252 = vector.broadcast %scan3A_248 : i32 to vector<16x1xi32>
        %gather3A = vector.shape_cast %broadcast_in_dim3A_252 : vector<16x1xi32> to vector<16xi32>
        %gather3A_253 = tpu.dynamic_gather %get3A_234[%gather3A] in [0] : vector<16xi32>, vector<16xi32> -> vector<16xi32>
        %get3A_254 = arith.index_cast %add3A_251 : i32 to index
        %get3A_255 = arith.constant 0 : index
        %get3A_256 = tpu.vector_load %arg14[%get3A_254, %get3A_255] {strides = array<i32>} : memref<40x256xbf16, #tpu.memory_space<vmem>>, vector<32xbf16>,
        %get3A_257 = arith.index_cast %add3A_251 : i32 to index
        %get3A_258 = arith.constant 0 : index
        %get3A_259 = tpu.vector_load %arg15[%get3A_257, %get3A_258] {strides = array<i32>} : memref<40x256xbf16, #tpu.memory_space<vmem>>, vector<32xbf16>,
        %gather3A_260 = tpu.vector_load_idx %arg11[%gather3A_253, %add3A_7] : memref<500x128xi32, #tpu.memory_space<vmem>>[vector<16xi32>, vector<16xi32>], vector<16xi32>,
        %bitcast3A = vector.bitcast %gather3A_260 : vector<16xi32> to vector<32xbf16>
        %add3A_261 = arith.addf %get3A_256, %get3A_259 : vector<32xbf16>
        %sub3A = arith.subf %add3A_261, %bitcast3A : vector<32xbf16>
        %mul3A_262 = arith.mulf %sub3A, %sub3A : vector<32xbf16>
        %get3A_263 = arith.index_cast %add3A_251 : i32 to index
        %get3A_264 = arith.constant 32 : index
        %get3A_265 = tpu.vector_load %arg14[%get3A_263, %get3A_264] {strides = array<i32>} : memref<40x256xbf16, #tpu.memory_space<vmem>>, vector<32xbf16>,
        %get3A_266 = arith.index_cast %add3A_251 : i32 to index
        %get3A_267 = arith.constant 32 : index
        %get3A_268 = tpu.vector_load %arg15[%get3A_266, %get3A_267] {strides = array<i32>} : memref<40x256xbf16, #tpu.memory_space<vmem>>, vector<32xbf16>,
        %gather3A_269 = tpu.vector_load_idx %arg11[%gather3A_253, %add3A_10] : memref<500x128xi32, #tpu.memory_space<vmem>>[vector<16xi32>, vector<16xi32>], vector<16xi32>,
        %bitcast3A_270 = vector.bitcast %gather3A_269 : vector<16xi32> to vector<32xbf16>
        %add3A_271 = arith.addf %get3A_265, %get3A_268 : vector<32xbf16>
        %sub3A_272 = arith.subf %add3A_271, %bitcast3A_270 : vector<32xbf16>
        %mul3A_273 = arith.mulf %sub3A_272, %sub3A_272 : vector<32xbf16>
        %add3A_274 = arith.addf %mul3A_262, %mul3A_273 : vector<32xbf16>
        %unpack3A = tpu.unpack_subelements %add3A_274, 0 {pack_format = #tpu.pack_format<interleaved>} : vector<32xbf16> -> vector<16xf32>
        %unpack3A_275 = tpu.unpack_subelements %add3A_274, 1 {pack_format = #tpu.pack_format<interleaved>} : vector<32xbf16> -> vector<16xf32>
        %add3A_276 = arith.addf %broadcast_in_dim3A_4, %unpack3A : vector<16xf32>
        %add3A_277 = arith.addf %broadcast_in_dim3A_4, %unpack3A_275 : vector<16xf32>
        %get3A_278 = arith.index_cast %add3A_251 : i32 to index
        %get3A_279 = arith.constant 64 : index
        %get3A_280 = tpu.vector_load %arg14[%get3A_278, %get3A_279] {strides = array<i32>} : memref<40x256xbf16, #tpu.memory_space<vmem>>, vector<32xbf16>,
        %get3A_281 = arith.index_cast %add3A_251 : i32 to index
        %get3A_282 = arith.constant 64 : index
        %get3A_283 = tpu.vector_load %arg15[%get3A_281, %get3A_282] {strides = array<i32>} : memref<40x256xbf16, #tpu.memory_space<vmem>>, vector<32xbf16>,
        %gather3A_284 = tpu.vector_load_idx %arg11[%gather3A_253, %add3A_13] : memref<500x128xi32, #tpu.memory_space<vmem>>[vector<16xi32>, vector<16xi32>], vector<16xi32>,
        %bitcast3A_285 = vector.bitcast %gather3A_284 : vector<16xi32> to vector<32xbf16>
        %add3A_286 = arith.addf %get3A_280, %get3A_283 : vector<32xbf16>
        %sub3A_287 = arith.subf %add3A_286, %bitcast3A_285 : vector<32xbf16>
        %mul3A_288 = arith.mulf %sub3A_287, %sub3A_287 : vector<32xbf16>
        %get3A_289 = arith.index_cast %add3A_251 : i32 to index
        %get3A_290 = arith.constant 96 : index
        %get3A_291 = tpu.vector_load %arg14[%get3A_289, %get3A_290] {strides = array<i32>} : memref<40x256xbf16, #tpu.memory_space<vmem>>, vector<32xbf16>,
        %get3A_292 = arith.index_cast %add3A_251 : i32 to index
        %get3A_293 = arith.constant 96 : index
        %get3A_294 = tpu.vector_load %arg15[%get3A_292, %get3A_293] {strides = array<i32>} : memref<40x256xbf16, #tpu.memory_space<vmem>>, vector<32xbf16>,
        %gather3A_295 = tpu.vector_load_idx %arg11[%gather3A_253, %add3A_16] : memref<500x128xi32, #tpu.memory_space<vmem>>[vector<16xi32>, vector<16xi32>], vector<16xi32>,
        %bitcast3A_296 = vector.bitcast %gather3A_295 : vector<16xi32> to vector<32xbf16>
        %add3A_297 = arith.addf %get3A_291, %get3A_294 : vector<32xbf16>
        %sub3A_298 = arith.subf %add3A_297, %bitcast3A_296 : vector<32xbf16>
        %mul3A_299 = arith.mulf %sub3A_298, %sub3A_298 : vector<32xbf16>
        %add3A_300 = arith.addf %mul3A_288, %mul3A_299 : vector<32xbf16>
        %unpack3A_301 = tpu.unpack_subelements %add3A_300, 0 {pack_format = #tpu.pack_format<interleaved>} : vector<32xbf16> -> vector<16xf32>
        %unpack3A_302 = tpu.unpack_subelements %add3A_300, 1 {pack_format = #tpu.pack_format<interleaved>} : vector<32xbf16> -> vector<16xf32>
        %add3A_303 = arith.addf %add3A_276, %unpack3A_301 : vector<16xf32>
        %add3A_304 = arith.addf %add3A_277, %unpack3A_302 : vector<16xf32>
        %get3A_305 = arith.index_cast %add3A_251 : i32 to index
        %get3A_306 = arith.constant 128 : index
        %get3A_307 = tpu.vector_load %arg14[%get3A_305, %get3A_306] {strides = array<i32>} : memref<40x256xbf16, #tpu.memory_space<vmem>>, vector<32xbf16>,
        %get3A_308 = arith.index_cast %add3A_251 : i32 to index
        %get3A_309 = arith.constant 128 : index
        %get3A_310 = tpu.vector_load %arg15[%get3A_308, %get3A_309] {strides = array<i32>} : memref<40x256xbf16, #tpu.memory_space<vmem>>, vector<32xbf16>,
        %gather3A_311 = tpu.vector_load_idx %arg11[%gather3A_253, %add3A_19] : memref<500x128xi32, #tpu.memory_space<vmem>>[vector<16xi32>, vector<16xi32>], vector<16xi32>,
        %bitcast3A_312 = vector.bitcast %gather3A_311 : vector<16xi32> to vector<32xbf16>
        %add3A_313 = arith.addf %get3A_307, %get3A_310 : vector<32xbf16>
        %sub3A_314 = arith.subf %add3A_313, %bitcast3A_312 : vector<32xbf16>
        %mul3A_315 = arith.mulf %sub3A_314, %sub3A_314 : vector<32xbf16>
        %get3A_316 = arith.index_cast %add3A_251 : i32 to index
        %get3A_317 = arith.constant 160 : index
        %get3A_318 = tpu.vector_load %arg14[%get3A_316, %get3A_317] {strides = array<i32>} : memref<40x256xbf16, #tpu.memory_space<vmem>>, vector<32xbf16>,
        %get3A_319 = arith.index_cast %add3A_251 : i32 to index
        %get3A_320 = arith.constant 160 : index
        %get3A_321 = tpu.vector_load %arg15[%get3A_319, %get3A_320] {strides = array<i32>} : memref<40x256xbf16, #tpu.memory_space<vmem>>, vector<32xbf16>,
        %gather3A_322 = tpu.vector_load_idx %arg11[%gather3A_253, %add3A_22] : memref<500x128xi32, #tpu.memory_space<vmem>>[vector<16xi32>, vector<16xi32>], vector<16xi32>,
        %bitcast3A_323 = vector.bitcast %gather3A_322 : vector<16xi32> to vector<32xbf16>
        %add3A_324 = arith.addf %get3A_318, %get3A_321 : vector<32xbf16>
        %sub3A_325 = arith.subf %add3A_324, %bitcast3A_323 : vector<32xbf16>
        %mul3A_326 = arith.mulf %sub3A_325, %sub3A_325 : vector<32xbf16>
        %add3A_327 = arith.addf %mul3A_315, %mul3A_326 : vector<32xbf16>
        %unpack3A_328 = tpu.unpack_subelements %add3A_327, 0 {pack_format = #tpu.pack_format<interleaved>} : vector<32xbf16> -> vector<16xf32>
        %unpack3A_329 = tpu.unpack_subelements %add3A_327, 1 {pack_format = #tpu.pack_format<interleaved>} : vector<32xbf16> -> vector<16xf32>
        %add3A_330 = arith.addf %add3A_303, %unpack3A_328 : vector<16xf32>
        %add3A_331 = arith.addf %add3A_304, %unpack3A_329 : vector<16xf32>
        %get3A_332 = arith.index_cast %add3A_251 : i32 to index
        %get3A_333 = arith.constant 192 : index
        %get3A_334 = tpu.vector_load %arg14[%get3A_332, %get3A_333] {strides = array<i32>} : memref<40x256xbf16, #tpu.memory_space<vmem>>, vector<32xbf16>,
        %get3A_335 = arith.index_cast %add3A_251 : i32 to index
        %get3A_336 = arith.constant 192 : index
        %get3A_337 = tpu.vector_load %arg15[%get3A_335, %get3A_336] {strides = array<i32>} : memref<40x256xbf16, #tpu.memory_space<vmem>>, vector<32xbf16>,
        %gather3A_338 = tpu.vector_load_idx %arg11[%gather3A_253, %add3A_25] : memref<500x128xi32, #tpu.memory_space<vmem>>[vector<16xi32>, vector<16xi32>], vector<16xi32>,
        %bitcast3A_339 = vector.bitcast %gather3A_338 : vector<16xi32> to vector<32xbf16>
        %add3A_340 = arith.addf %get3A_334, %get3A_337 : vector<32xbf16>
        %sub3A_341 = arith.subf %add3A_340, %bitcast3A_339 : vector<32xbf16>
        %mul3A_342 = arith.mulf %sub3A_341, %sub3A_341 : vector<32xbf16>
        %get3A_343 = arith.index_cast %add3A_251 : i32 to index
        %get3A_344 = arith.constant 224 : index
        %get3A_345 = tpu.vector_load %arg14[%get3A_343, %get3A_344] {strides = array<i32>} : memref<40x256xbf16, #tpu.memory_space<vmem>>, vector<32xbf16>,
        %get3A_346 = arith.index_cast %add3A_251 : i32 to index
        %get3A_347 = arith.constant 224 : index
        %get3A_348 = tpu.vector_load %arg15[%get3A_346, %get3A_347] {strides = array<i32>} : memref<40x256xbf16, #tpu.memory_space<vmem>>, vector<32xbf16>,
        %gather3A_349 = tpu.vector_load_idx %arg11[%gather3A_253, %add3A_28] : memref<500x128xi32, #tpu.memory_space<vmem>>[vector<16xi32>, vector<16xi32>], vector<16xi32>,
        %bitcast3A_350 = vector.bitcast %gather3A_349 : vector<16xi32> to vector<32xbf16>
        %add3A_351 = arith.addf %get3A_345, %get3A_348 : vector<32xbf16>
        %sub3A_352 = arith.subf %add3A_351, %bitcast3A_350 : vector<32xbf16>
        %mul3A_353 = arith.mulf %sub3A_352, %sub3A_352 : vector<32xbf16>
        %add3A_354 = arith.addf %mul3A_342, %mul3A_353 : vector<32xbf16>
        %unpack3A_355 = tpu.unpack_subelements %add3A_354, 0 {pack_format = #tpu.pack_format<interleaved>} : vector<32xbf16> -> vector<16xf32>
        %unpack3A_356 = tpu.unpack_subelements %add3A_354, 1 {pack_format = #tpu.pack_format<interleaved>} : vector<32xbf16> -> vector<16xf32>
        %add3A_357 = arith.addf %add3A_330, %unpack3A_355 : vector<16xf32>
        %add3A_358 = arith.addf %add3A_331, %unpack3A_356 : vector<16xf32>
        %add3A_359 = arith.addf %add3A_357, %add3A_358 : vector<16xf32>
        %reduce_sum3A = arith.constant true
        %reduce_sum3A_360 = vector.broadcast %reduce_sum3A : i1 to vector<16xi1>
        %reduce_sum3A_361 = tpu.scan <sum>, %add3A_359 masked %reduce_sum3A_360 : vector<16xf32>, vector<16xi1> -> vector<16xf32>
        %reduce_sum3A_362 = vector.extract %reduce_sum3A_361[15] : f32 from vector<16xf32>
        %eq3A = vector.broadcast %scan3A_248 : i32 to vector<16xi32>
        %eq3A_363 = arith.cmpi eq, %iota3A, %eq3A : vector<16xi32>
        %neg3A = arith.constant 0.000000e+00 : f32
        %neg3A_364 = arith.subf %neg3A, %reduce_sum3A_362 : f32
        %broadcast_in_dim3A_365 = vector.broadcast %neg3A_364 : f32 to vector<16xf32>
        %select_n3A = arith.select %eq3A_363, %broadcast_in_dim3A_365, %scan3A_249 : vector<16xi1>, vector<16xf32>
        %scan3A_366 = arith.constant 1 : i32
        %scan3A_367 = arith.addi %scan3A_248, %scan3A_366 : i32
        %add3A_368 = arith.constant 32 : i32
        %add3A_369 = arith.addi %add3A_368, %scan3A_367 : i32
        %broadcast_in_dim3A_370 = vector.broadcast %scan3A_367 : i32 to vector<16x1xi32>
        %gather3A_371 = vector.shape_cast %broadcast_in_dim3A_370 : vector<16x1xi32> to vector<16xi32>
        %gather3A_372 = tpu.dynamic_gather %get3A_234[%gather3A_371] in [0] : vector<16xi32>, vector<16xi32> -> vector<16xi32>
        %get3A_373 = arith.index_cast %add3A_369 : i32 to index
        %get3A_374 = arith.constant 0 : index
        %get3A_375 = tpu.vector_load %arg14[%get3A_373, %get3A_374] {strides = array<i32>} : memref<40x256xbf16, #tpu.memory_space<vmem>>, vector<32xbf16>,
        %get3A_376 = arith.index_cast %add3A_369 : i32 to index
        %get3A_377 = arith.constant 0 : index
        %get3A_378 = tpu.vector_load %arg15[%get3A_376, %get3A_377] {strides = array<i32>} : memref<40x256xbf16, #tpu.memory_space<vmem>>, vector<32xbf16>,
        %gather3A_379 = tpu.vector_load_idx %arg11[%gather3A_372, %add3A_7] : memref<500x128xi32, #tpu.memory_space<vmem>>[vector<16xi32>, vector<16xi32>], vector<16xi32>,
        %bitcast3A_380 = vector.bitcast %gather3A_379 : vector<16xi32> to vector<32xbf16>
        %add3A_381 = arith.addf %get3A_375, %get3A_378 : vector<32xbf16>
        %sub3A_382 = arith.subf %add3A_381, %bitcast3A_380 : vector<32xbf16>
        %mul3A_383 = arith.mulf %sub3A_382, %sub3A_382 : vector<32xbf16>
        %get3A_384 = arith.index_cast %add3A_369 : i32 to index
        %get3A_385 = arith.constant 32 : index
        %get3A_386 = tpu.vector_load %arg14[%get3A_384, %get3A_385] {strides = array<i32>} : memref<40x256xbf16, #tpu.memory_space<vmem>>, vector<32xbf16>,
        %get3A_387 = arith.index_cast %add3A_369 : i32 to index
        %get3A_388 = arith.constant 32 : index
        %get3A_389 = tpu.vector_load %arg15[%get3A_387, %get3A_388] {strides = array<i32>} : memref<40x256xbf16, #tpu.memory_space<vmem>>, vector<32xbf16>,
        %gather3A_390 = tpu.vector_load_idx %arg11[%gather3A_372, %add3A_10] : memref<500x128xi32, #tpu.memory_space<vmem>>[vector<16xi32>, vector<16xi32>], vector<16xi32>,
        %bitcast3A_391 = vector.bitcast %gather3A_390 : vector<16xi32> to vector<32xbf16>
        %add3A_392 = arith.addf %get3A_386, %get3A_389 : vector<32xbf16>
        %sub3A_393 = arith.subf %add3A_392, %bitcast3A_391 : vector<32xbf16>
        %mul3A_394 = arith.mulf %sub3A_393, %sub3A_393 : vector<32xbf16>
        %add3A_395 = arith.addf %mul3A_383, %mul3A_394 : vector<32xbf16>
        %unpack3A_396 = tpu.unpack_subelements %add3A_395, 0 {pack_format = #tpu.pack_format<interleaved>} : vector<32xbf16> -> vector<16xf32>
        %unpack3A_397 = tpu.unpack_subelements %add3A_395, 1 {pack_format = #tpu.pack_format<interleaved>} : vector<32xbf16> -> vector<16xf32>
        %add3A_398 = arith.addf %broadcast_in_dim3A_4, %unpack3A_396 : vector<16xf32>
        %add3A_399 = arith.addf %broadcast_in_dim3A_4, %unpack3A_397 : vector<16xf32>
        %get3A_400 = arith.index_cast %add3A_369 : i32 to index
        %get3A_401 = arith.constant 64 : index
        %get3A_402 = tpu.vector_load %arg14[%get3A_400, %get3A_401] {strides = array<i32>} : memref<40x256xbf16, #tpu.memory_space<vmem>>, vector<32xbf16>,
        %get3A_403 = arith.index_cast %add3A_369 : i32 to index
        %get3A_404 = arith.constant 64 : index
        %get3A_405 = tpu.vector_load %arg15[%get3A_403, %get3A_404] {strides = array<i32>} : memref<40x256xbf16, #tpu.memory_space<vmem>>, vector<32xbf16>,
        %gather3A_406 = tpu.vector_load_idx %arg11[%gather3A_372, %add3A_13] : memref<500x128xi32, #tpu.memory_space<vmem>>[vector<16xi32>, vector<16xi32>], vector<16xi32>,
        %bitcast3A_407 = vector.bitcast %gather3A_406 : vector<16xi32> to vector<32xbf16>
        %add3A_408 = arith.addf %get3A_402, %get3A_405 : vector<32xbf16>
        %sub3A_409 = arith.subf %add3A_408, %bitcast3A_407 : vector<32xbf16>
        %mul3A_410 = arith.mulf %sub3A_409, %sub3A_409 : vector<32xbf16>
        %get3A_411 = arith.index_cast %add3A_369 : i32 to index
        %get3A_412 = arith.constant 96 : index
        %get3A_413 = tpu.vector_load %arg14[%get3A_411, %get3A_412] {strides = array<i32>} : memref<40x256xbf16, #tpu.memory_space<vmem>>, vector<32xbf16>,
        %get3A_414 = arith.index_cast %add3A_369 : i32 to index
        %get3A_415 = arith.constant 96 : index
        %get3A_416 = tpu.vector_load %arg15[%get3A_414, %get3A_415] {strides = array<i32>} : memref<40x256xbf16, #tpu.memory_space<vmem>>, vector<32xbf16>,
        %gather3A_417 = tpu.vector_load_idx %arg11[%gather3A_372, %add3A_16] : memref<500x128xi32, #tpu.memory_space<vmem>>[vector<16xi32>, vector<16xi32>], vector<16xi32>,
        %bitcast3A_418 = vector.bitcast %gather3A_417 : vector<16xi32> to vector<32xbf16>
        %add3A_419 = arith.addf %get3A_413, %get3A_416 : vector<32xbf16>
        %sub3A_420 = arith.subf %add3A_419, %bitcast3A_418 : vector<32xbf16>
        %mul3A_421 = arith.mulf %sub3A_420, %sub3A_420 : vector<32xbf16>
        %add3A_422 = arith.addf %mul3A_410, %mul3A_421 : vector<32xbf16>
        %unpack3A_423 = tpu.unpack_subelements %add3A_422, 0 {pack_format = #tpu.pack_format<interleaved>} : vector<32xbf16> -> vector<16xf32>
        %unpack3A_424 = tpu.unpack_subelements %add3A_422, 1 {pack_format = #tpu.pack_format<interleaved>} : vector<32xbf16> -> vector<16xf32>
        %add3A_425 = arith.addf %add3A_398, %unpack3A_423 : vector<16xf32>
        %add3A_426 = arith.addf %add3A_399, %unpack3A_424 : vector<16xf32>
        %get3A_427 = arith.index_cast %add3A_369 : i32 to index
        %get3A_428 = arith.constant 128 : index
        %get3A_429 = tpu.vector_load %arg14[%get3A_427, %get3A_428] {strides = array<i32>} : memref<40x256xbf16, #tpu.memory_space<vmem>>, vector<32xbf16>,
        %get3A_430 = arith.index_cast %add3A_369 : i32 to index
        %get3A_431 = arith.constant 128 : index
        %get3A_432 = tpu.vector_load %arg15[%get3A_430, %get3A_431] {strides = array<i32>} : memref<40x256xbf16, #tpu.memory_space<vmem>>, vector<32xbf16>,
        %gather3A_433 = tpu.vector_load_idx %arg11[%gather3A_372, %add3A_19] : memref<500x128xi32, #tpu.memory_space<vmem>>[vector<16xi32>, vector<16xi32>], vector<16xi32>,
        %bitcast3A_434 = vector.bitcast %gather3A_433 : vector<16xi32> to vector<32xbf16>
        %add3A_435 = arith.addf %get3A_429, %get3A_432 : vector<32xbf16>
        %sub3A_436 = arith.subf %add3A_435, %bitcast3A_434 : vector<32xbf16>
        %mul3A_437 = arith.mulf %sub3A_436, %sub3A_436 : vector<32xbf16>
        %get3A_438 = arith.index_cast %add3A_369 : i32 to index
        %get3A_439 = arith.constant 160 : index
        %get3A_440 = tpu.vector_load %arg14[%get3A_438, %get3A_439] {strides = array<i32>} : memref<40x256xbf16, #tpu.memory_space<vmem>>, vector<32xbf16>,
        %get3A_441 = arith.index_cast %add3A_369 : i32 to index
        %get3A_442 = arith.constant 160 : index
        %get3A_443 = tpu.vector_load %arg15[%get3A_441, %get3A_442] {strides = array<i32>} : memref<40x256xbf16, #tpu.memory_space<vmem>>, vector<32xbf16>,
        %gather3A_444 = tpu.vector_load_idx %arg11[%gather3A_372, %add3A_22] : memref<500x128xi32, #tpu.memory_space<vmem>>[vector<16xi32>, vector<16xi32>], vector<16xi32>,
        %bitcast3A_445 = vector.bitcast %gather3A_444 : vector<16xi32> to vector<32xbf16>
        %add3A_446 = arith.addf %get3A_440, %get3A_443 : vector<32xbf16>
        %sub3A_447 = arith.subf %add3A_446, %bitcast3A_445 : vector<32xbf16>
        %mul3A_448 = arith.mulf %sub3A_447, %sub3A_447 : vector<32xbf16>
        %add3A_449 = arith.addf %mul3A_437, %mul3A_448 : vector<32xbf16>
        %unpack3A_450 = tpu.unpack_subelements %add3A_449, 0 {pack_format = #tpu.pack_format<interleaved>} : vector<32xbf16> -> vector<16xf32>
        %unpack3A_451 = tpu.unpack_subelements %add3A_449, 1 {pack_format = #tpu.pack_format<interleaved>} : vector<32xbf16> -> vector<16xf32>
        %add3A_452 = arith.addf %add3A_425, %unpack3A_450 : vector<16xf32>
        %add3A_453 = arith.addf %add3A_426, %unpack3A_451 : vector<16xf32>
        %get3A_454 = arith.index_cast %add3A_369 : i32 to index
        %get3A_455 = arith.constant 192 : index
        %get3A_456 = tpu.vector_load %arg14[%get3A_454, %get3A_455] {strides = array<i32>} : memref<40x256xbf16, #tpu.memory_space<vmem>>, vector<32xbf16>,
        %get3A_457 = arith.index_cast %add3A_369 : i32 to index
        %get3A_458 = arith.constant 192 : index
        %get3A_459 = tpu.vector_load %arg15[%get3A_457, %get3A_458] {strides = array<i32>} : memref<40x256xbf16, #tpu.memory_space<vmem>>, vector<32xbf16>,
        %gather3A_460 = tpu.vector_load_idx %arg11[%gather3A_372, %add3A_25] : memref<500x128xi32, #tpu.memory_space<vmem>>[vector<16xi32>, vector<16xi32>], vector<16xi32>,
        %bitcast3A_461 = vector.bitcast %gather3A_460 : vector<16xi32> to vector<32xbf16>
        %add3A_462 = arith.addf %get3A_456, %get3A_459 : vector<32xbf16>
        %sub3A_463 = arith.subf %add3A_462, %bitcast3A_461 : vector<32xbf16>
        %mul3A_464 = arith.mulf %sub3A_463, %sub3A_463 : vector<32xbf16>
        %get3A_465 = arith.index_cast %add3A_369 : i32 to index
        %get3A_466 = arith.constant 224 : index
        %get3A_467 = tpu.vector_load %arg14[%get3A_465, %get3A_466] {strides = array<i32>} : memref<40x256xbf16, #tpu.memory_space<vmem>>, vector<32xbf16>,
        %get3A_468 = arith.index_cast %add3A_369 : i32 to index
        %get3A_469 = arith.constant 224 : index
        %get3A_470 = tpu.vector_load %arg15[%get3A_468, %get3A_469] {strides = array<i32>} : memref<40x256xbf16, #tpu.memory_space<vmem>>, vector<32xbf16>,
        %gather3A_471 = tpu.vector_load_idx %arg11[%gather3A_372, %add3A_28] : memref<500x128xi32, #tpu.memory_space<vmem>>[vector<16xi32>, vector<16xi32>], vector<16xi32>,
        %bitcast3A_472 = vector.bitcast %gather3A_471 : vector<16xi32> to vector<32xbf16>
        %add3A_473 = arith.addf %get3A_467, %get3A_470 : vector<32xbf16>
        %sub3A_474 = arith.subf %add3A_473, %bitcast3A_472 : vector<32xbf16>
        %mul3A_475 = arith.mulf %sub3A_474, %sub3A_474 : vector<32xbf16>
        %add3A_476 = arith.addf %mul3A_464, %mul3A_475 : vector<32xbf16>
        %unpack3A_477 = tpu.unpack_subelements %add3A_476, 0 {pack_format = #tpu.pack_format<interleaved>} : vector<32xbf16> -> vector<16xf32>
        %unpack3A_478 = tpu.unpack_subelements %add3A_476, 1 {pack_format = #tpu.pack_format<interleaved>} : vector<32xbf16> -> vector<16xf32>
        %add3A_479 = arith.addf %add3A_452, %unpack3A_477 : vector<16xf32>
        %add3A_480 = arith.addf %add3A_453, %unpack3A_478 : vector<16xf32>
        %add3A_481 = arith.addf %add3A_479, %add3A_480 : vector<16xf32>
        %reduce_sum3A_482 = arith.constant true
        %reduce_sum3A_483 = vector.broadcast %reduce_sum3A_482 : i1 to vector<16xi1>
        %reduce_sum3A_484 = tpu.scan <sum>, %add3A_481 masked %reduce_sum3A_483 : vector<16xf32>, vector<16xi1> -> vector<16xf32>
        %reduce_sum3A_485 = vector.extract %reduce_sum3A_484[15] : f32 from vector<16xf32>
        %eq3A_486 = vector.broadcast %scan3A_367 : i32 to vector<16xi32>
        %eq3A_487 = arith.cmpi eq, %iota3A, %eq3A_486 : vector<16xi32>
        %neg3A_488 = arith.constant 0.000000e+00 : f32
        %neg3A_489 = arith.subf %neg3A_488, %reduce_sum3A_485 : f32
        %broadcast_in_dim3A_490 = vector.broadcast %neg3A_489 : f32 to vector<16xf32>
        %select_n3A_491 = arith.select %eq3A_487, %broadcast_in_dim3A_490, %select_n3A : vector<16xi1>, vector<16xf32>
        scf.yield %select_n3A_491 : vector<16xf32>
      }
      %scan3A_240 = arith.constant 8 : i32
      %add3A_241 = arith.constant 32 : i32
      %add3A_242 = arith.addi %multiple_of3A_202, %add3A_241 : i32
      %add3A_243 = vector.broadcast %add3A_242 : i32 to vector<16xi32>
      %add3A_244 = arith.addi %add3A_243, %iota3A : vector<16xi32>
      %lt3A_245 = arith.constant 8 : i32
      %lt3A_246 = vector.broadcast %lt3A_245 : i32 to vector<16xi32>
      %lt3A_247 = arith.cmpi slt, %iota3A, %lt3A_246 : vector<16xi32>
      tpu.vector_store_idx %arg10[%add3A_244], %scan3A_239 masked %lt3A_247 : memref<5000xf32, #tpu.memory_space<vmem>>[vector<16xi32>], vector<16xf32>, vector<16xi1>
    }
    %scan3A_42 = arith.constant 62 : i32
    %multiple_of3A_43 = arith.constant 4960 : i32
    %multiple_of3A_44 = tpu.assume_multiple %multiple_of3A_43, 8 : i32
    %dma_wait3A = tpu.memref_slice %arg7[%multiple_of3A_44] : memref<5000xi32, #tpu.memory_space<vmem>> -> memref<40xi32, #tpu.memory_space<vmem>>
    %dma_wait3A_45 = arith.constant 0 : i32
    %dma_wait3A_46 = arith.constant 0 : i32
    %dma_wait3A_47 = tpu.memref_slice %arg2[%dma_wait3A_45, %dma_wait3A_46] : memref<10000x256xbf16, #tpu.memory_space<hbm>> -> memref<10000x256xbf16, #tpu.memory_space<hbm>>
    tpu.wait_indirect_dma semaphore(%arg16 : memref<!tpu.dma_semaphore, #tpu.memory_space<semaphore_mem>>) src(%dma_wait3A_47 : memref<10000x256xbf16, #tpu.memory_space<hbm>>) dst(%arg12 : memref<40x256xbf16, #tpu.memory_space<vmem>>)
    %dma_wait3A_48 = tpu.memref_slice %arg8[%multiple_of3A_44] : memref<5000xi32, #tpu.memory_space<vmem>> -> memref<40xi32, #tpu.memory_space<vmem>>
    %dma_wait3A_49 = arith.constant 0 : i32
    %dma_wait3A_50 = arith.constant 0 : i32
    %dma_wait3A_51 = tpu.memref_slice %arg2[%dma_wait3A_49, %dma_wait3A_50] : memref<10000x256xbf16, #tpu.memory_space<hbm>> -> memref<10000x256xbf16, #tpu.memory_space<hbm>>
    tpu.wait_indirect_dma semaphore(%arg16 : memref<!tpu.dma_semaphore, #tpu.memory_space<semaphore_mem>>) src(%dma_wait3A_51 : memref<10000x256xbf16, #tpu.memory_space<hbm>>) dst(%arg13 : memref<40x256xbf16, #tpu.memory_space<vmem>>)
    %multiple_of3A_52 = arith.constant 4960 : i32
    %multiple_of3A_53 = tpu.assume_multiple %multiple_of3A_52, 8 : i32
    %add3A_54 = arith.constant 0 : i32
    %add3A_55 = arith.addi %multiple_of3A_53, %add3A_54 : i32
    %get3A = arith.index_cast %add3A_55 : i32 to index
    %get3A_56 = tpu.vector_load %arg9[%get3A] {strides = array<i32>} : memref<5016xi32, #tpu.memory_space<vmem>>, vector<16xi32>,
    %scan3A_57 = arith.constant 0 : i32
    %scan3A_58 = arith.constant 16 : i32
    %scan3A_59 = arith.addi %scan3A_57, %scan3A_58 : i32
    %scan3A_60 = arith.constant 2 : i32
    %scan3A_61 = scf.for %scan3A_96 = %scan3A_57 to %scan3A_59 step %scan3A_60 iter_args(%scan3A_97 = %broadcast_in_dim3A_4) -> (vector<16xf32>)  : i32 {
      %add3A_98 = arith.constant 0 : i32
      %add3A_99 = arith.addi %add3A_98, %scan3A_96 : i32
      %broadcast_in_dim3A_100 = vector.broadcast %scan3A_96 : i32 to vector<16x1xi32>
      %gather3A = vector.shape_cast %broadcast_in_dim3A_100 : vector<16x1xi32> to vector<16xi32>
      %gather3A_101 = tpu.dynamic_gather %get3A_56[%gather3A] in [0] : vector<16xi32>, vector<16xi32> -> vector<16xi32>
      %get3A_102 = arith.index_cast %add3A_99 : i32 to index
      %get3A_103 = arith.constant 0 : index
      %get3A_104 = tpu.vector_load %arg12[%get3A_102, %get3A_103] {strides = array<i32>} : memref<40x256xbf16, #tpu.memory_space<vmem>>, vector<32xbf16>,
      %get3A_105 = arith.index_cast %add3A_99 : i32 to index
      %get3A_106 = arith.constant 0 : index
      %get3A_107 = tpu.vector_load %arg13[%get3A_105, %get3A_106] {strides = array<i32>} : memref<40x256xbf16, #tpu.memory_space<vmem>>, vector<32xbf16>,
      %gather3A_108 = tpu.vector_load_idx %arg11[%gather3A_101, %add3A_7] : memref<500x128xi32, #tpu.memory_space<vmem>>[vector<16xi32>, vector<16xi32>], vector<16xi32>,
      %bitcast3A = vector.bitcast %gather3A_108 : vector<16xi32> to vector<32xbf16>
      %add3A_109 = arith.addf %get3A_104, %get3A_107 : vector<32xbf16>
      %sub3A = arith.subf %add3A_109, %bitcast3A : vector<32xbf16>
      %mul3A_110 = arith.mulf %sub3A, %sub3A : vector<32xbf16>
      %get3A_111 = arith.index_cast %add3A_99 : i32 to index
      %get3A_112 = arith.constant 32 : index
      %get3A_113 = tpu.vector_load %arg12[%get3A_111, %get3A_112] {strides = array<i32>} : memref<40x256xbf16, #tpu.memory_space<vmem>>, vector<32xbf16>,
      %get3A_114 = arith.index_cast %add3A_99 : i32 to index
      %get3A_115 = arith.constant 32 : index
      %get3A_116 = tpu.vector_load %arg13[%get3A_114, %get3A_115] {strides = array<i32>} : memref<40x256xbf16, #tpu.memory_space<vmem>>, vector<32xbf16>,
      %gather3A_117 = tpu.vector_load_idx %arg11[%gather3A_101, %add3A_10] : memref<500x128xi32, #tpu.memory_space<vmem>>[vector<16xi32>, vector<16xi32>], vector<16xi32>,
      %bitcast3A_118 = vector.bitcast %gather3A_117 : vector<16xi32> to vector<32xbf16>
      %add3A_119 = arith.addf %get3A_113, %get3A_116 : vector<32xbf16>
      %sub3A_120 = arith.subf %add3A_119, %bitcast3A_118 : vector<32xbf16>
      %mul3A_121 = arith.mulf %sub3A_120, %sub3A_120 : vector<32xbf16>
      %add3A_122 = arith.addf %mul3A_110, %mul3A_121 : vector<32xbf16>
      %unpack3A = tpu.unpack_subelements %add3A_122, 0 {pack_format = #tpu.pack_format<interleaved>} : vector<32xbf16> -> vector<16xf32>
      %unpack3A_123 = tpu.unpack_subelements %add3A_122, 1 {pack_format = #tpu.pack_format<interleaved>} : vector<32xbf16> -> vector<16xf32>
      %add3A_124 = arith.addf %broadcast_in_dim3A_4, %unpack3A : vector<16xf32>
      %add3A_125 = arith.addf %broadcast_in_dim3A_4, %unpack3A_123 : vector<16xf32>
      %get3A_126 = arith.index_cast %add3A_99 : i32 to index
      %get3A_127 = arith.constant 64 : index
      %get3A_128 = tpu.vector_load %arg12[%get3A_126, %get3A_127] {strides = array<i32>} : memref<40x256xbf16, #tpu.memory_space<vmem>>, vector<32xbf16>,
      %get3A_129 = arith.index_cast %add3A_99 : i32 to index
      %get3A_130 = arith.constant 64 : index
      %get3A_131 = tpu.vector_load %arg13[%get3A_129, %get3A_130] {strides = array<i32>} : memref<40x256xbf16, #tpu.memory_space<vmem>>, vector<32xbf16>,
      %gather3A_132 = tpu.vector_load_idx %arg11[%gather3A_101, %add3A_13] : memref<500x128xi32, #tpu.memory_space<vmem>>[vector<16xi32>, vector<16xi32>], vector<16xi32>,
      %bitcast3A_133 = vector.bitcast %gather3A_132 : vector<16xi32> to vector<32xbf16>
      %add3A_134 = arith.addf %get3A_128, %get3A_131 : vector<32xbf16>
      %sub3A_135 = arith.subf %add3A_134, %bitcast3A_133 : vector<32xbf16>
      %mul3A_136 = arith.mulf %sub3A_135, %sub3A_135 : vector<32xbf16>
      %get3A_137 = arith.index_cast %add3A_99 : i32 to index
      %get3A_138 = arith.constant 96 : index
      %get3A_139 = tpu.vector_load %arg12[%get3A_137, %get3A_138] {strides = array<i32>} : memref<40x256xbf16, #tpu.memory_space<vmem>>, vector<32xbf16>,
      %get3A_140 = arith.index_cast %add3A_99 : i32 to index
      %get3A_141 = arith.constant 96 : index
      %get3A_142 = tpu.vector_load %arg13[%get3A_140, %get3A_141] {strides = array<i32>} : memref<40x256xbf16, #tpu.memory_space<vmem>>, vector<32xbf16>,
      %gather3A_143 = tpu.vector_load_idx %arg11[%gather3A_101, %add3A_16] : memref<500x128xi32, #tpu.memory_space<vmem>>[vector<16xi32>, vector<16xi32>], vector<16xi32>,
      %bitcast3A_144 = vector.bitcast %gather3A_143 : vector<16xi32> to vector<32xbf16>
      %add3A_145 = arith.addf %get3A_139, %get3A_142 : vector<32xbf16>
      %sub3A_146 = arith.subf %add3A_145, %bitcast3A_144 : vector<32xbf16>
      %mul3A_147 = arith.mulf %sub3A_146, %sub3A_146 : vector<32xbf16>
      %add3A_148 = arith.addf %mul3A_136, %mul3A_147 : vector<32xbf16>
      %unpack3A_149 = tpu.unpack_subelements %add3A_148, 0 {pack_format = #tpu.pack_format<interleaved>} : vector<32xbf16> -> vector<16xf32>
      %unpack3A_150 = tpu.unpack_subelements %add3A_148, 1 {pack_format = #tpu.pack_format<interleaved>} : vector<32xbf16> -> vector<16xf32>
      %add3A_151 = arith.addf %add3A_124, %unpack3A_149 : vector<16xf32>
      %add3A_152 = arith.addf %add3A_125, %unpack3A_150 : vector<16xf32>
      %get3A_153 = arith.index_cast %add3A_99 : i32 to index
      %get3A_154 = arith.constant 128 : index
      %get3A_155 = tpu.vector_load %arg12[%get3A_153, %get3A_154] {strides = array<i32>} : memref<40x256xbf16, #tpu.memory_space<vmem>>, vector<32xbf16>,
      %get3A_156 = arith.index_cast %add3A_99 : i32 to index
      %get3A_157 = arith.constant 128 : index
      %get3A_158 = tpu.vector_load %arg13[%get3A_156, %get3A_157] {strides = array<i32>} : memref<40x256xbf16, #tpu.memory_space<vmem>>, vector<32xbf16>,
      %gather3A_159 = tpu.vector_load_idx %arg11[%gather3A_101, %add3A_19] : memref<500x128xi32, #tpu.memory_space<vmem>>[vector<16xi32>, vector<16xi32>], vector<16xi32>,
      %bitcast3A_160 = vector.bitcast %gather3A_159 : vector<16xi32> to vector<32xbf16>
      %add3A_161 = arith.addf %get3A_155, %get3A_158 : vector<32xbf16>
      %sub3A_162 = arith.subf %add3A_161, %bitcast3A_160 : vector<32xbf16>
      %mul3A_163 = arith.mulf %sub3A_162, %sub3A_162 : vector<32xbf16>
      %get3A_164 = arith.index_cast %add3A_99 : i32 to index
      %get3A_165 = arith.constant 160 : index
      %get3A_166 = tpu.vector_load %arg12[%get3A_164, %get3A_165] {strides = array<i32>} : memref<40x256xbf16, #tpu.memory_space<vmem>>, vector<32xbf16>,
      %get3A_167 = arith.index_cast %add3A_99 : i32 to index
      %get3A_168 = arith.constant 160 : index
      %get3A_169 = tpu.vector_load %arg13[%get3A_167, %get3A_168] {strides = array<i32>} : memref<40x256xbf16, #tpu.memory_space<vmem>>, vector<32xbf16>,
      %gather3A_170 = tpu.vector_load_idx %arg11[%gather3A_101, %add3A_22] : memref<500x128xi32, #tpu.memory_space<vmem>>[vector<16xi32>, vector<16xi32>], vector<16xi32>,
      %bitcast3A_171 = vector.bitcast %gather3A_170 : vector<16xi32> to vector<32xbf16>
      %add3A_172 = arith.addf %get3A_166, %get3A_169 : vector<32xbf16>
      %sub3A_173 = arith.subf %add3A_172, %bitcast3A_171 : vector<32xbf16>
      %mul3A_174 = arith.mulf %sub3A_173, %sub3A_173 : vector<32xbf16>
      %add3A_175 = arith.addf %mul3A_163, %mul3A_174 : vector<32xbf16>
      %unpack3A_176 = tpu.unpack_subelements %add3A_175, 0 {pack_format = #tpu.pack_format<interleaved>} : vector<32xbf16> -> vector<16xf32>
      %unpack3A_177 = tpu.unpack_subelements %add3A_175, 1 {pack_format = #tpu.pack_format<interleaved>} : vector<32xbf16> -> vector<16xf32>
      %add3A_178 = arith.addf %add3A_151, %unpack3A_176 : vector<16xf32>
      %add3A_179 = arith.addf %add3A_152, %unpack3A_177 : vector<16xf32>
      %get3A_180 = arith.index_cast %add3A_99 : i32 to index
      %get3A_181 = arith.constant 192 : index
      %get3A_182 = tpu.vector_load %arg12[%get3A_180, %get3A_181] {strides = array<i32>} : memref<40x256xbf16, #tpu.memory_space<vmem>>, vector<32xbf16>,
      %get3A_183 = arith.index_cast %add3A_99 : i32 to index
      %get3A_184 = arith.constant 192 : index
      %get3A_185 = tpu.vector_load %arg13[%get3A_183, %get3A_184] {strides = array<i32>} : memref<40x256xbf16, #tpu.memory_space<vmem>>, vector<32xbf16>,
      %gather3A_186 = tpu.vector_load_idx %arg11[%gather3A_101, %add3A_25] : memref<500x128xi32, #tpu.memory_space<vmem>>[vector<16xi32>, vector<16xi32>], vector<16xi32>,
      %bitcast3A_187 = vector.bitcast %gather3A_186 : vector<16xi32> to vector<32xbf16>
      %add3A_188 = arith.addf %get3A_182, %get3A_185 : vector<32xbf16>
      %sub3A_189 = arith.subf %add3A_188, %bitcast3A_187 : vector<32xbf16>
      %mul3A_190 = arith.mulf %sub3A_189, %sub3A_189 : vector<32xbf16>
      %get3A_191 = arith.index_cast %add3A_99 : i32 to index
      %get3A_192 = arith.constant 224 : index
      %get3A_193 = tpu.vector_load %arg12[%get3A_191, %get3A_192] {strides = array<i32>} : memref<40x256xbf16, #tpu.memory_space<vmem>>, vector<32xbf16>,
      %get3A_194 = arith.index_cast %add3A_99 : i32 to index
      %get3A_195 = arith.constant 224 : index
      %get3A_196 = tpu.vector_load %arg13[%get3A_194, %get3A_195] {strides = array<i32>} : memref<40x256xbf16, #tpu.memory_space<vmem>>, vector<32xbf16>,
      %gather3A_197 = tpu.vector_load_idx %arg11[%gather3A_101, %add3A_28] : memref<500x128xi32, #tpu.memory_space<vmem>>[vector<16xi32>, vector<16xi32>], vector<16xi32>,
      %bitcast3A_198 = vector.bitcast %gather3A_197 : vector<16xi32> to vector<32xbf16>
      %add3A_199 = arith.addf %get3A_193, %get3A_196 : vector<32xbf16>
      %sub3A_200 = arith.subf %add3A_199, %bitcast3A_198 : vector<32xbf16>
      %mul3A_201 = arith.mulf %sub3A_200, %sub3A_200 : vector<32xbf16>
      %add3A_202 = arith.addf %mul3A_190, %mul3A_201 : vector<32xbf16>
      %unpack3A_203 = tpu.unpack_subelements %add3A_202, 0 {pack_format = #tpu.pack_format<interleaved>} : vector<32xbf16> -> vector<16xf32>
      %unpack3A_204 = tpu.unpack_subelements %add3A_202, 1 {pack_format = #tpu.pack_format<interleaved>} : vector<32xbf16> -> vector<16xf32>
      %add3A_205 = arith.addf %add3A_178, %unpack3A_203 : vector<16xf32>
      %add3A_206 = arith.addf %add3A_179, %unpack3A_204 : vector<16xf32>
      %add3A_207 = arith.addf %add3A_205, %add3A_206 : vector<16xf32>
      %reduce_sum3A = arith.constant true
      %reduce_sum3A_208 = vector.broadcast %reduce_sum3A : i1 to vector<16xi1>
      %reduce_sum3A_209 = tpu.scan <sum>, %add3A_207 masked %reduce_sum3A_208 : vector<16xf32>, vector<16xi1> -> vector<16xf32>
      %reduce_sum3A_210 = vector.extract %reduce_sum3A_209[15] : f32 from vector<16xf32>
      %eq3A = vector.broadcast %scan3A_96 : i32 to vector<16xi32>
      %eq3A_211 = arith.cmpi eq, %iota3A, %eq3A : vector<16xi32>
      %neg3A = arith.constant 0.000000e+00 : f32
      %neg3A_212 = arith.subf %neg3A, %reduce_sum3A_210 : f32
      %broadcast_in_dim3A_213 = vector.broadcast %neg3A_212 : f32 to vector<16xf32>
      %select_n3A = arith.select %eq3A_211, %broadcast_in_dim3A_213, %scan3A_97 : vector<16xi1>, vector<16xf32>
      %scan3A_214 = arith.constant 1 : i32
      %scan3A_215 = arith.addi %scan3A_96, %scan3A_214 : i32
      %add3A_216 = arith.constant 0 : i32
      %add3A_217 = arith.addi %add3A_216, %scan3A_215 : i32
      %broadcast_in_dim3A_218 = vector.broadcast %scan3A_215 : i32 to vector<16x1xi32>
      %gather3A_219 = vector.shape_cast %broadcast_in_dim3A_218 : vector<16x1xi32> to vector<16xi32>
      %gather3A_220 = tpu.dynamic_gather %get3A_56[%gather3A_219] in [0] : vector<16xi32>, vector<16xi32> -> vector<16xi32>
      %get3A_221 = arith.index_cast %add3A_217 : i32 to index
      %get3A_222 = arith.constant 0 : index
      %get3A_223 = tpu.vector_load %arg12[%get3A_221, %get3A_222] {strides = array<i32>} : memref<40x256xbf16, #tpu.memory_space<vmem>>, vector<32xbf16>,
      %get3A_224 = arith.index_cast %add3A_217 : i32 to index
      %get3A_225 = arith.constant 0 : index
      %get3A_226 = tpu.vector_load %arg13[%get3A_224, %get3A_225] {strides = array<i32>} : memref<40x256xbf16, #tpu.memory_space<vmem>>, vector<32xbf16>,
      %gather3A_227 = tpu.vector_load_idx %arg11[%gather3A_220, %add3A_7] : memref<500x128xi32, #tpu.memory_space<vmem>>[vector<16xi32>, vector<16xi32>], vector<16xi32>,
      %bitcast3A_228 = vector.bitcast %gather3A_227 : vector<16xi32> to vector<32xbf16>
      %add3A_229 = arith.addf %get3A_223, %get3A_226 : vector<32xbf16>
      %sub3A_230 = arith.subf %add3A_229, %bitcast3A_228 : vector<32xbf16>
      %mul3A_231 = arith.mulf %sub3A_230, %sub3A_230 : vector<32xbf16>
      %get3A_232 = arith.index_cast %add3A_217 : i32 to index
      %get3A_233 = arith.constant 32 : index
      %get3A_234 = tpu.vector_load %arg12[%get3A_232, %get3A_233] {strides = array<i32>} : memref<40x256xbf16, #tpu.memory_space<vmem>>, vector<32xbf16>,
      %get3A_235 = arith.index_cast %add3A_217 : i32 to index
      %get3A_236 = arith.constant 32 : index
      %get3A_237 = tpu.vector_load %arg13[%get3A_235, %get3A_236] {strides = array<i32>} : memref<40x256xbf16, #tpu.memory_space<vmem>>, vector<32xbf16>,
      %gather3A_238 = tpu.vector_load_idx %arg11[%gather3A_220, %add3A_10] : memref<500x128xi32, #tpu.memory_space<vmem>>[vector<16xi32>, vector<16xi32>], vector<16xi32>,
      %bitcast3A_239 = vector.bitcast %gather3A_238 : vector<16xi32> to vector<32xbf16>
      %add3A_240 = arith.addf %get3A_234, %get3A_237 : vector<32xbf16>
      %sub3A_241 = arith.subf %add3A_240, %bitcast3A_239 : vector<32xbf16>
      %mul3A_242 = arith.mulf %sub3A_241, %sub3A_241 : vector<32xbf16>
      %add3A_243 = arith.addf %mul3A_231, %mul3A_242 : vector<32xbf16>
      %unpack3A_244 = tpu.unpack_subelements %add3A_243, 0 {pack_format = #tpu.pack_format<interleaved>} : vector<32xbf16> -> vector<16xf32>
      %unpack3A_245 = tpu.unpack_subelements %add3A_243, 1 {pack_format = #tpu.pack_format<interleaved>} : vector<32xbf16> -> vector<16xf32>
      %add3A_246 = arith.addf %broadcast_in_dim3A_4, %unpack3A_244 : vector<16xf32>
      %add3A_247 = arith.addf %broadcast_in_dim3A_4, %unpack3A_245 : vector<16xf32>
      %get3A_248 = arith.index_cast %add3A_217 : i32 to index
      %get3A_249 = arith.constant 64 : index
      %get3A_250 = tpu.vector_load %arg12[%get3A_248, %get3A_249] {strides = array<i32>} : memref<40x256xbf16, #tpu.memory_space<vmem>>, vector<32xbf16>,
      %get3A_251 = arith.index_cast %add3A_217 : i32 to index
      %get3A_252 = arith.constant 64 : index
      %get3A_253 = tpu.vector_load %arg13[%get3A_251, %get3A_252] {strides = array<i32>} : memref<40x256xbf16, #tpu.memory_space<vmem>>, vector<32xbf16>,
      %gather3A_254 = tpu.vector_load_idx %arg11[%gather3A_220, %add3A_13] : memref<500x128xi32, #tpu.memory_space<vmem>>[vector<16xi32>, vector<16xi32>], vector<16xi32>,
      %bitcast3A_255 = vector.bitcast %gather3A_254 : vector<16xi32> to vector<32xbf16>
      %add3A_256 = arith.addf %get3A_250, %get3A_253 : vector<32xbf16>
      %sub3A_257 = arith.subf %add3A_256, %bitcast3A_255 : vector<32xbf16>
      %mul3A_258 = arith.mulf %sub3A_257, %sub3A_257 : vector<32xbf16>
      %get3A_259 = arith.index_cast %add3A_217 : i32 to index
      %get3A_260 = arith.constant 96 : index
      %get3A_261 = tpu.vector_load %arg12[%get3A_259, %get3A_260] {strides = array<i32>} : memref<40x256xbf16, #tpu.memory_space<vmem>>, vector<32xbf16>,
      %get3A_262 = arith.index_cast %add3A_217 : i32 to index
      %get3A_263 = arith.constant 96 : index
      %get3A_264 = tpu.vector_load %arg13[%get3A_262, %get3A_263] {strides = array<i32>} : memref<40x256xbf16, #tpu.memory_space<vmem>>, vector<32xbf16>,
      %gather3A_265 = tpu.vector_load_idx %arg11[%gather3A_220, %add3A_16] : memref<500x128xi32, #tpu.memory_space<vmem>>[vector<16xi32>, vector<16xi32>], vector<16xi32>,
      %bitcast3A_266 = vector.bitcast %gather3A_265 : vector<16xi32> to vector<32xbf16>
      %add3A_267 = arith.addf %get3A_261, %get3A_264 : vector<32xbf16>
      %sub3A_268 = arith.subf %add3A_267, %bitcast3A_266 : vector<32xbf16>
      %mul3A_269 = arith.mulf %sub3A_268, %sub3A_268 : vector<32xbf16>
      %add3A_270 = arith.addf %mul3A_258, %mul3A_269 : vector<32xbf16>
      %unpack3A_271 = tpu.unpack_subelements %add3A_270, 0 {pack_format = #tpu.pack_format<interleaved>} : vector<32xbf16> -> vector<16xf32>
      %unpack3A_272 = tpu.unpack_subelements %add3A_270, 1 {pack_format = #tpu.pack_format<interleaved>} : vector<32xbf16> -> vector<16xf32>
      %add3A_273 = arith.addf %add3A_246, %unpack3A_271 : vector<16xf32>
      %add3A_274 = arith.addf %add3A_247, %unpack3A_272 : vector<16xf32>
      %get3A_275 = arith.index_cast %add3A_217 : i32 to index
      %get3A_276 = arith.constant 128 : index
      %get3A_277 = tpu.vector_load %arg12[%get3A_275, %get3A_276] {strides = array<i32>} : memref<40x256xbf16, #tpu.memory_space<vmem>>, vector<32xbf16>,
      %get3A_278 = arith.index_cast %add3A_217 : i32 to index
      %get3A_279 = arith.constant 128 : index
      %get3A_280 = tpu.vector_load %arg13[%get3A_278, %get3A_279] {strides = array<i32>} : memref<40x256xbf16, #tpu.memory_space<vmem>>, vector<32xbf16>,
      %gather3A_281 = tpu.vector_load_idx %arg11[%gather3A_220, %add3A_19] : memref<500x128xi32, #tpu.memory_space<vmem>>[vector<16xi32>, vector<16xi32>], vector<16xi32>,
      %bitcast3A_282 = vector.bitcast %gather3A_281 : vector<16xi32> to vector<32xbf16>
      %add3A_283 = arith.addf %get3A_277, %get3A_280 : vector<32xbf16>
      %sub3A_284 = arith.subf %add3A_283, %bitcast3A_282 : vector<32xbf16>
      %mul3A_285 = arith.mulf %sub3A_284, %sub3A_284 : vector<32xbf16>
      %get3A_286 = arith.index_cast %add3A_217 : i32 to index
      %get3A_287 = arith.constant 160 : index
      %get3A_288 = tpu.vector_load %arg12[%get3A_286, %get3A_287] {strides = array<i32>} : memref<40x256xbf16, #tpu.memory_space<vmem>>, vector<32xbf16>,
      %get3A_289 = arith.index_cast %add3A_217 : i32 to index
      %get3A_290 = arith.constant 160 : index
      %get3A_291 = tpu.vector_load %arg13[%get3A_289, %get3A_290] {strides = array<i32>} : memref<40x256xbf16, #tpu.memory_space<vmem>>, vector<32xbf16>,
      %gather3A_292 = tpu.vector_load_idx %arg11[%gather3A_220, %add3A_22] : memref<500x128xi32, #tpu.memory_space<vmem>>[vector<16xi32>, vector<16xi32>], vector<16xi32>,
      %bitcast3A_293 = vector.bitcast %gather3A_292 : vector<16xi32> to vector<32xbf16>
      %add3A_294 = arith.addf %get3A_288, %get3A_291 : vector<32xbf16>
      %sub3A_295 = arith.subf %add3A_294, %bitcast3A_293 : vector<32xbf16>
      %mul3A_296 = arith.mulf %sub3A_295, %sub3A_295 : vector<32xbf16>
      %add3A_297 = arith.addf %mul3A_285, %mul3A_296 : vector<32xbf16>
      %unpack3A_298 = tpu.unpack_subelements %add3A_297, 0 {pack_format = #tpu.pack_format<interleaved>} : vector<32xbf16> -> vector<16xf32>
      %unpack3A_299 = tpu.unpack_subelements %add3A_297, 1 {pack_format = #tpu.pack_format<interleaved>} : vector<32xbf16> -> vector<16xf32>
      %add3A_300 = arith.addf %add3A_273, %unpack3A_298 : vector<16xf32>
      %add3A_301 = arith.addf %add3A_274, %unpack3A_299 : vector<16xf32>
      %get3A_302 = arith.index_cast %add3A_217 : i32 to index
      %get3A_303 = arith.constant 192 : index
      %get3A_304 = tpu.vector_load %arg12[%get3A_302, %get3A_303] {strides = array<i32>} : memref<40x256xbf16, #tpu.memory_space<vmem>>, vector<32xbf16>,
      %get3A_305 = arith.index_cast %add3A_217 : i32 to index
      %get3A_306 = arith.constant 192 : index
      %get3A_307 = tpu.vector_load %arg13[%get3A_305, %get3A_306] {strides = array<i32>} : memref<40x256xbf16, #tpu.memory_space<vmem>>, vector<32xbf16>,
      %gather3A_308 = tpu.vector_load_idx %arg11[%gather3A_220, %add3A_25] : memref<500x128xi32, #tpu.memory_space<vmem>>[vector<16xi32>, vector<16xi32>], vector<16xi32>,
      %bitcast3A_309 = vector.bitcast %gather3A_308 : vector<16xi32> to vector<32xbf16>
      %add3A_310 = arith.addf %get3A_304, %get3A_307 : vector<32xbf16>
      %sub3A_311 = arith.subf %add3A_310, %bitcast3A_309 : vector<32xbf16>
      %mul3A_312 = arith.mulf %sub3A_311, %sub3A_311 : vector<32xbf16>
      %get3A_313 = arith.index_cast %add3A_217 : i32 to index
      %get3A_314 = arith.constant 224 : index
      %get3A_315 = tpu.vector_load %arg12[%get3A_313, %get3A_314] {strides = array<i32>} : memref<40x256xbf16, #tpu.memory_space<vmem>>, vector<32xbf16>,
      %get3A_316 = arith.index_cast %add3A_217 : i32 to index
      %get3A_317 = arith.constant 224 : index
      %get3A_318 = tpu.vector_load %arg13[%get3A_316, %get3A_317] {strides = array<i32>} : memref<40x256xbf16, #tpu.memory_space<vmem>>, vector<32xbf16>,
      %gather3A_319 = tpu.vector_load_idx %arg11[%gather3A_220, %add3A_28] : memref<500x128xi32, #tpu.memory_space<vmem>>[vector<16xi32>, vector<16xi32>], vector<16xi32>,
      %bitcast3A_320 = vector.bitcast %gather3A_319 : vector<16xi32> to vector<32xbf16>
      %add3A_321 = arith.addf %get3A_315, %get3A_318 : vector<32xbf16>
      %sub3A_322 = arith.subf %add3A_321, %bitcast3A_320 : vector<32xbf16>
      %mul3A_323 = arith.mulf %sub3A_322, %sub3A_322 : vector<32xbf16>
      %add3A_324 = arith.addf %mul3A_312, %mul3A_323 : vector<32xbf16>
      %unpack3A_325 = tpu.unpack_subelements %add3A_324, 0 {pack_format = #tpu.pack_format<interleaved>} : vector<32xbf16> -> vector<16xf32>
      %unpack3A_326 = tpu.unpack_subelements %add3A_324, 1 {pack_format = #tpu.pack_format<interleaved>} : vector<32xbf16> -> vector<16xf32>
      %add3A_327 = arith.addf %add3A_300, %unpack3A_325 : vector<16xf32>
      %add3A_328 = arith.addf %add3A_301, %unpack3A_326 : vector<16xf32>
      %add3A_329 = arith.addf %add3A_327, %add3A_328 : vector<16xf32>
      %reduce_sum3A_330 = arith.constant true
      %reduce_sum3A_331 = vector.broadcast %reduce_sum3A_330 : i1 to vector<16xi1>
      %reduce_sum3A_332 = tpu.scan <sum>, %add3A_329 masked %reduce_sum3A_331 : vector<16xf32>, vector<16xi1> -> vector<16xf32>
      %reduce_sum3A_333 = vector.extract %reduce_sum3A_332[15] : f32 from vector<16xf32>
      %eq3A_334 = vector.broadcast %scan3A_215 : i32 to vector<16xi32>
      %eq3A_335 = arith.cmpi eq, %iota3A, %eq3A_334 : vector<16xi32>
      %neg3A_336 = arith.constant 0.000000e+00 : f32
      %neg3A_337 = arith.subf %neg3A_336, %reduce_sum3A_333 : f32
      %broadcast_in_dim3A_338 = vector.broadcast %neg3A_337 : f32 to vector<16xf32>
      %select_n3A_339 = arith.select %eq3A_335, %broadcast_in_dim3A_338, %select_n3A : vector<16xi1>, vector<16xf32>
      scf.yield %select_n3A_339 : vector<16xf32>
    }
    %scan3A_62 = arith.constant 16 : i32
    %add3A_63 = arith.constant 0 : i32
    %add3A_64 = arith.addi %multiple_of3A_53, %add3A_63 : i32
    %swap3A = arith.index_cast %add3A_64 : i32 to index
    %swap3A_65 = tpu.vector_load %arg10[%swap3A] {strides = array<i32>} : memref<5000xf32, #tpu.memory_space<vmem>>, vector<16xf32>,
    tpu.vector_store %arg10[%swap3A], %scan3A_61 {strides = array<i32>} : memref<5000xf32, #tpu.memory_space<vmem>>, vector<16xf32>,
    %add3A_66 = arith.constant 16 : i32
    %add3A_67 = arith.addi %multiple_of3A_53, %add3A_66 : i32
    %get3A_68 = arith.index_cast %add3A_67 : i32 to index
    %get3A_69 = tpu.vector_load %arg9[%get3A_68] {strides = array<i32>} : memref<5016xi32, #tpu.memory_space<vmem>>, vector<16xi32>,
    %scan3A_70 = arith.constant 0 : i32
    %scan3A_71 = arith.constant 16 : i32
    %scan3A_72 = arith.addi %scan3A_70, %scan3A_71 : i32
    %scan3A_73 = arith.constant 2 : i32
    %scan3A_74 = scf.for %scan3A_96 = %scan3A_70 to %scan3A_72 step %scan3A_73 iter_args(%scan3A_97 = %broadcast_in_dim3A_4) -> (vector<16xf32>)  : i32 {
      %add3A_98 = arith.constant 16 : i32
      %add3A_99 = arith.addi %add3A_98, %scan3A_96 : i32
      %broadcast_in_dim3A_100 = vector.broadcast %scan3A_96 : i32 to vector<16x1xi32>
      %gather3A = vector.shape_cast %broadcast_in_dim3A_100 : vector<16x1xi32> to vector<16xi32>
      %gather3A_101 = tpu.dynamic_gather %get3A_69[%gather3A] in [0] : vector<16xi32>, vector<16xi32> -> vector<16xi32>
      %get3A_102 = arith.index_cast %add3A_99 : i32 to index
      %get3A_103 = arith.constant 0 : index
      %get3A_104 = tpu.vector_load %arg12[%get3A_102, %get3A_103] {strides = array<i32>} : memref<40x256xbf16, #tpu.memory_space<vmem>>, vector<32xbf16>,
      %get3A_105 = arith.index_cast %add3A_99 : i32 to index
      %get3A_106 = arith.constant 0 : index
      %get3A_107 = tpu.vector_load %arg13[%get3A_105, %get3A_106] {strides = array<i32>} : memref<40x256xbf16, #tpu.memory_space<vmem>>, vector<32xbf16>,
      %gather3A_108 = tpu.vector_load_idx %arg11[%gather3A_101, %add3A_7] : memref<500x128xi32, #tpu.memory_space<vmem>>[vector<16xi32>, vector<16xi32>], vector<16xi32>,
      %bitcast3A = vector.bitcast %gather3A_108 : vector<16xi32> to vector<32xbf16>
      %add3A_109 = arith.addf %get3A_104, %get3A_107 : vector<32xbf16>
      %sub3A = arith.subf %add3A_109, %bitcast3A : vector<32xbf16>
      %mul3A_110 = arith.mulf %sub3A, %sub3A : vector<32xbf16>
      %get3A_111 = arith.index_cast %add3A_99 : i32 to index
      %get3A_112 = arith.constant 32 : index
      %get3A_113 = tpu.vector_load %arg12[%get3A_111, %get3A_112] {strides = array<i32>} : memref<40x256xbf16, #tpu.memory_space<vmem>>, vector<32xbf16>,
      %get3A_114 = arith.index_cast %add3A_99 : i32 to index
      %get3A_115 = arith.constant 32 : index
      %get3A_116 = tpu.vector_load %arg13[%get3A_114, %get3A_115] {strides = array<i32>} : memref<40x256xbf16, #tpu.memory_space<vmem>>, vector<32xbf16>,
      %gather3A_117 = tpu.vector_load_idx %arg11[%gather3A_101, %add3A_10] : memref<500x128xi32, #tpu.memory_space<vmem>>[vector<16xi32>, vector<16xi32>], vector<16xi32>,
      %bitcast3A_118 = vector.bitcast %gather3A_117 : vector<16xi32> to vector<32xbf16>
      %add3A_119 = arith.addf %get3A_113, %get3A_116 : vector<32xbf16>
      %sub3A_120 = arith.subf %add3A_119, %bitcast3A_118 : vector<32xbf16>
      %mul3A_121 = arith.mulf %sub3A_120, %sub3A_120 : vector<32xbf16>
      %add3A_122 = arith.addf %mul3A_110, %mul3A_121 : vector<32xbf16>
      %unpack3A = tpu.unpack_subelements %add3A_122, 0 {pack_format = #tpu.pack_format<interleaved>} : vector<32xbf16> -> vector<16xf32>
      %unpack3A_123 = tpu.unpack_subelements %add3A_122, 1 {pack_format = #tpu.pack_format<interleaved>} : vector<32xbf16> -> vector<16xf32>
      %add3A_124 = arith.addf %broadcast_in_dim3A_4, %unpack3A : vector<16xf32>
      %add3A_125 = arith.addf %broadcast_in_dim3A_4, %unpack3A_123 : vector<16xf32>
      %get3A_126 = arith.index_cast %add3A_99 : i32 to index
      %get3A_127 = arith.constant 64 : index
      %get3A_128 = tpu.vector_load %arg12[%get3A_126, %get3A_127] {strides = array<i32>} : memref<40x256xbf16, #tpu.memory_space<vmem>>, vector<32xbf16>,
      %get3A_129 = arith.index_cast %add3A_99 : i32 to index
      %get3A_130 = arith.constant 64 : index
      %get3A_131 = tpu.vector_load %arg13[%get3A_129, %get3A_130] {strides = array<i32>} : memref<40x256xbf16, #tpu.memory_space<vmem>>, vector<32xbf16>,
      %gather3A_132 = tpu.vector_load_idx %arg11[%gather3A_101, %add3A_13] : memref<500x128xi32, #tpu.memory_space<vmem>>[vector<16xi32>, vector<16xi32>], vector<16xi32>,
      %bitcast3A_133 = vector.bitcast %gather3A_132 : vector<16xi32> to vector<32xbf16>
      %add3A_134 = arith.addf %get3A_128, %get3A_131 : vector<32xbf16>
      %sub3A_135 = arith.subf %add3A_134, %bitcast3A_133 : vector<32xbf16>
      %mul3A_136 = arith.mulf %sub3A_135, %sub3A_135 : vector<32xbf16>
      %get3A_137 = arith.index_cast %add3A_99 : i32 to index
      %get3A_138 = arith.constant 96 : index
      %get3A_139 = tpu.vector_load %arg12[%get3A_137, %get3A_138] {strides = array<i32>} : memref<40x256xbf16, #tpu.memory_space<vmem>>, vector<32xbf16>,
      %get3A_140 = arith.index_cast %add3A_99 : i32 to index
      %get3A_141 = arith.constant 96 : index
      %get3A_142 = tpu.vector_load %arg13[%get3A_140, %get3A_141] {strides = array<i32>} : memref<40x256xbf16, #tpu.memory_space<vmem>>, vector<32xbf16>,
      %gather3A_143 = tpu.vector_load_idx %arg11[%gather3A_101, %add3A_16] : memref<500x128xi32, #tpu.memory_space<vmem>>[vector<16xi32>, vector<16xi32>], vector<16xi32>,
      %bitcast3A_144 = vector.bitcast %gather3A_143 : vector<16xi32> to vector<32xbf16>
      %add3A_145 = arith.addf %get3A_139, %get3A_142 : vector<32xbf16>
      %sub3A_146 = arith.subf %add3A_145, %bitcast3A_144 : vector<32xbf16>
      %mul3A_147 = arith.mulf %sub3A_146, %sub3A_146 : vector<32xbf16>
      %add3A_148 = arith.addf %mul3A_136, %mul3A_147 : vector<32xbf16>
      %unpack3A_149 = tpu.unpack_subelements %add3A_148, 0 {pack_format = #tpu.pack_format<interleaved>} : vector<32xbf16> -> vector<16xf32>
      %unpack3A_150 = tpu.unpack_subelements %add3A_148, 1 {pack_format = #tpu.pack_format<interleaved>} : vector<32xbf16> -> vector<16xf32>
      %add3A_151 = arith.addf %add3A_124, %unpack3A_149 : vector<16xf32>
      %add3A_152 = arith.addf %add3A_125, %unpack3A_150 : vector<16xf32>
      %get3A_153 = arith.index_cast %add3A_99 : i32 to index
      %get3A_154 = arith.constant 128 : index
      %get3A_155 = tpu.vector_load %arg12[%get3A_153, %get3A_154] {strides = array<i32>} : memref<40x256xbf16, #tpu.memory_space<vmem>>, vector<32xbf16>,
      %get3A_156 = arith.index_cast %add3A_99 : i32 to index
      %get3A_157 = arith.constant 128 : index
      %get3A_158 = tpu.vector_load %arg13[%get3A_156, %get3A_157] {strides = array<i32>} : memref<40x256xbf16, #tpu.memory_space<vmem>>, vector<32xbf16>,
      %gather3A_159 = tpu.vector_load_idx %arg11[%gather3A_101, %add3A_19] : memref<500x128xi32, #tpu.memory_space<vmem>>[vector<16xi32>, vector<16xi32>], vector<16xi32>,
      %bitcast3A_160 = vector.bitcast %gather3A_159 : vector<16xi32> to vector<32xbf16>
      %add3A_161 = arith.addf %get3A_155, %get3A_158 : vector<32xbf16>
      %sub3A_162 = arith.subf %add3A_161, %bitcast3A_160 : vector<32xbf16>
      %mul3A_163 = arith.mulf %sub3A_162, %sub3A_162 : vector<32xbf16>
      %get3A_164 = arith.index_cast %add3A_99 : i32 to index
      %get3A_165 = arith.constant 160 : index
      %get3A_166 = tpu.vector_load %arg12[%get3A_164, %get3A_165] {strides = array<i32>} : memref<40x256xbf16, #tpu.memory_space<vmem>>, vector<32xbf16>,
      %get3A_167 = arith.index_cast %add3A_99 : i32 to index
      %get3A_168 = arith.constant 160 : index
      %get3A_169 = tpu.vector_load %arg13[%get3A_167, %get3A_168] {strides = array<i32>} : memref<40x256xbf16, #tpu.memory_space<vmem>>, vector<32xbf16>,
      %gather3A_170 = tpu.vector_load_idx %arg11[%gather3A_101, %add3A_22] : memref<500x128xi32, #tpu.memory_space<vmem>>[vector<16xi32>, vector<16xi32>], vector<16xi32>,
      %bitcast3A_171 = vector.bitcast %gather3A_170 : vector<16xi32> to vector<32xbf16>
      %add3A_172 = arith.addf %get3A_166, %get3A_169 : vector<32xbf16>
      %sub3A_173 = arith.subf %add3A_172, %bitcast3A_171 : vector<32xbf16>
      %mul3A_174 = arith.mulf %sub3A_173, %sub3A_173 : vector<32xbf16>
      %add3A_175 = arith.addf %mul3A_163, %mul3A_174 : vector<32xbf16>
      %unpack3A_176 = tpu.unpack_subelements %add3A_175, 0 {pack_format = #tpu.pack_format<interleaved>} : vector<32xbf16> -> vector<16xf32>
      %unpack3A_177 = tpu.unpack_subelements %add3A_175, 1 {pack_format = #tpu.pack_format<interleaved>} : vector<32xbf16> -> vector<16xf32>
      %add3A_178 = arith.addf %add3A_151, %unpack3A_176 : vector<16xf32>
      %add3A_179 = arith.addf %add3A_152, %unpack3A_177 : vector<16xf32>
      %get3A_180 = arith.index_cast %add3A_99 : i32 to index
      %get3A_181 = arith.constant 192 : index
      %get3A_182 = tpu.vector_load %arg12[%get3A_180, %get3A_181] {strides = array<i32>} : memref<40x256xbf16, #tpu.memory_space<vmem>>, vector<32xbf16>,
      %get3A_183 = arith.index_cast %add3A_99 : i32 to index
      %get3A_184 = arith.constant 192 : index
      %get3A_185 = tpu.vector_load %arg13[%get3A_183, %get3A_184] {strides = array<i32>} : memref<40x256xbf16, #tpu.memory_space<vmem>>, vector<32xbf16>,
      %gather3A_186 = tpu.vector_load_idx %arg11[%gather3A_101, %add3A_25] : memref<500x128xi32, #tpu.memory_space<vmem>>[vector<16xi32>, vector<16xi32>], vector<16xi32>,
      %bitcast3A_187 = vector.bitcast %gather3A_186 : vector<16xi32> to vector<32xbf16>
      %add3A_188 = arith.addf %get3A_182, %get3A_185 : vector<32xbf16>
      %sub3A_189 = arith.subf %add3A_188, %bitcast3A_187 : vector<32xbf16>
      %mul3A_190 = arith.mulf %sub3A_189, %sub3A_189 : vector<32xbf16>
      %get3A_191 = arith.index_cast %add3A_99 : i32 to index
      %get3A_192 = arith.constant 224 : index
      %get3A_193 = tpu.vector_load %arg12[%get3A_191, %get3A_192] {strides = array<i32>} : memref<40x256xbf16, #tpu.memory_space<vmem>>, vector<32xbf16>,
      %get3A_194 = arith.index_cast %add3A_99 : i32 to index
      %get3A_195 = arith.constant 224 : index
      %get3A_196 = tpu.vector_load %arg13[%get3A_194, %get3A_195] {strides = array<i32>} : memref<40x256xbf16, #tpu.memory_space<vmem>>, vector<32xbf16>,
      %gather3A_197 = tpu.vector_load_idx %arg11[%gather3A_101, %add3A_28] : memref<500x128xi32, #tpu.memory_space<vmem>>[vector<16xi32>, vector<16xi32>], vector<16xi32>,
      %bitcast3A_198 = vector.bitcast %gather3A_197 : vector<16xi32> to vector<32xbf16>
      %add3A_199 = arith.addf %get3A_193, %get3A_196 : vector<32xbf16>
      %sub3A_200 = arith.subf %add3A_199, %bitcast3A_198 : vector<32xbf16>
      %mul3A_201 = arith.mulf %sub3A_200, %sub3A_200 : vector<32xbf16>
      %add3A_202 = arith.addf %mul3A_190, %mul3A_201 : vector<32xbf16>
      %unpack3A_203 = tpu.unpack_subelements %add3A_202, 0 {pack_format = #tpu.pack_format<interleaved>} : vector<32xbf16> -> vector<16xf32>
      %unpack3A_204 = tpu.unpack_subelements %add3A_202, 1 {pack_format = #tpu.pack_format<interleaved>} : vector<32xbf16> -> vector<16xf32>
      %add3A_205 = arith.addf %add3A_178, %unpack3A_203 : vector<16xf32>
      %add3A_206 = arith.addf %add3A_179, %unpack3A_204 : vector<16xf32>
      %add3A_207 = arith.addf %add3A_205, %add3A_206 : vector<16xf32>
      %reduce_sum3A = arith.constant true
      %reduce_sum3A_208 = vector.broadcast %reduce_sum3A : i1 to vector<16xi1>
      %reduce_sum3A_209 = tpu.scan <sum>, %add3A_207 masked %reduce_sum3A_208 : vector<16xf32>, vector<16xi1> -> vector<16xf32>
      %reduce_sum3A_210 = vector.extract %reduce_sum3A_209[15] : f32 from vector<16xf32>
      %eq3A = vector.broadcast %scan3A_96 : i32 to vector<16xi32>
      %eq3A_211 = arith.cmpi eq, %iota3A, %eq3A : vector<16xi32>
      %neg3A = arith.constant 0.000000e+00 : f32
      %neg3A_212 = arith.subf %neg3A, %reduce_sum3A_210 : f32
      %broadcast_in_dim3A_213 = vector.broadcast %neg3A_212 : f32 to vector<16xf32>
      %select_n3A = arith.select %eq3A_211, %broadcast_in_dim3A_213, %scan3A_97 : vector<16xi1>, vector<16xf32>
      %scan3A_214 = arith.constant 1 : i32
      %scan3A_215 = arith.addi %scan3A_96, %scan3A_214 : i32
      %add3A_216 = arith.constant 16 : i32
      %add3A_217 = arith.addi %add3A_216, %scan3A_215 : i32
      %broadcast_in_dim3A_218 = vector.broadcast %scan3A_215 : i32 to vector<16x1xi32>
      %gather3A_219 = vector.shape_cast %broadcast_in_dim3A_218 : vector<16x1xi32> to vector<16xi32>
      %gather3A_220 = tpu.dynamic_gather %get3A_69[%gather3A_219] in [0] : vector<16xi32>, vector<16xi32> -> vector<16xi32>
      %get3A_221 = arith.index_cast %add3A_217 : i32 to index
      %get3A_222 = arith.constant 0 : index
      %get3A_223 = tpu.vector_load %arg12[%get3A_221, %get3A_222] {strides = array<i32>} : memref<40x256xbf16, #tpu.memory_space<vmem>>, vector<32xbf16>,
      %get3A_224 = arith.index_cast %add3A_217 : i32 to index
      %get3A_225 = arith.constant 0 : index
      %get3A_226 = tpu.vector_load %arg13[%get3A_224, %get3A_225] {strides = array<i32>} : memref<40x256xbf16, #tpu.memory_space<vmem>>, vector<32xbf16>,
      %gather3A_227 = tpu.vector_load_idx %arg11[%gather3A_220, %add3A_7] : memref<500x128xi32, #tpu.memory_space<vmem>>[vector<16xi32>, vector<16xi32>], vector<16xi32>,
      %bitcast3A_228 = vector.bitcast %gather3A_227 : vector<16xi32> to vector<32xbf16>
      %add3A_229 = arith.addf %get3A_223, %get3A_226 : vector<32xbf16>
      %sub3A_230 = arith.subf %add3A_229, %bitcast3A_228 : vector<32xbf16>
      %mul3A_231 = arith.mulf %sub3A_230, %sub3A_230 : vector<32xbf16>
      %get3A_232 = arith.index_cast %add3A_217 : i32 to index
      %get3A_233 = arith.constant 32 : index
      %get3A_234 = tpu.vector_load %arg12[%get3A_232, %get3A_233] {strides = array<i32>} : memref<40x256xbf16, #tpu.memory_space<vmem>>, vector<32xbf16>,
      %get3A_235 = arith.index_cast %add3A_217 : i32 to index
      %get3A_236 = arith.constant 32 : index
      %get3A_237 = tpu.vector_load %arg13[%get3A_235, %get3A_236] {strides = array<i32>} : memref<40x256xbf16, #tpu.memory_space<vmem>>, vector<32xbf16>,
      %gather3A_238 = tpu.vector_load_idx %arg11[%gather3A_220, %add3A_10] : memref<500x128xi32, #tpu.memory_space<vmem>>[vector<16xi32>, vector<16xi32>], vector<16xi32>,
      %bitcast3A_239 = vector.bitcast %gather3A_238 : vector<16xi32> to vector<32xbf16>
      %add3A_240 = arith.addf %get3A_234, %get3A_237 : vector<32xbf16>
      %sub3A_241 = arith.subf %add3A_240, %bitcast3A_239 : vector<32xbf16>
      %mul3A_242 = arith.mulf %sub3A_241, %sub3A_241 : vector<32xbf16>
      %add3A_243 = arith.addf %mul3A_231, %mul3A_242 : vector<32xbf16>
      %unpack3A_244 = tpu.unpack_subelements %add3A_243, 0 {pack_format = #tpu.pack_format<interleaved>} : vector<32xbf16> -> vector<16xf32>
      %unpack3A_245 = tpu.unpack_subelements %add3A_243, 1 {pack_format = #tpu.pack_format<interleaved>} : vector<32xbf16> -> vector<16xf32>
      %add3A_246 = arith.addf %broadcast_in_dim3A_4, %unpack3A_244 : vector<16xf32>
      %add3A_247 = arith.addf %broadcast_in_dim3A_4, %unpack3A_245 : vector<16xf32>
      %get3A_248 = arith.index_cast %add3A_217 : i32 to index
      %get3A_249 = arith.constant 64 : index
      %get3A_250 = tpu.vector_load %arg12[%get3A_248, %get3A_249] {strides = array<i32>} : memref<40x256xbf16, #tpu.memory_space<vmem>>, vector<32xbf16>,
      %get3A_251 = arith.index_cast %add3A_217 : i32 to index
      %get3A_252 = arith.constant 64 : index
      %get3A_253 = tpu.vector_load %arg13[%get3A_251, %get3A_252] {strides = array<i32>} : memref<40x256xbf16, #tpu.memory_space<vmem>>, vector<32xbf16>,
      %gather3A_254 = tpu.vector_load_idx %arg11[%gather3A_220, %add3A_13] : memref<500x128xi32, #tpu.memory_space<vmem>>[vector<16xi32>, vector<16xi32>], vector<16xi32>,
      %bitcast3A_255 = vector.bitcast %gather3A_254 : vector<16xi32> to vector<32xbf16>
      %add3A_256 = arith.addf %get3A_250, %get3A_253 : vector<32xbf16>
      %sub3A_257 = arith.subf %add3A_256, %bitcast3A_255 : vector<32xbf16>
      %mul3A_258 = arith.mulf %sub3A_257, %sub3A_257 : vector<32xbf16>
      %get3A_259 = arith.index_cast %add3A_217 : i32 to index
      %get3A_260 = arith.constant 96 : index
      %get3A_261 = tpu.vector_load %arg12[%get3A_259, %get3A_260] {strides = array<i32>} : memref<40x256xbf16, #tpu.memory_space<vmem>>, vector<32xbf16>,
      %get3A_262 = arith.index_cast %add3A_217 : i32 to index
      %get3A_263 = arith.constant 96 : index
      %get3A_264 = tpu.vector_load %arg13[%get3A_262, %get3A_263] {strides = array<i32>} : memref<40x256xbf16, #tpu.memory_space<vmem>>, vector<32xbf16>,
      %gather3A_265 = tpu.vector_load_idx %arg11[%gather3A_220, %add3A_16] : memref<500x128xi32, #tpu.memory_space<vmem>>[vector<16xi32>, vector<16xi32>], vector<16xi32>,
      %bitcast3A_266 = vector.bitcast %gather3A_265 : vector<16xi32> to vector<32xbf16>
      %add3A_267 = arith.addf %get3A_261, %get3A_264 : vector<32xbf16>
      %sub3A_268 = arith.subf %add3A_267, %bitcast3A_266 : vector<32xbf16>
      %mul3A_269 = arith.mulf %sub3A_268, %sub3A_268 : vector<32xbf16>
      %add3A_270 = arith.addf %mul3A_258, %mul3A_269 : vector<32xbf16>
      %unpack3A_271 = tpu.unpack_subelements %add3A_270, 0 {pack_format = #tpu.pack_format<interleaved>} : vector<32xbf16> -> vector<16xf32>
      %unpack3A_272 = tpu.unpack_subelements %add3A_270, 1 {pack_format = #tpu.pack_format<interleaved>} : vector<32xbf16> -> vector<16xf32>
      %add3A_273 = arith.addf %add3A_246, %unpack3A_271 : vector<16xf32>
      %add3A_274 = arith.addf %add3A_247, %unpack3A_272 : vector<16xf32>
      %get3A_275 = arith.index_cast %add3A_217 : i32 to index
      %get3A_276 = arith.constant 128 : index
      %get3A_277 = tpu.vector_load %arg12[%get3A_275, %get3A_276] {strides = array<i32>} : memref<40x256xbf16, #tpu.memory_space<vmem>>, vector<32xbf16>,
      %get3A_278 = arith.index_cast %add3A_217 : i32 to index
      %get3A_279 = arith.constant 128 : index
      %get3A_280 = tpu.vector_load %arg13[%get3A_278, %get3A_279] {strides = array<i32>} : memref<40x256xbf16, #tpu.memory_space<vmem>>, vector<32xbf16>,
      %gather3A_281 = tpu.vector_load_idx %arg11[%gather3A_220, %add3A_19] : memref<500x128xi32, #tpu.memory_space<vmem>>[vector<16xi32>, vector<16xi32>], vector<16xi32>,
      %bitcast3A_282 = vector.bitcast %gather3A_281 : vector<16xi32> to vector<32xbf16>
      %add3A_283 = arith.addf %get3A_277, %get3A_280 : vector<32xbf16>
      %sub3A_284 = arith.subf %add3A_283, %bitcast3A_282 : vector<32xbf16>
      %mul3A_285 = arith.mulf %sub3A_284, %sub3A_284 : vector<32xbf16>
      %get3A_286 = arith.index_cast %add3A_217 : i32 to index
      %get3A_287 = arith.constant 160 : index
      %get3A_288 = tpu.vector_load %arg12[%get3A_286, %get3A_287] {strides = array<i32>} : memref<40x256xbf16, #tpu.memory_space<vmem>>, vector<32xbf16>,
      %get3A_289 = arith.index_cast %add3A_217 : i32 to index
      %get3A_290 = arith.constant 160 : index
      %get3A_291 = tpu.vector_load %arg13[%get3A_289, %get3A_290] {strides = array<i32>} : memref<40x256xbf16, #tpu.memory_space<vmem>>, vector<32xbf16>,
      %gather3A_292 = tpu.vector_load_idx %arg11[%gather3A_220, %add3A_22] : memref<500x128xi32, #tpu.memory_space<vmem>>[vector<16xi32>, vector<16xi32>], vector<16xi32>,
      %bitcast3A_293 = vector.bitcast %gather3A_292 : vector<16xi32> to vector<32xbf16>
      %add3A_294 = arith.addf %get3A_288, %get3A_291 : vector<32xbf16>
      %sub3A_295 = arith.subf %add3A_294, %bitcast3A_293 : vector<32xbf16>
      %mul3A_296 = arith.mulf %sub3A_295, %sub3A_295 : vector<32xbf16>
      %add3A_297 = arith.addf %mul3A_285, %mul3A_296 : vector<32xbf16>
      %unpack3A_298 = tpu.unpack_subelements %add3A_297, 0 {pack_format = #tpu.pack_format<interleaved>} : vector<32xbf16> -> vector<16xf32>
      %unpack3A_299 = tpu.unpack_subelements %add3A_297, 1 {pack_format = #tpu.pack_format<interleaved>} : vector<32xbf16> -> vector<16xf32>
      %add3A_300 = arith.addf %add3A_273, %unpack3A_298 : vector<16xf32>
      %add3A_301 = arith.addf %add3A_274, %unpack3A_299 : vector<16xf32>
      %get3A_302 = arith.index_cast %add3A_217 : i32 to index
      %get3A_303 = arith.constant 192 : index
      %get3A_304 = tpu.vector_load %arg12[%get3A_302, %get3A_303] {strides = array<i32>} : memref<40x256xbf16, #tpu.memory_space<vmem>>, vector<32xbf16>,
      %get3A_305 = arith.index_cast %add3A_217 : i32 to index
      %get3A_306 = arith.constant 192 : index
      %get3A_307 = tpu.vector_load %arg13[%get3A_305, %get3A_306] {strides = array<i32>} : memref<40x256xbf16, #tpu.memory_space<vmem>>, vector<32xbf16>,
      %gather3A_308 = tpu.vector_load_idx %arg11[%gather3A_220, %add3A_25] : memref<500x128xi32, #tpu.memory_space<vmem>>[vector<16xi32>, vector<16xi32>], vector<16xi32>,
      %bitcast3A_309 = vector.bitcast %gather3A_308 : vector<16xi32> to vector<32xbf16>
      %add3A_310 = arith.addf %get3A_304, %get3A_307 : vector<32xbf16>
      %sub3A_311 = arith.subf %add3A_310, %bitcast3A_309 : vector<32xbf16>
      %mul3A_312 = arith.mulf %sub3A_311, %sub3A_311 : vector<32xbf16>
      %get3A_313 = arith.index_cast %add3A_217 : i32 to index
      %get3A_314 = arith.constant 224 : index
      %get3A_315 = tpu.vector_load %arg12[%get3A_313, %get3A_314] {strides = array<i32>} : memref<40x256xbf16, #tpu.memory_space<vmem>>, vector<32xbf16>,
      %get3A_316 = arith.index_cast %add3A_217 : i32 to index
      %get3A_317 = arith.constant 224 : index
      %get3A_318 = tpu.vector_load %arg13[%get3A_316, %get3A_317] {strides = array<i32>} : memref<40x256xbf16, #tpu.memory_space<vmem>>, vector<32xbf16>,
      %gather3A_319 = tpu.vector_load_idx %arg11[%gather3A_220, %add3A_28] : memref<500x128xi32, #tpu.memory_space<vmem>>[vector<16xi32>, vector<16xi32>], vector<16xi32>,
      %bitcast3A_320 = vector.bitcast %gather3A_319 : vector<16xi32> to vector<32xbf16>
      %add3A_321 = arith.addf %get3A_315, %get3A_318 : vector<32xbf16>
      %sub3A_322 = arith.subf %add3A_321, %bitcast3A_320 : vector<32xbf16>
      %mul3A_323 = arith.mulf %sub3A_322, %sub3A_322 : vector<32xbf16>
      %add3A_324 = arith.addf %mul3A_312, %mul3A_323 : vector<32xbf16>
      %unpack3A_325 = tpu.unpack_subelements %add3A_324, 0 {pack_format = #tpu.pack_format<interleaved>} : vector<32xbf16> -> vector<16xf32>
      %unpack3A_326 = tpu.unpack_subelements %add3A_324, 1 {pack_format = #tpu.pack_format<interleaved>} : vector<32xbf16> -> vector<16xf32>
      %add3A_327 = arith.addf %add3A_300, %unpack3A_325 : vector<16xf32>
      %add3A_328 = arith.addf %add3A_301, %unpack3A_326 : vector<16xf32>
      %add3A_329 = arith.addf %add3A_327, %add3A_328 : vector<16xf32>
      %reduce_sum3A_330 = arith.constant true
      %reduce_sum3A_331 = vector.broadcast %reduce_sum3A_330 : i1 to vector<16xi1>
      %reduce_sum3A_332 = tpu.scan <sum>, %add3A_329 masked %reduce_sum3A_331 : vector<16xf32>, vector<16xi1> -> vector<16xf32>
      %reduce_sum3A_333 = vector.extract %reduce_sum3A_332[15] : f32 from vector<16xf32>
      %eq3A_334 = vector.broadcast %scan3A_215 : i32 to vector<16xi32>
      %eq3A_335 = arith.cmpi eq, %iota3A, %eq3A_334 : vector<16xi32>
      %neg3A_336 = arith.constant 0.000000e+00 : f32
      %neg3A_337 = arith.subf %neg3A_336, %reduce_sum3A_333 : f32
      %broadcast_in_dim3A_338 = vector.broadcast %neg3A_337 : f32 to vector<16xf32>
      %select_n3A_339 = arith.select %eq3A_335, %broadcast_in_dim3A_338, %select_n3A : vector<16xi1>, vector<16xf32>
      scf.yield %select_n3A_339 : vector<16xf32>
    }
    %scan3A_75 = arith.constant 16 : i32
    %add3A_76 = arith.constant 16 : i32
    %add3A_77 = arith.addi %multiple_of3A_53, %add3A_76 : i32
    %swap3A_78 = arith.index_cast %add3A_77 : i32 to index
    %swap3A_79 = tpu.vector_load %arg10[%swap3A_78] {strides = array<i32>} : memref<5000xf32, #tpu.memory_space<vmem>>, vector<16xf32>,
    tpu.vector_store %arg10[%swap3A_78], %scan3A_74 {strides = array<i32>} : memref<5000xf32, #tpu.memory_space<vmem>>, vector<16xf32>,
    %add3A_80 = arith.constant 32 : i32
    %add3A_81 = arith.addi %multiple_of3A_53, %add3A_80 : i32
    %get3A_82 = arith.index_cast %add3A_81 : i32 to index
    %get3A_83 = tpu.vector_load %arg9[%get3A_82] {strides = array<i32>} : memref<5016xi32, #tpu.memory_space<vmem>>, vector<16xi32>,
    %scan3A_84 = arith.constant 0 : i32
    %scan3A_85 = arith.constant 8 : i32
    %scan3A_86 = arith.addi %scan3A_84, %scan3A_85 : i32
    %scan3A_87 = arith.constant 2 : i32
    %scan3A_88 = scf.for %scan3A_96 = %scan3A_84 to %scan3A_86 step %scan3A_87 iter_args(%scan3A_97 = %broadcast_in_dim3A_4) -> (vector<16xf32>)  : i32 {
      %add3A_98 = arith.constant 32 : i32
      %add3A_99 = arith.addi %add3A_98, %scan3A_96 : i32
      %broadcast_in_dim3A_100 = vector.broadcast %scan3A_96 : i32 to vector<16x1xi32>
      %gather3A = vector.shape_cast %broadcast_in_dim3A_100 : vector<16x1xi32> to vector<16xi32>
      %gather3A_101 = tpu.dynamic_gather %get3A_83[%gather3A] in [0] : vector<16xi32>, vector<16xi32> -> vector<16xi32>
      %get3A_102 = arith.index_cast %add3A_99 : i32 to index
      %get3A_103 = arith.constant 0 : index
      %get3A_104 = tpu.vector_load %arg12[%get3A_102, %get3A_103] {strides = array<i32>} : memref<40x256xbf16, #tpu.memory_space<vmem>>, vector<32xbf16>,
      %get3A_105 = arith.index_cast %add3A_99 : i32 to index
      %get3A_106 = arith.constant 0 : index
      %get3A_107 = tpu.vector_load %arg13[%get3A_105, %get3A_106] {strides = array<i32>} : memref<40x256xbf16, #tpu.memory_space<vmem>>, vector<32xbf16>,
      %gather3A_108 = tpu.vector_load_idx %arg11[%gather3A_101, %add3A_7] : memref<500x128xi32, #tpu.memory_space<vmem>>[vector<16xi32>, vector<16xi32>], vector<16xi32>,
      %bitcast3A = vector.bitcast %gather3A_108 : vector<16xi32> to vector<32xbf16>
      %add3A_109 = arith.addf %get3A_104, %get3A_107 : vector<32xbf16>
      %sub3A = arith.subf %add3A_109, %bitcast3A : vector<32xbf16>
      %mul3A_110 = arith.mulf %sub3A, %sub3A : vector<32xbf16>
      %get3A_111 = arith.index_cast %add3A_99 : i32 to index
      %get3A_112 = arith.constant 32 : index
      %get3A_113 = tpu.vector_load %arg12[%get3A_111, %get3A_112] {strides = array<i32>} : memref<40x256xbf16, #tpu.memory_space<vmem>>, vector<32xbf16>,
      %get3A_114 = arith.index_cast %add3A_99 : i32 to index
      %get3A_115 = arith.constant 32 : index
      %get3A_116 = tpu.vector_load %arg13[%get3A_114, %get3A_115] {strides = array<i32>} : memref<40x256xbf16, #tpu.memory_space<vmem>>, vector<32xbf16>,
      %gather3A_117 = tpu.vector_load_idx %arg11[%gather3A_101, %add3A_10] : memref<500x128xi32, #tpu.memory_space<vmem>>[vector<16xi32>, vector<16xi32>], vector<16xi32>,
      %bitcast3A_118 = vector.bitcast %gather3A_117 : vector<16xi32> to vector<32xbf16>
      %add3A_119 = arith.addf %get3A_113, %get3A_116 : vector<32xbf16>
      %sub3A_120 = arith.subf %add3A_119, %bitcast3A_118 : vector<32xbf16>
      %mul3A_121 = arith.mulf %sub3A_120, %sub3A_120 : vector<32xbf16>
      %add3A_122 = arith.addf %mul3A_110, %mul3A_121 : vector<32xbf16>
      %unpack3A = tpu.unpack_subelements %add3A_122, 0 {pack_format = #tpu.pack_format<interleaved>} : vector<32xbf16> -> vector<16xf32>
      %unpack3A_123 = tpu.unpack_subelements %add3A_122, 1 {pack_format = #tpu.pack_format<interleaved>} : vector<32xbf16> -> vector<16xf32>
      %add3A_124 = arith.addf %broadcast_in_dim3A_4, %unpack3A : vector<16xf32>
      %add3A_125 = arith.addf %broadcast_in_dim3A_4, %unpack3A_123 : vector<16xf32>
      %get3A_126 = arith.index_cast %add3A_99 : i32 to index
      %get3A_127 = arith.constant 64 : index
      %get3A_128 = tpu.vector_load %arg12[%get3A_126, %get3A_127] {strides = array<i32>} : memref<40x256xbf16, #tpu.memory_space<vmem>>, vector<32xbf16>,
      %get3A_129 = arith.index_cast %add3A_99 : i32 to index
      %get3A_130 = arith.constant 64 : index
      %get3A_131 = tpu.vector_load %arg13[%get3A_129, %get3A_130] {strides = array<i32>} : memref<40x256xbf16, #tpu.memory_space<vmem>>, vector<32xbf16>,
      %gather3A_132 = tpu.vector_load_idx %arg11[%gather3A_101, %add3A_13] : memref<500x128xi32, #tpu.memory_space<vmem>>[vector<16xi32>, vector<16xi32>], vector<16xi32>,
      %bitcast3A_133 = vector.bitcast %gather3A_132 : vector<16xi32> to vector<32xbf16>
      %add3A_134 = arith.addf %get3A_128, %get3A_131 : vector<32xbf16>
      %sub3A_135 = arith.subf %add3A_134, %bitcast3A_133 : vector<32xbf16>
      %mul3A_136 = arith.mulf %sub3A_135, %sub3A_135 : vector<32xbf16>
      %get3A_137 = arith.index_cast %add3A_99 : i32 to index
      %get3A_138 = arith.constant 96 : index
      %get3A_139 = tpu.vector_load %arg12[%get3A_137, %get3A_138] {strides = array<i32>} : memref<40x256xbf16, #tpu.memory_space<vmem>>, vector<32xbf16>,
      %get3A_140 = arith.index_cast %add3A_99 : i32 to index
      %get3A_141 = arith.constant 96 : index
      %get3A_142 = tpu.vector_load %arg13[%get3A_140, %get3A_141] {strides = array<i32>} : memref<40x256xbf16, #tpu.memory_space<vmem>>, vector<32xbf16>,
      %gather3A_143 = tpu.vector_load_idx %arg11[%gather3A_101, %add3A_16] : memref<500x128xi32, #tpu.memory_space<vmem>>[vector<16xi32>, vector<16xi32>], vector<16xi32>,
      %bitcast3A_144 = vector.bitcast %gather3A_143 : vector<16xi32> to vector<32xbf16>
      %add3A_145 = arith.addf %get3A_139, %get3A_142 : vector<32xbf16>
      %sub3A_146 = arith.subf %add3A_145, %bitcast3A_144 : vector<32xbf16>
      %mul3A_147 = arith.mulf %sub3A_146, %sub3A_146 : vector<32xbf16>
      %add3A_148 = arith.addf %mul3A_136, %mul3A_147 : vector<32xbf16>
      %unpack3A_149 = tpu.unpack_subelements %add3A_148, 0 {pack_format = #tpu.pack_format<interleaved>} : vector<32xbf16> -> vector<16xf32>
      %unpack3A_150 = tpu.unpack_subelements %add3A_148, 1 {pack_format = #tpu.pack_format<interleaved>} : vector<32xbf16> -> vector<16xf32>
      %add3A_151 = arith.addf %add3A_124, %unpack3A_149 : vector<16xf32>
      %add3A_152 = arith.addf %add3A_125, %unpack3A_150 : vector<16xf32>
      %get3A_153 = arith.index_cast %add3A_99 : i32 to index
      %get3A_154 = arith.constant 128 : index
      %get3A_155 = tpu.vector_load %arg12[%get3A_153, %get3A_154] {strides = array<i32>} : memref<40x256xbf16, #tpu.memory_space<vmem>>, vector<32xbf16>,
      %get3A_156 = arith.index_cast %add3A_99 : i32 to index
      %get3A_157 = arith.constant 128 : index
      %get3A_158 = tpu.vector_load %arg13[%get3A_156, %get3A_157] {strides = array<i32>} : memref<40x256xbf16, #tpu.memory_space<vmem>>, vector<32xbf16>,
      %gather3A_159 = tpu.vector_load_idx %arg11[%gather3A_101, %add3A_19] : memref<500x128xi32, #tpu.memory_space<vmem>>[vector<16xi32>, vector<16xi32>], vector<16xi32>,
      %bitcast3A_160 = vector.bitcast %gather3A_159 : vector<16xi32> to vector<32xbf16>
      %add3A_161 = arith.addf %get3A_155, %get3A_158 : vector<32xbf16>
      %sub3A_162 = arith.subf %add3A_161, %bitcast3A_160 : vector<32xbf16>
      %mul3A_163 = arith.mulf %sub3A_162, %sub3A_162 : vector<32xbf16>
      %get3A_164 = arith.index_cast %add3A_99 : i32 to index
      %get3A_165 = arith.constant 160 : index
      %get3A_166 = tpu.vector_load %arg12[%get3A_164, %get3A_165] {strides = array<i32>} : memref<40x256xbf16, #tpu.memory_space<vmem>>, vector<32xbf16>,
      %get3A_167 = arith.index_cast %add3A_99 : i32 to index
      %get3A_168 = arith.constant 160 : index
      %get3A_169 = tpu.vector_load %arg13[%get3A_167, %get3A_168] {strides = array<i32>} : memref<40x256xbf16, #tpu.memory_space<vmem>>, vector<32xbf16>,
      %gather3A_170 = tpu.vector_load_idx %arg11[%gather3A_101, %add3A_22] : memref<500x128xi32, #tpu.memory_space<vmem>>[vector<16xi32>, vector<16xi32>], vector<16xi32>,
      %bitcast3A_171 = vector.bitcast %gather3A_170 : vector<16xi32> to vector<32xbf16>
      %add3A_172 = arith.addf %get3A_166, %get3A_169 : vector<32xbf16>
      %sub3A_173 = arith.subf %add3A_172, %bitcast3A_171 : vector<32xbf16>
      %mul3A_174 = arith.mulf %sub3A_173, %sub3A_173 : vector<32xbf16>
      %add3A_175 = arith.addf %mul3A_163, %mul3A_174 : vector<32xbf16>
      %unpack3A_176 = tpu.unpack_subelements %add3A_175, 0 {pack_format = #tpu.pack_format<interleaved>} : vector<32xbf16> -> vector<16xf32>
      %unpack3A_177 = tpu.unpack_subelements %add3A_175, 1 {pack_format = #tpu.pack_format<interleaved>} : vector<32xbf16> -> vector<16xf32>
      %add3A_178 = arith.addf %add3A_151, %unpack3A_176 : vector<16xf32>
      %add3A_179 = arith.addf %add3A_152, %unpack3A_177 : vector<16xf32>
      %get3A_180 = arith.index_cast %add3A_99 : i32 to index
      %get3A_181 = arith.constant 192 : index
      %get3A_182 = tpu.vector_load %arg12[%get3A_180, %get3A_181] {strides = array<i32>} : memref<40x256xbf16, #tpu.memory_space<vmem>>, vector<32xbf16>,
      %get3A_183 = arith.index_cast %add3A_99 : i32 to index
      %get3A_184 = arith.constant 192 : index
      %get3A_185 = tpu.vector_load %arg13[%get3A_183, %get3A_184] {strides = array<i32>} : memref<40x256xbf16, #tpu.memory_space<vmem>>, vector<32xbf16>,
      %gather3A_186 = tpu.vector_load_idx %arg11[%gather3A_101, %add3A_25] : memref<500x128xi32, #tpu.memory_space<vmem>>[vector<16xi32>, vector<16xi32>], vector<16xi32>,
      %bitcast3A_187 = vector.bitcast %gather3A_186 : vector<16xi32> to vector<32xbf16>
      %add3A_188 = arith.addf %get3A_182, %get3A_185 : vector<32xbf16>
      %sub3A_189 = arith.subf %add3A_188, %bitcast3A_187 : vector<32xbf16>
      %mul3A_190 = arith.mulf %sub3A_189, %sub3A_189 : vector<32xbf16>
      %get3A_191 = arith.index_cast %add3A_99 : i32 to index
      %get3A_192 = arith.constant 224 : index
      %get3A_193 = tpu.vector_load %arg12[%get3A_191, %get3A_192] {strides = array<i32>} : memref<40x256xbf16, #tpu.memory_space<vmem>>, vector<32xbf16>,
      %get3A_194 = arith.index_cast %add3A_99 : i32 to index
      %get3A_195 = arith.constant 224 : index
      %get3A_196 = tpu.vector_load %arg13[%get3A_194, %get3A_195] {strides = array<i32>} : memref<40x256xbf16, #tpu.memory_space<vmem>>, vector<32xbf16>,
      %gather3A_197 = tpu.vector_load_idx %arg11[%gather3A_101, %add3A_28] : memref<500x128xi32, #tpu.memory_space<vmem>>[vector<16xi32>, vector<16xi32>], vector<16xi32>,
      %bitcast3A_198 = vector.bitcast %gather3A_197 : vector<16xi32> to vector<32xbf16>
      %add3A_199 = arith.addf %get3A_193, %get3A_196 : vector<32xbf16>
      %sub3A_200 = arith.subf %add3A_199, %bitcast3A_198 : vector<32xbf16>
      %mul3A_201 = arith.mulf %sub3A_200, %sub3A_200 : vector<32xbf16>
      %add3A_202 = arith.addf %mul3A_190, %mul3A_201 : vector<32xbf16>
      %unpack3A_203 = tpu.unpack_subelements %add3A_202, 0 {pack_format = #tpu.pack_format<interleaved>} : vector<32xbf16> -> vector<16xf32>
      %unpack3A_204 = tpu.unpack_subelements %add3A_202, 1 {pack_format = #tpu.pack_format<interleaved>} : vector<32xbf16> -> vector<16xf32>
      %add3A_205 = arith.addf %add3A_178, %unpack3A_203 : vector<16xf32>
      %add3A_206 = arith.addf %add3A_179, %unpack3A_204 : vector<16xf32>
      %add3A_207 = arith.addf %add3A_205, %add3A_206 : vector<16xf32>
      %reduce_sum3A = arith.constant true
      %reduce_sum3A_208 = vector.broadcast %reduce_sum3A : i1 to vector<16xi1>
      %reduce_sum3A_209 = tpu.scan <sum>, %add3A_207 masked %reduce_sum3A_208 : vector<16xf32>, vector<16xi1> -> vector<16xf32>
      %reduce_sum3A_210 = vector.extract %reduce_sum3A_209[15] : f32 from vector<16xf32>
      %eq3A = vector.broadcast %scan3A_96 : i32 to vector<16xi32>
      %eq3A_211 = arith.cmpi eq, %iota3A, %eq3A : vector<16xi32>
      %neg3A = arith.constant 0.000000e+00 : f32
      %neg3A_212 = arith.subf %neg3A, %reduce_sum3A_210 : f32
      %broadcast_in_dim3A_213 = vector.broadcast %neg3A_212 : f32 to vector<16xf32>
      %select_n3A = arith.select %eq3A_211, %broadcast_in_dim3A_213, %scan3A_97 : vector<16xi1>, vector<16xf32>
      %scan3A_214 = arith.constant 1 : i32
      %scan3A_215 = arith.addi %scan3A_96, %scan3A_214 : i32
      %add3A_216 = arith.constant 32 : i32
      %add3A_217 = arith.addi %add3A_216, %scan3A_215 : i32
      %broadcast_in_dim3A_218 = vector.broadcast %scan3A_215 : i32 to vector<16x1xi32>
      %gather3A_219 = vector.shape_cast %broadcast_in_dim3A_218 : vector<16x1xi32> to vector<16xi32>
      %gather3A_220 = tpu.dynamic_gather %get3A_83[%gather3A_219] in [0] : vector<16xi32>, vector<16xi32> -> vector<16xi32>
      %get3A_221 = arith.index_cast %add3A_217 : i32 to index
      %get3A_222 = arith.constant 0 : index
      %get3A_223 = tpu.vector_load %arg12[%get3A_221, %get3A_222] {strides = array<i32>} : memref<40x256xbf16, #tpu.memory_space<vmem>>, vector<32xbf16>,
      %get3A_224 = arith.index_cast %add3A_217 : i32 to index
      %get3A_225 = arith.constant 0 : index
      %get3A_226 = tpu.vector_load %arg13[%get3A_224, %get3A_225] {strides = array<i32>} : memref<40x256xbf16, #tpu.memory_space<vmem>>, vector<32xbf16>,
      %gather3A_227 = tpu.vector_load_idx %arg11[%gather3A_220, %add3A_7] : memref<500x128xi32, #tpu.memory_space<vmem>>[vector<16xi32>, vector<16xi32>], vector<16xi32>,
      %bitcast3A_228 = vector.bitcast %gather3A_227 : vector<16xi32> to vector<32xbf16>
      %add3A_229 = arith.addf %get3A_223, %get3A_226 : vector<32xbf16>
      %sub3A_230 = arith.subf %add3A_229, %bitcast3A_228 : vector<32xbf16>
      %mul3A_231 = arith.mulf %sub3A_230, %sub3A_230 : vector<32xbf16>
      %get3A_232 = arith.index_cast %add3A_217 : i32 to index
      %get3A_233 = arith.constant 32 : index
      %get3A_234 = tpu.vector_load %arg12[%get3A_232, %get3A_233] {strides = array<i32>} : memref<40x256xbf16, #tpu.memory_space<vmem>>, vector<32xbf16>,
      %get3A_235 = arith.index_cast %add3A_217 : i32 to index
      %get3A_236 = arith.constant 32 : index
      %get3A_237 = tpu.vector_load %arg13[%get3A_235, %get3A_236] {strides = array<i32>} : memref<40x256xbf16, #tpu.memory_space<vmem>>, vector<32xbf16>,
      %gather3A_238 = tpu.vector_load_idx %arg11[%gather3A_220, %add3A_10] : memref<500x128xi32, #tpu.memory_space<vmem>>[vector<16xi32>, vector<16xi32>], vector<16xi32>,
      %bitcast3A_239 = vector.bitcast %gather3A_238 : vector<16xi32> to vector<32xbf16>
      %add3A_240 = arith.addf %get3A_234, %get3A_237 : vector<32xbf16>
      %sub3A_241 = arith.subf %add3A_240, %bitcast3A_239 : vector<32xbf16>
      %mul3A_242 = arith.mulf %sub3A_241, %sub3A_241 : vector<32xbf16>
      %add3A_243 = arith.addf %mul3A_231, %mul3A_242 : vector<32xbf16>
      %unpack3A_244 = tpu.unpack_subelements %add3A_243, 0 {pack_format = #tpu.pack_format<interleaved>} : vector<32xbf16> -> vector<16xf32>
      %unpack3A_245 = tpu.unpack_subelements %add3A_243, 1 {pack_format = #tpu.pack_format<interleaved>} : vector<32xbf16> -> vector<16xf32>
      %add3A_246 = arith.addf %broadcast_in_dim3A_4, %unpack3A_244 : vector<16xf32>
      %add3A_247 = arith.addf %broadcast_in_dim3A_4, %unpack3A_245 : vector<16xf32>
      %get3A_248 = arith.index_cast %add3A_217 : i32 to index
      %get3A_249 = arith.constant 64 : index
      %get3A_250 = tpu.vector_load %arg12[%get3A_248, %get3A_249] {strides = array<i32>} : memref<40x256xbf16, #tpu.memory_space<vmem>>, vector<32xbf16>,
      %get3A_251 = arith.index_cast %add3A_217 : i32 to index
      %get3A_252 = arith.constant 64 : index
      %get3A_253 = tpu.vector_load %arg13[%get3A_251, %get3A_252] {strides = array<i32>} : memref<40x256xbf16, #tpu.memory_space<vmem>>, vector<32xbf16>,
      %gather3A_254 = tpu.vector_load_idx %arg11[%gather3A_220, %add3A_13] : memref<500x128xi32, #tpu.memory_space<vmem>>[vector<16xi32>, vector<16xi32>], vector<16xi32>,
      %bitcast3A_255 = vector.bitcast %gather3A_254 : vector<16xi32> to vector<32xbf16>
      %add3A_256 = arith.addf %get3A_250, %get3A_253 : vector<32xbf16>
      %sub3A_257 = arith.subf %add3A_256, %bitcast3A_255 : vector<32xbf16>
      %mul3A_258 = arith.mulf %sub3A_257, %sub3A_257 : vector<32xbf16>
      %get3A_259 = arith.index_cast %add3A_217 : i32 to index
      %get3A_260 = arith.constant 96 : index
      %get3A_261 = tpu.vector_load %arg12[%get3A_259, %get3A_260] {strides = array<i32>} : memref<40x256xbf16, #tpu.memory_space<vmem>>, vector<32xbf16>,
      %get3A_262 = arith.index_cast %add3A_217 : i32 to index
      %get3A_263 = arith.constant 96 : index
      %get3A_264 = tpu.vector_load %arg13[%get3A_262, %get3A_263] {strides = array<i32>} : memref<40x256xbf16, #tpu.memory_space<vmem>>, vector<32xbf16>,
      %gather3A_265 = tpu.vector_load_idx %arg11[%gather3A_220, %add3A_16] : memref<500x128xi32, #tpu.memory_space<vmem>>[vector<16xi32>, vector<16xi32>], vector<16xi32>,
      %bitcast3A_266 = vector.bitcast %gather3A_265 : vector<16xi32> to vector<32xbf16>
      %add3A_267 = arith.addf %get3A_261, %get3A_264 : vector<32xbf16>
      %sub3A_268 = arith.subf %add3A_267, %bitcast3A_266 : vector<32xbf16>
      %mul3A_269 = arith.mulf %sub3A_268, %sub3A_268 : vector<32xbf16>
      %add3A_270 = arith.addf %mul3A_258, %mul3A_269 : vector<32xbf16>
      %unpack3A_271 = tpu.unpack_subelements %add3A_270, 0 {pack_format = #tpu.pack_format<interleaved>} : vector<32xbf16> -> vector<16xf32>
      %unpack3A_272 = tpu.unpack_subelements %add3A_270, 1 {pack_format = #tpu.pack_format<interleaved>} : vector<32xbf16> -> vector<16xf32>
      %add3A_273 = arith.addf %add3A_246, %unpack3A_271 : vector<16xf32>
      %add3A_274 = arith.addf %add3A_247, %unpack3A_272 : vector<16xf32>
      %get3A_275 = arith.index_cast %add3A_217 : i32 to index
      %get3A_276 = arith.constant 128 : index
      %get3A_277 = tpu.vector_load %arg12[%get3A_275, %get3A_276] {strides = array<i32>} : memref<40x256xbf16, #tpu.memory_space<vmem>>, vector<32xbf16>,
      %get3A_278 = arith.index_cast %add3A_217 : i32 to index
      %get3A_279 = arith.constant 128 : index
      %get3A_280 = tpu.vector_load %arg13[%get3A_278, %get3A_279] {strides = array<i32>} : memref<40x256xbf16, #tpu.memory_space<vmem>>, vector<32xbf16>,
      %gather3A_281 = tpu.vector_load_idx %arg11[%gather3A_220, %add3A_19] : memref<500x128xi32, #tpu.memory_space<vmem>>[vector<16xi32>, vector<16xi32>], vector<16xi32>,
      %bitcast3A_282 = vector.bitcast %gather3A_281 : vector<16xi32> to vector<32xbf16>
      %add3A_283 = arith.addf %get3A_277, %get3A_280 : vector<32xbf16>
      %sub3A_284 = arith.subf %add3A_283, %bitcast3A_282 : vector<32xbf16>
      %mul3A_285 = arith.mulf %sub3A_284, %sub3A_284 : vector<32xbf16>
      %get3A_286 = arith.index_cast %add3A_217 : i32 to index
      %get3A_287 = arith.constant 160 : index
      %get3A_288 = tpu.vector_load %arg12[%get3A_286, %get3A_287] {strides = array<i32>} : memref<40x256xbf16, #tpu.memory_space<vmem>>, vector<32xbf16>,
      %get3A_289 = arith.index_cast %add3A_217 : i32 to index
      %get3A_290 = arith.constant 160 : index
      %get3A_291 = tpu.vector_load %arg13[%get3A_289, %get3A_290] {strides = array<i32>} : memref<40x256xbf16, #tpu.memory_space<vmem>>, vector<32xbf16>,
      %gather3A_292 = tpu.vector_load_idx %arg11[%gather3A_220, %add3A_22] : memref<500x128xi32, #tpu.memory_space<vmem>>[vector<16xi32>, vector<16xi32>], vector<16xi32>,
      %bitcast3A_293 = vector.bitcast %gather3A_292 : vector<16xi32> to vector<32xbf16>
      %add3A_294 = arith.addf %get3A_288, %get3A_291 : vector<32xbf16>
      %sub3A_295 = arith.subf %add3A_294, %bitcast3A_293 : vector<32xbf16>
      %mul3A_296 = arith.mulf %sub3A_295, %sub3A_295 : vector<32xbf16>
      %add3A_297 = arith.addf %mul3A_285, %mul3A_296 : vector<32xbf16>
      %unpack3A_298 = tpu.unpack_subelements %add3A_297, 0 {pack_format = #tpu.pack_format<interleaved>} : vector<32xbf16> -> vector<16xf32>
      %unpack3A_299 = tpu.unpack_subelements %add3A_297, 1 {pack_format = #tpu.pack_format<interleaved>} : vector<32xbf16> -> vector<16xf32>
      %add3A_300 = arith.addf %add3A_273, %unpack3A_298 : vector<16xf32>
      %add3A_301 = arith.addf %add3A_274, %unpack3A_299 : vector<16xf32>
      %get3A_302 = arith.index_cast %add3A_217 : i32 to index
      %get3A_303 = arith.constant 192 : index
      %get3A_304 = tpu.vector_load %arg12[%get3A_302, %get3A_303] {strides = array<i32>} : memref<40x256xbf16, #tpu.memory_space<vmem>>, vector<32xbf16>,
      %get3A_305 = arith.index_cast %add3A_217 : i32 to index
      %get3A_306 = arith.constant 192 : index
      %get3A_307 = tpu.vector_load %arg13[%get3A_305, %get3A_306] {strides = array<i32>} : memref<40x256xbf16, #tpu.memory_space<vmem>>, vector<32xbf16>,
      %gather3A_308 = tpu.vector_load_idx %arg11[%gather3A_220, %add3A_25] : memref<500x128xi32, #tpu.memory_space<vmem>>[vector<16xi32>, vector<16xi32>], vector<16xi32>,
      %bitcast3A_309 = vector.bitcast %gather3A_308 : vector<16xi32> to vector<32xbf16>
      %add3A_310 = arith.addf %get3A_304, %get3A_307 : vector<32xbf16>
      %sub3A_311 = arith.subf %add3A_310, %bitcast3A_309 : vector<32xbf16>
      %mul3A_312 = arith.mulf %sub3A_311, %sub3A_311 : vector<32xbf16>
      %get3A_313 = arith.index_cast %add3A_217 : i32 to index
      %get3A_314 = arith.constant 224 : index
      %get3A_315 = tpu.vector_load %arg12[%get3A_313, %get3A_314] {strides = array<i32>} : memref<40x256xbf16, #tpu.memory_space<vmem>>, vector<32xbf16>,
      %get3A_316 = arith.index_cast %add3A_217 : i32 to index
      %get3A_317 = arith.constant 224 : index
      %get3A_318 = tpu.vector_load %arg13[%get3A_316, %get3A_317] {strides = array<i32>} : memref<40x256xbf16, #tpu.memory_space<vmem>>, vector<32xbf16>,
      %gather3A_319 = tpu.vector_load_idx %arg11[%gather3A_220, %add3A_28] : memref<500x128xi32, #tpu.memory_space<vmem>>[vector<16xi32>, vector<16xi32>], vector<16xi32>,
      %bitcast3A_320 = vector.bitcast %gather3A_319 : vector<16xi32> to vector<32xbf16>
      %add3A_321 = arith.addf %get3A_315, %get3A_318 : vector<32xbf16>
      %sub3A_322 = arith.subf %add3A_321, %bitcast3A_320 : vector<32xbf16>
      %mul3A_323 = arith.mulf %sub3A_322, %sub3A_322 : vector<32xbf16>
      %add3A_324 = arith.addf %mul3A_312, %mul3A_323 : vector<32xbf16>
      %unpack3A_325 = tpu.unpack_subelements %add3A_324, 0 {pack_format = #tpu.pack_format<interleaved>} : vector<32xbf16> -> vector<16xf32>
      %unpack3A_326 = tpu.unpack_subelements %add3A_324, 1 {pack_format = #tpu.pack_format<interleaved>} : vector<32xbf16> -> vector<16xf32>
      %add3A_327 = arith.addf %add3A_300, %unpack3A_325 : vector<16xf32>
      %add3A_328 = arith.addf %add3A_301, %unpack3A_326 : vector<16xf32>
      %add3A_329 = arith.addf %add3A_327, %add3A_328 : vector<16xf32>
      %reduce_sum3A_330 = arith.constant true
      %reduce_sum3A_331 = vector.broadcast %reduce_sum3A_330 : i1 to vector<16xi1>
      %reduce_sum3A_332 = tpu.scan <sum>, %add3A_329 masked %reduce_sum3A_331 : vector<16xf32>, vector<16xi1> -> vector<16xf32>
      %reduce_sum3A_333 = vector.extract %reduce_sum3A_332[15] : f32 from vector<16xf32>
      %eq3A_334 = vector.broadcast %scan3A_215 : i32 to vector<16xi32>
      %eq3A_335 = arith.cmpi eq, %iota3A, %eq3A_334 : vector<16xi32>
      %neg3A_336 = arith.constant 0.000000e+00 : f32
      %neg3A_337 = arith.subf %neg3A_336, %reduce_sum3A_333 : f32
      %broadcast_in_dim3A_338 = vector.broadcast %neg3A_337 : f32 to vector<16xf32>
      %select_n3A_339 = arith.select %eq3A_335, %broadcast_in_dim3A_338, %select_n3A : vector<16xi1>, vector<16xf32>
      scf.yield %select_n3A_339 : vector<16xf32>
    }
    %scan3A_89 = arith.constant 8 : i32
    %add3A_90 = arith.constant 32 : i32
    %add3A_91 = arith.addi %multiple_of3A_53, %add3A_90 : i32
    %add3A_92 = vector.broadcast %add3A_91 : i32 to vector<16xi32>
    %add3A_93 = arith.addi %add3A_92, %iota3A : vector<16xi32>
    %lt3A = arith.constant 8 : i32
    %lt3A_94 = vector.broadcast %lt3A : i32 to vector<16xi32>
    %lt3A_95 = arith.cmpi slt, %iota3A, %lt3A_94 : vector<16xi32>
    tpu.vector_store_idx %arg10[%add3A_93], %scan3A_88 masked %lt3A_95 : memref<5000xf32, #tpu.memory_space<vmem>>[vector<16xi32>], vector<16xf32>, vector<16xi1>
    "tpu.region"() ({
      %run_scoped3A_96 = tpu.sem_alloc : memref<!tpu.dma_semaphore, #tpu.memory_space<semaphore_mem>>
      %dma_start3A_97 = tpu.memref_slice %arg6[%multiple_of3A] : memref<160000xf32, #tpu.memory_space<hbm>> -> memref<5000xf32, #tpu.memory_space<hbm>>
      %dma_start3A_98 = tpu.memref_slice %arg6[%multiple_of3A] : memref<160000xf32, #tpu.memory_space<hbm>> -> memref<5000xf32, #tpu.memory_space<hbm>>
      tpu.enqueue_dma source(%arg10 : memref<5000xf32, #tpu.memory_space<vmem>>) target(%dma_start3A_98 : memref<5000xf32, #tpu.memory_space<hbm>>) target_semaphore(%run_scoped3A_96 : memref<!tpu.dma_semaphore, #tpu.memory_space<semaphore_mem>>)
      %dma_wait3A_99 = tpu.memref_slice %arg6[%multiple_of3A] : memref<160000xf32, #tpu.memory_space<hbm>> -> memref<5000xf32, #tpu.memory_space<hbm>>
      %dma_wait3A_100 = tpu.memref_slice %arg6[%multiple_of3A] : memref<160000xf32, #tpu.memory_space<hbm>> -> memref<5000xf32, #tpu.memory_space<hbm>>
      tpu.wait_dma2 semaphore(%run_scoped3A_96 : memref<!tpu.dma_semaphore, #tpu.memory_space<semaphore_mem>>) src(%arg10 : memref<5000xf32, #tpu.memory_space<vmem>>) dst(%dma_wait3A_100 : memref<5000xf32, #tpu.memory_space<hbm>>)
      tpu.yield
    }) : () -> ()
    return
  }
}

module attributes {stable_mosaic.version = 14 : i64} {
  func.func @_norm_body(%arg0: i32, %arg1: memref<2000x256xf32, #tpu.memory_space<vmem>>, %arg2: memref<2000x256xbf16, #tpu.memory_space<vmem>>) attributes {dimension_semantics = [#tpu.dimension_semantics<arbitrary>], iteration_bounds = array<i64: 5>, scalar_prefetch = 0 : i64, scratch_operands = 0 : i64, tpu.core_type = #tpu.core_type<tc>, window_params = [{transform_indices = @transform_0, window_bounds = array<i64: 2000, 256>}, {transform_indices = @transform_1, window_bounds = array<i64: 2000, 256>}]} {
    %get3A = arith.constant 0 : index
    %get3A_0 = arith.constant 0 : index
    %get3A_1 = vector.load %arg1[%get3A, %get3A_0] : memref<2000x256xf32, #tpu.memory_space<vmem>>, vector<2000x256xf32>
    %mul3A = arith.mulf %get3A_1, %get3A_1 : vector<2000x256xf32>
    %reduce_sum3A = arith.constant dense<0.000000e+00> : vector<2000xf32>
    %reduce_sum3A_2 = vector.multi_reduction <add>, %mul3A, %reduce_sum3A [1] : vector<2000x256xf32> to vector<2000xf32>
    %broadcast_in_dim3A = vector.shape_cast %reduce_sum3A_2 : vector<2000xf32> to vector<2000x1xf32>
    %sqrt3A = math.sqrt %broadcast_in_dim3A : vector<2000x1xf32>
    %max3A = arith.constant 9.99999996E-13 : f32
    %max3A_3 = vector.broadcast %max3A : f32 to vector<2000x1xf32>
    %max3A_4 = arith.maximumf %sqrt3A, %max3A_3 : vector<2000x1xf32>
    %div3A = vector.broadcast %max3A_4 : vector<2000x1xf32> to vector<2000x256xf32>
    %div3A_5 = arith.divf %get3A_1, %div3A : vector<2000x256xf32>
    %convert_element_type3A = arith.truncf %div3A_5 : vector<2000x256xf32> to vector<2000x256xbf16>
    %swap3A = arith.constant 0 : index
    %swap3A_6 = arith.constant 0 : index
    %swap3A_7 = vector.load %arg2[%swap3A, %swap3A_6] : memref<2000x256xbf16, #tpu.memory_space<vmem>>, vector<2000x256xbf16>
    tpu.vector_store %arg2[%swap3A, %swap3A_6], %convert_element_type3A {strides = array<i32>} : memref<2000x256xbf16, #tpu.memory_space<vmem>>, vector<2000x256xbf16>,
    return
  }
  func.func @transform_0(%arg0: i32) -> (i32, i32) {
    %c0_i32 = arith.constant 0 : i32
    %c0_i32_0 = arith.constant 0 : i32
    return %arg0, %c0_i32 : i32, i32
  }
  func.func @transform_1(%arg0: i32) -> (i32, i32) {
    %c0_i32 = arith.constant 0 : i32
    %c0_i32_0 = arith.constant 0 : i32
    return %arg0, %c0_i32 : i32, i32
  }
}

</mosaic_0001>

<sc_bundles>
// kernel: kernel.4.cloned.1.call-start
scs
__scs_entry_jumppad:
0x0: {  	(pc) =	sbr.rel $0x88, $3  }
0x1: {  	(tag) =	ssettag $0x0;
	lr =	simm.s32 $0x1  }
0x2: {  	[smem:$0x3F9D] =	sst lr;
	_ =	strace $0xD0000000  }
0x3: {  	_ = 	snop  }
0x4: {  	_ = 	snop  }
0x5: {  	_ = 	snop  }
0x6: {  	_ = 	snop  }
0x7: {  	_ = 	snop  }
__scs_overlays_trampoline_lowered:
0x8: {  	[smem:$0x3FAC] =	sst s0  }
0x9: {  	[smem:$0x3FAD] =	sst s1  }
0xa: {  	[smem:$0x3FAE] =	sst s2  }
0xb: {  	[smem:$0x3FAF] =	sst s3  }
0xc: {  	[smem:$0x3FB0] =	sst s4  }
0xd: {  	[smem:$0x3FB1] =	sst s5  }
0xe: {  	[smem:$0x3FB2] =	sst s6  }
0xf: {  	[smem:$0x3FB3] =	sst s7  }
0x10: {  	[smem:$0x3FB4] =	sst s8  }
0x11: {  	[smem:$0x3FB5] =	sst s9;
	s0 =	simm.s32 @!p0 $0x0  }
0x12: {  	s1 =	sld [smem:$0x3F9B];
	s0 =	simm.s32 @p0 $0x1  }
0x13: {  	[smem:$0x3FB6] =	sst s0;
	s0 =	simm.s32 @!p1 $0x0  }
0x14: {  	s2 =	sld [smem:$0x3F9A];
	s0 =	simm.s32 @p1 $0x1  }
0x15: {  	[smem:$0x3FB7] =	sst s0;
	s0 =	simm.s32 @!p2 $0x0  }
0x16: {  	s3 =	sld [smem:$0x3FDB];
	s0 =	simm.s32 @p2 $0x1  }
0x17: {  	s4 =	simm.s32 $0x1BF5;
	[smem:$0x3FB9] =	sst s0  }
0x18: {  	s0 =	sld [smem:$0x3F9C];
	_ =	swait.ge [sflag:s4], $0x0  }
0x19: {  	s7 =	sld [smem:$0x3F9D]  }
0x1a: {  	s8 =	sadd.s32 $0xFFFFE003, lr  }
0x1b: {  	s9 =	sadd.s32 $0xFFFFFEF7, lr;
	s5 =	simm.s32 $0xFFFFFFFF;
	p2 =	slt.u32 s8, $0xFFFFF086  }
0x1c: {  	p1 =	slt.u32 s9, $0xF7A;
	s5 =	simm.s32 @!p2 $0x0  }
0x1d: {  	s5 =	simm.s32 @p1 $0x1;
	p0 =	seq.s32 s7, s2  }
0x1e: {  	s7 =	smul.u32 @!p0 $0xF7A, s2;
	p2 =	seq.s32 @!p0 s5, $0x0  }
0x1f: {  	s9 =	smul.u32 $0xF7A, s1;
	s8 =	simm.s32 @!p0 $0x1BF5;
	p2 =	por !p2, p0  }
0x20: {  	[sflag:s8] =	ssyncset.s32 @!p0 $0xFFFFF086;
	s6 =	sadd.s32 @!p0 s3, s7;
	s7 =	simm.s32 @!p0 $0x108  }
0x21: {  	s3 =	sadd.s32 s3, s9;
	s6 =	sadd.s32 @!p0 $0x88, s6;
	s7 =	simm.s32 @p2 $0x1082  }
0x22: {  	[simem:s7], [sflag:s8] =	dma.local @!p0 [hbm:s6], $0xF7A  }
0x23: {  	s9 =	sor.u32 $0xD0000000, s2;
	s6 =	simm.s32 $0x108;
	_ =	swait.ge @!p0 [sflag:s8], $0x0  }
0x24: {  	s3 =	sadd.s32 $0x88, s3;
	s6 =	simm.s32 @!p1 $0x1082;
	[sflag:s4] =	ssyncset.s32 $0xFFFFF086  }
0x25: {  	[simem:s6], [sflag:s4] =	dma.local [hbm:s3], $0xF7A  }
0x26: {  	[smem:$0x3F9D] =	sst s1;
	(tag) =	ssettag s2;
	_ =	strace s9  }
0x27: {  	s1 =	sld [smem:$0x3FAD]  }
0x28: {  	s2 =	sld [smem:$0x3FAE]  }
0x29: {  	s4 =	sld [smem:$0x3FB0]  }
0x2a: {  	p0 =	seq.s32 s5, $0x0;
	s5 =	sld [smem:$0x3FB1]  }
0x2b: {  	s6 =	sld [smem:$0x3FB2]  }
0x2c: {  	s7 =	sld [smem:$0x3FB3]  }
0x2d: {  	s3 =	simm.s32 $0x108;
	s8 =	sld [smem:$0x3FB4]  }
0x2e: {  	s3 =	simm.s32 @!p0 $0x1082;
	s9 =	sld [smem:$0x3FB5]  }
0x2f: {  	lr =	sadd.s32 s0, s3;
	s0 =	sld [smem:$0x3FAC]  }
0x30: {  	s3 =	sld [smem:$0x3FAF]  }
0x31: {  	[smem:$0x3FB8] =	sst s10  }
0x32: {  	s10 =	sld [smem:$0x3FB6];
	_ =	sdelay $0x3  }
0x33: {  	p0 =	seq.s32 s10, $0x1;
	s10 =	sld [smem:$0x3FB8];
	_ =	sdelay $0x3  }
0x34: {  	[smem:$0x3FB8] =	sst s10  }
0x35: {  	s10 =	sld [smem:$0x3FB7];
	_ =	sdelay $0x3  }
0x36: {  	p1 =	seq.s32 s10, $0x1;
	s10 =	sld [smem:$0x3FB8];
	_ =	sdelay $0x3  }
0x37: {  	[smem:$0x3FB8] =	sst s10  }
0x38: {  	s10 =	sld [smem:$0x3FB9]  }
0x39: {  	_ = 	snop;
	(pc) =	sbr.ind lr, $3  }
0x3a: {  	_ = 	snop  }
0x3b: {  	_ = 	snop  }
0x3c: {  	p2 =	seq.s32 s10, $0x1;
	s10 =	sld [smem:$0x3FB8]  }
0x3d: {  	_ =	shalt  }
0x3e: {  	_ =	shalt  }
0x3f: {  	_ =	shalt  }
0x40: {  	_ =	shalt  }
0x41: {  	_ =	shalt  }
0x42: {  	_ =	shalt  }
0x43: {  	_ =	shalt  }
0x44: {  	_ =	shalt  }
0x45: {  	_ =	shalt  }
0x46: {  	_ =	shalt  }
0x47: {  	_ =	shalt  }
0x48: {  	_ =	shalt  }
0x49: {  	_ =	shalt  }
0x4a: {  	_ =	shalt  }
0x4b: {  	_ =	shalt  }
0x4c: {  	_ =	shalt  }
0x4d: {  	_ =	shalt  }
0x4e: {  	_ =	shalt  }
0x4f: {  	_ =	shalt  }
0x50: {  	_ =	shalt  }
0x51: {  	_ =	shalt  }
0x52: {  	_ =	shalt  }
0x53: {  	_ =	shalt  }
0x54: {  	_ =	shalt  }
0x55: {  	_ =	shalt  }
0x56: {  	_ =	shalt  }
0x57: {  	_ =	shalt  }
0x58: {  	_ =	shalt  }
0x59: {  	_ =	shalt  }
0x5a: {  	_ =	shalt  }
0x5b: {  	_ =	shalt  }
0x5c: {  	_ =	shalt  }
0x5d: {  	_ =	shalt  }
0x5e: {  	_ =	shalt  }
0x5f: {  	_ =	shalt  }
0x60: {  	_ =	shalt  }
0x61: {  	_ =	shalt  }
0x62: {  	_ =	shalt  }
0x63: {  	_ =	shalt  }
0x64: {  	_ =	shalt  }
0x65: {  	_ =	shalt  }
0x66: {  	_ =	shalt  }
0x67: {  	_ =	shalt  }
0x68: {  	_ =	shalt  }
0x69: {  	_ =	shalt  }
0x6a: {  	_ =	shalt  }
0x6b: {  	_ =	shalt  }
0x6c: {  	_ =	shalt  }
0x6d: {  	_ =	shalt  }
0x6e: {  	_ =	shalt  }
0x6f: {  	_ =	shalt  }
0x70: {  	_ =	shalt  }
0x71: {  	_ =	shalt  }
0x72: {  	_ =	shalt  }
0x73: {  	_ =	shalt  }
0x74: {  	_ =	shalt  }
0x75: {  	_ =	shalt  }
0x76: {  	_ =	shalt  }
0x77: {  	_ =	shalt  }
0x78: {  	_ =	shalt  }
0x79: {  	_ =	shalt  }
0x7a: {  	_ =	shalt  }
0x7b: {  	_ =	shalt  }
0x7c: {  	_ =	shalt  }
0x7d: {  	_ =	shalt  }
0x7e: {  	_ =	shalt  }
0x7f: {  	_ =	shalt  }
0x80: {  	_ =	shalt  }
0x81: {  	_ =	shalt  }
0x82: {  	_ =	shalt  }
0x83: {  	_ =	shalt  }
0x84: {  	_ =	shalt  }
0x85: {  	_ =	shalt  }
0x86: {  	_ =	shalt  }
0x87: {  	_ =	shalt  }
.Lfunc_end0:
.L_simem_size_0:
called_computation_lowered:
.L_overlay_start_0:
0x88: {  	s2 =	sld [smem:$0x3FD9]  }
0x89: {  	s3 =	sld [smem:$0x3FFE];
	_ =	sdelay $0x1  }
0x8a: {  	s1 =	srdreg.scid  }
0x8b: {  	s0 =	sand.u32 $0x1, s1  }
0x8c: {  	s17 =	sshll.u32 s0, $0xA;
	s2 =	sadd.s32 s3, s2  }
0x8d: {  	s2 =	sadd.s32 s2, s17  }
0x8e: {  	[smem:$0x3FC4] =	sst s2  }
0x8f: {  	_ = 	snop  }
0x90: {  	s2 =	sld [smem:$0x3FC7]  }
0x91: {  	s18 =	sld [smem:$0x3FD0];
	(tm) =	ssettm $0x1  }
0x92: {  	s4 =	sld [smem:$0x3FFB];
	_ =	sdelay $0x3  }
0x93: {  	_ =	strace s4  }
0x94: {  	s4 =	sld [smem:$0x3FFC];
	_ =	sdelay $0x3  }
0x95: {  	_ =	strace s4  }
0x96: {  	s4 =	sld [smem:$0x3FFD];
	_ =	sdelay $0x3  }
0x97: {  	_ =	strace s4  }
0x98: {  	_ =	strace $0x8FFFFFFF  }
0x99: {  	s19 =	sld [smem:$0x3FDB];
	_ =	sdelay $0x1  }
0x9a: {  	s5 =	simm.s32 $_scs_section_size  }
0x9b: {  	s6 =	simm.s32 $_size__tile_overlayer_lowered;
	s7 =	simm.s32 $_tile_overlayer_lowered  }
0x9c: {  	s22 =	simm.s32 $0x1BFF;
	s21 =	sshll.u32 s7, $0x1;
	s4 =	sadd.s32 s5, s19  }
0x9d: {  	s8 =	simm.s32 $0x0;
	s20 =	sshll.u32 s6, $0x1;
	s6 =	sadd.s32 s21, s4  }
0x9e: {  	[timem:s8], [sflag:s22] =	dma.local [hbm:s6], s20  }
0x9f: {  	_ =	swait.ge [sflag:s22], s20  }
0xa0: {  	s5 =	ssub.s32 $0x0, s20;
	[sflag:s22] =	ssyncset.done $0x0  }
0xa1: {  	[sflag:s22] =	ssyncadd.s32 s5;
	_ =	sdelay $0x1  }
0xa2: {  	s23 =	simm.s32 $0x1B8B  }
0xa3: {  	_ =	swait.ge [sflag:s23], $0x1  }
0xa4: {  	[sflag:s23] =	ssyncset.done $0x0  }
0xa5: {  	s25 =	simm.s32 $0x1B8E;
	s24 =	sld [smem:$0x3FFE];
	[sflag:s23] =	ssyncadd.s32 $0xFFFFFFFF  }
0xa6: {  	s26 =	simm.s32 $execute0_lowered;
	[smem:$0x3FD2] =	sst s25  }
0xa7: {  	s6 =	sshll.u32 s26, $0x1;
	_ =	strace $0x80000046;
	[dreg:$0x1] =	wrdreg $0xFFFFFFFF  }
0xa8: {  	s28 =	simm.s32 $_size_execute0_lowered;
	s4 =	sadd.s32 s4, s6;
	[dreg:$0x0] =	wrdreg $0x0  }
0xa9: {  	s6 =	sshll.u32 s28, $0x1;
	[dreg:$0x2] =	wrdreg s4  }
0xaa: {  	[dreg:$0x3] =	wrdreg s6  }
0xab: {  	[dreg:$0x4] =	wrdreg $0xC0  }
0xac: {  	_ =	task [dreg:s8], $0x5FFFF  }
0xad: {  	[dreg:$0x1] =	wrdreg $0xFFFFFFFF  }
0xae: {  	[dreg:$0x0] =	wrdreg $0x60  }
0xaf: {  	[dreg:$0x2] =	wrdreg s24  }
0xb0: {  	[dreg:$0x3] =	wrdreg s2  }
0xb1: {  	[dreg:$0x4] =	wrdreg s18  }
0xb2: {  	[dreg:$0x5] =	wrdreg $0x9  }
0xb3: {  	_ =	task.clear_ibuf [dreg:s8], $0x6FFFF;
	_ =	strace $0x90000046  }
0xb4: {  	s29 =	simm.s32 $0x9;
	_ =	strace $0x80000048  }
0xb5: {  	_ =	swait.ge [sflag:s29], $0x1  }
0xb6: {  	[sflag:s29] =	ssyncadd.s32 $0xFFFFFFFF  }
0xb7: {  	_ =	strace $0x90000048  }
0xb8: {  	_ =	sfence  }
0xb9: {  	s30 =	sld [smem:$0x0];
	_ =	sdelay $0x2  }
0xba: {  	s31 =	sshll.u32 s1, $0xD;
	s1 =	sshrl.u32 s1, $0x2  }
0xbb: {  	s3 =	sand.u32 $0x4000, s31;
	s1 =	sadd.s32 s1, s30  }
0xbc: {  	s0 =	sor.u32 s3, s0;
	s1 =	sshll.u32 s1, $0x11  }
0xbd: {  	s0 =	sor.u32 s1, s0  }
0xbe: {  	s0 =	sadd.s32 $0x8F2B, s0  }
0xbf: {  	[sflag:s0] =	ssyncadd.remote.s32 $0x1  }
0xc0: {  	_ =	sfence.sel $0xFFFF  }
0xc1: {  	[dreg:$0x0] =	wrdreg $0xFFFFFFFF;
	(pc) =	sbr.abs _section_cstart, $3  }
0xc2: {  	[dreg:$0x1] =	wrdreg $0xFFFFFFFF  }
0xc3: {  	_ =	task.clear_ibuf [dreg:s8], $0x2FFFF;
	_ =	strace $0x9FFFFFFF  }
0xc4: {  	(tm) =	ssettm $0x7FFFFFFF  }
0xc5: {  	_ =	shalt  }
tec
execute0_lowered:
.L_overlay_start_1:
0x0: {  	(tag) =	ssettag $0x1  }
0x1: {  	s4 =	rddreg [dreg:$0x0]  }
0x2: {  	s1 =	srdreg.scid;
	s7 =	rddreg [dreg:$0x1]  }
0x3: {  	s0 =	stileid.u32;
	s8 =	rddreg [dreg:$0x2]  }
0x4: {  	s2 =	simm.s32 $0x0;
	s11 =	simm.s32 $0x4;
	s12 =	simm.s32 $0x1388  }
0x5: {  	s13 =	simm.s32 $0x2710;
	s14 =	simm.s32 $0x28;
	s15 =	simm.s32 $0x14830  }
0x6: {  	s16 =	simm.s32 $0x15C30;
	s17 =	simm.s32 $0x3;
	s18 =	simm.s32 $0x17030  }
0x7: {  	s19 =	simm.s32 $0x18430;
	s3 =	sand.u32 $0x1, s1;
	s30 =	sshll.u32 s0, $0x1  }
0x8: {  	s20 =	simm.s32 $0x1;
	s21 =	simm.s32 $0x3AA8;
	s5 =	sor.u32 s3, s30  }
0x9: {  	s22 =	simm.s32 $0x2;
	[smem:$0x7FF] =	sst s2;
	s5 =	smul.u32 $0x1388, s5  }
0xa: {  	s23 =	simm.s32 $0x0;
	_ =	strace $0x80000047;
	s31 =	ssub.s32 $0x2, s3  }
0xb: {  	v0 =	vlaneseq.u32;
	s3 =	sadd.s32 $0x600, s4;
	s10 =	sshrl.u32 s31, $0x1;
	s9 =	sshrl.u32 s5, $0x3  }
0xc: {  	v1 =	vor.u32 $0x10, v0;
	s10 =	ssub.s32 s31, s10;
	s6 =	sadd.s32 s9, s4;
	s4 =	sadd.s32 $0x27800, s4  }
0xd: {  	v2 =	vor.u32 $0x20, v0;
	v3 =	vor.u32 $0x30, v0;
	v4 =	vor.u32 $0x40, v0;
	s7 =	sadd.s32 s7, s9;
	s8 =	sadd.s32 s8, s9;
	s9 =	smax.u32 s10, $0x1  }
0xe: {  	v5 =	vor.u32 $0x50, v0;
	v6 =	vor.u32 $0x60, v0;
	v7 =	vor.u32 $0x70, v0;
	s10 =	simm.s32 $0x4E30;
	s5 =	sadd.s32 $0x29800, s6;
	s6 =	sadd.s32 $0x2E620, s6  }
.LBB2_1:
0xf: {  	[tilespmem:s10], [sflag:$0x3] =	stream.linear.gather [hbm4b:s4+s2], $0xFA00, $0x38;
	[tilespmem:$0x19830] =	vst v63  }
0x10: {  	_ = 	snop  }
0x11: {  	[tilespmem:s2], [sflag:$0x4] =	stream.linear.gather [hbm4b:s5+s2], $0x1388, $0x38;
	[tilespmem:$0x19830] =	vst v63  }
0x12: {  	_ =	swait.ge [sflag:s11], $0x1388  }
0x13: {  	[sflag:s11] =	ssyncset.done $0x0  }
0x14: {  	[sflag:s11] =	ssyncadd.s32 $0xFFFFEC78  }
0x15: {  	[tilespmem:s12], [sflag:$0x4] =	stream.linear.gather [hbm4b:s6+s2], $0x1388, $0x38;
	[tilespmem:$0x19830] =	vst v63  }
0x16: {  	_ =	swait.ge [sflag:s11], $0x1388  }
0x17: {  	[sflag:s11] =	ssyncset.done $0x0  }
0x18: {  	[sflag:s11] =	ssyncadd.s32 $0xFFFFEC78  }
0x19: {  	[tilespmem:s13], [sflag:$0x4] =	stream.linear.gather [hbm4b:s7+s2], $0x1388, $0x38;
	[tilespmem:$0x19830] =	vst v63  }
0x1a: {  	_ =	swait.ge [sflag:s11], $0x1388  }
0x1b: {  	[sflag:s11] =	ssyncset.done $0x0  }
0x1c: {  	[sflag:s11] =	ssyncadd.s32 $0xFFFFEC78  }
0x1d: {  	[tilespmem:s15], [sflag:$0x1] =	stream.indirect.gather [hbm4b:s3+s14], $0x80, s2, s14, $0xb8;
	[tilespmem:$0x19830] =	vst v63  }
0x1e: {  	_ = 	snop  }
0x1f: {  	[tilespmem:s16], [sflag:$0x1] =	stream.indirect.gather [hbm4b:s3+s14], $0x80, s12, s14, $0xb8;
	[tilespmem:$0x19830] =	vst v63  }
0x20: {  	_ =	swait.ge [sflag:s17], $0xFA00  }
0x21: {  	[sflag:s17] =	ssyncset.done $0x0  }
0x22: {  	s24 =	simm.s32 $0x0;
	[sflag:s17] =	ssyncadd.s32 $0xFFFF0600  }
.LBB2_2:
0x23: {  	s25 =	smul.u32 $0x50, s24;
	_ =	sdelay $0x1  }
0x24: {  	s26 =	sadd.s32 $0x28, s25  }
0x25: {  	[tilespmem:s18], [sflag:$0x2] =	stream.indirect.gather [hbm4b:s3+s14], $0x80, s26, s14, $0xb8;
	[tilespmem:$0x19830] =	vst v63  }
0x26: {  	s28 =	sadd.s32 $0x13B0, s25  }
0x27: {  	[tilespmem:s19], [sflag:$0x2] =	stream.indirect.gather [hbm4b:s3+s14], $0x80, s28, s14, $0xb8;
	[tilespmem:$0x19830] =	vst v63  }
0x28: {  	_ =	swait.ge [sflag:s20], $0x1400  }
0x29: {  	[sflag:s20] =	ssyncset.done $0x0  }
0x2a: {  	[sflag:s20] =	ssyncadd.s32 $0xFFFFEC00  }
0x2b: {  	_ =	swait.ge [sflag:s20], $0x1400  }
0x2c: {  	[sflag:s20] =	ssyncset.done $0x0  }
0x2d: {  	[sflag:s20] =	ssyncadd.s32 $0xFFFFEC00  }
0x2e: {  	s28 =	simm.s32 $0x148B0;
	v10 =	vld [tilespmem:s25+$0x2710]  }
0x2f: {  	s29 =	simm.s32 $0x15CB0;
	v11 =	vld [tilespmem:s28+$0x60]  }
0x30: {  	v12 =	vld [tilespmem:s29+$0x60]  }
0x31: {  	v13 =	vld [tilespmem:s28+$0x70]  }
0x32: {  	v14 =	vld [tilespmem:s29+$0x70]  }
0x33: {  	v15 =	vld [tilespmem:s28+$0xFFFFFFE0]  }
0x34: {  	v16 =	vld [tilespmem:s29+$0xFFFFFFE0]  }
0x35: {  	v17 =	vld [tilespmem:s28+$0xFFFFFFF0]  }
0x36: {  	v18 =	vld [tilespmem:s29+$0xFFFFFFF0]  }
0x37: {  	v19 =	vld [tilespmem:s28+$0x40]  }
0x38: {  	v20 =	vld [tilespmem:s29+$0x40]  }
0x39: {  	v21 =	vld [tilespmem:s28+$0x50]  }
0x3a: {  	v22 =	vld [tilespmem:s29+$0x50]  }
0x3b: {  	v23 =	vld [tilespmem:s28+$0xFFFFFFC0]  }
0x3c: {  	v24 =	vld [tilespmem:s29+$0xFFFFFFC0]  }
0x3d: {  	v25 =	vld [tilespmem:s28+$0xFFFFFFD0]  }
0x3e: {  	v26 =	vld [tilespmem:s29+$0xFFFFFFD0]  }
0x3f: {  	v27 =	vld [tilespmem:s28+$0x20]  }
0x40: {  	v28 =	vld [tilespmem:s29+$0x20]  }
0x41: {  	v29 =	vld [tilespmem:s28+$0x30]  }
0x42: {  	v30 =	vld [tilespmem:s29+$0x30]  }
0x43: {  	v31 =	vld [tilespmem:s28+$0xFFFFFFA0]  }
0x44: {  	v32 =	vld [tilespmem:s29+$0xFFFFFFA0]  }
0x45: {  	v33 =	vld [tilespmem:s28+$0xFFFFFFB0]  }
0x46: {  	v34 =	vld [tilespmem:s29+$0xFFFFFFB0]  }
0x47: {  	s30 =	simm.s32 $0x0;
	v35 =	vld [tilespmem:s28+$0x0]  }
0x48: {  	v8 =	vmov s30;
	v36 =	vld [tilespmem:s29+$0x0]  }
0x49: {  	v38 =	vld [tilespmem:s28+$0x10];
	v9 =	vperm.xlane v10, v8  }
0x4a: {  	v40 =	vld [tilespmem:s29+$0x10]  }
0x4b: {  	v41 =	vld [tilespmem:s28+$0xFFFFFF80];
	v37 =	vshll.u32 v9, $0x7  }
0x4c: {  	v43 =	vld [tilespmem:s29+$0xFFFFFF80];
	v39 =	vor.u32 v6, v37  }
0x4d: {  	v45 =	vld [tilespmem:s28+$0xFFFFFF90];
	v42 =	vor.u32 v7, v37  }
0x4e: {  	v47 =	vld [tilespmem:s29+$0xFFFFFF90];
	s29 =	simm.s32 $0x15DB0;
	v44 =	vor.u32 v4, v37  }
0x4f: {  	s28 =	simm.s32 $0x1;
	v63 =	vld [tilespmem:s29+$0xFFFFFFF0];
	v46 =	vor.u32 v5, v37  }
0x50: {  	v54 =	vld [tilespmem:s29+$0xFFFFFFB0];
	v9 =	vmov s28;
	v48 =	vor.u32 v2, v37  }
0x51: {  	v49 =	vor.u32 v3, v37;
	v50 =	vperm.xlane v10, v9;
	v39 =	vld.idx.msk [tilespmem:v39+s10+$0x0], $0xffff  }
0x52: {  	v51 =	vor.u32 v0, v37;
	v42 =	vld.idx.msk [tilespmem:v42+s10+$0x0], $0xffff  }
0x53: {  	v37 =	vor.u32 v1, v37;
	v50 =	vshll.u32 v50, $0x7;
	v44 =	vld.idx.msk [tilespmem:v44+s10+$0x0], $0xffff  }
0x54: {  	v11 =	vadd.bf16 v12, v11;
	v52 =	vor.u32 v6, v50;
	v46 =	vld.idx.msk [tilespmem:v46+s10+$0x0], $0xffff  }
0x55: {  	v15 =	vadd.bf16 v16, v15;
	v13 =	vadd.bf16 v14, v13;
	v56 =	vor.u32 v7, v50;
	v12 =	vld.idx.msk [tilespmem:v48+s10+$0x0], $0xffff  }
0x56: {  	v17 =	vadd.bf16 v18, v17;
	v18 =	vadd.bf16 v20, v19;
	v16 =	vor.u32 v4, v50;
	v14 =	vld.idx.msk [tilespmem:v49+s10+$0x0], $0xffff  }
0x57: {  	v23 =	vadd.bf16 v24, v23;
	v21 =	vadd.bf16 v22, v21;
	v20 =	vor.u32 v5, v50;
	v19 =	vld.idx.msk [tilespmem:v51+s10+$0x0], $0xffff  }
0x58: {  	v25 =	vadd.bf16 v26, v25;
	v26 =	vadd.bf16 v28, v27;
	v24 =	vor.u32 v2, v50;
	v22 =	vld.idx.msk [tilespmem:v37+s10+$0x0], $0xffff  }
0x59: {  	v31 =	vadd.bf16 v32, v31;
	v29 =	vadd.bf16 v30, v29;
	v27 =	vor.u32 v3, v50;
	v28 =	vld.idx.msk [tilespmem:v52+s10+$0x0], $0xffff  }
0x5a: {  	v33 =	vadd.bf16 v34, v33;
	v58 =	vadd.bf16 v36, v35;
	v30 =	vor.u32 v0, v50;
	v57 =	vld.idx.msk [tilespmem:v56+s10+$0x0], $0xffff  }
0x5b: {  	v60 =	vadd.bf16 v43, v41;
	v61 =	vadd.bf16 v40, v38;
	v16 =	vld.idx.msk [tilespmem:v16+s10+$0x0], $0xffff  }
0x5c: {  	v62 =	vadd.bf16 v47, v45;
	v20 =	vld.idx.msk [tilespmem:v20+s10+$0x0], $0xffff;
	v15 =	vsub.bf16 v15, v39  }
0x5d: {  	v59 =	vor.u32 v1, v50;
	v24 =	vld.idx.msk [tilespmem:v24+s10+$0x0], $0xffff;
	v23 =	vsub.bf16 v23, v44;
	v17 =	vsub.bf16 v17, v42  }
0x5e: {  	v27 =	vld.idx.msk [tilespmem:v27+s10+$0x0], $0xffff;
	v12 =	vsub.bf16 v31, v12;
	v25 =	vsub.bf16 v25, v46  }
0x5f: {  	v30 =	vld.idx.msk [tilespmem:v30+s10+$0x0], $0xffff;
	v19 =	vsub.bf16 v60, v19;
	v14 =	vsub.bf16 v33, v14  }
0x60: {  	v32 =	vld [tilespmem:s29+$0x70];
	v22 =	vsub.bf16 v62, v22;
	v15 =	vmul.bf16 v15, v15;
	v23 =	vmul.bf16 v23, v23  }
0x61: {  	v36 =	vld [tilespmem:s29+$0xFFFFFFE0];
	v17 =	vmul.bf16 v17, v17;
	v12 =	vmul.bf16 v12, v12;
	v11 =	vsub.bf16 v11, v28  }
0x62: {  	v31 =	vld.idx.msk [tilespmem:v59+s10+$0x0], $0xffff;
	v25 =	vmul.bf16 v25, v25;
	v16 =	vsub.bf16 v18, v16;
	v13 =	vsub.bf16 v13, v57  }
0x63: {  	v40 =	vld [tilespmem:s29+$0x40];
	s28 =	simm.s32 $0x149B0;
	v14 =	vmul.bf16 v14, v14;
	v20 =	vsub.bf16 v21, v20;
	v24 =	vsub.bf16 v26, v24  }
0x64: {  	v35 =	vld [tilespmem:s28+$0xFFFFFFE0];
	v19 =	vmul.bf16 v19, v19;
	v26 =	vsub.bf16 v29, v27;
	v27 =	vsub.bf16 v58, v30  }
0x65: {  	v41 =	vld [tilespmem:s28+$0x50];
	v22 =	vmul.bf16 v22, v22;
	v15 =	vadd.bf16 v17, v15;
	v12 =	vadd.bf16 v14, v12  }
0x66: {  	v43 =	vld [tilespmem:s28+$0xFFFFFFC0];
	v14 =	vadd.bf16 v25, v23;
	v11 =	vmul.bf16 v11, v11;
	v16 =	vmul.bf16 v16, v16  }
0x67: {  	v45 =	vld [tilespmem:s28+$0xFFFFFFD0];
	v28 =	vsub.bf16 v61, v31;
	v13 =	vmul.bf16 v13, v13;
	v24 =	vmul.bf16 v24, v24  }
0x68: {  	v47 =	vld [tilespmem:s28+$0x20];
	v19 =	vadd.bf16 v22, v19;
	v20 =	vmul.bf16 v20, v20;
	v17 =	vmul.bf16 v26, v26  }
0x69: {  	v53 =	vld [tilespmem:s28+$0xFFFFFFB0];
	v23 =	vmul.bf16 v27, v27;
	v22 =	vmul.bf16 v28, v28;
	v11 =	vadd.bf16 v13, v11  }
0x6a: {  	v55 =	vld [tilespmem:s28+$0x0];
	v13 =	vadd.bf16 v17, v24;
	v16 =	vadd.bf16 v20, v16;
	v24 =	vunpack.i.u.bf16.f32 v12  }
0x6b: {  	v50 =	vld [tilespmem:s29+$0x30];
	v20 =	vadd.bf16 v22, v23;
	v22 =	vunpack.i.u.bf16.f32 v19;
	v19 =	vunpack.i.l.bf16.f32 v19  }
0x6c: {  	v37 =	vld [tilespmem:s28+$0xFFFFFFF0];
	v12 =	vunpack.i.l.bf16.f32 v12;
	v19 =	vadd.f32 $0.0e+00, v19;
	v22 =	vadd.f32 $0.0e+00, v22  }
0x6d: {  	v48 =	vld [tilespmem:s29+$0x20];
	v23 =	vunpack.i.u.bf16.f32 v14;
	v14 =	vunpack.i.l.bf16.f32 v14;
	v25 =	vunpack.i.u.bf16.f32 v20  }
0x6e: {  	v49 =	vld [tilespmem:s28+$0x30];
	v20 =	vunpack.i.l.bf16.f32 v20;
	v12 =	vadd.f32 v12, v19;
	v19 =	vadd.f32 v24, v22  }
0x6f: {  	v56 =	vld [tilespmem:s29+$0x0];
	v20 =	vadd.f32 $0.0e+00, v20;
	v22 =	vadd.f32 $0.0e+00, v25;
	v24 =	vunpack.i.u.bf16.f32 v13  }
0x70: {  	v33 =	vld [tilespmem:s28+$0x60];
	v13 =	vunpack.i.l.bf16.f32 v13;
	v12 =	vadd.f32 v14, v12;
	v14 =	vadd.f32 v23, v19  }
0x71: {  	v39 =	vld [tilespmem:s28+$0x40];
	v19 =	vunpack.i.l.bf16.f32 v15;
	v13 =	vadd.f32 v13, v20;
	v20 =	vadd.f32 v24, v22  }
0x72: {  	v44 =	vld [tilespmem:s29+$0xFFFFFFC0];
	v22 =	vunpack.i.u.bf16.f32 v16;
	v16 =	vunpack.i.l.bf16.f32 v16;
	v12 =	vadd.f32 v19, v12  }
0x73: {  	v46 =	vld [tilespmem:s29+$0xFFFFFFD0];
	v15 =	vunpack.i.u.bf16.f32 v15;
	v13 =	vadd.f32 v16, v13;
	v16 =	vadd.f32 v22, v20  }
0x74: {  	v60 =	vld [tilespmem:s28+$0xFFFFFFA0];
	v14 =	vadd.f32 v15, v14;
	v15 =	vunpack.i.u.bf16.f32 v11;
	v11 =	vunpack.i.l.bf16.f32 v11  }
0x75: {  	s30 =	simm.s32 $0x2;
	v18 =	vld [tilespmem:s29+$0x60];
	v11 =	vadd.f32 v11, v13;
	v13 =	vadd.f32 v15, v16  }
0x76: {  	v21 =	vld [tilespmem:s28+$0x70];
	v14 =	vadd.f32 v12, v14;
	v12 =	vmov s30  }
0x77: {  	v61 =	vld [tilespmem:s29+$0xFFFFFFA0];
	v15 =	vperm.xlane v10, v12;
	v11 =	vadd.f32 v11, v13  }
0x78: {  	v26 =	vld [tilespmem:s29+$0xFFFFFF80];
	(xrf2) =	vadd.scan.msk.f32 $0xffff, v14  }
0x79: {  	v27 =	vld [tilespmem:s29+$0xFFFFFF90];
	v14 =	vshll.u32 v15, $0x7;
	(xrf2) =	vadd.scan.msk.f32 $0xffff, v11  }
0x7a: {  	v17 =	vld [tilespmem:s29+$0x50];
	v11 =	vor.u32 v6, v14  }
0x7b: {  	v25 =	vld [tilespmem:s28+$0xFFFFFF90];
	v15 =	vor.u32 v7, v14  }
0x7c: {  	v23 =	vld [tilespmem:s29+$0x10];
	v16 =	vor.u32 v4, v14  }
0x7d: {  	v24 =	vld [tilespmem:s28+$0xFFFFFF80];
	s30 =	simm.s32 $0x3;
	v19 =	vor.u32 v5, v14  }
0x7e: {  	v20 =	vld [tilespmem:s28+$0x10];
	v13 =	vmov s30;
	v22 =	vor.u32 v2, v14  }
0x7f: {  	v30 =	vperm.xlane v10, v13;
	v62 =	vor.u32 v3, v14;
	v28 =	vld.idx.msk [tilespmem:v11+s10+$0x0], $0xffff  }
0x80: {  	v35 =	vadd.bf16 v36, v35;
	v57 =	vor.u32 v0, v14;
	v29 =	vld.idx.msk [tilespmem:v15+s10+$0x0], $0xffff  }
0x81: {  	v36 =	vadd.bf16 v63, v37;
	v58 =	vor.u32 v1, v14;
	v34 =	vshll.u32 v30, $0x7;
	v31 =	vld.idx.msk [tilespmem:v16+s10+$0x0], $0xffff  }
0x82: {  	v14 =	vadd.bf16 v18, v33;
	v18 =	vadd.bf16 v50, v49;
	v59 =	vor.u32 v6, v34;
	v30 =	vld.idx.msk [tilespmem:v19+s10+$0x0], $0xffff;
	v16, _, _ =	vpop (xrf2)  }
0x83: {  	v63 =	vor.u32 v7, v34;
	v15 =	vadd.bf16 v32, v21;
	v32 =	vld.idx.msk [tilespmem:v22+s10+$0x0], $0xffff;
	(v2sf) =	vpush v16, $0xF;
	v16, _, _ =	vpop (xrf2)  }
0x84: {  	v42 =	vor.u32 v4, v34;
	v11 =	vimm.f32 $0.0e+00;
	v33 =	vld.idx.msk [tilespmem:v62+s10+$0x0], $0xffff;
	(v2sf) =	vpush v16, $0xF  }
0x85: {  	v19 =	vadd.bf16 v40, v39;
	v22 =	vld.idx.msk [tilespmem:v57+s10+$0x0], $0xffff;
	v40 =	vadd.bf16 v44, v43;
	v43 =	vor.u32 v5, v34  }
0x86: {  	v37 =	vld.idx.msk [tilespmem:v58+s10+$0x0], $0xffff;
	v44 =	vor.u32 v2, v34;
	v21 =	vadd.bf16 v56, v55;
	v16 =	vadd.bf16 v17, v41  }
0x87: {  	v39 =	vld.idx.msk [tilespmem:v59+s10+$0x0], $0xffff;
	v41 =	vadd.bf16 v46, v45;
	v17 =	vadd.bf16 v48, v47;
	v45 =	vor.u32 v3, v34  }
0x88: {  	s30 =	simm.s32 $0x4;
	v38 =	vld.idx.msk [tilespmem:v63+s10+$0x0], $0xffff;
	v46 =	vadd.bf16 v61, v60;
	v47 =	vadd.bf16 v54, v53;
	v48 =	vor.u32 v0, v34  }
.LBB2_3:
0x89: {  	p0 =	slt.u32 s30, $0xE;
	v24 =	vadd.bf16 v26, v24;
	v26 =	vor.u32 v1, v34;
	v20 =	vadd.bf16 v23, v20;
	v23 =	vld.idx.msk [tilespmem:v42+s10+$0x0], $0xffff  }
0x8a: {  	v25 =	vadd.bf16 v27, v25;
	v27 =	vsub.bf16 v35, v28;
	v28 =	vld.idx.msk [tilespmem:v43+s10+$0x0], $0xffff  }
0x8b: {  	v31 =	vsub.bf16 v40, v31;
	v29 =	vsub.bf16 v36, v29;
	v34 =	vld.idx.msk [tilespmem:v44+s10+$0x0], $0xffff  }
0x8c: {  	v32 =	vsub.bf16 v46, v32;
	v30 =	vsub.bf16 v41, v30;
	v35 =	vld.idx.msk [tilespmem:v45+s10+$0x0], $0xffff  }
0x8d: {  	vm0 =	veq.s32 v8, v0;
	v22 =	vsub.bf16 v24, v22;
	v24 =	vsub.bf16 v47, v33;
	v33 =	vld.idx.msk [tilespmem:v48+s10+$0x0], $0xffff  }
0x8e: {  	s28 =	sadd.s32 $0x100, s28;
	vm1 =	veq.s32 v9, v0;
	v25 =	vsub.bf16 v25, v37;
	v36 =	vsub.bf16 v14, v39;
	v26 =	vld.idx.msk [tilespmem:v26+s10+$0x0], $0xffff  }
0x8f: {  	s29 =	sadd.s32 $0x100, s29;
	v8 =	vmovc v12;
	v27 =	vmul.bf16 v27, v27;
	v37 =	vsub.bf16 v15, v38;
	v23 =	vsub.bf16 v19, v23;
	v14 =	vld [tilespmem:s28+$0x60]  }
0x90: {  	v9 =	vmovc v13;
	v12 =	vmul.bf16 v31, v31;
	v29 =	vmul.bf16 v29, v29;
	v28 =	vsub.bf16 v16, v28;
	v15 =	vld [tilespmem:s29+$0x60]  }
0x91: {  	v13 =	vmul.bf16 v32, v32;
	v30 =	vmul.bf16 v30, v30;
	v31 =	vsub.bf16 v17, v34;
	v16 =	vld [tilespmem:s28+$0x70]  }
0x92: {  	v32 =	vmul.bf16 v22, v22;
	v24 =	vmul.bf16 v24, v24;
	v22 =	vsub.bf16 v18, v35;
	v17 =	vld [tilespmem:s29+$0x70];
	s31 =	spop (v2sf)  }
0x93: {  	v25 =	vmul.bf16 v25, v25;
	v34 =	vmul.bf16 v36, v36;
	v33 =	vsub.bf16 v21, v33;
	v18 =	vld [tilespmem:s28+$0xFFFFFFE0];
	s31 =	ssub.f32 $0.0e+00, s31;
	s1 =	spop (v2sf)  }
0x94: {  	v23 =	vmul.bf16 v23, v23;
	v20 =	vsub.bf16 v20, v26;
	v26 =	vmul.bf16 v37, v37;
	v19 =	vld [tilespmem:s29+$0xFFFFFFE0];
	s1 =	ssub.f32 $0.0e+00, s1  }
0x95: {  	v28 =	vmul.bf16 v28, v28;
	v31 =	vmul.bf16 v31, v31;
	v21 =	vld [tilespmem:s28+$0xFFFFFFF0];
	v11 =	vsel vm0, s31, v11  }
0x96: {  	v27 =	vadd.bf16 v29, v27;
	v29 =	vmul.bf16 v22, v22;
	v36 =	vld [tilespmem:s29+$0xFFFFFFF0];
	v11 =	vsel vm1, s1, v11  }
0x97: {  	v12 =	vadd.bf16 v30, v12;
	v13 =	vadd.bf16 v24, v13;
	v24 =	vmul.bf16 v33, v33;
	v22 =	vld [tilespmem:s28+$0x40]  }
0x98: {  	v25 =	vadd.bf16 v25, v32;
	v20 =	vmul.bf16 v20, v20;
	v26 =	vadd.bf16 v26, v34;
	v37 =	vld [tilespmem:s29+$0x40]  }
0x99: {  	v23 =	vadd.bf16 v28, v23;
	v29 =	vadd.bf16 v29, v31;
	v38 =	vld [tilespmem:s28+$0x50]  }
0x9a: {  	v28 =	vunpack.i.u.bf16.f32 v27;
	v27 =	vunpack.i.l.bf16.f32 v27;
	v20 =	vadd.bf16 v20, v24;
	v39 =	vld [tilespmem:s29+$0x50]  }
0x9b: {  	v30 =	vunpack.i.u.bf16.f32 v12;
	v24 =	vunpack.i.u.bf16.f32 v25;
	v25 =	vunpack.i.l.bf16.f32 v25;
	v40 =	vld [tilespmem:s28+$0xFFFFFFC0]  }
0x9c: {  	v12 =	vunpack.i.l.bf16.f32 v12;
	v25 =	vadd.f32 $0.0e+00, v25;
	v24 =	vadd.f32 $0.0e+00, v24;
	v41 =	vld [tilespmem:s29+$0xFFFFFFC0]  }
0x9d: {  	v31 =	vunpack.i.u.bf16.f32 v13;
	v13 =	vunpack.i.l.bf16.f32 v13;
	v32 =	vunpack.i.u.bf16.f32 v20;
	v44 =	vld [tilespmem:s28+$0xFFFFFFD0]  }
0x9e: {  	v20 =	vunpack.i.l.bf16.f32 v20;
	v13 =	vadd.f32 v13, v25;
	v24 =	vadd.f32 v31, v24;
	v45 =	vld [tilespmem:s29+$0xFFFFFFD0]  }
0x9f: {  	v20 =	vadd.f32 $0.0e+00, v20;
	v25 =	vadd.f32 $0.0e+00, v32;
	v31 =	vunpack.i.u.bf16.f32 v29;
	v46 =	vld [tilespmem:s28+$0x20]  }
0xa0: {  	v12 =	vadd.f32 v12, v13;
	v13 =	vadd.f32 v30, v24;
	v24 =	vunpack.i.l.bf16.f32 v29;
	v47 =	vld [tilespmem:s29+$0x20]  }
0xa1: {  	v20 =	vadd.f32 v24, v20;
	v24 =	vadd.f32 v31, v25;
	v25 =	vunpack.i.u.bf16.f32 v23;
	v48 =	vld [tilespmem:s28+$0x30]  }
0xa2: {  	v23 =	vunpack.i.l.bf16.f32 v23;
	v12 =	vadd.f32 v27, v12;
	v13 =	vadd.f32 v28, v13;
	v49 =	vld [tilespmem:s29+$0x30]  }
0xa3: {  	v20 =	vadd.f32 v23, v20;
	v23 =	vadd.f32 v25, v24;
	v50 =	vld [tilespmem:s28+$0xFFFFFFA0]  }
0xa4: {  	v24 =	vunpack.i.l.bf16.f32 v26;
	v13 =	vadd.f32 v12, v13;
	v12 =	vunpack.i.u.bf16.f32 v26;
	v51 =	vld [tilespmem:s29+$0xFFFFFFA0]  }
0xa5: {  	v20 =	vadd.f32 v24, v20;
	v23 =	vadd.f32 v12, v23;
	v52 =	vld [tilespmem:s28+$0xFFFFFFB0]  }
0xa6: {  	v12 =	vmov s30;
	v53 =	vld [tilespmem:s29+$0xFFFFFFB0];
	(xrf2) =	vadd.scan.msk.f32 $0xffff, v13  }
0xa7: {  	v23 =	vadd.f32 v20, v23;
	v13 =	vperm.xlane v10, v12;
	v54 =	vld [tilespmem:s28+$0x0]  }
0xa8: {  	v55 =	vld [tilespmem:s29+$0x0]  }
0xa9: {  	v30 =	vshll.u32 v13, $0x7;
	v20 =	vld [tilespmem:s28+$0x10];
	(xrf2) =	vadd.scan.msk.f32 $0xffff, v23  }
0xaa: {  	v28 =	vor.u32 v6, v30;
	v23 =	vld [tilespmem:s29+$0x10]  }
0xab: {  	v29 =	vor.u32 v7, v30;
	v24 =	vld [tilespmem:s28+$0xFFFFFF80]  }
0xac: {  	v31 =	vor.u32 v4, v30;
	v26 =	vld [tilespmem:s29+$0xFFFFFF80]  }
0xad: {  	s1 =	sadd.s32 $0x1, s30;
	v32 =	vor.u32 v5, v30;
	v25 =	vld [tilespmem:s28+$0xFFFFFF90]  }
0xae: {  	v13 =	vmov s1;
	v33 =	vor.u32 v2, v30;
	v27 =	vld [tilespmem:s29+$0xFFFFFF90]  }
0xaf: {  	v42 =	vor.u32 v3, v30;
	v34 =	vperm.xlane v10, v13;
	v28 =	vld.idx.msk [tilespmem:v28+s10+$0x0], $0xffff  }
0xb0: {  	v43 =	vor.u32 v0, v30;
	v29 =	vld.idx.msk [tilespmem:v29+s10+$0x0], $0xffff;
	v56, _, _ =	vpop (xrf2)  }
0xb1: {  	v14 =	vadd.bf16 v15, v14;
	v57 =	vor.u32 v1, v30;
	v34 =	vshll.u32 v34, $0x7;
	v31 =	vld.idx.msk [tilespmem:v31+s10+$0x0], $0xffff  }
0xb2: {  	v15 =	vadd.bf16 v17, v16;
	v35 =	vadd.bf16 v19, v18;
	v58 =	vor.u32 v6, v34;
	v30 =	vld.idx.msk [tilespmem:v32+s10+$0x0], $0xffff  }
0xb3: {  	v36 =	vadd.bf16 v36, v21;
	v59 =	vor.u32 v7, v34;
	v32 =	vld.idx.msk [tilespmem:v33+s10+$0x0], $0xffff;
	(v2sf) =	vpush v56, $0xF;
	v16, _, _ =	vpop (xrf2)  }
.Ltmp0:
0xb4: {  	v19 =	vadd.bf16 v37, v22;
	v33 =	vld.idx.msk [tilespmem:v42+s10+$0x0], $0xffff;
	v42 =	vor.u32 v4, v34;
	(v2sf) =	vpush v16, $0xF;
	(pc) =	sbr.rel @p0 .LBB2_3-.Ltmp0, $4  }
0xb5: {  	v40 =	vadd.bf16 v41, v40;
	v16 =	vadd.bf16 v39, v38;
	v22 =	vld.idx.msk [tilespmem:v43+s10+$0x0], $0xffff;
	v43 =	vor.u32 v5, v34  }
0xb6: {  	v41 =	vadd.bf16 v45, v44;
	v17 =	vadd.bf16 v47, v46;
	v44 =	vor.u32 v2, v34;
	v37 =	vld.idx.msk [tilespmem:v57+s10+$0x0], $0xffff  }
0xb7: {  	v18 =	vadd.bf16 v49, v48;
	v46 =	vadd.bf16 v51, v50;
	v45 =	vor.u32 v3, v34;
	v39 =	vld.idx.msk [tilespmem:v58+s10+$0x0], $0xffff  }
0xb8: {  	s30 =	sadd.s32 $0x2, s30;
	v47 =	vadd.bf16 v53, v52;
	v48 =	vor.u32 v0, v34;
	v21 =	vadd.bf16 v55, v54;
	v38 =	vld.idx.msk [tilespmem:v59+s10+$0x0], $0xffff  }
0xb9: {  	_ =	sdelay $0x2  }
0xba: {  	v10 =	vadd.bf16 v26, v24;
	v20 =	vadd.bf16 v23, v20  }
0xbb: {  	v24 =	vld.idx.msk [tilespmem:v42+s10+$0x0], $0xffff;
	v25 =	vadd.bf16 v27, v25;
	v26 =	vsub.bf16 v35, v28  }
0xbc: {  	v27 =	vld.idx.msk [tilespmem:v43+s10+$0x0], $0xffff;
	v28 =	vsub.bf16 v40, v31;
	v29 =	vsub.bf16 v36, v29  }
0xbd: {  	v23 =	vor.u32 v1, v34;
	v31 =	vld.idx.msk [tilespmem:v44+s10+$0x0], $0xffff;
	v32 =	vsub.bf16 v46, v32;
	v10 =	vsub.bf16 v10, v22  }
0xbe: {  	v55 =	vld.idx.msk [tilespmem:v45+s10+$0x0], $0xffff;
	v22 =	vsub.bf16 v47, v33;
	v25 =	vsub.bf16 v25, v37  }
0xbf: {  	v30 =	vsub.bf16 v41, v30;
	v56 =	vld.idx.msk [tilespmem:v48+s10+$0x0], $0xffff;
	v14 =	vsub.bf16 v14, v39;
	v10 =	vmul.bf16 v10, v10  }
0xc0: {  	v15 =	vsub.bf16 v15, v38;
	v22 =	vmul.bf16 v22, v22;
	v25 =	vmul.bf16 v25, v25  }
0xc1: {  	v19 =	vsub.bf16 v19, v24;
	v24 =	vmul.bf16 v28, v28;
	v28 =	vmul.bf16 v29, v29  }
0xc2: {  	v23 =	vld.idx.msk [tilespmem:v23+s10+$0x0], $0xffff;
	v16 =	vsub.bf16 v16, v27;
	v27 =	vmul.bf16 v32, v32;
	v29 =	vmul.bf16 v30, v30  }
0xc3: {  	v17 =	vsub.bf16 v17, v31;
	v18 =	vsub.bf16 v18, v55;
	v14 =	vmul.bf16 v14, v14  }
0xc4: {  	v21 =	vsub.bf16 v21, v56;
	v15 =	vmul.bf16 v15, v15;
	v19 =	vmul.bf16 v19, v19  }
0xc5: {  	v10 =	vadd.bf16 v25, v10;
	v17 =	vmul.bf16 v17, v17;
	v16 =	vmul.bf16 v16, v16  }
0xc6: {  	v18 =	vmul.bf16 v18, v18;
	v22 =	vadd.bf16 v22, v27;
	v24 =	vadd.bf16 v29, v24  }
0xc7: {  	v26 =	vmul.bf16 v26, v26;
	v14 =	vadd.bf16 v15, v14;
	v20 =	vsub.bf16 v20, v23  }
0xc8: {  	v21 =	vmul.bf16 v21, v21;
	v15 =	vadd.bf16 v18, v17;
	v16 =	vadd.bf16 v16, v19  }
0xc9: {  	v18 =	vunpack.i.u.bf16.f32 v10;
	v10 =	vunpack.i.l.bf16.f32 v10;
	v20 =	vmul.bf16 v20, v20  }
0xca: {  	v19 =	vunpack.i.u.bf16.f32 v24;
	v10 =	vadd.f32 $0.0e+00, v10;
	v18 =	vadd.f32 $0.0e+00, v18  }
0xcb: {  	v17 =	vadd.bf16 v20, v21;
	v21 =	vunpack.i.u.bf16.f32 v22;
	v22 =	vunpack.i.l.bf16.f32 v22  }
0xcc: {  	v23 =	vadd.bf16 v28, v26;
	v20 =	vunpack.i.l.bf16.f32 v24;
	v10 =	vadd.f32 v22, v10  }
0xcd: {  	v18 =	vadd.f32 v21, v18;
	v24 =	vunpack.i.u.bf16.f32 v17;
	v17 =	vunpack.i.l.bf16.f32 v17  }
0xce: {  	v22 =	vunpack.i.u.bf16.f32 v15;
	v17 =	vadd.f32 $0.0e+00, v17;
	v21 =	vadd.f32 $0.0e+00, v24  }
0xcf: {  	v15 =	vunpack.i.l.bf16.f32 v15;
	v10 =	vadd.f32 v20, v10;
	v18 =	vadd.f32 v19, v18  }
0xd0: {  	v19 =	vunpack.i.l.bf16.f32 v23;
	v15 =	vadd.f32 v15, v17;
	v17 =	vadd.f32 v22, v21  }
0xd1: {  	v20 =	vunpack.i.u.bf16.f32 v16;
	v16 =	vunpack.i.l.bf16.f32 v16;
	v10 =	vadd.f32 v19, v10  }
0xd2: {  	v19 =	vunpack.i.u.bf16.f32 v23;
	v15 =	vadd.f32 v16, v15;
	v16 =	vadd.f32 v20, v17  }
0xd3: {  	v17 =	vadd.f32 v19, v18;
	v18 =	vunpack.i.u.bf16.f32 v14;
	v14 =	vunpack.i.l.bf16.f32 v14  }
0xd4: {  	v14 =	vadd.f32 v14, v15;
	v15 =	vadd.f32 v18, v16  }
0xd5: {  	v10 =	vadd.f32 v10, v17  }
0xd6: {  	v14 =	vadd.f32 v14, v15  }
0xd7: {  	(xrf2) =	vadd.scan.msk.f32 $0xffff, v10  }
0xd8: {  	(xrf2) =	vadd.scan.msk.f32 $0xffff, v14;
	_ =	sdelay $0x8  }
0xd9: {  	v10, _, _ =	vpop (xrf2)  }
0xda: {  	(v2sf) =	vpush v10, $0xF;
	v10, _, _ =	vpop (xrf2)  }
0xdb: {  	(v2sf) =	vpush v10, $0xF;
	_ =	sdelay $0xb  }
0xdc: {  	s1 =	spop (v2sf)  }
0xdd: {  	s28 =	spop (v2sf);
	s1 =	ssub.f32 $0.0e+00, s1  }
0xde: {  	vm0 =	veq.s32 v8, v0;
	s28 =	ssub.f32 $0.0e+00, s28;
	s29 =	spop (v2sf)  }
0xdf: {  	vm1 =	veq.s32 v9, v0;
	v8 =	vsel vm0, s1, v11;
	s0 =	ssub.f32 $0.0e+00, s29;
	s29 =	spop (v2sf)  }
0xe0: {  	vm14 =	veq.s32 v12, v0;
	v8 =	vsel vm1, s28, v8;
	s28 =	ssub.f32 $0.0e+00, s29  }
0xe1: {  	vm15 =	veq.s32 v13, v0;
	v8 =	vsel vm14, s0, v8  }
0xe2: {  	v8 =	vsel vm15, s28, v8  }
0xe3: {  	v10 =	vld [tilespmem:s25+$0x2720];
	s0 =	simm.s32 $0x15120;
	[tilespmem:s25+$0x3AA8] =	vst v8  }
0xe4: {  	s28 =	simm.s32 $0x16520;
	v11 =	vld [tilespmem:s0+$0xFFFFFFF0]  }
0xe5: {  	v12 =	vld [tilespmem:s28+$0xFFFFFFF0]  }
0xe6: {  	v13 =	vld [tilespmem:s0+$0x0]  }
0xe7: {  	v14 =	vld [tilespmem:s28+$0x0]  }
0xe8: {  	v15 =	vld [tilespmem:s0+$0xFFFFFF70]  }
0xe9: {  	v16 =	vld [tilespmem:s28+$0xFFFFFF70]  }
0xea: {  	v17 =	vld [tilespmem:s0+$0xFFFFFF80]  }
0xeb: {  	v18 =	vld [tilespmem:s28+$0xFFFFFF80]  }
0xec: {  	v19 =	vld [tilespmem:s0+$0xFFFFFFD0]  }
0xed: {  	v20 =	vld [tilespmem:s28+$0xFFFFFFD0]  }
0xee: {  	v21 =	vld [tilespmem:s0+$0xFFFFFFE0]  }
0xef: {  	v22 =	vld [tilespmem:s28+$0xFFFFFFE0]  }
0xf0: {  	v23 =	vld [tilespmem:s0+$0xFFFFFF50]  }
0xf1: {  	v24 =	vld [tilespmem:s28+$0xFFFFFF50]  }
0xf2: {  	v25 =	vld [tilespmem:s0+$0xFFFFFF60]  }
0xf3: {  	v26 =	vld [tilespmem:s28+$0xFFFFFF60]  }
0xf4: {  	v27 =	vld [tilespmem:s0+$0xFFFFFFB0]  }
0xf5: {  	v28 =	vld [tilespmem:s28+$0xFFFFFFB0]  }
0xf6: {  	v29 =	vld [tilespmem:s0+$0xFFFFFFC0]  }
0xf7: {  	v30 =	vld [tilespmem:s28+$0xFFFFFFC0]  }
0xf8: {  	v31 =	vld [tilespmem:s0+$0xFFFFFF30]  }
0xf9: {  	v32 =	vld [tilespmem:s28+$0xFFFFFF30]  }
0xfa: {  	v33 =	vld [tilespmem:s0+$0xFFFFFF40]  }
0xfb: {  	v34 =	vld [tilespmem:s28+$0xFFFFFF40]  }
0xfc: {  	s29 =	simm.s32 $0x0;
	v35 =	vld [tilespmem:s0+$0xFFFFFF90]  }
0xfd: {  	v8 =	vmov s29;
	v36 =	vld [tilespmem:s28+$0xFFFFFF90]  }
0xfe: {  	v9 =	vperm.xlane v10, v8;
	v38 =	vld [tilespmem:s0+$0xFFFFFFA0]  }
0xff: {  	v40 =	vld [tilespmem:s28+$0xFFFFFFA0]  }
0x100: {  	v41 =	vld [tilespmem:s0+$0xFFFFFF10];
	v57 =	vshll.u32 v9, $0x7  }
0x101: {  	v43 =	vld [tilespmem:s28+$0xFFFFFF10];
	v58 =	vor.u32 v6, v57  }
0x102: {  	v45 =	vld [tilespmem:s0+$0xFFFFFF20];
	v59 =	vor.u32 v7, v57  }
0x103: {  	s29 =	simm.s32 $0x16620;
	v62 =	vld [tilespmem:s28+$0xFFFFFF20];
	v60 =	vor.u32 v4, v57  }
0x104: {  	s0 =	simm.s32 $0x1;
	v48 =	vld [tilespmem:s29+$0xFFFFFFB0];
	v61 =	vor.u32 v5, v57  }
0x105: {  	v54 =	vld [tilespmem:s29+$0xFFFFFF40];
	v9 =	vmov s0;
	v63 =	vor.u32 v2, v57  }
0x106: {  	v49 =	vor.u32 v3, v57;
	v50 =	vperm.xlane v10, v9;
	v39 =	vld.idx.msk [tilespmem:v58+s10+$0x0], $0xffff  }
0x107: {  	v51 =	vor.u32 v0, v57;
	v42 =	vld.idx.msk [tilespmem:v59+s10+$0x0], $0xffff  }
0x108: {  	v37 =	vor.u32 v1, v57;
	v50 =	vshll.u32 v50, $0x7;
	v44 =	vld.idx.msk [tilespmem:v60+s10+$0x0], $0xffff  }
0x109: {  	v11 =	vadd.bf16 v12, v11;
	v52 =	vor.u32 v6, v50;
	v46 =	vld.idx.msk [tilespmem:v61+s10+$0x0], $0xffff  }
0x10a: {  	v15 =	vadd.bf16 v16, v15;
	v13 =	vadd.bf16 v14, v13;
	v56 =	vor.u32 v7, v50;
	v12 =	vld.idx.msk [tilespmem:v63+s10+$0x0], $0xffff  }
0x10b: {  	v17 =	vadd.bf16 v18, v17;
	v18 =	vadd.bf16 v20, v19;
	v16 =	vor.u32 v4, v50;
	v14 =	vld.idx.msk [tilespmem:v49+s10+$0x0], $0xffff  }
0x10c: {  	v23 =	vadd.bf16 v24, v23;
	v21 =	vadd.bf16 v22, v21;
	v20 =	vor.u32 v5, v50;
	v19 =	vld.idx.msk [tilespmem:v51+s10+$0x0], $0xffff  }
0x10d: {  	v25 =	vadd.bf16 v26, v25;
	v26 =	vadd.bf16 v28, v27;
	v24 =	vor.u32 v2, v50;
	v22 =	vld.idx.msk [tilespmem:v37+s10+$0x0], $0xffff  }
0x10e: {  	v31 =	vadd.bf16 v32, v31;
	v29 =	vadd.bf16 v30, v29;
	v27 =	vor.u32 v3, v50;
	v28 =	vld.idx.msk [tilespmem:v52+s10+$0x0], $0xffff  }
0x10f: {  	v33 =	vadd.bf16 v34, v33;
	v62 =	vadd.bf16 v62, v45;
	v30 =	vor.u32 v0, v50;
	v57 =	vld.idx.msk [tilespmem:v56+s10+$0x0], $0xffff  }
0x110: {  	v58 =	vadd.bf16 v36, v35;
	v60 =	vadd.bf16 v43, v41;
	v16 =	vld.idx.msk [tilespmem:v16+s10+$0x0], $0xffff  }
0x111: {  	v61 =	vadd.bf16 v40, v38;
	v20 =	vld.idx.msk [tilespmem:v20+s10+$0x0], $0xffff;
	v15 =	vsub.bf16 v15, v39  }
0x112: {  	v59 =	vor.u32 v1, v50;
	v24 =	vld.idx.msk [tilespmem:v24+s10+$0x0], $0xffff;
	v23 =	vsub.bf16 v23, v44;
	v17 =	vsub.bf16 v17, v42  }
0x113: {  	v27 =	vld.idx.msk [tilespmem:v27+s10+$0x0], $0xffff;
	v12 =	vsub.bf16 v31, v12;
	v25 =	vsub.bf16 v25, v46  }
0x114: {  	s28 =	simm.s32 $0x15220;
	v30 =	vld.idx.msk [tilespmem:v30+s10+$0x0], $0xffff;
	v19 =	vsub.bf16 v60, v19;
	v14 =	vsub.bf16 v33, v14  }
0x115: {  	v47 =	vld [tilespmem:s28+$0xFFFFFFB0];
	v22 =	vsub.bf16 v62, v22;
	v15 =	vmul.bf16 v15, v15;
	v23 =	vmul.bf16 v23, v23  }
0x116: {  	v53 =	vld [tilespmem:s28+$0xFFFFFF40];
	v17 =	vmul.bf16 v17, v17;
	v12 =	vmul.bf16 v12, v12;
	v11 =	vsub.bf16 v11, v28  }
0x117: {  	v31 =	vld.idx.msk [tilespmem:v59+s10+$0x0], $0xffff;
	v25 =	vmul.bf16 v25, v25;
	v16 =	vsub.bf16 v18, v16;
	v13 =	vsub.bf16 v13, v57  }
0x118: {  	v55 =	vld [tilespmem:s28+$0xFFFFFF90];
	v14 =	vmul.bf16 v14, v14;
	v20 =	vsub.bf16 v21, v20;
	v24 =	vsub.bf16 v26, v24  }
0x119: {  	v32 =	vld [tilespmem:s29+$0x0];
	v19 =	vmul.bf16 v19, v19;
	v26 =	vsub.bf16 v29, v27;
	v27 =	vsub.bf16 v58, v30  }
0x11a: {  	v45 =	vld [tilespmem:s28+$0xFFFFFF60];
	v22 =	vmul.bf16 v22, v22;
	v15 =	vadd.bf16 v17, v15;
	v12 =	vadd.bf16 v14, v12  }
0x11b: {  	v35 =	vld [tilespmem:s28+$0xFFFFFF70];
	v14 =	vadd.bf16 v25, v23;
	v11 =	vmul.bf16 v11, v11;
	v16 =	vmul.bf16 v16, v16  }
0x11c: {  	v36 =	vld [tilespmem:s29+$0xFFFFFF70];
	v28 =	vsub.bf16 v61, v31;
	v13 =	vmul.bf16 v13, v13;
	v24 =	vmul.bf16 v24, v24  }
0x11d: {  	v37 =	vld [tilespmem:s28+$0xFFFFFF80];
	v19 =	vadd.bf16 v22, v19;
	v20 =	vmul.bf16 v20, v20;
	v17 =	vmul.bf16 v26, v26  }
0x11e: {  	v63 =	vld [tilespmem:s29+$0xFFFFFF80];
	v23 =	vmul.bf16 v27, v27;
	v22 =	vmul.bf16 v28, v28;
	v11 =	vadd.bf16 v13, v11  }
0x11f: {  	v40 =	vld [tilespmem:s29+$0xFFFFFFD0];
	v13 =	vadd.bf16 v17, v24;
	v16 =	vadd.bf16 v20, v16;
	v24 =	vunpack.i.u.bf16.f32 v12  }
0x120: {  	v41 =	vld [tilespmem:s28+$0xFFFFFFE0];
	v20 =	vadd.bf16 v22, v23;
	v22 =	vunpack.i.u.bf16.f32 v19;
	v19 =	vunpack.i.l.bf16.f32 v19  }
0x121: {  	v43 =	vld [tilespmem:s28+$0xFFFFFF50];
	v12 =	vunpack.i.l.bf16.f32 v12;
	v19 =	vadd.f32 $0.0e+00, v19;
	v22 =	vadd.f32 $0.0e+00, v22  }
0x122: {  	v49 =	vld [tilespmem:s28+$0xFFFFFFC0];
	v23 =	vunpack.i.u.bf16.f32 v14;
	v14 =	vunpack.i.l.bf16.f32 v14;
	v25 =	vunpack.i.u.bf16.f32 v20  }
0x123: {  	v50 =	vld [tilespmem:s29+$0xFFFFFFC0];
	v20 =	vunpack.i.l.bf16.f32 v20;
	v12 =	vadd.f32 v12, v19;
	v19 =	vadd.f32 v24, v22  }
0x124: {  	v56 =	vld [tilespmem:s29+$0xFFFFFF90];
	v20 =	vadd.f32 $0.0e+00, v20;
	v22 =	vadd.f32 $0.0e+00, v25;
	v24 =	vunpack.i.u.bf16.f32 v13  }
0x125: {  	v33 =	vld [tilespmem:s28+$0xFFFFFFF0];
	v13 =	vunpack.i.l.bf16.f32 v13;
	v12 =	vadd.f32 v14, v12;
	v14 =	vadd.f32 v23, v19  }
0x126: {  	v39 =	vld [tilespmem:s28+$0xFFFFFFD0];
	v19 =	vunpack.i.l.bf16.f32 v15;
	v13 =	vadd.f32 v13, v20;
	v20 =	vadd.f32 v24, v22  }
0x127: {  	v44 =	vld [tilespmem:s29+$0xFFFFFF50];
	v22 =	vunpack.i.u.bf16.f32 v16;
	v16 =	vunpack.i.l.bf16.f32 v16;
	v12 =	vadd.f32 v19, v12  }
0x128: {  	v46 =	vld [tilespmem:s29+$0xFFFFFF60];
	v15 =	vunpack.i.u.bf16.f32 v15;
	v13 =	vadd.f32 v16, v13;
	v16 =	vadd.f32 v22, v20  }
0x129: {  	v60 =	vld [tilespmem:s28+$0xFFFFFF30];
	v14 =	vadd.f32 v15, v14;
	v15 =	vunpack.i.u.bf16.f32 v11;
	v11 =	vunpack.i.l.bf16.f32 v11  }
0x12a: {  	s0 =	simm.s32 $0x2;
	v18 =	vld [tilespmem:s29+$0xFFFFFFF0];
	v11 =	vadd.f32 v11, v13;
	v13 =	vadd.f32 v15, v16  }
0x12b: {  	v21 =	vld [tilespmem:s28+$0x0];
	v14 =	vadd.f32 v12, v14;
	v12 =	vmov s0  }
0x12c: {  	v61 =	vld [tilespmem:s29+$0xFFFFFF30];
	v15 =	vperm.xlane v10, v12;
	v11 =	vadd.f32 v11, v13  }
0x12d: {  	v26 =	vld [tilespmem:s29+$0xFFFFFF10];
	(xrf2) =	vadd.scan.msk.f32 $0xffff, v14  }
0x12e: {  	v27 =	vld [tilespmem:s29+$0xFFFFFF20];
	v14 =	vshll.u32 v15, $0x7;
	(xrf2) =	vadd.scan.msk.f32 $0xffff, v11  }
0x12f: {  	v17 =	vld [tilespmem:s29+$0xFFFFFFE0];
	v11 =	vor.u32 v6, v14  }
0x130: {  	v25 =	vld [tilespmem:s28+$0xFFFFFF20];
	v15 =	vor.u32 v7, v14  }
0x131: {  	v23 =	vld [tilespmem:s29+$0xFFFFFFA0];
	v16 =	vor.u32 v4, v14  }
0x132: {  	v24 =	vld [tilespmem:s28+$0xFFFFFF10];
	s0 =	simm.s32 $0x3;
	v20 =	vor.u32 v5, v14  }
0x133: {  	v19 =	vld [tilespmem:s28+$0xFFFFFFA0];
	v13 =	vmov s0;
	v22 =	vor.u32 v2, v14  }
0x134: {  	v30 =	vperm.xlane v10, v13;
	v62 =	vor.u32 v3, v14;
	v28 =	vld.idx.msk [tilespmem:v11+s10+$0x0], $0xffff  }
0x135: {  	v35 =	vadd.bf16 v36, v35;
	v57 =	vor.u32 v0, v14;
	v29 =	vld.idx.msk [tilespmem:v15+s10+$0x0], $0xffff  }
0x136: {  	v36 =	vadd.bf16 v63, v37;
	v58 =	vor.u32 v1, v14;
	v34 =	vshll.u32 v30, $0x7;
	v31 =	vld.idx.msk [tilespmem:v16+s10+$0x0], $0xffff  }
0x137: {  	v14 =	vadd.bf16 v18, v33;
	v18 =	vadd.bf16 v50, v49;
	v59 =	vor.u32 v6, v34;
	v30 =	vld.idx.msk [tilespmem:v20+s10+$0x0], $0xffff;
	v16, _, _ =	vpop (xrf2)  }
0x138: {  	v63 =	vor.u32 v7, v34;
	v15 =	vadd.bf16 v32, v21;
	v32 =	vld.idx.msk [tilespmem:v22+s10+$0x0], $0xffff;
	(v2sf) =	vpush v16, $0xF;
	v16, _, _ =	vpop (xrf2)  }
0x139: {  	v42 =	vor.u32 v4, v34;
	v11 =	vimm.f32 $0.0e+00;
	v33 =	vld.idx.msk [tilespmem:v62+s10+$0x0], $0xffff;
	(v2sf) =	vpush v16, $0xF  }
0x13a: {  	v20 =	vadd.bf16 v40, v39;
	v22 =	vld.idx.msk [tilespmem:v57+s10+$0x0], $0xffff;
	v40 =	vadd.bf16 v44, v43;
	v43 =	vor.u32 v5, v34  }
0x13b: {  	v37 =	vld.idx.msk [tilespmem:v58+s10+$0x0], $0xffff;
	v44 =	vor.u32 v2, v34;
	v21 =	vadd.bf16 v56, v55;
	v16 =	vadd.bf16 v17, v41  }
0x13c: {  	v39 =	vld.idx.msk [tilespmem:v59+s10+$0x0], $0xffff;
	v41 =	vadd.bf16 v46, v45;
	v17 =	vadd.bf16 v48, v47;
	v45 =	vor.u32 v3, v34  }
0x13d: {  	s30 =	sadd.s32 $0x10, s25;
	s31 =	simm.s32 $0x4;
	v38 =	vld.idx.msk [tilespmem:v63+s10+$0x0], $0xffff;
	v46 =	vadd.bf16 v61, v60;
	v47 =	vadd.bf16 v54, v53;
	v48 =	vor.u32 v0, v34  }
.LBB2_5:
0x13e: {  	p0 =	slt.u32 s31, $0xE;
	v24 =	vadd.bf16 v26, v24;
	v26 =	vor.u32 v1, v34;
	v19 =	vadd.bf16 v23, v19;
	v23 =	vld.idx.msk [tilespmem:v42+s10+$0x0], $0xffff  }
0x13f: {  	v25 =	vadd.bf16 v27, v25;
	v27 =	vsub.bf16 v35, v28;
	v28 =	vld.idx.msk [tilespmem:v43+s10+$0x0], $0xffff  }
0x140: {  	v31 =	vsub.bf16 v40, v31;
	v29 =	vsub.bf16 v36, v29;
	v34 =	vld.idx.msk [tilespmem:v44+s10+$0x0], $0xffff  }
0x141: {  	v32 =	vsub.bf16 v46, v32;
	v30 =	vsub.bf16 v41, v30;
	v35 =	vld.idx.msk [tilespmem:v45+s10+$0x0], $0xffff  }
0x142: {  	vm0 =	veq.s32 v8, v0;
	v22 =	vsub.bf16 v24, v22;
	v24 =	vsub.bf16 v47, v33;
	v33 =	vld.idx.msk [tilespmem:v48+s10+$0x0], $0xffff  }
0x143: {  	s28 =	sadd.s32 $0x100, s28;
	vm1 =	veq.s32 v9, v0;
	v25 =	vsub.bf16 v25, v37;
	v36 =	vsub.bf16 v14, v39;
	v26 =	vld.idx.msk [tilespmem:v26+s10+$0x0], $0xffff  }
0x144: {  	s29 =	sadd.s32 $0x100, s29;
	v8 =	vmovc v12;
	v27 =	vmul.bf16 v27, v27;
	v37 =	vsub.bf16 v15, v38;
	v23 =	vsub.bf16 v20, v23;
	v14 =	vld [tilespmem:s28+$0xFFFFFFF0]  }
0x145: {  	v9 =	vmovc v13;
	v12 =	vmul.bf16 v31, v31;
	v29 =	vmul.bf16 v29, v29;
	v28 =	vsub.bf16 v16, v28;
	v15 =	vld [tilespmem:s29+$0xFFFFFFF0]  }
0x146: {  	v13 =	vmul.bf16 v32, v32;
	v30 =	vmul.bf16 v30, v30;
	v31 =	vsub.bf16 v17, v34;
	v16 =	vld [tilespmem:s28+$0x0]  }
0x147: {  	v32 =	vmul.bf16 v22, v22;
	v24 =	vmul.bf16 v24, v24;
	v22 =	vsub.bf16 v18, v35;
	v17 =	vld [tilespmem:s29+$0x0];
	s1 =	spop (v2sf)  }
0x148: {  	v25 =	vmul.bf16 v25, v25;
	v34 =	vmul.bf16 v36, v36;
	v33 =	vsub.bf16 v21, v33;
	v18 =	vld [tilespmem:s28+$0xFFFFFF70];
	s1 =	ssub.f32 $0.0e+00, s1;
	s0 =	spop (v2sf)  }
0x149: {  	v23 =	vmul.bf16 v23, v23;
	v19 =	vsub.bf16 v19, v26;
	v26 =	vmul.bf16 v37, v37;
	v20 =	vld [tilespmem:s29+$0xFFFFFF70];
	s0 =	ssub.f32 $0.0e+00, s0  }
0x14a: {  	v28 =	vmul.bf16 v28, v28;
	v31 =	vmul.bf16 v31, v31;
	v21 =	vld [tilespmem:s28+$0xFFFFFF80];
	v11 =	vsel vm0, s1, v11  }
0x14b: {  	v27 =	vadd.bf16 v29, v27;
	v29 =	vmul.bf16 v22, v22;
	v36 =	vld [tilespmem:s29+$0xFFFFFF80];
	v11 =	vsel vm1, s0, v11  }
0x14c: {  	v12 =	vadd.bf16 v30, v12;
	v13 =	vadd.bf16 v24, v13;
	v24 =	vmul.bf16 v33, v33;
	v22 =	vld [tilespmem:s28+$0xFFFFFFD0]  }
0x14d: {  	v25 =	vadd.bf16 v25, v32;
	v19 =	vmul.bf16 v19, v19;
	v26 =	vadd.bf16 v26, v34;
	v37 =	vld [tilespmem:s29+$0xFFFFFFD0]  }
0x14e: {  	v23 =	vadd.bf16 v28, v23;
	v29 =	vadd.bf16 v29, v31;
	v38 =	vld [tilespmem:s28+$0xFFFFFFE0]  }
0x14f: {  	v28 =	vunpack.i.u.bf16.f32 v27;
	v27 =	vunpack.i.l.bf16.f32 v27;
	v19 =	vadd.bf16 v19, v24;
	v39 =	vld [tilespmem:s29+$0xFFFFFFE0]  }
0x150: {  	v30 =	vunpack.i.u.bf16.f32 v12;
	v24 =	vunpack.i.u.bf16.f32 v25;
	v25 =	vunpack.i.l.bf16.f32 v25;
	v40 =	vld [tilespmem:s28+$0xFFFFFF50]  }
0x151: {  	v12 =	vunpack.i.l.bf16.f32 v12;
	v25 =	vadd.f32 $0.0e+00, v25;
	v24 =	vadd.f32 $0.0e+00, v24;
	v41 =	vld [tilespmem:s29+$0xFFFFFF50]  }
0x152: {  	v31 =	vunpack.i.u.bf16.f32 v13;
	v13 =	vunpack.i.l.bf16.f32 v13;
	v32 =	vunpack.i.u.bf16.f32 v19;
	v44 =	vld [tilespmem:s28+$0xFFFFFF60]  }
0x153: {  	v19 =	vunpack.i.l.bf16.f32 v19;
	v13 =	vadd.f32 v13, v25;
	v24 =	vadd.f32 v31, v24;
	v45 =	vld [tilespmem:s29+$0xFFFFFF60]  }
0x154: {  	v19 =	vadd.f32 $0.0e+00, v19;
	v25 =	vadd.f32 $0.0e+00, v32;
	v31 =	vunpack.i.u.bf16.f32 v29;
	v46 =	vld [tilespmem:s28+$0xFFFFFFB0]  }
0x155: {  	v12 =	vadd.f32 v12, v13;
	v13 =	vadd.f32 v30, v24;
	v24 =	vunpack.i.l.bf16.f32 v29;
	v47 =	vld [tilespmem:s29+$0xFFFFFFB0]  }
0x156: {  	v19 =	vadd.f32 v24, v19;
	v24 =	vadd.f32 v31, v25;
	v25 =	vunpack.i.u.bf16.f32 v23;
	v48 =	vld [tilespmem:s28+$0xFFFFFFC0]  }
0x157: {  	v23 =	vunpack.i.l.bf16.f32 v23;
	v12 =	vadd.f32 v27, v12;
	v13 =	vadd.f32 v28, v13;
	v49 =	vld [tilespmem:s29+$0xFFFFFFC0]  }
0x158: {  	v19 =	vadd.f32 v23, v19;
	v23 =	vadd.f32 v25, v24;
	v50 =	vld [tilespmem:s28+$0xFFFFFF30]  }
0x159: {  	v24 =	vunpack.i.l.bf16.f32 v26;
	v13 =	vadd.f32 v12, v13;
	v12 =	vunpack.i.u.bf16.f32 v26;
	v51 =	vld [tilespmem:s29+$0xFFFFFF30]  }
0x15a: {  	v19 =	vadd.f32 v24, v19;
	v23 =	vadd.f32 v12, v23;
	v52 =	vld [tilespmem:s28+$0xFFFFFF40]  }
0x15b: {  	v12 =	vmov s31;
	v53 =	vld [tilespmem:s29+$0xFFFFFF40];
	(xrf2) =	vadd.scan.msk.f32 $0xffff, v13  }
0x15c: {  	v23 =	vadd.f32 v19, v23;
	v13 =	vperm.xlane v10, v12;
	v54 =	vld [tilespmem:s28+$0xFFFFFF90]  }
0x15d: {  	v55 =	vld [tilespmem:s29+$0xFFFFFF90]  }
0x15e: {  	v30 =	vshll.u32 v13, $0x7;
	v19 =	vld [tilespmem:s28+$0xFFFFFFA0];
	(xrf2) =	vadd.scan.msk.f32 $0xffff, v23  }
0x15f: {  	v28 =	vor.u32 v6, v30;
	v23 =	vld [tilespmem:s29+$0xFFFFFFA0]  }
0x160: {  	v29 =	vor.u32 v7, v30;
	v24 =	vld [tilespmem:s28+$0xFFFFFF10]  }
0x161: {  	v31 =	vor.u32 v4, v30;
	v26 =	vld [tilespmem:s29+$0xFFFFFF10]  }
0x162: {  	s0 =	sadd.s32 $0x1, s31;
	v32 =	vor.u32 v5, v30;
	v25 =	vld [tilespmem:s28+$0xFFFFFF20]  }
0x163: {  	v13 =	vmov s0;
	v33 =	vor.u32 v2, v30;
	v27 =	vld [tilespmem:s29+$0xFFFFFF20]  }
0x164: {  	v42 =	vor.u32 v3, v30;
	v34 =	vperm.xlane v10, v13;
	v28 =	vld.idx.msk [tilespmem:v28+s10+$0x0], $0xffff  }
0x165: {  	v43 =	vor.u32 v0, v30;
	v29 =	vld.idx.msk [tilespmem:v29+s10+$0x0], $0xffff;
	v56, _, _ =	vpop (xrf2)  }
0x166: {  	v14 =	vadd.bf16 v15, v14;
	v57 =	vor.u32 v1, v30;
	v34 =	vshll.u32 v34, $0x7;
	v31 =	vld.idx.msk [tilespmem:v31+s10+$0x0], $0xffff  }
0x167: {  	v15 =	vadd.bf16 v17, v16;
	v35 =	vadd.bf16 v20, v18;
	v58 =	vor.u32 v6, v34;
	v30 =	vld.idx.msk [tilespmem:v32+s10+$0x0], $0xffff  }
0x168: {  	v36 =	vadd.bf16 v36, v21;
	v59 =	vor.u32 v7, v34;
	v32 =	vld.idx.msk [tilespmem:v33+s10+$0x0], $0xffff;
	(v2sf) =	vpush v56, $0xF;
	v16, _, _ =	vpop (xrf2)  }
.Ltmp1:
0x169: {  	v20 =	vadd.bf16 v37, v22;
	v33 =	vld.idx.msk [tilespmem:v42+s10+$0x0], $0xffff;
	v42 =	vor.u32 v4, v34;
	(v2sf) =	vpush v16, $0xF;
	(pc) =	sbr.rel @p0 .LBB2_5-.Ltmp1, $4  }
0x16a: {  	v40 =	vadd.bf16 v41, v40;
	v16 =	vadd.bf16 v39, v38;
	v22 =	vld.idx.msk [tilespmem:v43+s10+$0x0], $0xffff;
	v43 =	vor.u32 v5, v34  }
0x16b: {  	v41 =	vadd.bf16 v45, v44;
	v17 =	vadd.bf16 v47, v46;
	v44 =	vor.u32 v2, v34;
	v37 =	vld.idx.msk [tilespmem:v57+s10+$0x0], $0xffff  }
0x16c: {  	v18 =	vadd.bf16 v49, v48;
	v46 =	vadd.bf16 v51, v50;
	v45 =	vor.u32 v3, v34;
	v39 =	vld.idx.msk [tilespmem:v58+s10+$0x0], $0xffff  }
0x16d: {  	s31 =	sadd.s32 $0x2, s31;
	v47 =	vadd.bf16 v53, v52;
	v48 =	vor.u32 v0, v34;
	v21 =	vadd.bf16 v55, v54;
	v38 =	vld.idx.msk [tilespmem:v59+s10+$0x0], $0xffff  }
0x16e: {  	_ =	sdelay $0x2  }
0x16f: {  	v10 =	vadd.bf16 v26, v24;
	v19 =	vadd.bf16 v23, v19  }
0x170: {  	v24 =	vld.idx.msk [tilespmem:v42+s10+$0x0], $0xffff;
	v25 =	vadd.bf16 v27, v25;
	v26 =	vsub.bf16 v35, v28  }
0x171: {  	v27 =	vld.idx.msk [tilespmem:v43+s10+$0x0], $0xffff;
	v28 =	vsub.bf16 v40, v31;
	v29 =	vsub.bf16 v36, v29  }
0x172: {  	v23 =	vor.u32 v1, v34;
	v31 =	vld.idx.msk [tilespmem:v44+s10+$0x0], $0xffff;
	v32 =	vsub.bf16 v46, v32;
	v10 =	vsub.bf16 v10, v22  }
0x173: {  	v55 =	vld.idx.msk [tilespmem:v45+s10+$0x0], $0xffff;
	v22 =	vsub.bf16 v47, v33;
	v25 =	vsub.bf16 v25, v37  }
0x174: {  	v30 =	vsub.bf16 v41, v30;
	v56 =	vld.idx.msk [tilespmem:v48+s10+$0x0], $0xffff;
	v14 =	vsub.bf16 v14, v39;
	v10 =	vmul.bf16 v10, v10  }
0x175: {  	v15 =	vsub.bf16 v15, v38;
	v22 =	vmul.bf16 v22, v22;
	v25 =	vmul.bf16 v25, v25  }
0x176: {  	v20 =	vsub.bf16 v20, v24;
	v24 =	vmul.bf16 v28, v28;
	v28 =	vmul.bf16 v29, v29  }
0x177: {  	v23 =	vld.idx.msk [tilespmem:v23+s10+$0x0], $0xffff;
	v16 =	vsub.bf16 v16, v27;
	v27 =	vmul.bf16 v32, v32;
	v29 =	vmul.bf16 v30, v30  }
0x178: {  	v17 =	vsub.bf16 v17, v31;
	v18 =	vsub.bf16 v18, v55;
	v14 =	vmul.bf16 v14, v14  }
0x179: {  	v21 =	vsub.bf16 v21, v56;
	v15 =	vmul.bf16 v15, v15;
	v20 =	vmul.bf16 v20, v20  }
0x17a: {  	v10 =	vadd.bf16 v25, v10;
	v17 =	vmul.bf16 v17, v17;
	v16 =	vmul.bf16 v16, v16  }
0x17b: {  	v18 =	vmul.bf16 v18, v18;
	v22 =	vadd.bf16 v22, v27;
	v24 =	vadd.bf16 v29, v24  }
0x17c: {  	v26 =	vmul.bf16 v26, v26;
	v14 =	vadd.bf16 v15, v14;
	v19 =	vsub.bf16 v19, v23  }
0x17d: {  	v21 =	vmul.bf16 v21, v21;
	v15 =	vadd.bf16 v18, v17;
	v16 =	vadd.bf16 v16, v20  }
0x17e: {  	v18 =	vunpack.i.u.bf16.f32 v10;
	v10 =	vunpack.i.l.bf16.f32 v10;
	v19 =	vmul.bf16 v19, v19  }
0x17f: {  	v20 =	vunpack.i.l.bf16.f32 v24;
	v10 =	vadd.f32 $0.0e+00, v10;
	v18 =	vadd.f32 $0.0e+00, v18  }
0x180: {  	v17 =	vadd.bf16 v19, v21;
	v21 =	vunpack.i.u.bf16.f32 v22;
	v22 =	vunpack.i.l.bf16.f32 v22  }
0x181: {  	v23 =	vadd.bf16 v28, v26;
	v19 =	vunpack.i.u.bf16.f32 v24;
	v10 =	vadd.f32 v22, v10  }
0x182: {  	v18 =	vadd.f32 v21, v18;
	v24 =	vunpack.i.u.bf16.f32 v17;
	v17 =	vunpack.i.l.bf16.f32 v17  }
0x183: {  	v22 =	vunpack.i.u.bf16.f32 v15;
	v17 =	vadd.f32 $0.0e+00, v17;
	v21 =	vadd.f32 $0.0e+00, v24  }
0x184: {  	v15 =	vunpack.i.l.bf16.f32 v15;
	v10 =	vadd.f32 v20, v10;
	v18 =	vadd.f32 v19, v18  }
0x185: {  	v19 =	vunpack.i.l.bf16.f32 v23;
	v15 =	vadd.f32 v15, v17;
	v17 =	vadd.f32 v22, v21  }
0x186: {  	v20 =	vunpack.i.u.bf16.f32 v16;
	v16 =	vunpack.i.l.bf16.f32 v16;
	v10 =	vadd.f32 v19, v10  }
0x187: {  	v19 =	vunpack.i.u.bf16.f32 v23;
	v15 =	vadd.f32 v16, v15;
	v16 =	vadd.f32 v20, v17  }
0x188: {  	v17 =	vadd.f32 v19, v18;
	v18 =	vunpack.i.u.bf16.f32 v14;
	v14 =	vunpack.i.l.bf16.f32 v14  }
0x189: {  	v14 =	vadd.f32 v14, v15;
	v15 =	vadd.f32 v18, v16  }
0x18a: {  	v10 =	vadd.f32 v10, v17  }
0x18b: {  	v14 =	vadd.f32 v14, v15  }
0x18c: {  	(xrf2) =	vadd.scan.msk.f32 $0xffff, v10  }
0x18d: {  	(xrf2) =	vadd.scan.msk.f32 $0xffff, v14;
	_ =	sdelay $0x8  }
0x18e: {  	v10, _, _ =	vpop (xrf2)  }
0x18f: {  	(v2sf) =	vpush v10, $0xF;
	v10, _, _ =	vpop (xrf2)  }
0x190: {  	(v2sf) =	vpush v10, $0xF;
	_ =	sdelay $0xb  }
0x191: {  	s0 =	spop (v2sf)  }
0x192: {  	s1 =	spop (v2sf);
	s0 =	ssub.f32 $0.0e+00, s0  }
0x193: {  	vm0 =	veq.s32 v8, v0;
	s1 =	ssub.f32 $0.0e+00, s1;
	s28 =	spop (v2sf)  }
0x194: {  	vm1 =	veq.s32 v9, v0;
	v8 =	vsel vm0, s0, v11;
	s0 =	ssub.f32 $0.0e+00, s28;
	s28 =	spop (v2sf)  }
0x195: {  	vm14 =	veq.s32 v12, v0;
	v8 =	vsel vm1, s1, v8;
	s1 =	ssub.f32 $0.0e+00, s28  }
0x196: {  	vm15 =	veq.s32 v13, v0;
	v8 =	vsel vm14, s0, v8  }
0x197: {  	v8 =	vsel vm15, s1, v8  }
0x198: {  	[tilespmem:s30+$0x3AA8] =	vst v8  }
0x199: {  	s0 =	simm.s32 $0x15920;
	v10 =	vld [tilespmem:s25+$0x2730]  }
0x19a: {  	s1 =	simm.s32 $0x16D20;
	v11 =	vld [tilespmem:s0+$0xFFFFFFF0]  }
0x19b: {  	v12 =	vld [tilespmem:s1+$0xFFFFFFF0]  }
0x19c: {  	v13 =	vld [tilespmem:s0+$0x0]  }
0x19d: {  	v14 =	vld [tilespmem:s1+$0x0]  }
0x19e: {  	v15 =	vld [tilespmem:s0+$0xFFFFFF70]  }
0x19f: {  	v16 =	vld [tilespmem:s1+$0xFFFFFF70]  }
0x1a0: {  	v17 =	vld [tilespmem:s0+$0xFFFFFF80]  }
0x1a1: {  	v18 =	vld [tilespmem:s1+$0xFFFFFF80]  }
0x1a2: {  	v19 =	vld [tilespmem:s0+$0xFFFFFFD0]  }
0x1a3: {  	v20 =	vld [tilespmem:s1+$0xFFFFFFD0]  }
0x1a4: {  	v21 =	vld [tilespmem:s0+$0xFFFFFFE0]  }
0x1a5: {  	v22 =	vld [tilespmem:s1+$0xFFFFFFE0]  }
0x1a6: {  	v23 =	vld [tilespmem:s0+$0xFFFFFF50]  }
0x1a7: {  	v24 =	vld [tilespmem:s1+$0xFFFFFF50]  }
0x1a8: {  	v25 =	vld [tilespmem:s0+$0xFFFFFF60]  }
0x1a9: {  	v26 =	vld [tilespmem:s1+$0xFFFFFF60]  }
0x1aa: {  	v27 =	vld [tilespmem:s0+$0xFFFFFFB0]  }
0x1ab: {  	v28 =	vld [tilespmem:s1+$0xFFFFFFB0]  }
0x1ac: {  	v29 =	vld [tilespmem:s0+$0xFFFFFFC0]  }
0x1ad: {  	v30 =	vld [tilespmem:s1+$0xFFFFFFC0]  }
0x1ae: {  	v31 =	vld [tilespmem:s0+$0xFFFFFF30]  }
0x1af: {  	v32 =	vld [tilespmem:s1+$0xFFFFFF30]  }
0x1b0: {  	v33 =	vld [tilespmem:s0+$0xFFFFFF40]  }
0x1b1: {  	v34 =	vld [tilespmem:s1+$0xFFFFFF40]  }
0x1b2: {  	s28 =	simm.s32 $0x0;
	v35 =	vld [tilespmem:s0+$0xFFFFFF90]  }
0x1b3: {  	v8 =	vmov s28;
	v36 =	vld [tilespmem:s1+$0xFFFFFF90]  }
0x1b4: {  	v38 =	vld [tilespmem:s0+$0xFFFFFFA0];
	v9 =	vperm.xlane v10, v8  }
0x1b5: {  	v40 =	vld [tilespmem:s1+$0xFFFFFFA0]  }
0x1b6: {  	v41 =	vld [tilespmem:s0+$0xFFFFFF10];
	v57 =	vshll.u32 v9, $0x7  }
0x1b7: {  	v43 =	vld [tilespmem:s1+$0xFFFFFF10];
	v58 =	vor.u32 v6, v57  }
0x1b8: {  	v45 =	vld [tilespmem:s0+$0xFFFFFF20];
	v59 =	vor.u32 v7, v57  }
0x1b9: {  	s28 =	simm.s32 $0x15A20;
	v62 =	vld [tilespmem:s1+$0xFFFFFF20];
	v60 =	vor.u32 v4, v57  }
0x1ba: {  	s29 =	simm.s32 $0x16E20;
	s0 =	simm.s32 $0x1;
	v47 =	vld [tilespmem:s28+$0xFFFFFFB0];
	v61 =	vor.u32 v5, v57  }
0x1bb: {  	v48 =	vld [tilespmem:s29+$0xFFFFFFB0];
	v9 =	vmov s0;
	v63 =	vor.u32 v2, v57  }
0x1bc: {  	v49 =	vor.u32 v3, v57;
	v50 =	vperm.xlane v10, v9;
	v39 =	vld.idx.msk [tilespmem:v58+s10+$0x0], $0xffff  }
0x1bd: {  	v51 =	vor.u32 v0, v57;
	v42 =	vld.idx.msk [tilespmem:v59+s10+$0x0], $0xffff  }
0x1be: {  	v37 =	vor.u32 v1, v57;
	v50 =	vshll.u32 v50, $0x7;
	v44 =	vld.idx.msk [tilespmem:v60+s10+$0x0], $0xffff  }
0x1bf: {  	v11 =	vadd.bf16 v12, v11;
	v52 =	vor.u32 v6, v50;
	v46 =	vld.idx.msk [tilespmem:v61+s10+$0x0], $0xffff  }
0x1c0: {  	v15 =	vadd.bf16 v16, v15;
	v13 =	vadd.bf16 v14, v13;
	v56 =	vor.u32 v7, v50;
	v12 =	vld.idx.msk [tilespmem:v63+s10+$0x0], $0xffff  }
0x1c1: {  	v17 =	vadd.bf16 v18, v17;
	v18 =	vadd.bf16 v20, v19;
	v16 =	vor.u32 v4, v50;
	v14 =	vld.idx.msk [tilespmem:v49+s10+$0x0], $0xffff  }
0x1c2: {  	v23 =	vadd.bf16 v24, v23;
	v21 =	vadd.bf16 v22, v21;
	v20 =	vor.u32 v5, v50;
	v19 =	vld.idx.msk [tilespmem:v51+s10+$0x0], $0xffff  }
0x1c3: {  	v25 =	vadd.bf16 v26, v25;
	v26 =	vadd.bf16 v28, v27;
	v24 =	vor.u32 v2, v50;
	v22 =	vld.idx.msk [tilespmem:v37+s10+$0x0], $0xffff  }
0x1c4: {  	v31 =	vadd.bf16 v32, v31;
	v29 =	vadd.bf16 v30, v29;
	v27 =	vor.u32 v3, v50;
	v28 =	vld.idx.msk [tilespmem:v52+s10+$0x0], $0xffff  }
0x1c5: {  	v33 =	vadd.bf16 v34, v33;
	v62 =	vadd.bf16 v62, v45;
	v30 =	vor.u32 v0, v50;
	v57 =	vld.idx.msk [tilespmem:v56+s10+$0x0], $0xffff  }
0x1c6: {  	v58 =	vadd.bf16 v36, v35;
	v60 =	vadd.bf16 v43, v41;
	v16 =	vld.idx.msk [tilespmem:v16+s10+$0x0], $0xffff  }
0x1c7: {  	v61 =	vadd.bf16 v40, v38;
	v20 =	vld.idx.msk [tilespmem:v20+s10+$0x0], $0xffff;
	v15 =	vsub.bf16 v15, v39  }
0x1c8: {  	v59 =	vor.u32 v1, v50;
	v24 =	vld.idx.msk [tilespmem:v24+s10+$0x0], $0xffff;
	v23 =	vsub.bf16 v23, v44;
	v17 =	vsub.bf16 v17, v42  }
0x1c9: {  	v27 =	vld.idx.msk [tilespmem:v27+s10+$0x0], $0xffff;
	v12 =	vsub.bf16 v31, v12;
	v25 =	vsub.bf16 v25, v46  }
0x1ca: {  	v30 =	vld.idx.msk [tilespmem:v30+s10+$0x0], $0xffff;
	v19 =	vsub.bf16 v60, v19;
	v14 =	vsub.bf16 v33, v14  }
0x1cb: {  	v53 =	vld [tilespmem:s28+$0xFFFFFF40];
	v22 =	vsub.bf16 v62, v22;
	v15 =	vmul.bf16 v15, v15;
	v23 =	vmul.bf16 v23, v23  }
0x1cc: {  	v54 =	vld [tilespmem:s29+$0xFFFFFF40];
	v17 =	vmul.bf16 v17, v17;
	v12 =	vmul.bf16 v12, v12;
	v11 =	vsub.bf16 v11, v28  }
0x1cd: {  	v31 =	vld.idx.msk [tilespmem:v59+s10+$0x0], $0xffff;
	v25 =	vmul.bf16 v25, v25;
	v16 =	vsub.bf16 v18, v16;
	v13 =	vsub.bf16 v13, v57  }
0x1ce: {  	v55 =	vld [tilespmem:s28+$0xFFFFFF90];
	v14 =	vmul.bf16 v14, v14;
	v20 =	vsub.bf16 v21, v20;
	v24 =	vsub.bf16 v26, v24  }
0x1cf: {  	v32 =	vld [tilespmem:s29+$0x0];
	v19 =	vmul.bf16 v19, v19;
	v26 =	vsub.bf16 v29, v27;
	v27 =	vsub.bf16 v58, v30  }
0x1d0: {  	v45 =	vld [tilespmem:s28+$0xFFFFFF60];
	v22 =	vmul.bf16 v22, v22;
	v15 =	vadd.bf16 v17, v15;
	v12 =	vadd.bf16 v14, v12  }
0x1d1: {  	v35 =	vld [tilespmem:s28+$0xFFFFFF70];
	v14 =	vadd.bf16 v25, v23;
	v11 =	vmul.bf16 v11, v11;
	v16 =	vmul.bf16 v16, v16  }
0x1d2: {  	v36 =	vld [tilespmem:s29+$0xFFFFFF70];
	v28 =	vsub.bf16 v61, v31;
	v13 =	vmul.bf16 v13, v13;
	v24 =	vmul.bf16 v24, v24  }
0x1d3: {  	v37 =	vld [tilespmem:s28+$0xFFFFFF80];
	v19 =	vadd.bf16 v22, v19;
	v20 =	vmul.bf16 v20, v20;
	v17 =	vmul.bf16 v26, v26  }
0x1d4: {  	v63 =	vld [tilespmem:s29+$0xFFFFFF80];
	v23 =	vmul.bf16 v27, v27;
	v22 =	vmul.bf16 v28, v28;
	v11 =	vadd.bf16 v13, v11  }
0x1d5: {  	v40 =	vld [tilespmem:s29+$0xFFFFFFD0];
	v13 =	vadd.bf16 v17, v24;
	v16 =	vadd.bf16 v20, v16;
	v24 =	vunpack.i.u.bf16.f32 v12  }
0x1d6: {  	v41 =	vld [tilespmem:s28+$0xFFFFFFE0];
	v20 =	vadd.bf16 v22, v23;
	v22 =	vunpack.i.u.bf16.f32 v19;
	v19 =	vunpack.i.l.bf16.f32 v19  }
0x1d7: {  	v43 =	vld [tilespmem:s28+$0xFFFFFF50];
	v12 =	vunpack.i.l.bf16.f32 v12;
	v19 =	vadd.f32 $0.0e+00, v19;
	v22 =	vadd.f32 $0.0e+00, v22  }
0x1d8: {  	v49 =	vld [tilespmem:s28+$0xFFFFFFC0];
	v23 =	vunpack.i.u.bf16.f32 v14;
	v14 =	vunpack.i.l.bf16.f32 v14;
	v25 =	vunpack.i.u.bf16.f32 v20  }
0x1d9: {  	v50 =	vld [tilespmem:s29+$0xFFFFFFC0];
	v20 =	vunpack.i.l.bf16.f32 v20;
	v12 =	vadd.f32 v12, v19;
	v19 =	vadd.f32 v24, v22  }
0x1da: {  	v56 =	vld [tilespmem:s29+$0xFFFFFF90];
	v20 =	vadd.f32 $0.0e+00, v20;
	v22 =	vadd.f32 $0.0e+00, v25;
	v24 =	vunpack.i.u.bf16.f32 v13  }
0x1db: {  	v33 =	vld [tilespmem:s28+$0xFFFFFFF0];
	v13 =	vunpack.i.l.bf16.f32 v13;
	v12 =	vadd.f32 v14, v12;
	v14 =	vadd.f32 v23, v19  }
0x1dc: {  	v39 =	vld [tilespmem:s28+$0xFFFFFFD0];
	v19 =	vunpack.i.l.bf16.f32 v15;
	v13 =	vadd.f32 v13, v20;
	v20 =	vadd.f32 v24, v22  }
0x1dd: {  	v44 =	vld [tilespmem:s29+$0xFFFFFF50];
	v22 =	vunpack.i.u.bf16.f32 v16;
	v16 =	vunpack.i.l.bf16.f32 v16;
	v12 =	vadd.f32 v19, v12  }
0x1de: {  	v46 =	vld [tilespmem:s29+$0xFFFFFF60];
	v15 =	vunpack.i.u.bf16.f32 v15;
	v13 =	vadd.f32 v16, v13;
	v16 =	vadd.f32 v22, v20  }
0x1df: {  	v60 =	vld [tilespmem:s28+$0xFFFFFF30];
	v14 =	vadd.f32 v15, v14;
	v15 =	vunpack.i.u.bf16.f32 v11;
	v11 =	vunpack.i.l.bf16.f32 v11  }
0x1e0: {  	s1 =	simm.s32 $0x2;
	v18 =	vld [tilespmem:s29+$0xFFFFFFF0];
	v11 =	vadd.f32 v11, v13;
	v13 =	vadd.f32 v15, v16  }
0x1e1: {  	v21 =	vld [tilespmem:s28+$0x0];
	v14 =	vadd.f32 v12, v14;
	v12 =	vmov s1  }
0x1e2: {  	v61 =	vld [tilespmem:s29+$0xFFFFFF30];
	v15 =	vperm.xlane v10, v12;
	v11 =	vadd.f32 v11, v13  }
0x1e3: {  	v26 =	vld [tilespmem:s29+$0xFFFFFF10];
	(xrf2) =	vadd.scan.msk.f32 $0xffff, v14  }
0x1e4: {  	v27 =	vld [tilespmem:s29+$0xFFFFFF20];
	v14 =	vshll.u32 v15, $0x7;
	(xrf2) =	vadd.scan.msk.f32 $0xffff, v11  }
0x1e5: {  	v17 =	vld [tilespmem:s29+$0xFFFFFFE0];
	v11 =	vor.u32 v6, v14  }
0x1e6: {  	v25 =	vld [tilespmem:s28+$0xFFFFFF20];
	v15 =	vor.u32 v7, v14  }
0x1e7: {  	v23 =	vld [tilespmem:s29+$0xFFFFFFA0];
	v16 =	vor.u32 v4, v14  }
0x1e8: {  	v24 =	vld [tilespmem:s28+$0xFFFFFF10];
	s1 =	simm.s32 $0x3;
	v20 =	vor.u32 v5, v14  }
0x1e9: {  	v19 =	vld [tilespmem:s28+$0xFFFFFFA0];
	v13 =	vmov s1;
	v22 =	vor.u32 v2, v14  }
0x1ea: {  	v30 =	vperm.xlane v10, v13;
	v62 =	vor.u32 v3, v14;
	v28 =	vld.idx.msk [tilespmem:v11+s10+$0x0], $0xffff  }
0x1eb: {  	v35 =	vadd.bf16 v36, v35;
	v57 =	vor.u32 v0, v14;
	v29 =	vld.idx.msk [tilespmem:v15+s10+$0x0], $0xffff  }
0x1ec: {  	v36 =	vadd.bf16 v63, v37;
	v58 =	vor.u32 v1, v14;
	v34 =	vshll.u32 v30, $0x7;
	v31 =	vld.idx.msk [tilespmem:v16+s10+$0x0], $0xffff  }
0x1ed: {  	v14 =	vadd.bf16 v18, v33;
	v18 =	vadd.bf16 v50, v49;
	v59 =	vor.u32 v6, v34;
	v30 =	vld.idx.msk [tilespmem:v20+s10+$0x0], $0xffff;
	v16, _, _ =	vpop (xrf2)  }
0x1ee: {  	v63 =	vor.u32 v7, v34;
	v15 =	vadd.bf16 v32, v21;
	v32 =	vld.idx.msk [tilespmem:v22+s10+$0x0], $0xffff;
	(v2sf) =	vpush v16, $0xF;
	v16, _, _ =	vpop (xrf2)  }
0x1ef: {  	v42 =	vor.u32 v4, v34;
	v11 =	vimm.f32 $0.0e+00;
	v33 =	vld.idx.msk [tilespmem:v62+s10+$0x0], $0xffff;
	(v2sf) =	vpush v16, $0xF  }
0x1f0: {  	v20 =	vadd.bf16 v40, v39;
	v22 =	vld.idx.msk [tilespmem:v57+s10+$0x0], $0xffff;
	v40 =	vadd.bf16 v44, v43;
	v43 =	vor.u32 v5, v34  }
0x1f1: {  	v37 =	vld.idx.msk [tilespmem:v58+s10+$0x0], $0xffff;
	v44 =	vor.u32 v2, v34;
	v21 =	vadd.bf16 v56, v55;
	v16 =	vadd.bf16 v17, v41  }
0x1f2: {  	v39 =	vld.idx.msk [tilespmem:v59+s10+$0x0], $0xffff;
	v41 =	vadd.bf16 v46, v45;
	v17 =	vadd.bf16 v48, v47;
	v45 =	vor.u32 v3, v34  }
0x1f3: {  	s31 =	simm.s32 $0x4;
	s30 =	sadd.s32 $0x20, s25;
	v38 =	vld.idx.msk [tilespmem:v63+s10+$0x0], $0xffff;
	v46 =	vadd.bf16 v61, v60;
	v47 =	vadd.bf16 v54, v53;
	v48 =	vor.u32 v0, v34  }
.LBB2_7:
0x1f4: {  	p0 =	slt.u32 s31, $0x6;
	v24 =	vadd.bf16 v26, v24;
	v26 =	vor.u32 v1, v34;
	v19 =	vadd.bf16 v23, v19;
	v23 =	vld.idx.msk [tilespmem:v42+s10+$0x0], $0xffff  }
0x1f5: {  	v25 =	vadd.bf16 v27, v25;
	v27 =	vsub.bf16 v35, v28;
	v28 =	vld.idx.msk [tilespmem:v43+s10+$0x0], $0xffff  }
0x1f6: {  	v31 =	vsub.bf16 v40, v31;
	v29 =	vsub.bf16 v36, v29;
	v34 =	vld.idx.msk [tilespmem:v44+s10+$0x0], $0xffff  }
0x1f7: {  	v32 =	vsub.bf16 v46, v32;
	v30 =	vsub.bf16 v41, v30;
	v35 =	vld.idx.msk [tilespmem:v45+s10+$0x0], $0xffff  }
0x1f8: {  	vm0 =	veq.s32 v8, v0;
	v22 =	vsub.bf16 v24, v22;
	v24 =	vsub.bf16 v47, v33;
	v33 =	vld.idx.msk [tilespmem:v48+s10+$0x0], $0xffff  }
0x1f9: {  	s28 =	sadd.s32 $0x100, s28;
	vm1 =	veq.s32 v9, v0;
	v25 =	vsub.bf16 v25, v37;
	v36 =	vsub.bf16 v14, v39;
	v26 =	vld.idx.msk [tilespmem:v26+s10+$0x0], $0xffff  }
0x1fa: {  	s29 =	sadd.s32 $0x100, s29;
	v8 =	vmovc v12;
	v27 =	vmul.bf16 v27, v27;
	v37 =	vsub.bf16 v15, v38;
	v23 =	vsub.bf16 v20, v23;
	v14 =	vld [tilespmem:s28+$0xFFFFFFF0]  }
0x1fb: {  	v9 =	vmovc v13;
	v12 =	vmul.bf16 v31, v31;
	v29 =	vmul.bf16 v29, v29;
	v28 =	vsub.bf16 v16, v28;
	v15 =	vld [tilespmem:s29+$0xFFFFFFF0]  }
0x1fc: {  	v13 =	vmul.bf16 v32, v32;
	v30 =	vmul.bf16 v30, v30;
	v31 =	vsub.bf16 v17, v34;
	v16 =	vld [tilespmem:s28+$0x0]  }
0x1fd: {  	v32 =	vmul.bf16 v22, v22;
	v24 =	vmul.bf16 v24, v24;
	v22 =	vsub.bf16 v18, v35;
	v17 =	vld [tilespmem:s29+$0x0];
	s0 =	spop (v2sf)  }
0x1fe: {  	v25 =	vmul.bf16 v25, v25;
	v34 =	vmul.bf16 v36, v36;
	v33 =	vsub.bf16 v21, v33;
	v18 =	vld [tilespmem:s28+$0xFFFFFF70];
	s0 =	ssub.f32 $0.0e+00, s0;
	s1 =	spop (v2sf)  }
0x1ff: {  	v23 =	vmul.bf16 v23, v23;
	v19 =	vsub.bf16 v19, v26;
	v26 =	vmul.bf16 v37, v37;
	v20 =	vld [tilespmem:s29+$0xFFFFFF70];
	s1 =	ssub.f32 $0.0e+00, s1  }
0x200: {  	v28 =	vmul.bf16 v28, v28;
	v31 =	vmul.bf16 v31, v31;
	v21 =	vld [tilespmem:s28+$0xFFFFFF80];
	v11 =	vsel vm0, s0, v11  }
0x201: {  	v27 =	vadd.bf16 v29, v27;
	v29 =	vmul.bf16 v22, v22;
	v36 =	vld [tilespmem:s29+$0xFFFFFF80];
	v11 =	vsel vm1, s1, v11  }
0x202: {  	v12 =	vadd.bf16 v30, v12;
	v13 =	vadd.bf16 v24, v13;
	v24 =	vmul.bf16 v33, v33;
	v22 =	vld [tilespmem:s28+$0xFFFFFFD0]  }
0x203: {  	v25 =	vadd.bf16 v25, v32;
	v19 =	vmul.bf16 v19, v19;
	v26 =	vadd.bf16 v26, v34;
	v37 =	vld [tilespmem:s29+$0xFFFFFFD0]  }
0x204: {  	v23 =	vadd.bf16 v28, v23;
	v29 =	vadd.bf16 v29, v31;
	v38 =	vld [tilespmem:s28+$0xFFFFFFE0]  }
0x205: {  	v28 =	vunpack.i.u.bf16.f32 v27;
	v27 =	vunpack.i.l.bf16.f32 v27;
	v19 =	vadd.bf16 v19, v24;
	v39 =	vld [tilespmem:s29+$0xFFFFFFE0]  }
0x206: {  	v30 =	vunpack.i.u.bf16.f32 v12;
	v24 =	vunpack.i.u.bf16.f32 v25;
	v25 =	vunpack.i.l.bf16.f32 v25;
	v40 =	vld [tilespmem:s28+$0xFFFFFF50]  }
0x207: {  	v12 =	vunpack.i.l.bf16.f32 v12;
	v25 =	vadd.f32 $0.0e+00, v25;
	v24 =	vadd.f32 $0.0e+00, v24;
	v41 =	vld [tilespmem:s29+$0xFFFFFF50]  }
0x208: {  	v31 =	vunpack.i.u.bf16.f32 v13;
	v13 =	vunpack.i.l.bf16.f32 v13;
	v32 =	vunpack.i.u.bf16.f32 v19;
	v44 =	vld [tilespmem:s28+$0xFFFFFF60]  }
0x209: {  	v19 =	vunpack.i.l.bf16.f32 v19;
	v13 =	vadd.f32 v13, v25;
	v24 =	vadd.f32 v31, v24;
	v45 =	vld [tilespmem:s29+$0xFFFFFF60]  }
0x20a: {  	v19 =	vadd.f32 $0.0e+00, v19;
	v25 =	vadd.f32 $0.0e+00, v32;
	v31 =	vunpack.i.u.bf16.f32 v29;
	v46 =	vld [tilespmem:s28+$0xFFFFFFB0]  }
0x20b: {  	v12 =	vadd.f32 v12, v13;
	v13 =	vadd.f32 v30, v24;
	v24 =	vunpack.i.l.bf16.f32 v29;
	v47 =	vld [tilespmem:s29+$0xFFFFFFB0]  }
0x20c: {  	v19 =	vadd.f32 v24, v19;
	v24 =	vadd.f32 v31, v25;
	v25 =	vunpack.i.u.bf16.f32 v23;
	v48 =	vld [tilespmem:s28+$0xFFFFFFC0]  }
0x20d: {  	v23 =	vunpack.i.l.bf16.f32 v23;
	v12 =	vadd.f32 v27, v12;
	v13 =	vadd.f32 v28, v13;
	v49 =	vld [tilespmem:s29+$0xFFFFFFC0]  }
0x20e: {  	v19 =	vadd.f32 v23, v19;
	v23 =	vadd.f32 v25, v24;
	v50 =	vld [tilespmem:s28+$0xFFFFFF30]  }
0x20f: {  	v24 =	vunpack.i.l.bf16.f32 v26;
	v13 =	vadd.f32 v12, v13;
	v12 =	vunpack.i.u.bf16.f32 v26;
	v51 =	vld [tilespmem:s29+$0xFFFFFF30]  }
0x210: {  	v19 =	vadd.f32 v24, v19;
	v23 =	vadd.f32 v12, v23;
	v52 =	vld [tilespmem:s28+$0xFFFFFF40]  }
0x211: {  	v12 =	vmov s31;
	v53 =	vld [tilespmem:s29+$0xFFFFFF40];
	(xrf2) =	vadd.scan.msk.f32 $0xffff, v13  }
0x212: {  	v23 =	vadd.f32 v19, v23;
	v13 =	vperm.xlane v10, v12;
	v54 =	vld [tilespmem:s28+$0xFFFFFF90]  }
0x213: {  	v55 =	vld [tilespmem:s29+$0xFFFFFF90]  }
0x214: {  	v30 =	vshll.u32 v13, $0x7;
	v19 =	vld [tilespmem:s28+$0xFFFFFFA0];
	(xrf2) =	vadd.scan.msk.f32 $0xffff, v23  }
0x215: {  	v28 =	vor.u32 v6, v30;
	v23 =	vld [tilespmem:s29+$0xFFFFFFA0]  }
0x216: {  	v29 =	vor.u32 v7, v30;
	v24 =	vld [tilespmem:s28+$0xFFFFFF10]  }
0x217: {  	v31 =	vor.u32 v4, v30;
	v26 =	vld [tilespmem:s29+$0xFFFFFF10]  }
0x218: {  	s0 =	sadd.s32 $0x1, s31;
	v32 =	vor.u32 v5, v30;
	v25 =	vld [tilespmem:s28+$0xFFFFFF20]  }
0x219: {  	v13 =	vmov s0;
	v33 =	vor.u32 v2, v30;
	v27 =	vld [tilespmem:s29+$0xFFFFFF20]  }
0x21a: {  	v42 =	vor.u32 v3, v30;
	v34 =	vperm.xlane v10, v13;
	v28 =	vld.idx.msk [tilespmem:v28+s10+$0x0], $0xffff  }
0x21b: {  	v43 =	vor.u32 v0, v30;
	v29 =	vld.idx.msk [tilespmem:v29+s10+$0x0], $0xffff;
	v56, _, _ =	vpop (xrf2)  }
0x21c: {  	v14 =	vadd.bf16 v15, v14;
	v57 =	vor.u32 v1, v30;
	v34 =	vshll.u32 v34, $0x7;
	v31 =	vld.idx.msk [tilespmem:v31+s10+$0x0], $0xffff  }
0x21d: {  	v15 =	vadd.bf16 v17, v16;
	v35 =	vadd.bf16 v20, v18;
	v58 =	vor.u32 v6, v34;
	v30 =	vld.idx.msk [tilespmem:v32+s10+$0x0], $0xffff  }
0x21e: {  	v36 =	vadd.bf16 v36, v21;
	v59 =	vor.u32 v7, v34;
	v32 =	vld.idx.msk [tilespmem:v33+s10+$0x0], $0xffff;
	(v2sf) =	vpush v56, $0xF;
	v16, _, _ =	vpop (xrf2)  }
.Ltmp2:
0x21f: {  	v20 =	vadd.bf16 v37, v22;
	v33 =	vld.idx.msk [tilespmem:v42+s10+$0x0], $0xffff;
	v42 =	vor.u32 v4, v34;
	(v2sf) =	vpush v16, $0xF;
	(pc) =	sbr.rel @p0 .LBB2_7-.Ltmp2, $4  }
0x220: {  	v40 =	vadd.bf16 v41, v40;
	v16 =	vadd.bf16 v39, v38;
	v22 =	vld.idx.msk [tilespmem:v43+s10+$0x0], $0xffff;
	v43 =	vor.u32 v5, v34  }
0x221: {  	v41 =	vadd.bf16 v45, v44;
	v17 =	vadd.bf16 v47, v46;
	v44 =	vor.u32 v2, v34;
	v37 =	vld.idx.msk [tilespmem:v57+s10+$0x0], $0xffff  }
0x222: {  	v18 =	vadd.bf16 v49, v48;
	v46 =	vadd.bf16 v51, v50;
	v45 =	vor.u32 v3, v34;
	v39 =	vld.idx.msk [tilespmem:v58+s10+$0x0], $0xffff  }
0x223: {  	s31 =	sadd.s32 $0x2, s31;
	v47 =	vadd.bf16 v53, v52;
	v48 =	vor.u32 v0, v34;
	v21 =	vadd.bf16 v55, v54;
	v38 =	vld.idx.msk [tilespmem:v59+s10+$0x0], $0xffff  }
0x224: {  	_ =	sdelay $0x2  }
0x225: {  	v10 =	vadd.bf16 v26, v24;
	v19 =	vadd.bf16 v23, v19  }
0x226: {  	v24 =	vld.idx.msk [tilespmem:v42+s10+$0x0], $0xffff;
	v25 =	vadd.bf16 v27, v25;
	v26 =	vsub.bf16 v35, v28  }
0x227: {  	v27 =	vld.idx.msk [tilespmem:v43+s10+$0x0], $0xffff;
	v28 =	vsub.bf16 v40, v31;
	v29 =	vsub.bf16 v36, v29  }
0x228: {  	v23 =	vor.u32 v1, v34;
	v31 =	vld.idx.msk [tilespmem:v44+s10+$0x0], $0xffff;
	v32 =	vsub.bf16 v46, v32;
	v10 =	vsub.bf16 v10, v22  }
0x229: {  	v55 =	vld.idx.msk [tilespmem:v45+s10+$0x0], $0xffff;
	v22 =	vsub.bf16 v47, v33;
	v25 =	vsub.bf16 v25, v37  }
0x22a: {  	v30 =	vsub.bf16 v41, v30;
	v56 =	vld.idx.msk [tilespmem:v48+s10+$0x0], $0xffff;
	v14 =	vsub.bf16 v14, v39;
	v10 =	vmul.bf16 v10, v10  }
0x22b: {  	v15 =	vsub.bf16 v15, v38;
	v22 =	vmul.bf16 v22, v22;
	v25 =	vmul.bf16 v25, v25  }
0x22c: {  	v20 =	vsub.bf16 v20, v24;
	v24 =	vmul.bf16 v28, v28;
	v28 =	vmul.bf16 v29, v29  }
0x22d: {  	v23 =	vld.idx.msk [tilespmem:v23+s10+$0x0], $0xffff;
	v16 =	vsub.bf16 v16, v27;
	v27 =	vmul.bf16 v32, v32;
	v29 =	vmul.bf16 v30, v30  }
0x22e: {  	v17 =	vsub.bf16 v17, v31;
	v18 =	vsub.bf16 v18, v55;
	v14 =	vmul.bf16 v14, v14  }
0x22f: {  	v21 =	vsub.bf16 v21, v56;
	v15 =	vmul.bf16 v15, v15;
	v20 =	vmul.bf16 v20, v20  }
0x230: {  	v10 =	vadd.bf16 v25, v10;
	v17 =	vmul.bf16 v17, v17;
	v16 =	vmul.bf16 v16, v16  }
0x231: {  	v18 =	vmul.bf16 v18, v18;
	v22 =	vadd.bf16 v22, v27;
	v24 =	vadd.bf16 v29, v24  }
0x232: {  	v26 =	vmul.bf16 v26, v26;
	v14 =	vadd.bf16 v15, v14;
	v19 =	vsub.bf16 v19, v23  }
0x233: {  	v21 =	vmul.bf16 v21, v21;
	v15 =	vadd.bf16 v18, v17;
	v16 =	vadd.bf16 v16, v20  }
0x234: {  	v18 =	vunpack.i.u.bf16.f32 v10;
	v10 =	vunpack.i.l.bf16.f32 v10;
	v19 =	vmul.bf16 v19, v19  }
0x235: {  	v20 =	vunpack.i.l.bf16.f32 v24;
	v10 =	vadd.f32 $0.0e+00, v10;
	v18 =	vadd.f32 $0.0e+00, v18  }
0x236: {  	v17 =	vadd.bf16 v19, v21;
	v21 =	vunpack.i.u.bf16.f32 v22;
	v22 =	vunpack.i.l.bf16.f32 v22  }
0x237: {  	v23 =	vadd.bf16 v28, v26;
	v19 =	vunpack.i.u.bf16.f32 v24;
	v10 =	vadd.f32 v22, v10  }
0x238: {  	v18 =	vadd.f32 v21, v18;
	v24 =	vunpack.i.u.bf16.f32 v17;
	v17 =	vunpack.i.l.bf16.f32 v17  }
0x239: {  	v22 =	vunpack.i.u.bf16.f32 v15;
	v17 =	vadd.f32 $0.0e+00, v17;
	v21 =	vadd.f32 $0.0e+00, v24  }
0x23a: {  	v15 =	vunpack.i.l.bf16.f32 v15;
	v10 =	vadd.f32 v20, v10;
	v18 =	vadd.f32 v19, v18  }
0x23b: {  	v19 =	vunpack.i.l.bf16.f32 v23;
	v15 =	vadd.f32 v15, v17;
	v17 =	vadd.f32 v22, v21  }
0x23c: {  	v20 =	vunpack.i.u.bf16.f32 v16;
	v16 =	vunpack.i.l.bf16.f32 v16;
	v10 =	vadd.f32 v19, v10  }
0x23d: {  	v19 =	vunpack.i.u.bf16.f32 v23;
	v15 =	vadd.f32 v16, v15;
	v16 =	vadd.f32 v20, v17  }
0x23e: {  	v17 =	vadd.f32 v19, v18;
	v18 =	vunpack.i.u.bf16.f32 v14;
	v14 =	vunpack.i.l.bf16.f32 v14  }
0x23f: {  	v14 =	vadd.f32 v14, v15;
	v15 =	vadd.f32 v18, v16  }
0x240: {  	v10 =	vadd.f32 v10, v17  }
0x241: {  	v14 =	vadd.f32 v14, v15  }
0x242: {  	(xrf2) =	vadd.scan.msk.f32 $0xffff, v10  }
0x243: {  	(xrf2) =	vadd.scan.msk.f32 $0xffff, v14;
	_ =	sdelay $0x8  }
0x244: {  	v10, _, _ =	vpop (xrf2)  }
0x245: {  	(v2sf) =	vpush v10, $0xF;
	v10, _, _ =	vpop (xrf2)  }
0x246: {  	(v2sf) =	vpush v10, $0xF;
	_ =	sdelay $0xb  }
0x247: {  	s0 =	spop (v2sf)  }
0x248: {  	s1 =	spop (v2sf);
	s0 =	ssub.f32 $0.0e+00, s0  }
0x249: {  	vm0 =	veq.s32 v8, v0;
	v8 =	vor.u32 s30, v0;
	s1 =	ssub.f32 $0.0e+00, s1;
	s28 =	spop (v2sf)  }
0x24a: {  	vm1 =	veq.s32 v9, v0;
	v9 =	vsel vm0, s0, v11;
	s0 =	ssub.f32 $0.0e+00, s28;
	s28 =	spop (v2sf)  }
0x24b: {  	vm14 =	veq.s32 v12, v0;
	v9 =	vsel vm1, s1, v9;
	s31 =	ssub.f32 $0.0e+00, s28  }
0x24c: {  	vm15 =	veq.s32 v13, v0;
	v9 =	vsel vm14, s0, v9  }
0x24d: {  	v9 =	vsel vm15, s31, v9  }
0x24e: {  	s31 =	sadd.s32 $0x50, s25;
	[tilespmem:v8+s21+$0x0] =	vst.idx.msk $0xff, v9  }
0x24f: {  	[tilespmem:s15], [sflag:$0x1] =	stream.indirect.gather [hbm4b:s3+s14], $0x80, s31, s14, $0xb8;
	[tilespmem:$0x19830] =	vst v63  }
0x250: {  	s1 =	sadd.s32 $0x13D8, s25  }
0x251: {  	[tilespmem:s16], [sflag:$0x1] =	stream.indirect.gather [hbm4b:s3+s14], $0x80, s1, s14, $0xb8;
	[tilespmem:$0x19830] =	vst v63  }
0x252: {  	_ =	swait.ge [sflag:s22], $0x1400  }
0x253: {  	[sflag:s22] =	ssyncset.done $0x0  }
0x254: {  	[sflag:s22] =	ssyncadd.s32 $0xFFFFEC00  }
0x255: {  	_ =	swait.ge [sflag:s22], $0x1400  }
0x256: {  	[sflag:s22] =	ssyncset.done $0x0  }
0x257: {  	[sflag:s22] =	ssyncadd.s32 $0xFFFFEC00  }
0x258: {  	s31 =	simm.s32 $0x170B0;
	v10 =	vld [tilespmem:s26+$0x2710]  }
0x259: {  	s1 =	simm.s32 $0x184B0;
	v11 =	vld [tilespmem:s31+$0x60]  }
0x25a: {  	v12 =	vld [tilespmem:s1+$0x60]  }
0x25b: {  	v13 =	vld [tilespmem:s31+$0x70]  }
0x25c: {  	v14 =	vld [tilespmem:s1+$0x70]  }
0x25d: {  	v15 =	vld [tilespmem:s31+$0xFFFFFFE0]  }
0x25e: {  	v16 =	vld [tilespmem:s1+$0xFFFFFFE0]  }
0x25f: {  	v17 =	vld [tilespmem:s31+$0xFFFFFFF0]  }
0x260: {  	v18 =	vld [tilespmem:s1+$0xFFFFFFF0]  }
0x261: {  	v19 =	vld [tilespmem:s31+$0x40]  }
0x262: {  	v20 =	vld [tilespmem:s1+$0x40]  }
0x263: {  	v21 =	vld [tilespmem:s31+$0x50]  }
0x264: {  	v22 =	vld [tilespmem:s1+$0x50]  }
0x265: {  	v23 =	vld [tilespmem:s31+$0xFFFFFFC0]  }
0x266: {  	v24 =	vld [tilespmem:s1+$0xFFFFFFC0]  }
0x267: {  	v25 =	vld [tilespmem:s31+$0xFFFFFFD0]  }
0x268: {  	v26 =	vld [tilespmem:s1+$0xFFFFFFD0]  }
0x269: {  	v27 =	vld [tilespmem:s31+$0x20]  }
0x26a: {  	v28 =	vld [tilespmem:s1+$0x20]  }
0x26b: {  	v29 =	vld [tilespmem:s31+$0x30]  }
0x26c: {  	v30 =	vld [tilespmem:s1+$0x30]  }
0x26d: {  	v31 =	vld [tilespmem:s31+$0xFFFFFFA0]  }
0x26e: {  	v32 =	vld [tilespmem:s1+$0xFFFFFFA0]  }
0x26f: {  	v33 =	vld [tilespmem:s31+$0xFFFFFFB0]  }
0x270: {  	v34 =	vld [tilespmem:s1+$0xFFFFFFB0]  }
0x271: {  	s28 =	simm.s32 $0x0;
	v35 =	vld [tilespmem:s31+$0x0]  }
0x272: {  	v8 =	vmov s28;
	v36 =	vld [tilespmem:s1+$0x0]  }
0x273: {  	v38 =	vld [tilespmem:s31+$0x10];
	v9 =	vperm.xlane v10, v8  }
0x274: {  	v40 =	vld [tilespmem:s1+$0x10]  }
0x275: {  	v41 =	vld [tilespmem:s31+$0xFFFFFF80];
	v57 =	vshll.u32 v9, $0x7  }
0x276: {  	v43 =	vld [tilespmem:s1+$0xFFFFFF80];
	v58 =	vor.u32 v6, v57  }
0x277: {  	v45 =	vld [tilespmem:s31+$0xFFFFFF90];
	v59 =	vor.u32 v7, v57  }
0x278: {  	s28 =	simm.s32 $0x171B0;
	v62 =	vld [tilespmem:s1+$0xFFFFFF90];
	v60 =	vor.u32 v4, v57  }
0x279: {  	s29 =	simm.s32 $0x185B0;
	s31 =	simm.s32 $0x1;
	v47 =	vld [tilespmem:s28+$0x20];
	v61 =	vor.u32 v5, v57  }
0x27a: {  	v48 =	vld [tilespmem:s29+$0x20];
	v9 =	vmov s31;
	v63 =	vor.u32 v2, v57  }
0x27b: {  	v49 =	vor.u32 v3, v57;
	v50 =	vperm.xlane v10, v9;
	v39 =	vld.idx.msk [tilespmem:v58+s10+$0x0], $0xffff  }
0x27c: {  	v51 =	vor.u32 v0, v57;
	v42 =	vld.idx.msk [tilespmem:v59+s10+$0x0], $0xffff  }
0x27d: {  	v37 =	vor.u32 v1, v57;
	v50 =	vshll.u32 v50, $0x7;
	v44 =	vld.idx.msk [tilespmem:v60+s10+$0x0], $0xffff  }
0x27e: {  	v11 =	vadd.bf16 v12, v11;
	v52 =	vor.u32 v6, v50;
	v46 =	vld.idx.msk [tilespmem:v61+s10+$0x0], $0xffff  }
0x27f: {  	v15 =	vadd.bf16 v16, v15;
	v13 =	vadd.bf16 v14, v13;
	v56 =	vor.u32 v7, v50;
	v12 =	vld.idx.msk [tilespmem:v63+s10+$0x0], $0xffff  }
0x280: {  	v17 =	vadd.bf16 v18, v17;
	v18 =	vadd.bf16 v20, v19;
	v16 =	vor.u32 v4, v50;
	v14 =	vld.idx.msk [tilespmem:v49+s10+$0x0], $0xffff  }
0x281: {  	v23 =	vadd.bf16 v24, v23;
	v21 =	vadd.bf16 v22, v21;
	v20 =	vor.u32 v5, v50;
	v19 =	vld.idx.msk [tilespmem:v51+s10+$0x0], $0xffff  }
0x282: {  	v25 =	vadd.bf16 v26, v25;
	v26 =	vadd.bf16 v28, v27;
	v24 =	vor.u32 v2, v50;
	v22 =	vld.idx.msk [tilespmem:v37+s10+$0x0], $0xffff  }
0x283: {  	v31 =	vadd.bf16 v32, v31;
	v29 =	vadd.bf16 v30, v29;
	v27 =	vor.u32 v3, v50;
	v28 =	vld.idx.msk [tilespmem:v52+s10+$0x0], $0xffff  }
0x284: {  	v33 =	vadd.bf16 v34, v33;
	v62 =	vadd.bf16 v62, v45;
	v30 =	vor.u32 v0, v50;
	v57 =	vld.idx.msk [tilespmem:v56+s10+$0x0], $0xffff  }
0x285: {  	v58 =	vadd.bf16 v36, v35;
	v60 =	vadd.bf16 v43, v41;
	v16 =	vld.idx.msk [tilespmem:v16+s10+$0x0], $0xffff  }
0x286: {  	v61 =	vadd.bf16 v40, v38;
	v20 =	vld.idx.msk [tilespmem:v20+s10+$0x0], $0xffff;
	v15 =	vsub.bf16 v15, v39  }
0x287: {  	v59 =	vor.u32 v1, v50;
	v24 =	vld.idx.msk [tilespmem:v24+s10+$0x0], $0xffff;
	v23 =	vsub.bf16 v23, v44;
	v17 =	vsub.bf16 v17, v42  }
0x288: {  	v27 =	vld.idx.msk [tilespmem:v27+s10+$0x0], $0xffff;
	v12 =	vsub.bf16 v31, v12;
	v25 =	vsub.bf16 v25, v46  }
0x289: {  	v30 =	vld.idx.msk [tilespmem:v30+s10+$0x0], $0xffff;
	v19 =	vsub.bf16 v60, v19;
	v14 =	vsub.bf16 v33, v14  }
0x28a: {  	v53 =	vld [tilespmem:s28+$0xFFFFFFB0];
	v22 =	vsub.bf16 v62, v22;
	v15 =	vmul.bf16 v15, v15;
	v23 =	vmul.bf16 v23, v23  }
0x28b: {  	v54 =	vld [tilespmem:s29+$0xFFFFFFB0];
	v17 =	vmul.bf16 v17, v17;
	v12 =	vmul.bf16 v12, v12;
	v11 =	vsub.bf16 v11, v28  }
0x28c: {  	v31 =	vld.idx.msk [tilespmem:v59+s10+$0x0], $0xffff;
	v25 =	vmul.bf16 v25, v25;
	v16 =	vsub.bf16 v18, v16;
	v13 =	vsub.bf16 v13, v57  }
0x28d: {  	v55 =	vld [tilespmem:s28+$0x0];
	v14 =	vmul.bf16 v14, v14;
	v20 =	vsub.bf16 v21, v20;
	v24 =	vsub.bf16 v26, v24  }
0x28e: {  	v32 =	vld [tilespmem:s29+$0x70];
	v19 =	vmul.bf16 v19, v19;
	v26 =	vsub.bf16 v29, v27;
	v27 =	vsub.bf16 v58, v30  }
0x28f: {  	v45 =	vld [tilespmem:s28+$0xFFFFFFD0];
	v22 =	vmul.bf16 v22, v22;
	v15 =	vadd.bf16 v17, v15;
	v12 =	vadd.bf16 v14, v12  }
0x290: {  	v35 =	vld [tilespmem:s28+$0xFFFFFFE0];
	v14 =	vadd.bf16 v25, v23;
	v11 =	vmul.bf16 v11, v11;
	v16 =	vmul.bf16 v16, v16  }
0x291: {  	v36 =	vld [tilespmem:s29+$0xFFFFFFE0];
	v28 =	vsub.bf16 v61, v31;
	v13 =	vmul.bf16 v13, v13;
	v24 =	vmul.bf16 v24, v24  }
0x292: {  	v37 =	vld [tilespmem:s28+$0xFFFFFFF0];
	v19 =	vadd.bf16 v22, v19;
	v20 =	vmul.bf16 v20, v20;
	v17 =	vmul.bf16 v26, v26  }
0x293: {  	v63 =	vld [tilespmem:s29+$0xFFFFFFF0];
	v23 =	vmul.bf16 v27, v27;
	v22 =	vmul.bf16 v28, v28;
	v11 =	vadd.bf16 v13, v11  }
0x294: {  	v40 =	vld [tilespmem:s29+$0x40];
	v13 =	vadd.bf16 v17, v24;
	v16 =	vadd.bf16 v20, v16;
	v24 =	vunpack.i.u.bf16.f32 v12  }
0x295: {  	v41 =	vld [tilespmem:s28+$0x50];
	v20 =	vadd.bf16 v22, v23;
	v22 =	vunpack.i.u.bf16.f32 v19;
	v19 =	vunpack.i.l.bf16.f32 v19  }
0x296: {  	v43 =	vld [tilespmem:s28+$0xFFFFFFC0];
	v12 =	vunpack.i.l.bf16.f32 v12;
	v19 =	vadd.f32 $0.0e+00, v19;
	v22 =	vadd.f32 $0.0e+00, v22  }
0x297: {  	v49 =	vld [tilespmem:s28+$0x30];
	v23 =	vunpack.i.u.bf16.f32 v14;
	v14 =	vunpack.i.l.bf16.f32 v14;
	v25 =	vunpack.i.u.bf16.f32 v20  }
0x298: {  	v50 =	vld [tilespmem:s29+$0x30];
	v20 =	vunpack.i.l.bf16.f32 v20;
	v12 =	vadd.f32 v12, v19;
	v19 =	vadd.f32 v24, v22  }
0x299: {  	v56 =	vld [tilespmem:s29+$0x0];
	v20 =	vadd.f32 $0.0e+00, v20;
	v22 =	vadd.f32 $0.0e+00, v25;
	v24 =	vunpack.i.u.bf16.f32 v13  }
0x29a: {  	v33 =	vld [tilespmem:s28+$0x60];
	v13 =	vunpack.i.l.bf16.f32 v13;
	v12 =	vadd.f32 v14, v12;
	v14 =	vadd.f32 v23, v19  }
0x29b: {  	v39 =	vld [tilespmem:s28+$0x40];
	v19 =	vunpack.i.l.bf16.f32 v15;
	v13 =	vadd.f32 v13, v20;
	v20 =	vadd.f32 v24, v22  }
0x29c: {  	v44 =	vld [tilespmem:s29+$0xFFFFFFC0];
	v22 =	vunpack.i.u.bf16.f32 v16;
	v16 =	vunpack.i.l.bf16.f32 v16;
	v12 =	vadd.f32 v19, v12  }
0x29d: {  	v46 =	vld [tilespmem:s29+$0xFFFFFFD0];
	v15 =	vunpack.i.u.bf16.f32 v15;
	v13 =	vadd.f32 v16, v13;
	v16 =	vadd.f32 v22, v20  }
0x29e: {  	v60 =	vld [tilespmem:s28+$0xFFFFFFA0];
	v14 =	vadd.f32 v15, v14;
	v15 =	vunpack.i.u.bf16.f32 v11;
	v11 =	vunpack.i.l.bf16.f32 v11  }
0x29f: {  	s1 =	simm.s32 $0x2;
	v18 =	vld [tilespmem:s29+$0x60];
	v11 =	vadd.f32 v11, v13;
	v13 =	vadd.f32 v15, v16  }
0x2a0: {  	v21 =	vld [tilespmem:s28+$0x70];
	v14 =	vadd.f32 v12, v14;
	v12 =	vmov s1  }
0x2a1: {  	v61 =	vld [tilespmem:s29+$0xFFFFFFA0];
	v15 =	vperm.xlane v10, v12;
	v11 =	vadd.f32 v11, v13  }
0x2a2: {  	v26 =	vld [tilespmem:s29+$0xFFFFFF80];
	(xrf2) =	vadd.scan.msk.f32 $0xffff, v14  }
0x2a3: {  	v27 =	vld [tilespmem:s29+$0xFFFFFF90];
	v14 =	vshll.u32 v15, $0x7;
	(xrf2) =	vadd.scan.msk.f32 $0xffff, v11  }
0x2a4: {  	v17 =	vld [tilespmem:s29+$0x50];
	v11 =	vor.u32 v6, v14  }
0x2a5: {  	v25 =	vld [tilespmem:s28+$0xFFFFFF90];
	v15 =	vor.u32 v7, v14  }
0x2a6: {  	v23 =	vld [tilespmem:s29+$0x10];
	v16 =	vor.u32 v4, v14  }
0x2a7: {  	s31 =	simm.s32 $0x3;
	v24 =	vld [tilespmem:s28+$0xFFFFFF80];
	v19 =	vor.u32 v5, v14  }
0x2a8: {  	v20 =	vld [tilespmem:s28+$0x10];
	v13 =	vmov s31;
	v22 =	vor.u32 v2, v14  }
0x2a9: {  	v30 =	vperm.xlane v10, v13;
	v62 =	vor.u32 v3, v14;
	v28 =	vld.idx.msk [tilespmem:v11+s10+$0x0], $0xffff  }
0x2aa: {  	v35 =	vadd.bf16 v36, v35;
	v57 =	vor.u32 v0, v14;
	v29 =	vld.idx.msk [tilespmem:v15+s10+$0x0], $0xffff  }
0x2ab: {  	v36 =	vadd.bf16 v63, v37;
	v58 =	vor.u32 v1, v14;
	v34 =	vshll.u32 v30, $0x7;
	v31 =	vld.idx.msk [tilespmem:v16+s10+$0x0], $0xffff  }
0x2ac: {  	v14 =	vadd.bf16 v18, v33;
	v18 =	vadd.bf16 v50, v49;
	v59 =	vor.u32 v6, v34;
	v30 =	vld.idx.msk [tilespmem:v19+s10+$0x0], $0xffff;
	v16, _, _ =	vpop (xrf2)  }
0x2ad: {  	v63 =	vor.u32 v7, v34;
	v15 =	vadd.bf16 v32, v21;
	v32 =	vld.idx.msk [tilespmem:v22+s10+$0x0], $0xffff;
	(v2sf) =	vpush v16, $0xF;
	v16, _, _ =	vpop (xrf2)  }
0x2ae: {  	v42 =	vor.u32 v4, v34;
	v11 =	vimm.f32 $0.0e+00;
	v33 =	vld.idx.msk [tilespmem:v62+s10+$0x0], $0xffff;
	(v2sf) =	vpush v16, $0xF  }
0x2af: {  	v19 =	vadd.bf16 v40, v39;
	v22 =	vld.idx.msk [tilespmem:v57+s10+$0x0], $0xffff;
	v40 =	vadd.bf16 v44, v43;
	v43 =	vor.u32 v5, v34  }
0x2b0: {  	v37 =	vld.idx.msk [tilespmem:v58+s10+$0x0], $0xffff;
	v44 =	vor.u32 v2, v34;
	v21 =	vadd.bf16 v56, v55;
	v16 =	vadd.bf16 v17, v41  }
0x2b1: {  	v39 =	vld.idx.msk [tilespmem:v59+s10+$0x0], $0xffff;
	v41 =	vadd.bf16 v46, v45;
	v17 =	vadd.bf16 v48, v47;
	v45 =	vor.u32 v3, v34  }
0x2b2: {  	s30 =	simm.s32 $0x4;
	v38 =	vld.idx.msk [tilespmem:v63+s10+$0x0], $0xffff;
	v46 =	vadd.bf16 v61, v60;
	v47 =	vadd.bf16 v54, v53;
	v48 =	vor.u32 v0, v34  }
.LBB2_9:
0x2b3: {  	p0 =	slt.u32 s30, $0xE;
	v24 =	vadd.bf16 v26, v24;
	v26 =	vor.u32 v1, v34;
	v20 =	vadd.bf16 v23, v20;
	v23 =	vld.idx.msk [tilespmem:v42+s10+$0x0], $0xffff  }
0x2b4: {  	v25 =	vadd.bf16 v27, v25;
	v27 =	vsub.bf16 v35, v28;
	v28 =	vld.idx.msk [tilespmem:v43+s10+$0x0], $0xffff  }
0x2b5: {  	v31 =	vsub.bf16 v40, v31;
	v29 =	vsub.bf16 v36, v29;
	v34 =	vld.idx.msk [tilespmem:v44+s10+$0x0], $0xffff  }
0x2b6: {  	v32 =	vsub.bf16 v46, v32;
	v30 =	vsub.bf16 v41, v30;
	v35 =	vld.idx.msk [tilespmem:v45+s10+$0x0], $0xffff  }
0x2b7: {  	vm0 =	veq.s32 v8, v0;
	v22 =	vsub.bf16 v24, v22;
	v24 =	vsub.bf16 v47, v33;
	v33 =	vld.idx.msk [tilespmem:v48+s10+$0x0], $0xffff  }
0x2b8: {  	s28 =	sadd.s32 $0x100, s28;
	vm1 =	veq.s32 v9, v0;
	v25 =	vsub.bf16 v25, v37;
	v36 =	vsub.bf16 v14, v39;
	v26 =	vld.idx.msk [tilespmem:v26+s10+$0x0], $0xffff  }
0x2b9: {  	s29 =	sadd.s32 $0x100, s29;
	v8 =	vmovc v12;
	v27 =	vmul.bf16 v27, v27;
	v37 =	vsub.bf16 v15, v38;
	v23 =	vsub.bf16 v19, v23;
	v14 =	vld [tilespmem:s28+$0x60]  }
0x2ba: {  	v9 =	vmovc v13;
	v12 =	vmul.bf16 v31, v31;
	v29 =	vmul.bf16 v29, v29;
	v28 =	vsub.bf16 v16, v28;
	v15 =	vld [tilespmem:s29+$0x60]  }
0x2bb: {  	v13 =	vmul.bf16 v32, v32;
	v30 =	vmul.bf16 v30, v30;
	v31 =	vsub.bf16 v17, v34;
	v16 =	vld [tilespmem:s28+$0x70]  }
0x2bc: {  	v32 =	vmul.bf16 v22, v22;
	v24 =	vmul.bf16 v24, v24;
	v22 =	vsub.bf16 v18, v35;
	v17 =	vld [tilespmem:s29+$0x70];
	s0 =	spop (v2sf)  }
0x2bd: {  	v25 =	vmul.bf16 v25, v25;
	v34 =	vmul.bf16 v36, v36;
	v33 =	vsub.bf16 v21, v33;
	v18 =	vld [tilespmem:s28+$0xFFFFFFE0];
	s0 =	ssub.f32 $0.0e+00, s0;
	s1 =	spop (v2sf)  }
0x2be: {  	v23 =	vmul.bf16 v23, v23;
	v20 =	vsub.bf16 v20, v26;
	v26 =	vmul.bf16 v37, v37;
	v19 =	vld [tilespmem:s29+$0xFFFFFFE0];
	s1 =	ssub.f32 $0.0e+00, s1  }
0x2bf: {  	v28 =	vmul.bf16 v28, v28;
	v31 =	vmul.bf16 v31, v31;
	v21 =	vld [tilespmem:s28+$0xFFFFFFF0];
	v11 =	vsel vm0, s0, v11  }
0x2c0: {  	v27 =	vadd.bf16 v29, v27;
	v29 =	vmul.bf16 v22, v22;
	v36 =	vld [tilespmem:s29+$0xFFFFFFF0];
	v11 =	vsel vm1, s1, v11  }
0x2c1: {  	v12 =	vadd.bf16 v30, v12;
	v13 =	vadd.bf16 v24, v13;
	v24 =	vmul.bf16 v33, v33;
	v22 =	vld [tilespmem:s28+$0x40]  }
0x2c2: {  	v25 =	vadd.bf16 v25, v32;
	v20 =	vmul.bf16 v20, v20;
	v26 =	vadd.bf16 v26, v34;
	v37 =	vld [tilespmem:s29+$0x40]  }
0x2c3: {  	v23 =	vadd.bf16 v28, v23;
	v29 =	vadd.bf16 v29, v31;
	v38 =	vld [tilespmem:s28+$0x50]  }
0x2c4: {  	v28 =	vunpack.i.u.bf16.f32 v27;
	v27 =	vunpack.i.l.bf16.f32 v27;
	v20 =	vadd.bf16 v20, v24;
	v39 =	vld [tilespmem:s29+$0x50]  }
0x2c5: {  	v30 =	vunpack.i.u.bf16.f32 v12;
	v24 =	vunpack.i.u.bf16.f32 v25;
	v25 =	vunpack.i.l.bf16.f32 v25;
	v40 =	vld [tilespmem:s28+$0xFFFFFFC0]  }
0x2c6: {  	v12 =	vunpack.i.l.bf16.f32 v12;
	v25 =	vadd.f32 $0.0e+00, v25;
	v24 =	vadd.f32 $0.0e+00, v24;
	v41 =	vld [tilespmem:s29+$0xFFFFFFC0]  }
0x2c7: {  	v31 =	vunpack.i.u.bf16.f32 v13;
	v13 =	vunpack.i.l.bf16.f32 v13;
	v32 =	vunpack.i.u.bf16.f32 v20;
	v44 =	vld [tilespmem:s28+$0xFFFFFFD0]  }
0x2c8: {  	v20 =	vunpack.i.l.bf16.f32 v20;
	v13 =	vadd.f32 v13, v25;
	v24 =	vadd.f32 v31, v24;
	v45 =	vld [tilespmem:s29+$0xFFFFFFD0]  }
0x2c9: {  	v20 =	vadd.f32 $0.0e+00, v20;
	v25 =	vadd.f32 $0.0e+00, v32;
	v31 =	vunpack.i.u.bf16.f32 v29;
	v46 =	vld [tilespmem:s28+$0x20]  }
0x2ca: {  	v12 =	vadd.f32 v12, v13;
	v13 =	vadd.f32 v30, v24;
	v24 =	vunpack.i.l.bf16.f32 v29;
	v47 =	vld [tilespmem:s29+$0x20]  }
0x2cb: {  	v20 =	vadd.f32 v24, v20;
	v24 =	vadd.f32 v31, v25;
	v25 =	vunpack.i.u.bf16.f32 v23;
	v48 =	vld [tilespmem:s28+$0x30]  }
0x2cc: {  	v23 =	vunpack.i.l.bf16.f32 v23;
	v12 =	vadd.f32 v27, v12;
	v13 =	vadd.f32 v28, v13;
	v49 =	vld [tilespmem:s29+$0x30]  }
0x2cd: {  	v20 =	vadd.f32 v23, v20;
	v23 =	vadd.f32 v25, v24;
	v50 =	vld [tilespmem:s28+$0xFFFFFFA0]  }
0x2ce: {  	v24 =	vunpack.i.l.bf16.f32 v26;
	v13 =	vadd.f32 v12, v13;
	v12 =	vunpack.i.u.bf16.f32 v26;
	v51 =	vld [tilespmem:s29+$0xFFFFFFA0]  }
0x2cf: {  	v20 =	vadd.f32 v24, v20;
	v23 =	vadd.f32 v12, v23;
	v52 =	vld [tilespmem:s28+$0xFFFFFFB0]  }
0x2d0: {  	v12 =	vmov s30;
	v53 =	vld [tilespmem:s29+$0xFFFFFFB0];
	(xrf2) =	vadd.scan.msk.f32 $0xffff, v13  }
0x2d1: {  	v23 =	vadd.f32 v20, v23;
	v13 =	vperm.xlane v10, v12;
	v54 =	vld [tilespmem:s28+$0x0]  }
0x2d2: {  	v55 =	vld [tilespmem:s29+$0x0]  }
0x2d3: {  	v30 =	vshll.u32 v13, $0x7;
	v20 =	vld [tilespmem:s28+$0x10];
	(xrf2) =	vadd.scan.msk.f32 $0xffff, v23  }
0x2d4: {  	v28 =	vor.u32 v6, v30;
	v23 =	vld [tilespmem:s29+$0x10]  }
0x2d5: {  	v29 =	vor.u32 v7, v30;
	v24 =	vld [tilespmem:s28+$0xFFFFFF80]  }
0x2d6: {  	v31 =	vor.u32 v4, v30;
	v26 =	vld [tilespmem:s29+$0xFFFFFF80]  }
0x2d7: {  	s0 =	sadd.s32 $0x1, s30;
	v32 =	vor.u32 v5, v30;
	v25 =	vld [tilespmem:s28+$0xFFFFFF90]  }
0x2d8: {  	v13 =	vmov s0;
	v33 =	vor.u32 v2, v30;
	v27 =	vld [tilespmem:s29+$0xFFFFFF90]  }
0x2d9: {  	v42 =	vor.u32 v3, v30;
	v34 =	vperm.xlane v10, v13;
	v28 =	vld.idx.msk [tilespmem:v28+s10+$0x0], $0xffff  }
0x2da: {  	v43 =	vor.u32 v0, v30;
	v29 =	vld.idx.msk [tilespmem:v29+s10+$0x0], $0xffff;
	v56, _, _ =	vpop (xrf2)  }
0x2db: {  	v14 =	vadd.bf16 v15, v14;
	v57 =	vor.u32 v1, v30;
	v34 =	vshll.u32 v34, $0x7;
	v31 =	vld.idx.msk [tilespmem:v31+s10+$0x0], $0xffff  }
0x2dc: {  	v15 =	vadd.bf16 v17, v16;
	v35 =	vadd.bf16 v19, v18;
	v58 =	vor.u32 v6, v34;
	v30 =	vld.idx.msk [tilespmem:v32+s10+$0x0], $0xffff  }
0x2dd: {  	v36 =	vadd.bf16 v36, v21;
	v59 =	vor.u32 v7, v34;
	v32 =	vld.idx.msk [tilespmem:v33+s10+$0x0], $0xffff;
	(v2sf) =	vpush v56, $0xF;
	v16, _, _ =	vpop (xrf2)  }
.Ltmp3:
0x2de: {  	v19 =	vadd.bf16 v37, v22;
	v33 =	vld.idx.msk [tilespmem:v42+s10+$0x0], $0xffff;
	v42 =	vor.u32 v4, v34;
	(v2sf) =	vpush v16, $0xF;
	(pc) =	sbr.rel @p0 .LBB2_9-.Ltmp3, $4  }
0x2df: {  	v40 =	vadd.bf16 v41, v40;
	v16 =	vadd.bf16 v39, v38;
	v22 =	vld.idx.msk [tilespmem:v43+s10+$0x0], $0xffff;
	v43 =	vor.u32 v5, v34  }
0x2e0: {  	v41 =	vadd.bf16 v45, v44;
	v17 =	vadd.bf16 v47, v46;
	v44 =	vor.u32 v2, v34;
	v37 =	vld.idx.msk [tilespmem:v57+s10+$0x0], $0xffff  }
0x2e1: {  	v18 =	vadd.bf16 v49, v48;
	v46 =	vadd.bf16 v51, v50;
	v45 =	vor.u32 v3, v34;
	v39 =	vld.idx.msk [tilespmem:v58+s10+$0x0], $0xffff  }
0x2e2: {  	s30 =	sadd.s32 $0x2, s30;
	v47 =	vadd.bf16 v53, v52;
	v48 =	vor.u32 v0, v34;
	v21 =	vadd.bf16 v55, v54;
	v38 =	vld.idx.msk [tilespmem:v59+s10+$0x0], $0xffff  }
0x2e3: {  	_ =	sdelay $0x2  }
0x2e4: {  	v10 =	vadd.bf16 v26, v24;
	v20 =	vadd.bf16 v23, v20  }
0x2e5: {  	v24 =	vld.idx.msk [tilespmem:v42+s10+$0x0], $0xffff;
	v25 =	vadd.bf16 v27, v25;
	v26 =	vsub.bf16 v35, v28  }
0x2e6: {  	v27 =	vld.idx.msk [tilespmem:v43+s10+$0x0], $0xffff;
	v28 =	vsub.bf16 v40, v31;
	v29 =	vsub.bf16 v36, v29  }
0x2e7: {  	v23 =	vor.u32 v1, v34;
	v31 =	vld.idx.msk [tilespmem:v44+s10+$0x0], $0xffff;
	v32 =	vsub.bf16 v46, v32;
	v10 =	vsub.bf16 v10, v22  }
0x2e8: {  	v55 =	vld.idx.msk [tilespmem:v45+s10+$0x0], $0xffff;
	v22 =	vsub.bf16 v47, v33;
	v25 =	vsub.bf16 v25, v37  }
0x2e9: {  	v30 =	vsub.bf16 v41, v30;
	v56 =	vld.idx.msk [tilespmem:v48+s10+$0x0], $0xffff;
	v14 =	vsub.bf16 v14, v39;
	v10 =	vmul.bf16 v10, v10  }
0x2ea: {  	v15 =	vsub.bf16 v15, v38;
	v22 =	vmul.bf16 v22, v22;
	v25 =	vmul.bf16 v25, v25  }
0x2eb: {  	v19 =	vsub.bf16 v19, v24;
	v24 =	vmul.bf16 v28, v28;
	v28 =	vmul.bf16 v29, v29  }
0x2ec: {  	v23 =	vld.idx.msk [tilespmem:v23+s10+$0x0], $0xffff;
	v16 =	vsub.bf16 v16, v27;
	v27 =	vmul.bf16 v32, v32;
	v29 =	vmul.bf16 v30, v30  }
0x2ed: {  	v17 =	vsub.bf16 v17, v31;
	v18 =	vsub.bf16 v18, v55;
	v14 =	vmul.bf16 v14, v14  }
0x2ee: {  	v21 =	vsub.bf16 v21, v56;
	v15 =	vmul.bf16 v15, v15;
	v19 =	vmul.bf16 v19, v19  }
0x2ef: {  	v10 =	vadd.bf16 v25, v10;
	v17 =	vmul.bf16 v17, v17;
	v16 =	vmul.bf16 v16, v16  }
0x2f0: {  	v18 =	vmul.bf16 v18, v18;
	v22 =	vadd.bf16 v22, v27;
	v24 =	vadd.bf16 v29, v24  }
0x2f1: {  	v26 =	vmul.bf16 v26, v26;
	v14 =	vadd.bf16 v15, v14;
	v20 =	vsub.bf16 v20, v23  }
0x2f2: {  	v21 =	vmul.bf16 v21, v21;
	v15 =	vadd.bf16 v18, v17;
	v16 =	vadd.bf16 v16, v19  }
0x2f3: {  	v18 =	vunpack.i.u.bf16.f32 v10;
	v10 =	vunpack.i.l.bf16.f32 v10;
	v20 =	vmul.bf16 v20, v20  }
0x2f4: {  	v19 =	vunpack.i.u.bf16.f32 v24;
	v10 =	vadd.f32 $0.0e+00, v10;
	v18 =	vadd.f32 $0.0e+00, v18  }
0x2f5: {  	v17 =	vadd.bf16 v20, v21;
	v21 =	vunpack.i.u.bf16.f32 v22;
	v22 =	vunpack.i.l.bf16.f32 v22  }
0x2f6: {  	v23 =	vadd.bf16 v28, v26;
	v20 =	vunpack.i.l.bf16.f32 v24;
	v10 =	vadd.f32 v22, v10  }
0x2f7: {  	v18 =	vadd.f32 v21, v18;
	v24 =	vunpack.i.u.bf16.f32 v17;
	v17 =	vunpack.i.l.bf16.f32 v17  }
0x2f8: {  	v22 =	vunpack.i.u.bf16.f32 v15;
	v17 =	vadd.f32 $0.0e+00, v17;
	v21 =	vadd.f32 $0.0e+00, v24  }
0x2f9: {  	v15 =	vunpack.i.l.bf16.f32 v15;
	v10 =	vadd.f32 v20, v10;
	v18 =	vadd.f32 v19, v18  }
0x2fa: {  	v19 =	vunpack.i.l.bf16.f32 v23;
	v15 =	vadd.f32 v15, v17;
	v17 =	vadd.f32 v22, v21  }
0x2fb: {  	v20 =	vunpack.i.u.bf16.f32 v16;
	v16 =	vunpack.i.l.bf16.f32 v16;
	v10 =	vadd.f32 v19, v10  }
0x2fc: {  	v19 =	vunpack.i.u.bf16.f32 v23;
	v15 =	vadd.f32 v16, v15;
	v16 =	vadd.f32 v20, v17  }
0x2fd: {  	v17 =	vadd.f32 v19, v18;
	v18 =	vunpack.i.u.bf16.f32 v14;
	v14 =	vunpack.i.l.bf16.f32 v14  }
0x2fe: {  	v14 =	vadd.f32 v14, v15;
	v15 =	vadd.f32 v18, v16  }
0x2ff: {  	v10 =	vadd.f32 v10, v17  }
0x300: {  	v14 =	vadd.f32 v14, v15  }
0x301: {  	(xrf2) =	vadd.scan.msk.f32 $0xffff, v10  }
0x302: {  	(xrf2) =	vadd.scan.msk.f32 $0xffff, v14;
	_ =	sdelay $0x8  }
0x303: {  	v10, _, _ =	vpop (xrf2)  }
0x304: {  	(v2sf) =	vpush v10, $0xF;
	v10, _, _ =	vpop (xrf2)  }
0x305: {  	(v2sf) =	vpush v10, $0xF;
	_ =	sdelay $0xb  }
0x306: {  	s0 =	spop (v2sf)  }
0x307: {  	s1 =	spop (v2sf);
	s0 =	ssub.f32 $0.0e+00, s0  }
0x308: {  	vm0 =	veq.s32 v8, v0;
	s1 =	ssub.f32 $0.0e+00, s1;
	s28 =	spop (v2sf)  }
0x309: {  	vm1 =	veq.s32 v9, v0;
	v8 =	vsel vm0, s0, v11;
	s0 =	ssub.f32 $0.0e+00, s28;
	s28 =	spop (v2sf)  }
0x30a: {  	vm14 =	veq.s32 v12, v0;
	v8 =	vsel vm1, s1, v8;
	s31 =	ssub.f32 $0.0e+00, s28  }
0x30b: {  	vm15 =	veq.s32 v13, v0;
	v8 =	vsel vm14, s0, v8  }
0x30c: {  	v8 =	vsel vm15, s31, v8  }
0x30d: {  	[tilespmem:s26+$0x3AA8] =	vst v8  }
0x30e: {  	s0 =	simm.s32 $0x17920;
	v10 =	vld [tilespmem:s25+$0x2748]  }
0x30f: {  	s1 =	simm.s32 $0x18D20;
	v11 =	vld [tilespmem:s0+$0xFFFFFFF0]  }
0x310: {  	v12 =	vld [tilespmem:s1+$0xFFFFFFF0]  }
0x311: {  	v13 =	vld [tilespmem:s0+$0x0]  }
0x312: {  	v14 =	vld [tilespmem:s1+$0x0]  }
0x313: {  	v15 =	vld [tilespmem:s0+$0xFFFFFF70]  }
0x314: {  	v16 =	vld [tilespmem:s1+$0xFFFFFF70]  }
0x315: {  	v17 =	vld [tilespmem:s0+$0xFFFFFF80]  }
0x316: {  	v18 =	vld [tilespmem:s1+$0xFFFFFF80]  }
0x317: {  	v19 =	vld [tilespmem:s0+$0xFFFFFFD0]  }
0x318: {  	v20 =	vld [tilespmem:s1+$0xFFFFFFD0]  }
0x319: {  	v21 =	vld [tilespmem:s0+$0xFFFFFFE0]  }
0x31a: {  	v22 =	vld [tilespmem:s1+$0xFFFFFFE0]  }
0x31b: {  	v23 =	vld [tilespmem:s0+$0xFFFFFF50]  }
0x31c: {  	v24 =	vld [tilespmem:s1+$0xFFFFFF50]  }
0x31d: {  	v25 =	vld [tilespmem:s0+$0xFFFFFF60]  }
0x31e: {  	v26 =	vld [tilespmem:s1+$0xFFFFFF60]  }
0x31f: {  	v27 =	vld [tilespmem:s0+$0xFFFFFFB0]  }
0x320: {  	v28 =	vld [tilespmem:s1+$0xFFFFFFB0]  }
0x321: {  	v29 =	vld [tilespmem:s0+$0xFFFFFFC0]  }
0x322: {  	v30 =	vld [tilespmem:s1+$0xFFFFFFC0]  }
0x323: {  	v31 =	vld [tilespmem:s0+$0xFFFFFF30]  }
0x324: {  	v32 =	vld [tilespmem:s1+$0xFFFFFF30]  }
0x325: {  	v33 =	vld [tilespmem:s0+$0xFFFFFF40]  }
0x326: {  	v34 =	vld [tilespmem:s1+$0xFFFFFF40]  }
0x327: {  	s31 =	simm.s32 $0x0;
	v35 =	vld [tilespmem:s0+$0xFFFFFF90]  }
0x328: {  	v8 =	vmov s31;
	v36 =	vld [tilespmem:s1+$0xFFFFFF90]  }
0x329: {  	v38 =	vld [tilespmem:s0+$0xFFFFFFA0];
	v9 =	vperm.xlane v10, v8  }
0x32a: {  	v40 =	vld [tilespmem:s1+$0xFFFFFFA0]  }
0x32b: {  	v41 =	vld [tilespmem:s0+$0xFFFFFF10];
	v57 =	vshll.u32 v9, $0x7  }
0x32c: {  	v43 =	vld [tilespmem:s1+$0xFFFFFF10];
	v58 =	vor.u32 v6, v57  }
0x32d: {  	v45 =	vld [tilespmem:s0+$0xFFFFFF20];
	v59 =	vor.u32 v7, v57  }
0x32e: {  	s26 =	simm.s32 $0x17A20;
	v62 =	vld [tilespmem:s1+$0xFFFFFF20];
	v60 =	vor.u32 v4, v57  }
0x32f: {  	s28 =	simm.s32 $0x18E20;
	s31 =	simm.s32 $0x1;
	v47 =	vld [tilespmem:s26+$0xFFFFFFB0];
	v61 =	vor.u32 v5, v57  }
0x330: {  	v48 =	vld [tilespmem:s28+$0xFFFFFFB0];
	v9 =	vmov s31;
	v63 =	vor.u32 v2, v57  }
0x331: {  	v49 =	vor.u32 v3, v57;
	v50 =	vperm.xlane v10, v9;
	v39 =	vld.idx.msk [tilespmem:v58+s10+$0x0], $0xffff  }
0x332: {  	v51 =	vor.u32 v0, v57;
	v42 =	vld.idx.msk [tilespmem:v59+s10+$0x0], $0xffff  }
0x333: {  	v37 =	vor.u32 v1, v57;
	v50 =	vshll.u32 v50, $0x7;
	v44 =	vld.idx.msk [tilespmem:v60+s10+$0x0], $0xffff  }
0x334: {  	v11 =	vadd.bf16 v12, v11;
	v52 =	vor.u32 v6, v50;
	v46 =	vld.idx.msk [tilespmem:v61+s10+$0x0], $0xffff  }
0x335: {  	v15 =	vadd.bf16 v16, v15;
	v13 =	vadd.bf16 v14, v13;
	v56 =	vor.u32 v7, v50;
	v12 =	vld.idx.msk [tilespmem:v63+s10+$0x0], $0xffff  }
0x336: {  	v17 =	vadd.bf16 v18, v17;
	v18 =	vadd.bf16 v20, v19;
	v16 =	vor.u32 v4, v50;
	v14 =	vld.idx.msk [tilespmem:v49+s10+$0x0], $0xffff  }
0x337: {  	v23 =	vadd.bf16 v24, v23;
	v21 =	vadd.bf16 v22, v21;
	v20 =	vor.u32 v5, v50;
	v19 =	vld.idx.msk [tilespmem:v51+s10+$0x0], $0xffff  }
0x338: {  	v25 =	vadd.bf16 v26, v25;
	v26 =	vadd.bf16 v28, v27;
	v24 =	vor.u32 v2, v50;
	v22 =	vld.idx.msk [tilespmem:v37+s10+$0x0], $0xffff  }
0x339: {  	v31 =	vadd.bf16 v32, v31;
	v29 =	vadd.bf16 v30, v29;
	v27 =	vor.u32 v3, v50;
	v28 =	vld.idx.msk [tilespmem:v52+s10+$0x0], $0xffff  }
0x33a: {  	v33 =	vadd.bf16 v34, v33;
	v62 =	vadd.bf16 v62, v45;
	v30 =	vor.u32 v0, v50;
	v57 =	vld.idx.msk [tilespmem:v56+s10+$0x0], $0xffff  }
0x33b: {  	v58 =	vadd.bf16 v36, v35;
	v60 =	vadd.bf16 v43, v41;
	v16 =	vld.idx.msk [tilespmem:v16+s10+$0x0], $0xffff  }
0x33c: {  	v61 =	vadd.bf16 v40, v38;
	v20 =	vld.idx.msk [tilespmem:v20+s10+$0x0], $0xffff;
	v15 =	vsub.bf16 v15, v39  }
0x33d: {  	v59 =	vor.u32 v1, v50;
	v24 =	vld.idx.msk [tilespmem:v24+s10+$0x0], $0xffff;
	v23 =	vsub.bf16 v23, v44;
	v17 =	vsub.bf16 v17, v42  }
0x33e: {  	v27 =	vld.idx.msk [tilespmem:v27+s10+$0x0], $0xffff;
	v12 =	vsub.bf16 v31, v12;
	v25 =	vsub.bf16 v25, v46  }
0x33f: {  	v30 =	vld.idx.msk [tilespmem:v30+s10+$0x0], $0xffff;
	v19 =	vsub.bf16 v60, v19;
	v14 =	vsub.bf16 v33, v14  }
0x340: {  	v53 =	vld [tilespmem:s26+$0xFFFFFF40];
	v22 =	vsub.bf16 v62, v22;
	v15 =	vmul.bf16 v15, v15;
	v23 =	vmul.bf16 v23, v23  }
0x341: {  	v54 =	vld [tilespmem:s28+$0xFFFFFF40];
	v17 =	vmul.bf16 v17, v17;
	v12 =	vmul.bf16 v12, v12;
	v11 =	vsub.bf16 v11, v28  }
0x342: {  	v31 =	vld.idx.msk [tilespmem:v59+s10+$0x0], $0xffff;
	v25 =	vmul.bf16 v25, v25;
	v16 =	vsub.bf16 v18, v16;
	v13 =	vsub.bf16 v13, v57  }
0x343: {  	v55 =	vld [tilespmem:s26+$0xFFFFFF90];
	v14 =	vmul.bf16 v14, v14;
	v20 =	vsub.bf16 v21, v20;
	v24 =	vsub.bf16 v26, v24  }
0x344: {  	v32 =	vld [tilespmem:s28+$0x0];
	v19 =	vmul.bf16 v19, v19;
	v26 =	vsub.bf16 v29, v27;
	v27 =	vsub.bf16 v58, v30  }
0x345: {  	v45 =	vld [tilespmem:s26+$0xFFFFFF60];
	v22 =	vmul.bf16 v22, v22;
	v15 =	vadd.bf16 v17, v15;
	v12 =	vadd.bf16 v14, v12  }
0x346: {  	v35 =	vld [tilespmem:s26+$0xFFFFFF70];
	v14 =	vadd.bf16 v25, v23;
	v11 =	vmul.bf16 v11, v11;
	v16 =	vmul.bf16 v16, v16  }
0x347: {  	v36 =	vld [tilespmem:s28+$0xFFFFFF70];
	v28 =	vsub.bf16 v61, v31;
	v13 =	vmul.bf16 v13, v13;
	v24 =	vmul.bf16 v24, v24  }
0x348: {  	v37 =	vld [tilespmem:s26+$0xFFFFFF80];
	v19 =	vadd.bf16 v22, v19;
	v20 =	vmul.bf16 v20, v20;
	v17 =	vmul.bf16 v26, v26  }
0x349: {  	v63 =	vld [tilespmem:s28+$0xFFFFFF80];
	v23 =	vmul.bf16 v27, v27;
	v22 =	vmul.bf16 v28, v28;
	v11 =	vadd.bf16 v13, v11  }
0x34a: {  	v40 =	vld [tilespmem:s28+$0xFFFFFFD0];
	v13 =	vadd.bf16 v17, v24;
	v16 =	vadd.bf16 v20, v16;
	v24 =	vunpack.i.u.bf16.f32 v12  }
0x34b: {  	v41 =	vld [tilespmem:s26+$0xFFFFFFE0];
	v20 =	vadd.bf16 v22, v23;
	v22 =	vunpack.i.u.bf16.f32 v19;
	v19 =	vunpack.i.l.bf16.f32 v19  }
0x34c: {  	v43 =	vld [tilespmem:s26+$0xFFFFFF50];
	v12 =	vunpack.i.l.bf16.f32 v12;
	v19 =	vadd.f32 $0.0e+00, v19;
	v22 =	vadd.f32 $0.0e+00, v22  }
0x34d: {  	v49 =	vld [tilespmem:s26+$0xFFFFFFC0];
	v23 =	vunpack.i.u.bf16.f32 v14;
	v14 =	vunpack.i.l.bf16.f32 v14;
	v25 =	vunpack.i.u.bf16.f32 v20  }
0x34e: {  	v50 =	vld [tilespmem:s28+$0xFFFFFFC0];
	v20 =	vunpack.i.l.bf16.f32 v20;
	v12 =	vadd.f32 v12, v19;
	v19 =	vadd.f32 v24, v22  }
0x34f: {  	v56 =	vld [tilespmem:s28+$0xFFFFFF90];
	v20 =	vadd.f32 $0.0e+00, v20;
	v22 =	vadd.f32 $0.0e+00, v25;
	v24 =	vunpack.i.u.bf16.f32 v13  }
0x350: {  	v33 =	vld [tilespmem:s26+$0xFFFFFFF0];
	v13 =	vunpack.i.l.bf16.f32 v13;
	v12 =	vadd.f32 v14, v12;
	v14 =	vadd.f32 v23, v19  }
0x351: {  	v39 =	vld [tilespmem:s26+$0xFFFFFFD0];
	v19 =	vunpack.i.l.bf16.f32 v15;
	v13 =	vadd.f32 v13, v20;
	v20 =	vadd.f32 v24, v22  }
0x352: {  	v44 =	vld [tilespmem:s28+$0xFFFFFF50];
	v22 =	vunpack.i.u.bf16.f32 v16;
	v16 =	vunpack.i.l.bf16.f32 v16;
	v12 =	vadd.f32 v19, v12  }
0x353: {  	v46 =	vld [tilespmem:s28+$0xFFFFFF60];
	v15 =	vunpack.i.u.bf16.f32 v15;
	v13 =	vadd.f32 v16, v13;
	v16 =	vadd.f32 v22, v20  }
0x354: {  	v60 =	vld [tilespmem:s26+$0xFFFFFF30];
	v14 =	vadd.f32 v15, v14;
	v15 =	vunpack.i.u.bf16.f32 v11;
	v11 =	vunpack.i.l.bf16.f32 v11  }
0x355: {  	s1 =	simm.s32 $0x2;
	v18 =	vld [tilespmem:s28+$0xFFFFFFF0];
	v11 =	vadd.f32 v11, v13;
	v13 =	vadd.f32 v15, v16  }
0x356: {  	v21 =	vld [tilespmem:s26+$0x0];
	v14 =	vadd.f32 v12, v14;
	v12 =	vmov s1  }
0x357: {  	v61 =	vld [tilespmem:s28+$0xFFFFFF30];
	v15 =	vperm.xlane v10, v12;
	v11 =	vadd.f32 v11, v13  }
0x358: {  	v26 =	vld [tilespmem:s28+$0xFFFFFF10];
	(xrf2) =	vadd.scan.msk.f32 $0xffff, v14  }
0x359: {  	v27 =	vld [tilespmem:s28+$0xFFFFFF20];
	v14 =	vshll.u32 v15, $0x7;
	(xrf2) =	vadd.scan.msk.f32 $0xffff, v11  }
0x35a: {  	v17 =	vld [tilespmem:s28+$0xFFFFFFE0];
	v11 =	vor.u32 v6, v14  }
0x35b: {  	v25 =	vld [tilespmem:s26+$0xFFFFFF20];
	v15 =	vor.u32 v7, v14  }
0x35c: {  	v23 =	vld [tilespmem:s28+$0xFFFFFFA0];
	v16 =	vor.u32 v4, v14  }
0x35d: {  	s31 =	simm.s32 $0x3;
	v24 =	vld [tilespmem:s26+$0xFFFFFF10];
	v20 =	vor.u32 v5, v14  }
0x35e: {  	v19 =	vld [tilespmem:s26+$0xFFFFFFA0];
	v13 =	vmov s31;
	v22 =	vor.u32 v2, v14  }
0x35f: {  	v30 =	vperm.xlane v10, v13;
	v62 =	vor.u32 v3, v14;
	v28 =	vld.idx.msk [tilespmem:v11+s10+$0x0], $0xffff  }
0x360: {  	v35 =	vadd.bf16 v36, v35;
	v57 =	vor.u32 v0, v14;
	v29 =	vld.idx.msk [tilespmem:v15+s10+$0x0], $0xffff  }
0x361: {  	v36 =	vadd.bf16 v63, v37;
	v58 =	vor.u32 v1, v14;
	v34 =	vshll.u32 v30, $0x7;
	v31 =	vld.idx.msk [tilespmem:v16+s10+$0x0], $0xffff  }
0x362: {  	v14 =	vadd.bf16 v18, v33;
	v18 =	vadd.bf16 v50, v49;
	v59 =	vor.u32 v6, v34;
	v30 =	vld.idx.msk [tilespmem:v20+s10+$0x0], $0xffff;
	v16, _, _ =	vpop (xrf2)  }
0x363: {  	v63 =	vor.u32 v7, v34;
	v15 =	vadd.bf16 v32, v21;
	v32 =	vld.idx.msk [tilespmem:v22+s10+$0x0], $0xffff;
	(v2sf) =	vpush v16, $0xF;
	v16, _, _ =	vpop (xrf2)  }
0x364: {  	v42 =	vor.u32 v4, v34;
	v11 =	vimm.f32 $0.0e+00;
	v33 =	vld.idx.msk [tilespmem:v62+s10+$0x0], $0xffff;
	(v2sf) =	vpush v16, $0xF  }
0x365: {  	v20 =	vadd.bf16 v40, v39;
	v22 =	vld.idx.msk [tilespmem:v57+s10+$0x0], $0xffff;
	v40 =	vadd.bf16 v44, v43;
	v43 =	vor.u32 v5, v34  }
0x366: {  	v37 =	vld.idx.msk [tilespmem:v58+s10+$0x0], $0xffff;
	v44 =	vor.u32 v2, v34;
	v21 =	vadd.bf16 v56, v55;
	v16 =	vadd.bf16 v17, v41  }
0x367: {  	v39 =	vld.idx.msk [tilespmem:v59+s10+$0x0], $0xffff;
	v41 =	vadd.bf16 v46, v45;
	v17 =	vadd.bf16 v48, v47;
	v45 =	vor.u32 v3, v34  }
0x368: {  	s29 =	sadd.s32 $0x38, s25;
	s30 =	simm.s32 $0x4;
	v38 =	vld.idx.msk [tilespmem:v63+s10+$0x0], $0xffff;
	v46 =	vadd.bf16 v61, v60;
	v47 =	vadd.bf16 v54, v53;
	v48 =	vor.u32 v0, v34  }
.LBB2_11:
0x369: {  	p0 =	slt.u32 s30, $0xE;
	v24 =	vadd.bf16 v26, v24;
	v26 =	vor.u32 v1, v34;
	v19 =	vadd.bf16 v23, v19;
	v23 =	vld.idx.msk [tilespmem:v42+s10+$0x0], $0xffff  }
0x36a: {  	v25 =	vadd.bf16 v27, v25;
	v27 =	vsub.bf16 v35, v28;
	v28 =	vld.idx.msk [tilespmem:v43+s10+$0x0], $0xffff  }
0x36b: {  	v31 =	vsub.bf16 v40, v31;
	v29 =	vsub.bf16 v36, v29;
	v34 =	vld.idx.msk [tilespmem:v44+s10+$0x0], $0xffff  }
0x36c: {  	v32 =	vsub.bf16 v46, v32;
	v30 =	vsub.bf16 v41, v30;
	v35 =	vld.idx.msk [tilespmem:v45+s10+$0x0], $0xffff  }
0x36d: {  	vm0 =	veq.s32 v8, v0;
	v22 =	vsub.bf16 v24, v22;
	v24 =	vsub.bf16 v47, v33;
	v33 =	vld.idx.msk [tilespmem:v48+s10+$0x0], $0xffff  }
0x36e: {  	s26 =	sadd.s32 $0x100, s26;
	vm1 =	veq.s32 v9, v0;
	v25 =	vsub.bf16 v25, v37;
	v36 =	vsub.bf16 v14, v39;
	v26 =	vld.idx.msk [tilespmem:v26+s10+$0x0], $0xffff  }
0x36f: {  	s28 =	sadd.s32 $0x100, s28;
	v8 =	vmovc v12;
	v27 =	vmul.bf16 v27, v27;
	v37 =	vsub.bf16 v15, v38;
	v23 =	vsub.bf16 v20, v23;
	v14 =	vld [tilespmem:s26+$0xFFFFFFF0]  }
0x370: {  	v9 =	vmovc v13;
	v12 =	vmul.bf16 v31, v31;
	v29 =	vmul.bf16 v29, v29;
	v28 =	vsub.bf16 v16, v28;
	v15 =	vld [tilespmem:s28+$0xFFFFFFF0]  }
0x371: {  	v13 =	vmul.bf16 v32, v32;
	v30 =	vmul.bf16 v30, v30;
	v31 =	vsub.bf16 v17, v34;
	v16 =	vld [tilespmem:s26+$0x0]  }
0x372: {  	v32 =	vmul.bf16 v22, v22;
	v24 =	vmul.bf16 v24, v24;
	v22 =	vsub.bf16 v18, v35;
	v17 =	vld [tilespmem:s28+$0x0];
	s0 =	spop (v2sf)  }
0x373: {  	v25 =	vmul.bf16 v25, v25;
	v34 =	vmul.bf16 v36, v36;
	v33 =	vsub.bf16 v21, v33;
	v18 =	vld [tilespmem:s26+$0xFFFFFF70];
	s0 =	ssub.f32 $0.0e+00, s0;
	s1 =	spop (v2sf)  }
0x374: {  	v23 =	vmul.bf16 v23, v23;
	v19 =	vsub.bf16 v19, v26;
	v26 =	vmul.bf16 v37, v37;
	v20 =	vld [tilespmem:s28+$0xFFFFFF70];
	s1 =	ssub.f32 $0.0e+00, s1  }
0x375: {  	v28 =	vmul.bf16 v28, v28;
	v31 =	vmul.bf16 v31, v31;
	v21 =	vld [tilespmem:s26+$0xFFFFFF80];
	v11 =	vsel vm0, s0, v11  }
0x376: {  	v27 =	vadd.bf16 v29, v27;
	v29 =	vmul.bf16 v22, v22;
	v36 =	vld [tilespmem:s28+$0xFFFFFF80];
	v11 =	vsel vm1, s1, v11  }
0x377: {  	v12 =	vadd.bf16 v30, v12;
	v13 =	vadd.bf16 v24, v13;
	v24 =	vmul.bf16 v33, v33;
	v22 =	vld [tilespmem:s26+$0xFFFFFFD0]  }
0x378: {  	v25 =	vadd.bf16 v25, v32;
	v19 =	vmul.bf16 v19, v19;
	v26 =	vadd.bf16 v26, v34;
	v37 =	vld [tilespmem:s28+$0xFFFFFFD0]  }
0x379: {  	v23 =	vadd.bf16 v28, v23;
	v29 =	vadd.bf16 v29, v31;
	v38 =	vld [tilespmem:s26+$0xFFFFFFE0]  }
0x37a: {  	v28 =	vunpack.i.u.bf16.f32 v27;
	v27 =	vunpack.i.l.bf16.f32 v27;
	v19 =	vadd.bf16 v19, v24;
	v39 =	vld [tilespmem:s28+$0xFFFFFFE0]  }
0x37b: {  	v30 =	vunpack.i.u.bf16.f32 v12;
	v24 =	vunpack.i.u.bf16.f32 v25;
	v25 =	vunpack.i.l.bf16.f32 v25;
	v40 =	vld [tilespmem:s26+$0xFFFFFF50]  }
0x37c: {  	v12 =	vunpack.i.l.bf16.f32 v12;
	v25 =	vadd.f32 $0.0e+00, v25;
	v24 =	vadd.f32 $0.0e+00, v24;
	v41 =	vld [tilespmem:s28+$0xFFFFFF50]  }
0x37d: {  	v31 =	vunpack.i.u.bf16.f32 v13;
	v13 =	vunpack.i.l.bf16.f32 v13;
	v32 =	vunpack.i.u.bf16.f32 v19;
	v44 =	vld [tilespmem:s26+$0xFFFFFF60]  }
0x37e: {  	v19 =	vunpack.i.l.bf16.f32 v19;
	v13 =	vadd.f32 v13, v25;
	v24 =	vadd.f32 v31, v24;
	v45 =	vld [tilespmem:s28+$0xFFFFFF60]  }
0x37f: {  	v19 =	vadd.f32 $0.0e+00, v19;
	v25 =	vadd.f32 $0.0e+00, v32;
	v31 =	vunpack.i.u.bf16.f32 v29;
	v46 =	vld [tilespmem:s26+$0xFFFFFFB0]  }
0x380: {  	v12 =	vadd.f32 v12, v13;
	v13 =	vadd.f32 v30, v24;
	v24 =	vunpack.i.l.bf16.f32 v29;
	v47 =	vld [tilespmem:s28+$0xFFFFFFB0]  }
0x381: {  	v19 =	vadd.f32 v24, v19;
	v24 =	vadd.f32 v31, v25;
	v25 =	vunpack.i.u.bf16.f32 v23;
	v48 =	vld [tilespmem:s26+$0xFFFFFFC0]  }
0x382: {  	v23 =	vunpack.i.l.bf16.f32 v23;
	v12 =	vadd.f32 v27, v12;
	v13 =	vadd.f32 v28, v13;
	v49 =	vld [tilespmem:s28+$0xFFFFFFC0]  }
0x383: {  	v19 =	vadd.f32 v23, v19;
	v23 =	vadd.f32 v25, v24;
	v50 =	vld [tilespmem:s26+$0xFFFFFF30]  }
0x384: {  	v24 =	vunpack.i.l.bf16.f32 v26;
	v13 =	vadd.f32 v12, v13;
	v12 =	vunpack.i.u.bf16.f32 v26;
	v51 =	vld [tilespmem:s28+$0xFFFFFF30]  }
0x385: {  	v19 =	vadd.f32 v24, v19;
	v23 =	vadd.f32 v12, v23;
	v52 =	vld [tilespmem:s26+$0xFFFFFF40]  }
0x386: {  	v12 =	vmov s30;
	v53 =	vld [tilespmem:s28+$0xFFFFFF40];
	(xrf2) =	vadd.scan.msk.f32 $0xffff, v13  }
0x387: {  	v23 =	vadd.f32 v19, v23;
	v13 =	vperm.xlane v10, v12;
	v54 =	vld [tilespmem:s26+$0xFFFFFF90]  }
0x388: {  	v55 =	vld [tilespmem:s28+$0xFFFFFF90]  }
0x389: {  	v30 =	vshll.u32 v13, $0x7;
	v19 =	vld [tilespmem:s26+$0xFFFFFFA0];
	(xrf2) =	vadd.scan.msk.f32 $0xffff, v23  }
0x38a: {  	v28 =	vor.u32 v6, v30;
	v23 =	vld [tilespmem:s28+$0xFFFFFFA0]  }
0x38b: {  	v29 =	vor.u32 v7, v30;
	v24 =	vld [tilespmem:s26+$0xFFFFFF10]  }
0x38c: {  	v31 =	vor.u32 v4, v30;
	v26 =	vld [tilespmem:s28+$0xFFFFFF10]  }
0x38d: {  	s0 =	sadd.s32 $0x1, s30;
	v32 =	vor.u32 v5, v30;
	v25 =	vld [tilespmem:s26+$0xFFFFFF20]  }
0x38e: {  	v13 =	vmov s0;
	v33 =	vor.u32 v2, v30;
	v27 =	vld [tilespmem:s28+$0xFFFFFF20]  }
0x38f: {  	v42 =	vor.u32 v3, v30;
	v34 =	vperm.xlane v10, v13;
	v28 =	vld.idx.msk [tilespmem:v28+s10+$0x0], $0xffff  }
0x390: {  	v43 =	vor.u32 v0, v30;
	v29 =	vld.idx.msk [tilespmem:v29+s10+$0x0], $0xffff;
	v56, _, _ =	vpop (xrf2)  }
0x391: {  	v14 =	vadd.bf16 v15, v14;
	v57 =	vor.u32 v1, v30;
	v34 =	vshll.u32 v34, $0x7;
	v31 =	vld.idx.msk [tilespmem:v31+s10+$0x0], $0xffff  }
0x392: {  	v15 =	vadd.bf16 v17, v16;
	v35 =	vadd.bf16 v20, v18;
	v58 =	vor.u32 v6, v34;
	v30 =	vld.idx.msk [tilespmem:v32+s10+$0x0], $0xffff  }
0x393: {  	v36 =	vadd.bf16 v36, v21;
	v59 =	vor.u32 v7, v34;
	v32 =	vld.idx.msk [tilespmem:v33+s10+$0x0], $0xffff;
	(v2sf) =	vpush v56, $0xF;
	v16, _, _ =	vpop (xrf2)  }
.Ltmp4:
0x394: {  	v20 =	vadd.bf16 v37, v22;
	v33 =	vld.idx.msk [tilespmem:v42+s10+$0x0], $0xffff;
	v42 =	vor.u32 v4, v34;
	(v2sf) =	vpush v16, $0xF;
	(pc) =	sbr.rel @p0 .LBB2_11-.Ltmp4, $4  }
0x395: {  	v40 =	vadd.bf16 v41, v40;
	v16 =	vadd.bf16 v39, v38;
	v22 =	vld.idx.msk [tilespmem:v43+s10+$0x0], $0xffff;
	v43 =	vor.u32 v5, v34  }
0x396: {  	v41 =	vadd.bf16 v45, v44;
	v17 =	vadd.bf16 v47, v46;
	v44 =	vor.u32 v2, v34;
	v37 =	vld.idx.msk [tilespmem:v57+s10+$0x0], $0xffff  }
0x397: {  	v18 =	vadd.bf16 v49, v48;
	v46 =	vadd.bf16 v51, v50;
	v45 =	vor.u32 v3, v34;
	v39 =	vld.idx.msk [tilespmem:v58+s10+$0x0], $0xffff  }
0x398: {  	s30 =	sadd.s32 $0x2, s30;
	v47 =	vadd.bf16 v53, v52;
	v48 =	vor.u32 v0, v34;
	v21 =	vadd.bf16 v55, v54;
	v38 =	vld.idx.msk [tilespmem:v59+s10+$0x0], $0xffff  }
0x399: {  	_ =	sdelay $0x2  }
0x39a: {  	v10 =	vadd.bf16 v26, v24;
	v19 =	vadd.bf16 v23, v19  }
0x39b: {  	v24 =	vld.idx.msk [tilespmem:v42+s10+$0x0], $0xffff;
	v25 =	vadd.bf16 v27, v25;
	v26 =	vsub.bf16 v35, v28  }
0x39c: {  	v27 =	vld.idx.msk [tilespmem:v43+s10+$0x0], $0xffff;
	v28 =	vsub.bf16 v40, v31;
	v29 =	vsub.bf16 v36, v29  }
0x39d: {  	v23 =	vor.u32 v1, v34;
	v31 =	vld.idx.msk [tilespmem:v44+s10+$0x0], $0xffff;
	v32 =	vsub.bf16 v46, v32;
	v10 =	vsub.bf16 v10, v22  }
0x39e: {  	v55 =	vld.idx.msk [tilespmem:v45+s10+$0x0], $0xffff;
	v22 =	vsub.bf16 v47, v33;
	v25 =	vsub.bf16 v25, v37  }
0x39f: {  	v30 =	vsub.bf16 v41, v30;
	v56 =	vld.idx.msk [tilespmem:v48+s10+$0x0], $0xffff;
	v14 =	vsub.bf16 v14, v39;
	v10 =	vmul.bf16 v10, v10  }
0x3a0: {  	v15 =	vsub.bf16 v15, v38;
	v22 =	vmul.bf16 v22, v22;
	v25 =	vmul.bf16 v25, v25  }
0x3a1: {  	v20 =	vsub.bf16 v20, v24;
	v24 =	vmul.bf16 v28, v28;
	v28 =	vmul.bf16 v29, v29  }
0x3a2: {  	v23 =	vld.idx.msk [tilespmem:v23+s10+$0x0], $0xffff;
	v16 =	vsub.bf16 v16, v27;
	v27 =	vmul.bf16 v32, v32;
	v29 =	vmul.bf16 v30, v30  }
0x3a3: {  	v17 =	vsub.bf16 v17, v31;
	v18 =	vsub.bf16 v18, v55;
	v14 =	vmul.bf16 v14, v14  }
0x3a4: {  	v21 =	vsub.bf16 v21, v56;
	v15 =	vmul.bf16 v15, v15;
	v20 =	vmul.bf16 v20, v20  }
0x3a5: {  	v10 =	vadd.bf16 v25, v10;
	v17 =	vmul.bf16 v17, v17;
	v16 =	vmul.bf16 v16, v16  }
0x3a6: {  	v18 =	vmul.bf16 v18, v18;
	v22 =	vadd.bf16 v22, v27;
	v24 =	vadd.bf16 v29, v24  }
0x3a7: {  	v26 =	vmul.bf16 v26, v26;
	v14 =	vadd.bf16 v15, v14;
	v19 =	vsub.bf16 v19, v23  }
0x3a8: {  	v21 =	vmul.bf16 v21, v21;
	v15 =	vadd.bf16 v18, v17;
	v16 =	vadd.bf16 v16, v20  }
0x3a9: {  	v18 =	vunpack.i.u.bf16.f32 v10;
	v10 =	vunpack.i.l.bf16.f32 v10;
	v19 =	vmul.bf16 v19, v19  }
0x3aa: {  	v20 =	vunpack.i.l.bf16.f32 v24;
	v10 =	vadd.f32 $0.0e+00, v10;
	v18 =	vadd.f32 $0.0e+00, v18  }
0x3ab: {  	v17 =	vadd.bf16 v19, v21;
	v21 =	vunpack.i.u.bf16.f32 v22;
	v22 =	vunpack.i.l.bf16.f32 v22  }
0x3ac: {  	v23 =	vadd.bf16 v28, v26;
	v19 =	vunpack.i.u.bf16.f32 v24;
	v10 =	vadd.f32 v22, v10  }
0x3ad: {  	v18 =	vadd.f32 v21, v18;
	v24 =	vunpack.i.u.bf16.f32 v17;
	v17 =	vunpack.i.l.bf16.f32 v17  }
0x3ae: {  	v22 =	vunpack.i.u.bf16.f32 v15;
	v17 =	vadd.f32 $0.0e+00, v17;
	v21 =	vadd.f32 $0.0e+00, v24  }
0x3af: {  	v15 =	vunpack.i.l.bf16.f32 v15;
	v10 =	vadd.f32 v20, v10;
	v18 =	vadd.f32 v19, v18  }
0x3b0: {  	v19 =	vunpack.i.l.bf16.f32 v23;
	v15 =	vadd.f32 v15, v17;
	v17 =	vadd.f32 v22, v21  }
0x3b1: {  	v20 =	vunpack.i.u.bf16.f32 v16;
	v16 =	vunpack.i.l.bf16.f32 v16;
	v10 =	vadd.f32 v19, v10  }
0x3b2: {  	v19 =	vunpack.i.u.bf16.f32 v23;
	v15 =	vadd.f32 v16, v15;
	v16 =	vadd.f32 v20, v17  }
0x3b3: {  	v17 =	vadd.f32 v19, v18;
	v18 =	vunpack.i.u.bf16.f32 v14;
	v14 =	vunpack.i.l.bf16.f32 v14  }
0x3b4: {  	v14 =	vadd.f32 v14, v15;
	v15 =	vadd.f32 v18, v16  }
0x3b5: {  	v10 =	vadd.f32 v10, v17  }
0x3b6: {  	v14 =	vadd.f32 v14, v15  }
0x3b7: {  	(xrf2) =	vadd.scan.msk.f32 $0xffff, v10  }
0x3b8: {  	(xrf2) =	vadd.scan.msk.f32 $0xffff, v14;
	_ =	sdelay $0x8  }
0x3b9: {  	v10, _, _ =	vpop (xrf2)  }
0x3ba: {  	(v2sf) =	vpush v10, $0xF;
	v10, _, _ =	vpop (xrf2)  }
0x3bb: {  	(v2sf) =	vpush v10, $0xF;
	_ =	sdelay $0xb  }
0x3bc: {  	s0 =	spop (v2sf)  }
0x3bd: {  	s1 =	spop (v2sf);
	s0 =	ssub.f32 $0.0e+00, s0  }
0x3be: {  	vm0 =	veq.s32 v8, v0;
	s1 =	ssub.f32 $0.0e+00, s1;
	s26 =	spop (v2sf)  }
0x3bf: {  	vm1 =	veq.s32 v9, v0;
	v8 =	vsel vm0, s0, v11;
	s0 =	ssub.f32 $0.0e+00, s26;
	s30 =	spop (v2sf)  }
0x3c0: {  	vm14 =	veq.s32 v12, v0;
	v8 =	vsel vm1, s1, v8;
	s31 =	ssub.f32 $0.0e+00, s30  }
0x3c1: {  	vm15 =	veq.s32 v13, v0;
	v8 =	vsel vm14, s0, v8  }
0x3c2: {  	v8 =	vsel vm15, s31, v8  }
0x3c3: {  	[tilespmem:s29+$0x3AA8] =	vst v8  }
0x3c4: {  	s1 =	simm.s32 $0x18120;
	v10 =	vld [tilespmem:s25+$0x2758]  }
0x3c5: {  	s30 =	simm.s32 $0x19520;
	v11 =	vld [tilespmem:s1+$0xFFFFFFF0]  }
0x3c6: {  	v12 =	vld [tilespmem:s30+$0xFFFFFFF0]  }
0x3c7: {  	v13 =	vld [tilespmem:s1+$0x0]  }
0x3c8: {  	v14 =	vld [tilespmem:s30+$0x0]  }
0x3c9: {  	v15 =	vld [tilespmem:s1+$0xFFFFFF70]  }
0x3ca: {  	v16 =	vld [tilespmem:s30+$0xFFFFFF70]  }
0x3cb: {  	v17 =	vld [tilespmem:s1+$0xFFFFFF80]  }
0x3cc: {  	v18 =	vld [tilespmem:s30+$0xFFFFFF80]  }
0x3cd: {  	v19 =	vld [tilespmem:s1+$0xFFFFFFD0]  }
0x3ce: {  	v20 =	vld [tilespmem:s30+$0xFFFFFFD0]  }
0x3cf: {  	v21 =	vld [tilespmem:s1+$0xFFFFFFE0]  }
0x3d0: {  	v22 =	vld [tilespmem:s30+$0xFFFFFFE0]  }
0x3d1: {  	v23 =	vld [tilespmem:s1+$0xFFFFFF50]  }
0x3d2: {  	v24 =	vld [tilespmem:s30+$0xFFFFFF50]  }
0x3d3: {  	v25 =	vld [tilespmem:s1+$0xFFFFFF60]  }
0x3d4: {  	v26 =	vld [tilespmem:s30+$0xFFFFFF60]  }
0x3d5: {  	v27 =	vld [tilespmem:s1+$0xFFFFFFB0]  }
0x3d6: {  	v28 =	vld [tilespmem:s30+$0xFFFFFFB0]  }
0x3d7: {  	v29 =	vld [tilespmem:s1+$0xFFFFFFC0]  }
0x3d8: {  	v30 =	vld [tilespmem:s30+$0xFFFFFFC0]  }
0x3d9: {  	v31 =	vld [tilespmem:s1+$0xFFFFFF30]  }
0x3da: {  	v32 =	vld [tilespmem:s30+$0xFFFFFF30]  }
0x3db: {  	v33 =	vld [tilespmem:s1+$0xFFFFFF40]  }
0x3dc: {  	v34 =	vld [tilespmem:s30+$0xFFFFFF40]  }
0x3dd: {  	s31 =	simm.s32 $0x0;
	v35 =	vld [tilespmem:s1+$0xFFFFFF90]  }
0x3de: {  	v8 =	vmov s31;
	v36 =	vld [tilespmem:s30+$0xFFFFFF90]  }
0x3df: {  	v38 =	vld [tilespmem:s1+$0xFFFFFFA0];
	v9 =	vperm.xlane v10, v8  }
0x3e0: {  	v40 =	vld [tilespmem:s30+$0xFFFFFFA0]  }
0x3e1: {  	v41 =	vld [tilespmem:s1+$0xFFFFFF10];
	v57 =	vshll.u32 v9, $0x7  }
0x3e2: {  	v43 =	vld [tilespmem:s30+$0xFFFFFF10];
	v58 =	vor.u32 v6, v57  }
0x3e3: {  	v45 =	vld [tilespmem:s1+$0xFFFFFF20];
	v59 =	vor.u32 v7, v57  }
0x3e4: {  	s28 =	simm.s32 $0x19620;
	v62 =	vld [tilespmem:s30+$0xFFFFFF20];
	v60 =	vor.u32 v4, v57  }
0x3e5: {  	s26 =	simm.s32 $0x1;
	v48 =	vld [tilespmem:s28+$0xFFFFFFB0];
	v61 =	vor.u32 v5, v57  }
0x3e6: {  	v54 =	vld [tilespmem:s28+$0xFFFFFF40];
	v9 =	vmov s26;
	v63 =	vor.u32 v2, v57  }
0x3e7: {  	v49 =	vor.u32 v3, v57;
	v50 =	vperm.xlane v10, v9;
	v39 =	vld.idx.msk [tilespmem:v58+s10+$0x0], $0xffff  }
0x3e8: {  	v51 =	vor.u32 v0, v57;
	v42 =	vld.idx.msk [tilespmem:v59+s10+$0x0], $0xffff  }
0x3e9: {  	v37 =	vor.u32 v1, v57;
	v50 =	vshll.u32 v50, $0x7;
	v44 =	vld.idx.msk [tilespmem:v60+s10+$0x0], $0xffff  }
0x3ea: {  	v11 =	vadd.bf16 v12, v11;
	v52 =	vor.u32 v6, v50;
	v46 =	vld.idx.msk [tilespmem:v61+s10+$0x0], $0xffff  }
0x3eb: {  	v15 =	vadd.bf16 v16, v15;
	v13 =	vadd.bf16 v14, v13;
	v56 =	vor.u32 v7, v50;
	v12 =	vld.idx.msk [tilespmem:v63+s10+$0x0], $0xffff  }
0x3ec: {  	v17 =	vadd.bf16 v18, v17;
	v18 =	vadd.bf16 v20, v19;
	v16 =	vor.u32 v4, v50;
	v14 =	vld.idx.msk [tilespmem:v49+s10+$0x0], $0xffff  }
0x3ed: {  	v23 =	vadd.bf16 v24, v23;
	v21 =	vadd.bf16 v22, v21;
	v20 =	vor.u32 v5, v50;
	v19 =	vld.idx.msk [tilespmem:v51+s10+$0x0], $0xffff  }
0x3ee: {  	v25 =	vadd.bf16 v26, v25;
	v26 =	vadd.bf16 v28, v27;
	v24 =	vor.u32 v2, v50;
	v22 =	vld.idx.msk [tilespmem:v37+s10+$0x0], $0xffff  }
0x3ef: {  	v31 =	vadd.bf16 v32, v31;
	v29 =	vadd.bf16 v30, v29;
	v27 =	vor.u32 v3, v50;
	v28 =	vld.idx.msk [tilespmem:v52+s10+$0x0], $0xffff  }
0x3f0: {  	v33 =	vadd.bf16 v34, v33;
	v62 =	vadd.bf16 v62, v45;
	v30 =	vor.u32 v0, v50;
	v57 =	vld.idx.msk [tilespmem:v56+s10+$0x0], $0xffff  }
0x3f1: {  	v58 =	vadd.bf16 v36, v35;
	v60 =	vadd.bf16 v43, v41;
	v16 =	vld.idx.msk [tilespmem:v16+s10+$0x0], $0xffff  }
0x3f2: {  	v61 =	vadd.bf16 v40, v38;
	v20 =	vld.idx.msk [tilespmem:v20+s10+$0x0], $0xffff;
	v15 =	vsub.bf16 v15, v39  }
0x3f3: {  	v59 =	vor.u32 v1, v50;
	v24 =	vld.idx.msk [tilespmem:v24+s10+$0x0], $0xffff;
	v23 =	vsub.bf16 v23, v44;
	v17 =	vsub.bf16 v17, v42  }
0x3f4: {  	v27 =	vld.idx.msk [tilespmem:v27+s10+$0x0], $0xffff;
	v12 =	vsub.bf16 v31, v12;
	v25 =	vsub.bf16 v25, v46  }
0x3f5: {  	v30 =	vld.idx.msk [tilespmem:v30+s10+$0x0], $0xffff;
	v19 =	vsub.bf16 v60, v19;
	v14 =	vsub.bf16 v33, v14  }
0x3f6: {  	v32 =	vld [tilespmem:s28+$0x0];
	s26 =	simm.s32 $0x18220;
	v22 =	vsub.bf16 v62, v22;
	v15 =	vmul.bf16 v15, v15;
	v23 =	vmul.bf16 v23, v23  }
0x3f7: {  	v45 =	vld [tilespmem:s26+$0xFFFFFF60];
	v17 =	vmul.bf16 v17, v17;
	v12 =	vmul.bf16 v12, v12;
	v11 =	vsub.bf16 v11, v28  }
0x3f8: {  	v31 =	vld.idx.msk [tilespmem:v59+s10+$0x0], $0xffff;
	v25 =	vmul.bf16 v25, v25;
	v16 =	vsub.bf16 v18, v16;
	v13 =	vsub.bf16 v13, v57  }
0x3f9: {  	v47 =	vld [tilespmem:s26+$0xFFFFFFB0];
	v14 =	vmul.bf16 v14, v14;
	v20 =	vsub.bf16 v21, v20;
	v24 =	vsub.bf16 v26, v24  }
0x3fa: {  	v53 =	vld [tilespmem:s26+$0xFFFFFF40];
	v19 =	vmul.bf16 v19, v19;
	v26 =	vsub.bf16 v29, v27;
	v27 =	vsub.bf16 v58, v30  }
0x3fb: {  	v55 =	vld [tilespmem:s26+$0xFFFFFF90];
	v22 =	vmul.bf16 v22, v22;
	v15 =	vadd.bf16 v17, v15;
	v12 =	vadd.bf16 v14, v12  }
0x3fc: {  	v35 =	vld [tilespmem:s26+$0xFFFFFF70];
	v14 =	vadd.bf16 v25, v23;
	v11 =	vmul.bf16 v11, v11;
	v16 =	vmul.bf16 v16, v16  }
0x3fd: {  	v36 =	vld [tilespmem:s28+$0xFFFFFF70];
	v28 =	vsub.bf16 v61, v31;
	v13 =	vmul.bf16 v13, v13;
	v24 =	vmul.bf16 v24, v24  }
0x3fe: {  	v37 =	vld [tilespmem:s26+$0xFFFFFF80];
	v19 =	vadd.bf16 v22, v19;
	v20 =	vmul.bf16 v20, v20;
	v17 =	vmul.bf16 v26, v26  }
0x3ff: {  	v63 =	vld [tilespmem:s28+$0xFFFFFF80];
	v23 =	vmul.bf16 v27, v27;
	v22 =	vmul.bf16 v28, v28;
	v11 =	vadd.bf16 v13, v11  }
0x400: {  	v40 =	vld [tilespmem:s28+$0xFFFFFFD0];
	v13 =	vadd.bf16 v17, v24;
	v16 =	vadd.bf16 v20, v16;
	v24 =	vunpack.i.u.bf16.f32 v12  }
0x401: {  	v41 =	vld [tilespmem:s26+$0xFFFFFFE0];
	v20 =	vadd.bf16 v22, v23;
	v22 =	vunpack.i.u.bf16.f32 v19;
	v19 =	vunpack.i.l.bf16.f32 v19  }
0x402: {  	v43 =	vld [tilespmem:s26+$0xFFFFFF50];
	v12 =	vunpack.i.l.bf16.f32 v12;
	v19 =	vadd.f32 $0.0e+00, v19;
	v22 =	vadd.f32 $0.0e+00, v22  }
0x403: {  	v49 =	vld [tilespmem:s26+$0xFFFFFFC0];
	v23 =	vunpack.i.u.bf16.f32 v14;
	v14 =	vunpack.i.l.bf16.f32 v14;
	v25 =	vunpack.i.u.bf16.f32 v20  }
0x404: {  	v50 =	vld [tilespmem:s28+$0xFFFFFFC0];
	v20 =	vunpack.i.l.bf16.f32 v20;
	v12 =	vadd.f32 v12, v19;
	v19 =	vadd.f32 v24, v22  }
0x405: {  	v56 =	vld [tilespmem:s28+$0xFFFFFF90];
	v20 =	vadd.f32 $0.0e+00, v20;
	v22 =	vadd.f32 $0.0e+00, v25;
	v24 =	vunpack.i.u.bf16.f32 v13  }
0x406: {  	v33 =	vld [tilespmem:s26+$0xFFFFFFF0];
	v13 =	vunpack.i.l.bf16.f32 v13;
	v12 =	vadd.f32 v14, v12;
	v14 =	vadd.f32 v23, v19  }
0x407: {  	v39 =	vld [tilespmem:s26+$0xFFFFFFD0];
	v19 =	vunpack.i.l.bf16.f32 v15;
	v13 =	vadd.f32 v13, v20;
	v20 =	vadd.f32 v24, v22  }
0x408: {  	v44 =	vld [tilespmem:s28+$0xFFFFFF50];
	v22 =	vunpack.i.u.bf16.f32 v16;
	v16 =	vunpack.i.l.bf16.f32 v16;
	v12 =	vadd.f32 v19, v12  }
0x409: {  	v46 =	vld [tilespmem:s28+$0xFFFFFF60];
	v15 =	vunpack.i.u.bf16.f32 v15;
	v13 =	vadd.f32 v16, v13;
	v16 =	vadd.f32 v22, v20  }
0x40a: {  	v60 =	vld [tilespmem:s26+$0xFFFFFF30];
	v14 =	vadd.f32 v15, v14;
	v15 =	vunpack.i.u.bf16.f32 v11;
	v11 =	vunpack.i.l.bf16.f32 v11  }
0x40b: {  	s30 =	simm.s32 $0x2;
	v18 =	vld [tilespmem:s28+$0xFFFFFFF0];
	v11 =	vadd.f32 v11, v13;
	v13 =	vadd.f32 v15, v16  }
0x40c: {  	v21 =	vld [tilespmem:s26+$0x0];
	v14 =	vadd.f32 v12, v14;
	v12 =	vmov s30  }
0x40d: {  	v61 =	vld [tilespmem:s28+$0xFFFFFF30];
	v15 =	vperm.xlane v10, v12;
	v11 =	vadd.f32 v11, v13  }
0x40e: {  	v26 =	vld [tilespmem:s28+$0xFFFFFF10];
	(xrf2) =	vadd.scan.msk.f32 $0xffff, v14  }
0x40f: {  	v27 =	vld [tilespmem:s28+$0xFFFFFF20];
	v14 =	vshll.u32 v15, $0x7;
	(xrf2) =	vadd.scan.msk.f32 $0xffff, v11  }
0x410: {  	v17 =	vld [tilespmem:s28+$0xFFFFFFE0];
	v11 =	vor.u32 v6, v14  }
0x411: {  	v25 =	vld [tilespmem:s26+$0xFFFFFF20];
	v15 =	vor.u32 v7, v14  }
0x412: {  	v23 =	vld [tilespmem:s28+$0xFFFFFFA0];
	v16 =	vor.u32 v4, v14  }
0x413: {  	s31 =	simm.s32 $0x3;
	v24 =	vld [tilespmem:s26+$0xFFFFFF10];
	v20 =	vor.u32 v5, v14  }
0x414: {  	v19 =	vld [tilespmem:s26+$0xFFFFFFA0];
	v13 =	vmov s31;
	v22 =	vor.u32 v2, v14  }
0x415: {  	v30 =	vperm.xlane v10, v13;
	v62 =	vor.u32 v3, v14;
	v28 =	vld.idx.msk [tilespmem:v11+s10+$0x0], $0xffff  }
0x416: {  	v35 =	vadd.bf16 v36, v35;
	v57 =	vor.u32 v0, v14;
	v29 =	vld.idx.msk [tilespmem:v15+s10+$0x0], $0xffff  }
0x417: {  	v36 =	vadd.bf16 v63, v37;
	v58 =	vor.u32 v1, v14;
	v34 =	vshll.u32 v30, $0x7;
	v31 =	vld.idx.msk [tilespmem:v16+s10+$0x0], $0xffff  }
0x418: {  	v14 =	vadd.bf16 v18, v33;
	v18 =	vadd.bf16 v50, v49;
	v59 =	vor.u32 v6, v34;
	v30 =	vld.idx.msk [tilespmem:v20+s10+$0x0], $0xffff;
	v16, _, _ =	vpop (xrf2)  }
0x419: {  	v63 =	vor.u32 v7, v34;
	v15 =	vadd.bf16 v32, v21;
	v32 =	vld.idx.msk [tilespmem:v22+s10+$0x0], $0xffff;
	(v2sf) =	vpush v16, $0xF;
	v16, _, _ =	vpop (xrf2)  }
0x41a: {  	v42 =	vor.u32 v4, v34;
	v11 =	vimm.f32 $0.0e+00;
	v33 =	vld.idx.msk [tilespmem:v62+s10+$0x0], $0xffff;
	(v2sf) =	vpush v16, $0xF  }
0x41b: {  	v20 =	vadd.bf16 v40, v39;
	v22 =	vld.idx.msk [tilespmem:v57+s10+$0x0], $0xffff;
	v40 =	vadd.bf16 v44, v43;
	v43 =	vor.u32 v5, v34  }
0x41c: {  	v37 =	vld.idx.msk [tilespmem:v58+s10+$0x0], $0xffff;
	v44 =	vor.u32 v2, v34;
	v21 =	vadd.bf16 v56, v55;
	v16 =	vadd.bf16 v17, v41  }
0x41d: {  	v39 =	vld.idx.msk [tilespmem:v59+s10+$0x0], $0xffff;
	v41 =	vadd.bf16 v46, v45;
	v17 =	vadd.bf16 v48, v47;
	v45 =	vor.u32 v3, v34  }
0x41e: {  	s29 =	simm.s32 $0x4;
	s25 =	sadd.s32 $0x48, s25;
	v38 =	vld.idx.msk [tilespmem:v63+s10+$0x0], $0xffff;
	v46 =	vadd.bf16 v61, v60;
	v47 =	vadd.bf16 v54, v53;
	v48 =	vor.u32 v0, v34  }
.LBB2_13:
0x41f: {  	p0 =	slt.u32 s29, $0x6;
	v24 =	vadd.bf16 v26, v24;
	v26 =	vor.u32 v1, v34;
	v19 =	vadd.bf16 v23, v19;
	v23 =	vld.idx.msk [tilespmem:v42+s10+$0x0], $0xffff  }
0x420: {  	v25 =	vadd.bf16 v27, v25;
	v27 =	vsub.bf16 v35, v28;
	v28 =	vld.idx.msk [tilespmem:v43+s10+$0x0], $0xffff  }
0x421: {  	v31 =	vsub.bf16 v40, v31;
	v29 =	vsub.bf16 v36, v29;
	v34 =	vld.idx.msk [tilespmem:v44+s10+$0x0], $0xffff  }
0x422: {  	v32 =	vsub.bf16 v46, v32;
	v30 =	vsub.bf16 v41, v30;
	v35 =	vld.idx.msk [tilespmem:v45+s10+$0x0], $0xffff  }
0x423: {  	vm0 =	veq.s32 v8, v0;
	v22 =	vsub.bf16 v24, v22;
	v24 =	vsub.bf16 v47, v33;
	v33 =	vld.idx.msk [tilespmem:v48+s10+$0x0], $0xffff  }
0x424: {  	s26 =	sadd.s32 $0x100, s26;
	vm1 =	veq.s32 v9, v0;
	v25 =	vsub.bf16 v25, v37;
	v36 =	vsub.bf16 v14, v39;
	v26 =	vld.idx.msk [tilespmem:v26+s10+$0x0], $0xffff  }
0x425: {  	s28 =	sadd.s32 $0x100, s28;
	v8 =	vmovc v12;
	v27 =	vmul.bf16 v27, v27;
	v37 =	vsub.bf16 v15, v38;
	v23 =	vsub.bf16 v20, v23;
	v14 =	vld [tilespmem:s26+$0xFFFFFFF0]  }
0x426: {  	v9 =	vmovc v13;
	v12 =	vmul.bf16 v31, v31;
	v29 =	vmul.bf16 v29, v29;
	v28 =	vsub.bf16 v16, v28;
	v15 =	vld [tilespmem:s28+$0xFFFFFFF0]  }
0x427: {  	v13 =	vmul.bf16 v32, v32;
	v30 =	vmul.bf16 v30, v30;
	v31 =	vsub.bf16 v17, v34;
	v16 =	vld [tilespmem:s26+$0x0]  }
0x428: {  	v32 =	vmul.bf16 v22, v22;
	v24 =	vmul.bf16 v24, v24;
	v22 =	vsub.bf16 v18, v35;
	v17 =	vld [tilespmem:s28+$0x0];
	s0 =	spop (v2sf)  }
0x429: {  	v25 =	vmul.bf16 v25, v25;
	v34 =	vmul.bf16 v36, v36;
	v33 =	vsub.bf16 v21, v33;
	v18 =	vld [tilespmem:s26+$0xFFFFFF70];
	s0 =	ssub.f32 $0.0e+00, s0;
	s1 =	spop (v2sf)  }
0x42a: {  	v23 =	vmul.bf16 v23, v23;
	v19 =	vsub.bf16 v19, v26;
	v26 =	vmul.bf16 v37, v37;
	v20 =	vld [tilespmem:s28+$0xFFFFFF70];
	s1 =	ssub.f32 $0.0e+00, s1  }
0x42b: {  	v28 =	vmul.bf16 v28, v28;
	v31 =	vmul.bf16 v31, v31;
	v21 =	vld [tilespmem:s26+$0xFFFFFF80];
	v11 =	vsel vm0, s0, v11  }
0x42c: {  	v27 =	vadd.bf16 v29, v27;
	v29 =	vmul.bf16 v22, v22;
	v36 =	vld [tilespmem:s28+$0xFFFFFF80];
	v11 =	vsel vm1, s1, v11  }
0x42d: {  	v12 =	vadd.bf16 v30, v12;
	v13 =	vadd.bf16 v24, v13;
	v24 =	vmul.bf16 v33, v33;
	v22 =	vld [tilespmem:s26+$0xFFFFFFD0]  }
0x42e: {  	v25 =	vadd.bf16 v25, v32;
	v19 =	vmul.bf16 v19, v19;
	v26 =	vadd.bf16 v26, v34;
	v37 =	vld [tilespmem:s28+$0xFFFFFFD0]  }
0x42f: {  	v23 =	vadd.bf16 v28, v23;
	v29 =	vadd.bf16 v29, v31;
	v38 =	vld [tilespmem:s26+$0xFFFFFFE0]  }
0x430: {  	v28 =	vunpack.i.u.bf16.f32 v27;
	v27 =	vunpack.i.l.bf16.f32 v27;
	v19 =	vadd.bf16 v19, v24;
	v39 =	vld [tilespmem:s28+$0xFFFFFFE0]  }
0x431: {  	v30 =	vunpack.i.u.bf16.f32 v12;
	v24 =	vunpack.i.u.bf16.f32 v25;
	v25 =	vunpack.i.l.bf16.f32 v25;
	v40 =	vld [tilespmem:s26+$0xFFFFFF50]  }
0x432: {  	v12 =	vunpack.i.l.bf16.f32 v12;
	v25 =	vadd.f32 $0.0e+00, v25;
	v24 =	vadd.f32 $0.0e+00, v24;
	v41 =	vld [tilespmem:s28+$0xFFFFFF50]  }
0x433: {  	v31 =	vunpack.i.u.bf16.f32 v13;
	v13 =	vunpack.i.l.bf16.f32 v13;
	v32 =	vunpack.i.u.bf16.f32 v19;
	v44 =	vld [tilespmem:s26+$0xFFFFFF60]  }
0x434: {  	v19 =	vunpack.i.l.bf16.f32 v19;
	v13 =	vadd.f32 v13, v25;
	v24 =	vadd.f32 v31, v24;
	v45 =	vld [tilespmem:s28+$0xFFFFFF60]  }
0x435: {  	v19 =	vadd.f32 $0.0e+00, v19;
	v25 =	vadd.f32 $0.0e+00, v32;
	v31 =	vunpack.i.u.bf16.f32 v29;
	v46 =	vld [tilespmem:s26+$0xFFFFFFB0]  }
0x436: {  	v12 =	vadd.f32 v12, v13;
	v13 =	vadd.f32 v30, v24;
	v24 =	vunpack.i.l.bf16.f32 v29;
	v47 =	vld [tilespmem:s28+$0xFFFFFFB0]  }
0x437: {  	v19 =	vadd.f32 v24, v19;
	v24 =	vadd.f32 v31, v25;
	v25 =	vunpack.i.u.bf16.f32 v23;
	v48 =	vld [tilespmem:s26+$0xFFFFFFC0]  }
0x438: {  	v23 =	vunpack.i.l.bf16.f32 v23;
	v12 =	vadd.f32 v27, v12;
	v13 =	vadd.f32 v28, v13;
	v49 =	vld [tilespmem:s28+$0xFFFFFFC0]  }
0x439: {  	v19 =	vadd.f32 v23, v19;
	v23 =	vadd.f32 v25, v24;
	v50 =	vld [tilespmem:s26+$0xFFFFFF30]  }
0x43a: {  	v24 =	vunpack.i.l.bf16.f32 v26;
	v13 =	vadd.f32 v12, v13;
	v12 =	vunpack.i.u.bf16.f32 v26;
	v51 =	vld [tilespmem:s28+$0xFFFFFF30]  }
0x43b: {  	v19 =	vadd.f32 v24, v19;
	v23 =	vadd.f32 v12, v23;
	v52 =	vld [tilespmem:s26+$0xFFFFFF40]  }
0x43c: {  	v12 =	vmov s29;
	v53 =	vld [tilespmem:s28+$0xFFFFFF40];
	(xrf2) =	vadd.scan.msk.f32 $0xffff, v13  }
0x43d: {  	v23 =	vadd.f32 v19, v23;
	v13 =	vperm.xlane v10, v12;
	v54 =	vld [tilespmem:s26+$0xFFFFFF90]  }
0x43e: {  	v55 =	vld [tilespmem:s28+$0xFFFFFF90]  }
0x43f: {  	v30 =	vshll.u32 v13, $0x7;
	v19 =	vld [tilespmem:s26+$0xFFFFFFA0];
	(xrf2) =	vadd.scan.msk.f32 $0xffff, v23  }
0x440: {  	v28 =	vor.u32 v6, v30;
	v23 =	vld [tilespmem:s28+$0xFFFFFFA0]  }
0x441: {  	v29 =	vor.u32 v7, v30;
	v24 =	vld [tilespmem:s26+$0xFFFFFF10]  }
0x442: {  	v31 =	vor.u32 v4, v30;
	v26 =	vld [tilespmem:s28+$0xFFFFFF10]  }
0x443: {  	s0 =	sadd.s32 $0x1, s29;
	v32 =	vor.u32 v5, v30;
	v25 =	vld [tilespmem:s26+$0xFFFFFF20]  }
0x444: {  	v13 =	vmov s0;
	v33 =	vor.u32 v2, v30;
	v27 =	vld [tilespmem:s28+$0xFFFFFF20]  }
0x445: {  	v42 =	vor.u32 v3, v30;
	v34 =	vperm.xlane v10, v13;
	v28 =	vld.idx.msk [tilespmem:v28+s10+$0x0], $0xffff  }
0x446: {  	v43 =	vor.u32 v0, v30;
	v29 =	vld.idx.msk [tilespmem:v29+s10+$0x0], $0xffff;
	v56, _, _ =	vpop (xrf2)  }
0x447: {  	v14 =	vadd.bf16 v15, v14;
	v57 =	vor.u32 v1, v30;
	v34 =	vshll.u32 v34, $0x7;
	v31 =	vld.idx.msk [tilespmem:v31+s10+$0x0], $0xffff  }
0x448: {  	v15 =	vadd.bf16 v17, v16;
	v35 =	vadd.bf16 v20, v18;
	v58 =	vor.u32 v6, v34;
	v30 =	vld.idx.msk [tilespmem:v32+s10+$0x0], $0xffff  }
0x449: {  	v36 =	vadd.bf16 v36, v21;
	v59 =	vor.u32 v7, v34;
	v32 =	vld.idx.msk [tilespmem:v33+s10+$0x0], $0xffff;
	(v2sf) =	vpush v56, $0xF;
	v16, _, _ =	vpop (xrf2)  }
.Ltmp5:
0x44a: {  	v20 =	vadd.bf16 v37, v22;
	v33 =	vld.idx.msk [tilespmem:v42+s10+$0x0], $0xffff;
	v42 =	vor.u32 v4, v34;
	(v2sf) =	vpush v16, $0xF;
	(pc) =	sbr.rel @p0 .LBB2_13-.Ltmp5, $4  }
0x44b: {  	v40 =	vadd.bf16 v41, v40;
	v16 =	vadd.bf16 v39, v38;
	v22 =	vld.idx.msk [tilespmem:v43+s10+$0x0], $0xffff;
	v43 =	vor.u32 v5, v34  }
0x44c: {  	v41 =	vadd.bf16 v45, v44;
	v17 =	vadd.bf16 v47, v46;
	v44 =	vor.u32 v2, v34;
	v37 =	vld.idx.msk [tilespmem:v57+s10+$0x0], $0xffff  }
0x44d: {  	v18 =	vadd.bf16 v49, v48;
	v46 =	vadd.bf16 v51, v50;
	v45 =	vor.u32 v3, v34;
	v39 =	vld.idx.msk [tilespmem:v58+s10+$0x0], $0xffff  }
0x44e: {  	s29 =	sadd.s32 $0x2, s29;
	v47 =	vadd.bf16 v53, v52;
	v48 =	vor.u32 v0, v34;
	v21 =	vadd.bf16 v55, v54;
	v38 =	vld.idx.msk [tilespmem:v59+s10+$0x0], $0xffff  }
0x44f: {  	_ =	sdelay $0x2  }
0x450: {  	v10 =	vadd.bf16 v26, v24  }
0x451: {  	v19 =	vadd.bf16 v23, v19;
	v57 =	vld.idx.msk [tilespmem:v42+s10+$0x0], $0xffff;
	v25 =	vadd.bf16 v27, v25  }
0x452: {  	v58 =	vsub.bf16 v35, v28;
	v59 =	vld.idx.msk [tilespmem:v43+s10+$0x0], $0xffff;
	v60 =	vsub.bf16 v40, v31  }
0x453: {  	v29 =	vsub.bf16 v36, v29;
	v61 =	vld.idx.msk [tilespmem:v44+s10+$0x0], $0xffff;
	v32 =	vsub.bf16 v46, v32  }
0x454: {  	v56 =	vor.u32 v1, v34;
	v30 =	vsub.bf16 v41, v30;
	v62 =	vld.idx.msk [tilespmem:v45+s10+$0x0], $0xffff;
	v63 =	vsub.bf16 v47, v33  }
0x455: {  	v36 =	vld.idx.msk [tilespmem:v48+s10+$0x0], $0xffff;
	v10 =	vsub.bf16 v10, v22;
	v25 =	vsub.bf16 v25, v37;
	v26 =	vmul.bf16 v58, v58  }
0x456: {  	v40 =	vmul.bf16 v32, v32;
	v41 =	vmul.bf16 v30, v30;
	v14 =	vsub.bf16 v14, v39  }
0x457: {  	v39 =	vmul.bf16 v29, v29;
	v22 =	vmul.bf16 v63, v63;
	v15 =	vsub.bf16 v15, v38  }
0x458: {  	v38 =	vmul.bf16 v60, v60;
	v10 =	vmul.bf16 v10, v10;
	v20 =	vsub.bf16 v20, v57  }
0x459: {  	v25 =	vmul.bf16 v25, v25;
	v23 =	vld.idx.msk [tilespmem:v56+s10+$0x0], $0xffff;
	v16 =	vsub.bf16 v16, v59;
	v17 =	vsub.bf16 v17, v61  }
0x45a: {  	v18 =	vsub.bf16 v18, v62;
	v21 =	vsub.bf16 v21, v36;
	v14 =	vmul.bf16 v14, v14  }
0x45b: {  	v42 =	vadd.bf16 v39, v26;
	v22 =	vadd.bf16 v22, v40;
	v15 =	vmul.bf16 v15, v15  }
0x45c: {  	v24 =	vadd.bf16 v41, v38;
	v20 =	vmul.bf16 v20, v20;
	v17 =	vmul.bf16 v17, v17  }
0x45d: {  	v10 =	vadd.bf16 v25, v10;
	v16 =	vmul.bf16 v16, v16;
	v18 =	vmul.bf16 v18, v18  }
0x45e: {  	v21 =	vmul.bf16 v21, v21;
	v48 =	vunpack.i.u.bf16.f32 v22;
	v19 =	vsub.bf16 v19, v23  }
0x45f: {  	v22 =	vunpack.i.l.bf16.f32 v22;
	v52 =	vunpack.i.l.bf16.f32 v42;
	v14 =	vadd.bf16 v15, v14  }
0x460: {  	v45 =	vunpack.i.u.bf16.f32 v10;
	v10 =	vunpack.i.l.bf16.f32 v10;
	v19 =	vmul.bf16 v19, v19  }
0x461: {  	v55 =	vunpack.i.u.bf16.f32 v42;
	v43 =	vadd.bf16 v18, v17;
	v10 =	vadd.f32 $0.0e+00, v10  }
0x462: {  	v46 =	vunpack.i.u.bf16.f32 v24;
	v18 =	vadd.f32 $0.0e+00, v45;
	v44 =	vadd.bf16 v19, v21  }
0x463: {  	v47 =	vunpack.i.l.bf16.f32 v24;
	v16 =	vadd.bf16 v16, v20;
	v10 =	vadd.f32 v22, v10  }
0x464: {  	v18 =	vadd.f32 v48, v18;
	v49 =	vunpack.i.u.bf16.f32 v44;
	v17 =	vunpack.i.l.bf16.f32 v44  }
0x465: {  	v51 =	vunpack.i.u.bf16.f32 v43;
	v17 =	vadd.f32 $0.0e+00, v17;
	v50 =	vadd.f32 $0.0e+00, v49  }
0x466: {  	v15 =	vunpack.i.l.bf16.f32 v43;
	v10 =	vadd.f32 v47, v10;
	v18 =	vadd.f32 v46, v18  }
0x467: {  	v54 =	vunpack.i.u.bf16.f32 v16;
	v15 =	vadd.f32 v15, v17;
	v53 =	vadd.f32 v51, v50  }
0x468: {  	v16 =	vunpack.i.l.bf16.f32 v16;
	v10 =	vadd.f32 v52, v10;
	v57 =	vadd.f32 v55, v18  }
0x469: {  	v15 =	vadd.f32 v16, v15;
	v56 =	vadd.f32 v54, v53  }
0x46a: {  	v58 =	vunpack.i.u.bf16.f32 v14;
	v14 =	vunpack.i.l.bf16.f32 v14;
	v10 =	vadd.f32 v10, v57  }
0x46b: {  	v14 =	vadd.f32 v14, v15;
	v59 =	vadd.f32 v58, v56;
	_ =	sdelay $0x1  }
0x46c: {  	(xrf2) =	vadd.scan.msk.f32 $0xffff, v10;
	v14 =	vadd.f32 v14, v59;
	_ =	sdelay $0x1  }
0x46d: {  	(xrf2) =	vadd.scan.msk.f32 $0xffff, v14;
	_ =	sdelay $0x7  }
0x46e: {  	v10, _, _ =	vpop (xrf2)  }
0x46f: {  	(v2sf) =	vpush v10, $0xF  }
0x470: {  	v60, _, _ =	vpop (xrf2)  }
0x471: {  	(v2sf) =	vpush v60, $0xF;
	_ =	sdelay $0xa  }
0x472: {  	s0 =	spop (v2sf)  }
0x473: {  	v61 =	vadd.s32 s25, v0;
	s1 =	spop (v2sf);
	s0 =	ssub.f32 $0.0e+00, s0  }
0x474: {  	s24 =	sadd.s32 $0x1, s24;
	v62 =	vand.u32 $0x7, v0;
	s1 =	ssub.f32 $0.0e+00, s1;
	v10 =	vand.u32 $0x7FF8, v61;
	s28 =	spop (v2sf)  }
0x475: {  	vm0 =	veq.s32 v8, v0;
	p0 =	sne.s32 s24, $0x3E;
	v8 =	vor.u32 v62, v10;
	s29 =	ssub.f32 $0.0e+00, s28  }
.Ltmp6:
0x476: {  	vm1 =	veq.s32 v9, v0;
	v63 =	vsel vm0, s0, v11;
	s30 =	spop (v2sf);
	(pc) =	sbr.rel @p0 .LBB2_2-.Ltmp6, $4  }
0x477: {  	vm14 =	veq.s32 v12, v0;
	v9 =	vsel vm1, s1, v63;
	s31 =	ssub.f32 $0.0e+00, s30  }
0x478: {  	vm15 =	veq.s32 v13, v0;
	v9 =	vsel vm14, s29, v9  }
0x479: {  	v9 =	vsel vm15, s31, v9  }
0x47a: {  	[tilespmem:v8+s21+$0x0] =	vst.idx.msk $0xff, v9  }
0x47b: {  	_ =	swait.ge [sflag:s20], $0x1400  }
0x47c: {  	[sflag:s20] =	ssyncset.done $0x0  }
0x47d: {  	[sflag:s20] =	ssyncadd.s32 $0xFFFFEC00  }
0x47e: {  	_ =	swait.ge [sflag:s20], $0x1400  }
0x47f: {  	[sflag:s20] =	ssyncset.done $0x0  }
0x480: {  	[sflag:s20] =	ssyncadd.s32 $0xFFFFEC00  }
0x481: {  	s0 =	simm.s32 $0x148B0;
	v10 =	vld [tilespmem:$0x3A70]  }
0x482: {  	s1 =	simm.s32 $0x15CB0;
	v11 =	vld [tilespmem:s0+$0x60]  }
0x483: {  	v12 =	vld [tilespmem:s1+$0x60]  }
0x484: {  	v13 =	vld [tilespmem:s0+$0x70]  }
0x485: {  	v14 =	vld [tilespmem:s1+$0x70]  }
0x486: {  	v15 =	vld [tilespmem:s0+$0xFFFFFFE0]  }
0x487: {  	v16 =	vld [tilespmem:s1+$0xFFFFFFE0]  }
0x488: {  	v17 =	vld [tilespmem:s0+$0xFFFFFFF0]  }
0x489: {  	v18 =	vld [tilespmem:s1+$0xFFFFFFF0]  }
0x48a: {  	v19 =	vld [tilespmem:s0+$0x40]  }
0x48b: {  	v20 =	vld [tilespmem:s1+$0x40]  }
0x48c: {  	v21 =	vld [tilespmem:s0+$0x50]  }
0x48d: {  	v22 =	vld [tilespmem:s1+$0x50]  }
0x48e: {  	v23 =	vld [tilespmem:s0+$0xFFFFFFC0]  }
0x48f: {  	v24 =	vld [tilespmem:s1+$0xFFFFFFC0]  }
0x490: {  	v25 =	vld [tilespmem:s0+$0xFFFFFFD0]  }
0x491: {  	v26 =	vld [tilespmem:s1+$0xFFFFFFD0]  }
0x492: {  	v27 =	vld [tilespmem:s0+$0x20]  }
0x493: {  	v28 =	vld [tilespmem:s1+$0x20]  }
0x494: {  	v29 =	vld [tilespmem:s0+$0x30]  }
0x495: {  	v30 =	vld [tilespmem:s1+$0x30]  }
0x496: {  	v31 =	vld [tilespmem:s0+$0xFFFFFFA0]  }
0x497: {  	v32 =	vld [tilespmem:s1+$0xFFFFFFA0]  }
0x498: {  	v33 =	vld [tilespmem:s0+$0xFFFFFFB0]  }
0x499: {  	v34 =	vld [tilespmem:s1+$0xFFFFFFB0]  }
0x49a: {  	s24 =	simm.s32 $0x0;
	v35 =	vld [tilespmem:s0+$0x0]  }
0x49b: {  	v8 =	vmov s24;
	v36 =	vld [tilespmem:s1+$0x0]  }
0x49c: {  	v38 =	vld [tilespmem:s0+$0x10];
	v9 =	vperm.xlane v10, v8  }
0x49d: {  	v40 =	vld [tilespmem:s1+$0x10]  }
0x49e: {  	v41 =	vld [tilespmem:s0+$0xFFFFFF80];
	v37 =	vshll.u32 v9, $0x7  }
0x49f: {  	v43 =	vld [tilespmem:s1+$0xFFFFFF80];
	v39 =	vor.u32 v6, v37  }
0x4a0: {  	v45 =	vld [tilespmem:s0+$0xFFFFFF90];
	v42 =	vor.u32 v7, v37  }
0x4a1: {  	s25 =	simm.s32 $0x15DB0;
	v47 =	vld [tilespmem:s1+$0xFFFFFF90];
	v44 =	vor.u32 v4, v37  }
0x4a2: {  	s29 =	simm.s32 $0x1;
	s24 =	simm.s32 $0x149B0;
	v63 =	vld [tilespmem:s25+$0xFFFFFFF0];
	v46 =	vor.u32 v5, v37  }
0x4a3: {  	v53 =	vld [tilespmem:s24+$0xFFFFFFB0];
	v9 =	vmov s29;
	v48 =	vor.u32 v2, v37  }
0x4a4: {  	v49 =	vor.u32 v3, v37;
	v50 =	vperm.xlane v10, v9;
	v39 =	vld.idx.msk [tilespmem:v39+s10+$0x0], $0xffff  }
0x4a5: {  	v51 =	vor.u32 v0, v37;
	v42 =	vld.idx.msk [tilespmem:v42+s10+$0x0], $0xffff  }
0x4a6: {  	v37 =	vor.u32 v1, v37;
	v50 =	vshll.u32 v50, $0x7;
	v44 =	vld.idx.msk [tilespmem:v44+s10+$0x0], $0xffff  }
0x4a7: {  	v11 =	vadd.bf16 v12, v11;
	v52 =	vor.u32 v6, v50;
	v46 =	vld.idx.msk [tilespmem:v46+s10+$0x0], $0xffff  }
0x4a8: {  	v15 =	vadd.bf16 v16, v15;
	v13 =	vadd.bf16 v14, v13;
	v56 =	vor.u32 v7, v50;
	v12 =	vld.idx.msk [tilespmem:v48+s10+$0x0], $0xffff  }
0x4a9: {  	v17 =	vadd.bf16 v18, v17;
	v18 =	vadd.bf16 v20, v19;
	v16 =	vor.u32 v4, v50;
	v14 =	vld.idx.msk [tilespmem:v49+s10+$0x0], $0xffff  }
0x4aa: {  	v23 =	vadd.bf16 v24, v23;
	v21 =	vadd.bf16 v22, v21;
	v20 =	vor.u32 v5, v50;
	v19 =	vld.idx.msk [tilespmem:v51+s10+$0x0], $0xffff  }
0x4ab: {  	v25 =	vadd.bf16 v26, v25;
	v26 =	vadd.bf16 v28, v27;
	v24 =	vor.u32 v2, v50;
	v22 =	vld.idx.msk [tilespmem:v37+s10+$0x0], $0xffff  }
0x4ac: {  	v31 =	vadd.bf16 v32, v31;
	v29 =	vadd.bf16 v30, v29;
	v27 =	vor.u32 v3, v50;
	v28 =	vld.idx.msk [tilespmem:v52+s10+$0x0], $0xffff  }
0x4ad: {  	v33 =	vadd.bf16 v34, v33;
	v58 =	vadd.bf16 v36, v35;
	v30 =	vor.u32 v0, v50;
	v57 =	vld.idx.msk [tilespmem:v56+s10+$0x0], $0xffff  }
0x4ae: {  	v60 =	vadd.bf16 v43, v41;
	v61 =	vadd.bf16 v40, v38;
	v16 =	vld.idx.msk [tilespmem:v16+s10+$0x0], $0xffff  }
0x4af: {  	v62 =	vadd.bf16 v47, v45;
	v20 =	vld.idx.msk [tilespmem:v20+s10+$0x0], $0xffff;
	v15 =	vsub.bf16 v15, v39  }
0x4b0: {  	v59 =	vor.u32 v1, v50;
	v24 =	vld.idx.msk [tilespmem:v24+s10+$0x0], $0xffff;
	v23 =	vsub.bf16 v23, v44;
	v17 =	vsub.bf16 v17, v42  }
0x4b1: {  	v27 =	vld.idx.msk [tilespmem:v27+s10+$0x0], $0xffff;
	v12 =	vsub.bf16 v31, v12;
	v25 =	vsub.bf16 v25, v46  }
0x4b2: {  	v30 =	vld.idx.msk [tilespmem:v30+s10+$0x0], $0xffff;
	v19 =	vsub.bf16 v60, v19;
	v14 =	vsub.bf16 v33, v14  }
0x4b3: {  	v54 =	vld [tilespmem:s25+$0xFFFFFFB0];
	v22 =	vsub.bf16 v62, v22;
	v15 =	vmul.bf16 v15, v15;
	v23 =	vmul.bf16 v23, v23  }
0x4b4: {  	v55 =	vld [tilespmem:s24+$0x0];
	v17 =	vmul.bf16 v17, v17;
	v12 =	vmul.bf16 v12, v12;
	v11 =	vsub.bf16 v11, v28  }
0x4b5: {  	v31 =	vld.idx.msk [tilespmem:v59+s10+$0x0], $0xffff;
	v25 =	vmul.bf16 v25, v25;
	v16 =	vsub.bf16 v18, v16;
	v13 =	vsub.bf16 v13, v57  }
0x4b6: {  	v32 =	vld [tilespmem:s25+$0x70];
	v14 =	vmul.bf16 v14, v14;
	v20 =	vsub.bf16 v21, v20;
	v24 =	vsub.bf16 v26, v24  }
0x4b7: {  	v35 =	vld [tilespmem:s24+$0xFFFFFFE0];
	v19 =	vmul.bf16 v19, v19;
	v26 =	vsub.bf16 v29, v27;
	v27 =	vsub.bf16 v58, v30  }
0x4b8: {  	v36 =	vld [tilespmem:s25+$0xFFFFFFE0];
	v22 =	vmul.bf16 v22, v22;
	v15 =	vadd.bf16 v17, v15;
	v12 =	vadd.bf16 v14, v12  }
0x4b9: {  	v40 =	vld [tilespmem:s25+$0x40];
	v14 =	vadd.bf16 v25, v23;
	v11 =	vmul.bf16 v11, v11;
	v16 =	vmul.bf16 v16, v16  }
0x4ba: {  	v41 =	vld [tilespmem:s24+$0x50];
	v28 =	vsub.bf16 v61, v31;
	v13 =	vmul.bf16 v13, v13;
	v24 =	vmul.bf16 v24, v24  }
0x4bb: {  	v43 =	vld [tilespmem:s24+$0xFFFFFFC0];
	v19 =	vadd.bf16 v22, v19;
	v20 =	vmul.bf16 v20, v20;
	v17 =	vmul.bf16 v26, v26  }
0x4bc: {  	v45 =	vld [tilespmem:s24+$0xFFFFFFD0];
	v23 =	vmul.bf16 v27, v27;
	v22 =	vmul.bf16 v28, v28;
	v11 =	vadd.bf16 v13, v11  }
0x4bd: {  	v47 =	vld [tilespmem:s24+$0x20];
	v13 =	vadd.bf16 v17, v24;
	v16 =	vadd.bf16 v20, v16;
	v24 =	vunpack.i.u.bf16.f32 v12  }
0x4be: {  	v50 =	vld [tilespmem:s25+$0x30];
	v20 =	vadd.bf16 v22, v23;
	v22 =	vunpack.i.u.bf16.f32 v19;
	v19 =	vunpack.i.l.bf16.f32 v19  }
0x4bf: {  	v37 =	vld [tilespmem:s24+$0xFFFFFFF0];
	v12 =	vunpack.i.l.bf16.f32 v12;
	v19 =	vadd.f32 $0.0e+00, v19;
	v22 =	vadd.f32 $0.0e+00, v22  }
0x4c0: {  	v48 =	vld [tilespmem:s25+$0x20];
	v23 =	vunpack.i.u.bf16.f32 v14;
	v14 =	vunpack.i.l.bf16.f32 v14;
	v25 =	vunpack.i.u.bf16.f32 v20  }
0x4c1: {  	v49 =	vld [tilespmem:s24+$0x30];
	v20 =	vunpack.i.l.bf16.f32 v20;
	v12 =	vadd.f32 v12, v19;
	v19 =	vadd.f32 v24, v22  }
0x4c2: {  	v56 =	vld [tilespmem:s25+$0x0];
	v20 =	vadd.f32 $0.0e+00, v20;
	v22 =	vadd.f32 $0.0e+00, v25;
	v24 =	vunpack.i.u.bf16.f32 v13  }
0x4c3: {  	v33 =	vld [tilespmem:s24+$0x60];
	v13 =	vunpack.i.l.bf16.f32 v13;
	v12 =	vadd.f32 v14, v12;
	v14 =	vadd.f32 v23, v19  }
0x4c4: {  	v39 =	vld [tilespmem:s24+$0x40];
	v19 =	vunpack.i.l.bf16.f32 v15;
	v13 =	vadd.f32 v13, v20;
	v20 =	vadd.f32 v24, v22  }
0x4c5: {  	v44 =	vld [tilespmem:s25+$0xFFFFFFC0];
	v22 =	vunpack.i.u.bf16.f32 v16;
	v16 =	vunpack.i.l.bf16.f32 v16;
	v12 =	vadd.f32 v19, v12  }
0x4c6: {  	v46 =	vld [tilespmem:s25+$0xFFFFFFD0];
	v15 =	vunpack.i.u.bf16.f32 v15;
	v13 =	vadd.f32 v16, v13;
	v16 =	vadd.f32 v22, v20  }
0x4c7: {  	v60 =	vld [tilespmem:s24+$0xFFFFFFA0];
	v14 =	vadd.f32 v15, v14;
	v15 =	vunpack.i.u.bf16.f32 v11;
	v11 =	vunpack.i.l.bf16.f32 v11  }
0x4c8: {  	s30 =	simm.s32 $0x2;
	v18 =	vld [tilespmem:s25+$0x60];
	v11 =	vadd.f32 v11, v13;
	v13 =	vadd.f32 v15, v16  }
0x4c9: {  	v21 =	vld [tilespmem:s24+$0x70];
	v14 =	vadd.f32 v12, v14;
	v12 =	vmov s30  }
0x4ca: {  	v61 =	vld [tilespmem:s25+$0xFFFFFFA0];
	v15 =	vperm.xlane v10, v12;
	v11 =	vadd.f32 v11, v13  }
0x4cb: {  	v26 =	vld [tilespmem:s25+$0xFFFFFF80];
	(xrf2) =	vadd.scan.msk.f32 $0xffff, v14  }
0x4cc: {  	v27 =	vld [tilespmem:s25+$0xFFFFFF90];
	v14 =	vshll.u32 v15, $0x7;
	(xrf2) =	vadd.scan.msk.f32 $0xffff, v11  }
0x4cd: {  	v17 =	vld [tilespmem:s25+$0x50];
	v11 =	vor.u32 v6, v14  }
0x4ce: {  	v25 =	vld [tilespmem:s24+$0xFFFFFF90];
	v15 =	vor.u32 v7, v14  }
0x4cf: {  	v23 =	vld [tilespmem:s25+$0x10];
	v16 =	vor.u32 v4, v14  }
0x4d0: {  	s31 =	simm.s32 $0x3;
	v24 =	vld [tilespmem:s24+$0xFFFFFF80];
	v19 =	vor.u32 v5, v14  }
0x4d1: {  	v20 =	vld [tilespmem:s24+$0x10];
	v13 =	vmov s31;
	v22 =	vor.u32 v2, v14  }
0x4d2: {  	v30 =	vperm.xlane v10, v13;
	v62 =	vor.u32 v3, v14;
	v28 =	vld.idx.msk [tilespmem:v11+s10+$0x0], $0xffff  }
0x4d3: {  	v35 =	vadd.bf16 v36, v35;
	v57 =	vor.u32 v0, v14;
	v29 =	vld.idx.msk [tilespmem:v15+s10+$0x0], $0xffff  }
0x4d4: {  	v36 =	vadd.bf16 v63, v37;
	v58 =	vor.u32 v1, v14;
	v34 =	vshll.u32 v30, $0x7;
	v31 =	vld.idx.msk [tilespmem:v16+s10+$0x0], $0xffff  }
0x4d5: {  	v14 =	vadd.bf16 v18, v33;
	v18 =	vadd.bf16 v50, v49;
	v59 =	vor.u32 v6, v34;
	v30 =	vld.idx.msk [tilespmem:v19+s10+$0x0], $0xffff;
	v16, _, _ =	vpop (xrf2)  }
0x4d6: {  	v63 =	vor.u32 v7, v34;
	v15 =	vadd.bf16 v32, v21;
	v32 =	vld.idx.msk [tilespmem:v22+s10+$0x0], $0xffff;
	(v2sf) =	vpush v16, $0xF;
	v16, _, _ =	vpop (xrf2)  }
0x4d7: {  	v42 =	vor.u32 v4, v34;
	v11 =	vimm.f32 $0.0e+00;
	v33 =	vld.idx.msk [tilespmem:v62+s10+$0x0], $0xffff;
	(v2sf) =	vpush v16, $0xF  }
0x4d8: {  	v19 =	vadd.bf16 v40, v39;
	v22 =	vld.idx.msk [tilespmem:v57+s10+$0x0], $0xffff;
	v40 =	vadd.bf16 v44, v43;
	v43 =	vor.u32 v5, v34  }
0x4d9: {  	v37 =	vld.idx.msk [tilespmem:v58+s10+$0x0], $0xffff;
	v44 =	vor.u32 v2, v34;
	v21 =	vadd.bf16 v56, v55;
	v16 =	vadd.bf16 v17, v41  }
0x4da: {  	v39 =	vld.idx.msk [tilespmem:v59+s10+$0x0], $0xffff;
	v41 =	vadd.bf16 v46, v45;
	v17 =	vadd.bf16 v48, v47;
	v45 =	vor.u32 v3, v34  }
0x4db: {  	s26 =	simm.s32 $0x4;
	v38 =	vld.idx.msk [tilespmem:v63+s10+$0x0], $0xffff;
	v46 =	vadd.bf16 v61, v60;
	v47 =	vadd.bf16 v54, v53;
	v48 =	vor.u32 v0, v34  }
.LBB2_16:
0x4dc: {  	p0 =	slt.u32 s26, $0xE;
	v24 =	vadd.bf16 v26, v24;
	v26 =	vor.u32 v1, v34;
	v20 =	vadd.bf16 v23, v20;
	v23 =	vld.idx.msk [tilespmem:v42+s10+$0x0], $0xffff  }
0x4dd: {  	v25 =	vadd.bf16 v27, v25;
	v27 =	vsub.bf16 v35, v28;
	v28 =	vld.idx.msk [tilespmem:v43+s10+$0x0], $0xffff  }
0x4de: {  	v31 =	vsub.bf16 v40, v31;
	v29 =	vsub.bf16 v36, v29;
	v34 =	vld.idx.msk [tilespmem:v44+s10+$0x0], $0xffff  }
0x4df: {  	v32 =	vsub.bf16 v46, v32;
	v30 =	vsub.bf16 v41, v30;
	v35 =	vld.idx.msk [tilespmem:v45+s10+$0x0], $0xffff  }
0x4e0: {  	vm0 =	veq.s32 v8, v0;
	v22 =	vsub.bf16 v24, v22;
	v24 =	vsub.bf16 v47, v33;
	v33 =	vld.idx.msk [tilespmem:v48+s10+$0x0], $0xffff  }
0x4e1: {  	s24 =	sadd.s32 $0x100, s24;
	vm1 =	veq.s32 v9, v0;
	v25 =	vsub.bf16 v25, v37;
	v36 =	vsub.bf16 v14, v39;
	v26 =	vld.idx.msk [tilespmem:v26+s10+$0x0], $0xffff  }
0x4e2: {  	s25 =	sadd.s32 $0x100, s25;
	v8 =	vmovc v12;
	v27 =	vmul.bf16 v27, v27;
	v37 =	vsub.bf16 v15, v38;
	v23 =	vsub.bf16 v19, v23;
	v14 =	vld [tilespmem:s24+$0x60]  }
0x4e3: {  	v9 =	vmovc v13;
	v12 =	vmul.bf16 v31, v31;
	v29 =	vmul.bf16 v29, v29;
	v28 =	vsub.bf16 v16, v28;
	v15 =	vld [tilespmem:s25+$0x60]  }
0x4e4: {  	v13 =	vmul.bf16 v32, v32;
	v30 =	vmul.bf16 v30, v30;
	v31 =	vsub.bf16 v17, v34;
	v16 =	vld [tilespmem:s24+$0x70]  }
0x4e5: {  	v32 =	vmul.bf16 v22, v22;
	v24 =	vmul.bf16 v24, v24;
	v22 =	vsub.bf16 v18, v35;
	v17 =	vld [tilespmem:s25+$0x70];
	s0 =	spop (v2sf)  }
0x4e6: {  	v25 =	vmul.bf16 v25, v25;
	v34 =	vmul.bf16 v36, v36;
	v33 =	vsub.bf16 v21, v33;
	v18 =	vld [tilespmem:s24+$0xFFFFFFE0];
	s0 =	ssub.f32 $0.0e+00, s0;
	s1 =	spop (v2sf)  }
0x4e7: {  	v23 =	vmul.bf16 v23, v23;
	v20 =	vsub.bf16 v20, v26;
	v26 =	vmul.bf16 v37, v37;
	v19 =	vld [tilespmem:s25+$0xFFFFFFE0];
	s1 =	ssub.f32 $0.0e+00, s1  }
0x4e8: {  	v28 =	vmul.bf16 v28, v28;
	v31 =	vmul.bf16 v31, v31;
	v21 =	vld [tilespmem:s24+$0xFFFFFFF0];
	v11 =	vsel vm0, s0, v11  }
0x4e9: {  	v27 =	vadd.bf16 v29, v27;
	v29 =	vmul.bf16 v22, v22;
	v36 =	vld [tilespmem:s25+$0xFFFFFFF0];
	v11 =	vsel vm1, s1, v11  }
0x4ea: {  	v12 =	vadd.bf16 v30, v12;
	v13 =	vadd.bf16 v24, v13;
	v24 =	vmul.bf16 v33, v33;
	v22 =	vld [tilespmem:s24+$0x40]  }
0x4eb: {  	v25 =	vadd.bf16 v25, v32;
	v20 =	vmul.bf16 v20, v20;
	v26 =	vadd.bf16 v26, v34;
	v37 =	vld [tilespmem:s25+$0x40]  }
0x4ec: {  	v23 =	vadd.bf16 v28, v23;
	v29 =	vadd.bf16 v29, v31;
	v38 =	vld [tilespmem:s24+$0x50]  }
0x4ed: {  	v28 =	vunpack.i.u.bf16.f32 v27;
	v27 =	vunpack.i.l.bf16.f32 v27;
	v20 =	vadd.bf16 v20, v24;
	v39 =	vld [tilespmem:s25+$0x50]  }
0x4ee: {  	v30 =	vunpack.i.u.bf16.f32 v12;
	v24 =	vunpack.i.u.bf16.f32 v25;
	v25 =	vunpack.i.l.bf16.f32 v25;
	v40 =	vld [tilespmem:s24+$0xFFFFFFC0]  }
0x4ef: {  	v12 =	vunpack.i.l.bf16.f32 v12;
	v25 =	vadd.f32 $0.0e+00, v25;
	v24 =	vadd.f32 $0.0e+00, v24;
	v41 =	vld [tilespmem:s25+$0xFFFFFFC0]  }
0x4f0: {  	v31 =	vunpack.i.u.bf16.f32 v13;
	v13 =	vunpack.i.l.bf16.f32 v13;
	v32 =	vunpack.i.u.bf16.f32 v20;
	v44 =	vld [tilespmem:s24+$0xFFFFFFD0]  }
0x4f1: {  	v20 =	vunpack.i.l.bf16.f32 v20;
	v13 =	vadd.f32 v13, v25;
	v24 =	vadd.f32 v31, v24;
	v45 =	vld [tilespmem:s25+$0xFFFFFFD0]  }
0x4f2: {  	v20 =	vadd.f32 $0.0e+00, v20;
	v25 =	vadd.f32 $0.0e+00, v32;
	v31 =	vunpack.i.u.bf16.f32 v29;
	v46 =	vld [tilespmem:s24+$0x20]  }
0x4f3: {  	v12 =	vadd.f32 v12, v13;
	v13 =	vadd.f32 v30, v24;
	v24 =	vunpack.i.l.bf16.f32 v29;
	v47 =	vld [tilespmem:s25+$0x20]  }
0x4f4: {  	v20 =	vadd.f32 v24, v20;
	v24 =	vadd.f32 v31, v25;
	v25 =	vunpack.i.u.bf16.f32 v23;
	v48 =	vld [tilespmem:s24+$0x30]  }
0x4f5: {  	v23 =	vunpack.i.l.bf16.f32 v23;
	v12 =	vadd.f32 v27, v12;
	v13 =	vadd.f32 v28, v13;
	v49 =	vld [tilespmem:s25+$0x30]  }
0x4f6: {  	v20 =	vadd.f32 v23, v20;
	v23 =	vadd.f32 v25, v24;
	v50 =	vld [tilespmem:s24+$0xFFFFFFA0]  }
0x4f7: {  	v24 =	vunpack.i.l.bf16.f32 v26;
	v13 =	vadd.f32 v12, v13;
	v12 =	vunpack.i.u.bf16.f32 v26;
	v51 =	vld [tilespmem:s25+$0xFFFFFFA0]  }
0x4f8: {  	v20 =	vadd.f32 v24, v20;
	v23 =	vadd.f32 v12, v23;
	v52 =	vld [tilespmem:s24+$0xFFFFFFB0]  }
0x4f9: {  	v12 =	vmov s26;
	v53 =	vld [tilespmem:s25+$0xFFFFFFB0];
	(xrf2) =	vadd.scan.msk.f32 $0xffff, v13  }
0x4fa: {  	v23 =	vadd.f32 v20, v23;
	v13 =	vperm.xlane v10, v12;
	v54 =	vld [tilespmem:s24+$0x0]  }
0x4fb: {  	v55 =	vld [tilespmem:s25+$0x0]  }
0x4fc: {  	v30 =	vshll.u32 v13, $0x7;
	v20 =	vld [tilespmem:s24+$0x10];
	(xrf2) =	vadd.scan.msk.f32 $0xffff, v23  }
0x4fd: {  	v28 =	vor.u32 v6, v30;
	v23 =	vld [tilespmem:s25+$0x10]  }
0x4fe: {  	v29 =	vor.u32 v7, v30;
	v24 =	vld [tilespmem:s24+$0xFFFFFF80]  }
0x4ff: {  	v31 =	vor.u32 v4, v30;
	v26 =	vld [tilespmem:s25+$0xFFFFFF80]  }
0x500: {  	s0 =	sadd.s32 $0x1, s26;
	v32 =	vor.u32 v5, v30;
	v25 =	vld [tilespmem:s24+$0xFFFFFF90]  }
0x501: {  	v13 =	vmov s0;
	v33 =	vor.u32 v2, v30;
	v27 =	vld [tilespmem:s25+$0xFFFFFF90]  }
0x502: {  	v42 =	vor.u32 v3, v30;
	v34 =	vperm.xlane v10, v13;
	v28 =	vld.idx.msk [tilespmem:v28+s10+$0x0], $0xffff  }
0x503: {  	v43 =	vor.u32 v0, v30;
	v29 =	vld.idx.msk [tilespmem:v29+s10+$0x0], $0xffff;
	v56, _, _ =	vpop (xrf2)  }
0x504: {  	v14 =	vadd.bf16 v15, v14;
	v57 =	vor.u32 v1, v30;
	v34 =	vshll.u32 v34, $0x7;
	v31 =	vld.idx.msk [tilespmem:v31+s10+$0x0], $0xffff  }
0x505: {  	v15 =	vadd.bf16 v17, v16;
	v35 =	vadd.bf16 v19, v18;
	v58 =	vor.u32 v6, v34;
	v30 =	vld.idx.msk [tilespmem:v32+s10+$0x0], $0xffff  }
0x506: {  	v36 =	vadd.bf16 v36, v21;
	v59 =	vor.u32 v7, v34;
	v32 =	vld.idx.msk [tilespmem:v33+s10+$0x0], $0xffff;
	(v2sf) =	vpush v56, $0xF;
	v16, _, _ =	vpop (xrf2)  }
.Ltmp7:
0x507: {  	v19 =	vadd.bf16 v37, v22;
	v33 =	vld.idx.msk [tilespmem:v42+s10+$0x0], $0xffff;
	v42 =	vor.u32 v4, v34;
	(v2sf) =	vpush v16, $0xF;
	(pc) =	sbr.rel @p0 .LBB2_16-.Ltmp7, $4  }
0x508: {  	v40 =	vadd.bf16 v41, v40;
	v16 =	vadd.bf16 v39, v38;
	v22 =	vld.idx.msk [tilespmem:v43+s10+$0x0], $0xffff;
	v43 =	vor.u32 v5, v34  }
0x509: {  	v41 =	vadd.bf16 v45, v44;
	v17 =	vadd.bf16 v47, v46;
	v44 =	vor.u32 v2, v34;
	v37 =	vld.idx.msk [tilespmem:v57+s10+$0x0], $0xffff  }
0x50a: {  	v18 =	vadd.bf16 v49, v48;
	v46 =	vadd.bf16 v51, v50;
	v45 =	vor.u32 v3, v34;
	v39 =	vld.idx.msk [tilespmem:v58+s10+$0x0], $0xffff  }
0x50b: {  	s26 =	sadd.s32 $0x2, s26;
	v47 =	vadd.bf16 v53, v52;
	v48 =	vor.u32 v0, v34;
	v21 =	vadd.bf16 v55, v54;
	v38 =	vld.idx.msk [tilespmem:v59+s10+$0x0], $0xffff  }
0x50c: {  	_ =	sdelay $0x2  }
0x50d: {  	v10 =	vadd.bf16 v26, v24;
	v20 =	vadd.bf16 v23, v20  }
0x50e: {  	v24 =	vld.idx.msk [tilespmem:v42+s10+$0x0], $0xffff;
	v25 =	vadd.bf16 v27, v25;
	v26 =	vsub.bf16 v35, v28  }
0x50f: {  	v27 =	vld.idx.msk [tilespmem:v43+s10+$0x0], $0xffff;
	v28 =	vsub.bf16 v40, v31;
	v29 =	vsub.bf16 v36, v29  }
0x510: {  	v23 =	vor.u32 v1, v34;
	v31 =	vld.idx.msk [tilespmem:v44+s10+$0x0], $0xffff;
	v32 =	vsub.bf16 v46, v32;
	v10 =	vsub.bf16 v10, v22  }
0x511: {  	v55 =	vld.idx.msk [tilespmem:v45+s10+$0x0], $0xffff;
	v22 =	vsub.bf16 v47, v33;
	v25 =	vsub.bf16 v25, v37  }
0x512: {  	v30 =	vsub.bf16 v41, v30;
	v56 =	vld.idx.msk [tilespmem:v48+s10+$0x0], $0xffff;
	v14 =	vsub.bf16 v14, v39;
	v10 =	vmul.bf16 v10, v10  }
0x513: {  	v15 =	vsub.bf16 v15, v38;
	v22 =	vmul.bf16 v22, v22;
	v25 =	vmul.bf16 v25, v25  }
0x514: {  	v19 =	vsub.bf16 v19, v24;
	v24 =	vmul.bf16 v28, v28;
	v28 =	vmul.bf16 v29, v29  }
0x515: {  	v23 =	vld.idx.msk [tilespmem:v23+s10+$0x0], $0xffff;
	v16 =	vsub.bf16 v16, v27;
	v27 =	vmul.bf16 v32, v32;
	v29 =	vmul.bf16 v30, v30  }
0x516: {  	v17 =	vsub.bf16 v17, v31;
	v18 =	vsub.bf16 v18, v55;
	v14 =	vmul.bf16 v14, v14  }
0x517: {  	v21 =	vsub.bf16 v21, v56;
	v15 =	vmul.bf16 v15, v15;
	v19 =	vmul.bf16 v19, v19  }
0x518: {  	v10 =	vadd.bf16 v25, v10;
	v17 =	vmul.bf16 v17, v17;
	v16 =	vmul.bf16 v16, v16  }
0x519: {  	v18 =	vmul.bf16 v18, v18;
	v22 =	vadd.bf16 v22, v27;
	v24 =	vadd.bf16 v29, v24  }
0x51a: {  	v26 =	vmul.bf16 v26, v26;
	v14 =	vadd.bf16 v15, v14;
	v20 =	vsub.bf16 v20, v23  }
0x51b: {  	v21 =	vmul.bf16 v21, v21;
	v15 =	vadd.bf16 v18, v17;
	v16 =	vadd.bf16 v16, v19  }
0x51c: {  	v18 =	vunpack.i.u.bf16.f32 v10;
	v10 =	vunpack.i.l.bf16.f32 v10;
	v20 =	vmul.bf16 v20, v20  }
0x51d: {  	v19 =	vunpack.i.u.bf16.f32 v24;
	v10 =	vadd.f32 $0.0e+00, v10;
	v18 =	vadd.f32 $0.0e+00, v18  }
0x51e: {  	v17 =	vadd.bf16 v20, v21;
	v21 =	vunpack.i.u.bf16.f32 v22;
	v22 =	vunpack.i.l.bf16.f32 v22  }
0x51f: {  	v23 =	vadd.bf16 v28, v26;
	v20 =	vunpack.i.l.bf16.f32 v24;
	v10 =	vadd.f32 v22, v10  }
0x520: {  	v18 =	vadd.f32 v21, v18;
	v24 =	vunpack.i.u.bf16.f32 v17;
	v17 =	vunpack.i.l.bf16.f32 v17  }
0x521: {  	v22 =	vunpack.i.u.bf16.f32 v15;
	v17 =	vadd.f32 $0.0e+00, v17;
	v21 =	vadd.f32 $0.0e+00, v24  }
0x522: {  	v15 =	vunpack.i.l.bf16.f32 v15;
	v10 =	vadd.f32 v20, v10;
	v18 =	vadd.f32 v19, v18  }
0x523: {  	v19 =	vunpack.i.l.bf16.f32 v23;
	v15 =	vadd.f32 v15, v17;
	v17 =	vadd.f32 v22, v21  }
0x524: {  	v20 =	vunpack.i.u.bf16.f32 v16;
	v16 =	vunpack.i.l.bf16.f32 v16;
	v10 =	vadd.f32 v19, v10  }
0x525: {  	v19 =	vunpack.i.u.bf16.f32 v23;
	v15 =	vadd.f32 v16, v15;
	v16 =	vadd.f32 v20, v17  }
0x526: {  	v17 =	vadd.f32 v19, v18;
	v18 =	vunpack.i.u.bf16.f32 v14;
	v14 =	vunpack.i.l.bf16.f32 v14  }
0x527: {  	v14 =	vadd.f32 v14, v15;
	v15 =	vadd.f32 v18, v16  }
0x528: {  	v10 =	vadd.f32 v10, v17  }
0x529: {  	v14 =	vadd.f32 v14, v15  }
0x52a: {  	(xrf2) =	vadd.scan.msk.f32 $0xffff, v10  }
0x52b: {  	(xrf2) =	vadd.scan.msk.f32 $0xffff, v14;
	_ =	sdelay $0x8  }
0x52c: {  	v10, _, _ =	vpop (xrf2)  }
0x52d: {  	(v2sf) =	vpush v10, $0xF;
	v10, _, _ =	vpop (xrf2)  }
0x52e: {  	(v2sf) =	vpush v10, $0xF;
	_ =	sdelay $0xb  }
0x52f: {  	s0 =	spop (v2sf)  }
0x530: {  	s1 =	spop (v2sf);
	s0 =	ssub.f32 $0.0e+00, s0  }
0x531: {  	vm0 =	veq.s32 v8, v0;
	s1 =	ssub.f32 $0.0e+00, s1;
	s24 =	spop (v2sf)  }
0x532: {  	vm1 =	veq.s32 v9, v0;
	v8 =	vsel vm0, s0, v11;
	s30 =	ssub.f32 $0.0e+00, s24;
	s31 =	spop (v2sf)  }
0x533: {  	vm14 =	veq.s32 v12, v0;
	v8 =	vsel vm1, s1, v8;
	s24 =	ssub.f32 $0.0e+00, s31  }
0x534: {  	vm15 =	veq.s32 v13, v0;
	v8 =	vsel vm14, s30, v8  }
0x535: {  	v8 =	vsel vm15, s24, v8  }
0x536: {  	s25 =	simm.s32 $0x15120;
	v10 =	vld [tilespmem:$0x3A80];
	[tilespmem:$0x4E08] =	vst v8  }
0x537: {  	s26 =	simm.s32 $0x16520;
	v11 =	vld [tilespmem:s25+$0xFFFFFFF0]  }
0x538: {  	v12 =	vld [tilespmem:s26+$0xFFFFFFF0]  }
0x539: {  	v13 =	vld [tilespmem:s25+$0x0]  }
0x53a: {  	v14 =	vld [tilespmem:s26+$0x0]  }
0x53b: {  	v15 =	vld [tilespmem:s25+$0xFFFFFF70]  }
0x53c: {  	v16 =	vld [tilespmem:s26+$0xFFFFFF70]  }
0x53d: {  	v17 =	vld [tilespmem:s25+$0xFFFFFF80]  }
0x53e: {  	v18 =	vld [tilespmem:s26+$0xFFFFFF80]  }
0x53f: {  	v19 =	vld [tilespmem:s25+$0xFFFFFFD0]  }
0x540: {  	v20 =	vld [tilespmem:s26+$0xFFFFFFD0]  }
0x541: {  	v21 =	vld [tilespmem:s25+$0xFFFFFFE0]  }
0x542: {  	v22 =	vld [tilespmem:s26+$0xFFFFFFE0]  }
0x543: {  	v23 =	vld [tilespmem:s25+$0xFFFFFF50]  }
0x544: {  	v24 =	vld [tilespmem:s26+$0xFFFFFF50]  }
0x545: {  	v25 =	vld [tilespmem:s25+$0xFFFFFF60]  }
0x546: {  	v26 =	vld [tilespmem:s26+$0xFFFFFF60]  }
0x547: {  	v27 =	vld [tilespmem:s25+$0xFFFFFFB0]  }
0x548: {  	v28 =	vld [tilespmem:s26+$0xFFFFFFB0]  }
0x549: {  	v29 =	vld [tilespmem:s25+$0xFFFFFFC0]  }
0x54a: {  	v30 =	vld [tilespmem:s26+$0xFFFFFFC0]  }
0x54b: {  	v31 =	vld [tilespmem:s25+$0xFFFFFF30]  }
0x54c: {  	v32 =	vld [tilespmem:s26+$0xFFFFFF30]  }
0x54d: {  	v33 =	vld [tilespmem:s25+$0xFFFFFF40]  }
0x54e: {  	v34 =	vld [tilespmem:s26+$0xFFFFFF40]  }
0x54f: {  	s28 =	simm.s32 $0x0;
	v35 =	vld [tilespmem:s25+$0xFFFFFF90]  }
0x550: {  	v8 =	vmov s28;
	v36 =	vld [tilespmem:s26+$0xFFFFFF90]  }
0x551: {  	v9 =	vperm.xlane v10, v8;
	v38 =	vld [tilespmem:s25+$0xFFFFFFA0]  }
0x552: {  	v40 =	vld [tilespmem:s26+$0xFFFFFFA0]  }
0x553: {  	v41 =	vld [tilespmem:s25+$0xFFFFFF10];
	v57 =	vshll.u32 v9, $0x7  }
0x554: {  	v43 =	vld [tilespmem:s26+$0xFFFFFF10];
	v58 =	vor.u32 v6, v57  }
0x555: {  	v45 =	vld [tilespmem:s25+$0xFFFFFF20];
	v59 =	vor.u32 v7, v57  }
0x556: {  	s24 =	simm.s32 $0x15220;
	v62 =	vld [tilespmem:s26+$0xFFFFFF20];
	v60 =	vor.u32 v4, v57  }
0x557: {  	s29 =	simm.s32 $0x1;
	v47 =	vld [tilespmem:s24+$0xFFFFFFB0];
	v61 =	vor.u32 v5, v57  }
0x558: {  	v53 =	vld [tilespmem:s24+$0xFFFFFF40];
	v9 =	vmov s29;
	v63 =	vor.u32 v2, v57  }
0x559: {  	v49 =	vor.u32 v3, v57;
	v50 =	vperm.xlane v10, v9;
	v39 =	vld.idx.msk [tilespmem:v58+s10+$0x0], $0xffff  }
0x55a: {  	v51 =	vor.u32 v0, v57;
	v42 =	vld.idx.msk [tilespmem:v59+s10+$0x0], $0xffff  }
0x55b: {  	v37 =	vor.u32 v1, v57;
	v50 =	vshll.u32 v50, $0x7;
	v44 =	vld.idx.msk [tilespmem:v60+s10+$0x0], $0xffff  }
0x55c: {  	v11 =	vadd.bf16 v12, v11;
	v52 =	vor.u32 v6, v50;
	v46 =	vld.idx.msk [tilespmem:v61+s10+$0x0], $0xffff  }
0x55d: {  	v15 =	vadd.bf16 v16, v15;
	v13 =	vadd.bf16 v14, v13;
	v56 =	vor.u32 v7, v50;
	v12 =	vld.idx.msk [tilespmem:v63+s10+$0x0], $0xffff  }
0x55e: {  	v17 =	vadd.bf16 v18, v17;
	v18 =	vadd.bf16 v20, v19;
	v16 =	vor.u32 v4, v50;
	v14 =	vld.idx.msk [tilespmem:v49+s10+$0x0], $0xffff  }
0x55f: {  	v23 =	vadd.bf16 v24, v23;
	v21 =	vadd.bf16 v22, v21;
	v20 =	vor.u32 v5, v50;
	v19 =	vld.idx.msk [tilespmem:v51+s10+$0x0], $0xffff  }
0x560: {  	v25 =	vadd.bf16 v26, v25;
	v26 =	vadd.bf16 v28, v27;
	v24 =	vor.u32 v2, v50;
	v22 =	vld.idx.msk [tilespmem:v37+s10+$0x0], $0xffff  }
0x561: {  	v31 =	vadd.bf16 v32, v31;
	v29 =	vadd.bf16 v30, v29;
	v27 =	vor.u32 v3, v50;
	v28 =	vld.idx.msk [tilespmem:v52+s10+$0x0], $0xffff  }
0x562: {  	v33 =	vadd.bf16 v34, v33;
	v62 =	vadd.bf16 v62, v45;
	v30 =	vor.u32 v0, v50;
	v57 =	vld.idx.msk [tilespmem:v56+s10+$0x0], $0xffff  }
0x563: {  	v58 =	vadd.bf16 v36, v35;
	v60 =	vadd.bf16 v43, v41;
	v16 =	vld.idx.msk [tilespmem:v16+s10+$0x0], $0xffff  }
0x564: {  	v61 =	vadd.bf16 v40, v38;
	v20 =	vld.idx.msk [tilespmem:v20+s10+$0x0], $0xffff;
	v15 =	vsub.bf16 v15, v39  }
0x565: {  	v59 =	vor.u32 v1, v50;
	v24 =	vld.idx.msk [tilespmem:v24+s10+$0x0], $0xffff;
	v23 =	vsub.bf16 v23, v44;
	v17 =	vsub.bf16 v17, v42  }
0x566: {  	v27 =	vld.idx.msk [tilespmem:v27+s10+$0x0], $0xffff;
	v12 =	vsub.bf16 v31, v12;
	v25 =	vsub.bf16 v25, v46  }
0x567: {  	v30 =	vld.idx.msk [tilespmem:v30+s10+$0x0], $0xffff;
	v19 =	vsub.bf16 v60, v19;
	v14 =	vsub.bf16 v33, v14  }
0x568: {  	s25 =	simm.s32 $0x16620;
	v55 =	vld [tilespmem:s24+$0xFFFFFF90];
	v22 =	vsub.bf16 v62, v22;
	v15 =	vmul.bf16 v15, v15;
	v23 =	vmul.bf16 v23, v23  }
0x569: {  	v48 =	vld [tilespmem:s25+$0xFFFFFFB0];
	v17 =	vmul.bf16 v17, v17;
	v12 =	vmul.bf16 v12, v12;
	v11 =	vsub.bf16 v11, v28  }
0x56a: {  	v31 =	vld.idx.msk [tilespmem:v59+s10+$0x0], $0xffff;
	v25 =	vmul.bf16 v25, v25;
	v16 =	vsub.bf16 v18, v16;
	v13 =	vsub.bf16 v13, v57  }
0x56b: {  	v54 =	vld [tilespmem:s25+$0xFFFFFF40];
	v14 =	vmul.bf16 v14, v14;
	v20 =	vsub.bf16 v21, v20;
	v24 =	vsub.bf16 v26, v24  }
0x56c: {  	v32 =	vld [tilespmem:s25+$0x0];
	v19 =	vmul.bf16 v19, v19;
	v26 =	vsub.bf16 v29, v27;
	v27 =	vsub.bf16 v58, v30  }
0x56d: {  	v45 =	vld [tilespmem:s24+$0xFFFFFF60];
	v22 =	vmul.bf16 v22, v22;
	v15 =	vadd.bf16 v17, v15;
	v12 =	vadd.bf16 v14, v12  }
0x56e: {  	v35 =	vld [tilespmem:s24+$0xFFFFFF70];
	v14 =	vadd.bf16 v25, v23;
	v11 =	vmul.bf16 v11, v11;
	v16 =	vmul.bf16 v16, v16  }
0x56f: {  	v36 =	vld [tilespmem:s25+$0xFFFFFF70];
	v28 =	vsub.bf16 v61, v31;
	v13 =	vmul.bf16 v13, v13;
	v24 =	vmul.bf16 v24, v24  }
0x570: {  	v37 =	vld [tilespmem:s24+$0xFFFFFF80];
	v19 =	vadd.bf16 v22, v19;
	v20 =	vmul.bf16 v20, v20;
	v17 =	vmul.bf16 v26, v26  }
0x571: {  	v63 =	vld [tilespmem:s25+$0xFFFFFF80];
	v23 =	vmul.bf16 v27, v27;
	v22 =	vmul.bf16 v28, v28;
	v11 =	vadd.bf16 v13, v11  }
0x572: {  	v40 =	vld [tilespmem:s25+$0xFFFFFFD0];
	v13 =	vadd.bf16 v17, v24;
	v16 =	vadd.bf16 v20, v16;
	v24 =	vunpack.i.u.bf16.f32 v12  }
0x573: {  	v41 =	vld [tilespmem:s24+$0xFFFFFFE0];
	v20 =	vadd.bf16 v22, v23;
	v22 =	vunpack.i.u.bf16.f32 v19;
	v19 =	vunpack.i.l.bf16.f32 v19  }
0x574: {  	v43 =	vld [tilespmem:s24+$0xFFFFFF50];
	v12 =	vunpack.i.l.bf16.f32 v12;
	v19 =	vadd.f32 $0.0e+00, v19;
	v22 =	vadd.f32 $0.0e+00, v22  }
0x575: {  	v49 =	vld [tilespmem:s24+$0xFFFFFFC0];
	v23 =	vunpack.i.u.bf16.f32 v14;
	v14 =	vunpack.i.l.bf16.f32 v14;
	v25 =	vunpack.i.u.bf16.f32 v20  }
0x576: {  	v50 =	vld [tilespmem:s25+$0xFFFFFFC0];
	v20 =	vunpack.i.l.bf16.f32 v20;
	v12 =	vadd.f32 v12, v19;
	v19 =	vadd.f32 v24, v22  }
0x577: {  	v56 =	vld [tilespmem:s25+$0xFFFFFF90];
	v20 =	vadd.f32 $0.0e+00, v20;
	v22 =	vadd.f32 $0.0e+00, v25;
	v24 =	vunpack.i.u.bf16.f32 v13  }
0x578: {  	v33 =	vld [tilespmem:s24+$0xFFFFFFF0];
	v13 =	vunpack.i.l.bf16.f32 v13;
	v12 =	vadd.f32 v14, v12;
	v14 =	vadd.f32 v23, v19  }
0x579: {  	v39 =	vld [tilespmem:s24+$0xFFFFFFD0];
	v19 =	vunpack.i.l.bf16.f32 v15;
	v13 =	vadd.f32 v13, v20;
	v20 =	vadd.f32 v24, v22  }
0x57a: {  	v44 =	vld [tilespmem:s25+$0xFFFFFF50];
	v22 =	vunpack.i.u.bf16.f32 v16;
	v16 =	vunpack.i.l.bf16.f32 v16;
	v12 =	vadd.f32 v19, v12  }
0x57b: {  	v46 =	vld [tilespmem:s25+$0xFFFFFF60];
	v15 =	vunpack.i.u.bf16.f32 v15;
	v13 =	vadd.f32 v16, v13;
	v16 =	vadd.f32 v22, v20  }
0x57c: {  	v60 =	vld [tilespmem:s24+$0xFFFFFF30];
	v14 =	vadd.f32 v15, v14;
	v15 =	vunpack.i.u.bf16.f32 v11;
	v11 =	vunpack.i.l.bf16.f32 v11  }
0x57d: {  	s30 =	simm.s32 $0x2;
	v18 =	vld [tilespmem:s25+$0xFFFFFFF0];
	v11 =	vadd.f32 v11, v13;
	v13 =	vadd.f32 v15, v16  }
0x57e: {  	v21 =	vld [tilespmem:s24+$0x0];
	v14 =	vadd.f32 v12, v14;
	v12 =	vmov s30  }
0x57f: {  	v61 =	vld [tilespmem:s25+$0xFFFFFF30];
	v15 =	vperm.xlane v10, v12;
	v11 =	vadd.f32 v11, v13  }
0x580: {  	v26 =	vld [tilespmem:s25+$0xFFFFFF10];
	(xrf2) =	vadd.scan.msk.f32 $0xffff, v14  }
0x581: {  	v27 =	vld [tilespmem:s25+$0xFFFFFF20];
	v14 =	vshll.u32 v15, $0x7;
	(xrf2) =	vadd.scan.msk.f32 $0xffff, v11  }
0x582: {  	v17 =	vld [tilespmem:s25+$0xFFFFFFE0];
	v11 =	vor.u32 v6, v14  }
0x583: {  	v25 =	vld [tilespmem:s24+$0xFFFFFF20];
	v15 =	vor.u32 v7, v14  }
0x584: {  	v23 =	vld [tilespmem:s25+$0xFFFFFFA0];
	v16 =	vor.u32 v4, v14  }
0x585: {  	s31 =	simm.s32 $0x3;
	v24 =	vld [tilespmem:s24+$0xFFFFFF10];
	v19 =	vor.u32 v5, v14  }
0x586: {  	v20 =	vld [tilespmem:s24+$0xFFFFFFA0];
	v13 =	vmov s31;
	v22 =	vor.u32 v2, v14  }
0x587: {  	v30 =	vperm.xlane v10, v13;
	v62 =	vor.u32 v3, v14;
	v28 =	vld.idx.msk [tilespmem:v11+s10+$0x0], $0xffff  }
0x588: {  	v35 =	vadd.bf16 v36, v35;
	v57 =	vor.u32 v0, v14;
	v29 =	vld.idx.msk [tilespmem:v15+s10+$0x0], $0xffff  }
0x589: {  	v36 =	vadd.bf16 v63, v37;
	v58 =	vor.u32 v1, v14;
	v34 =	vshll.u32 v30, $0x7;
	v31 =	vld.idx.msk [tilespmem:v16+s10+$0x0], $0xffff  }
0x58a: {  	v14 =	vadd.bf16 v18, v33;
	v18 =	vadd.bf16 v50, v49;
	v59 =	vor.u32 v6, v34;
	v30 =	vld.idx.msk [tilespmem:v19+s10+$0x0], $0xffff;
	v16, _, _ =	vpop (xrf2)  }
0x58b: {  	v63 =	vor.u32 v7, v34;
	v15 =	vadd.bf16 v32, v21;
	v32 =	vld.idx.msk [tilespmem:v22+s10+$0x0], $0xffff;
	(v2sf) =	vpush v16, $0xF;
	v16, _, _ =	vpop (xrf2)  }
0x58c: {  	v42 =	vor.u32 v4, v34;
	v11 =	vimm.f32 $0.0e+00;
	v33 =	vld.idx.msk [tilespmem:v62+s10+$0x0], $0xffff;
	(v2sf) =	vpush v16, $0xF  }
0x58d: {  	v19 =	vadd.bf16 v40, v39;
	v22 =	vld.idx.msk [tilespmem:v57+s10+$0x0], $0xffff;
	v40 =	vadd.bf16 v44, v43;
	v43 =	vor.u32 v5, v34  }
0x58e: {  	v37 =	vld.idx.msk [tilespmem:v58+s10+$0x0], $0xffff;
	v44 =	vor.u32 v2, v34;
	v21 =	vadd.bf16 v56, v55;
	v16 =	vadd.bf16 v17, v41  }
0x58f: {  	v39 =	vld.idx.msk [tilespmem:v59+s10+$0x0], $0xffff;
	v41 =	vadd.bf16 v46, v45;
	v17 =	vadd.bf16 v48, v47;
	v45 =	vor.u32 v3, v34  }
0x590: {  	s26 =	simm.s32 $0x4;
	v38 =	vld.idx.msk [tilespmem:v63+s10+$0x0], $0xffff;
	v46 =	vadd.bf16 v61, v60;
	v47 =	vadd.bf16 v54, v53;
	v48 =	vor.u32 v0, v34  }
.LBB2_18:
0x591: {  	p0 =	slt.u32 s26, $0xE;
	v24 =	vadd.bf16 v26, v24;
	v26 =	vor.u32 v1, v34;
	v20 =	vadd.bf16 v23, v20;
	v23 =	vld.idx.msk [tilespmem:v42+s10+$0x0], $0xffff  }
0x592: {  	v25 =	vadd.bf16 v27, v25;
	v27 =	vsub.bf16 v35, v28;
	v28 =	vld.idx.msk [tilespmem:v43+s10+$0x0], $0xffff  }
0x593: {  	v31 =	vsub.bf16 v40, v31;
	v29 =	vsub.bf16 v36, v29;
	v34 =	vld.idx.msk [tilespmem:v44+s10+$0x0], $0xffff  }
0x594: {  	v32 =	vsub.bf16 v46, v32;
	v30 =	vsub.bf16 v41, v30;
	v35 =	vld.idx.msk [tilespmem:v45+s10+$0x0], $0xffff  }
0x595: {  	vm0 =	veq.s32 v8, v0;
	v22 =	vsub.bf16 v24, v22;
	v24 =	vsub.bf16 v47, v33;
	v33 =	vld.idx.msk [tilespmem:v48+s10+$0x0], $0xffff  }
0x596: {  	s24 =	sadd.s32 $0x100, s24;
	vm1 =	veq.s32 v9, v0;
	v25 =	vsub.bf16 v25, v37;
	v36 =	vsub.bf16 v14, v39;
	v26 =	vld.idx.msk [tilespmem:v26+s10+$0x0], $0xffff  }
0x597: {  	s25 =	sadd.s32 $0x100, s25;
	v8 =	vmovc v12;
	v27 =	vmul.bf16 v27, v27;
	v37 =	vsub.bf16 v15, v38;
	v23 =	vsub.bf16 v19, v23;
	v14 =	vld [tilespmem:s24+$0xFFFFFFF0]  }
0x598: {  	v9 =	vmovc v13;
	v12 =	vmul.bf16 v31, v31;
	v29 =	vmul.bf16 v29, v29;
	v28 =	vsub.bf16 v16, v28;
	v15 =	vld [tilespmem:s25+$0xFFFFFFF0]  }
0x599: {  	v13 =	vmul.bf16 v32, v32;
	v30 =	vmul.bf16 v30, v30;
	v31 =	vsub.bf16 v17, v34;
	v16 =	vld [tilespmem:s24+$0x0]  }
0x59a: {  	v32 =	vmul.bf16 v22, v22;
	v24 =	vmul.bf16 v24, v24;
	v22 =	vsub.bf16 v18, v35;
	v17 =	vld [tilespmem:s25+$0x0];
	s0 =	spop (v2sf)  }
0x59b: {  	v25 =	vmul.bf16 v25, v25;
	v34 =	vmul.bf16 v36, v36;
	v33 =	vsub.bf16 v21, v33;
	v18 =	vld [tilespmem:s24+$0xFFFFFF70];
	s0 =	ssub.f32 $0.0e+00, s0;
	s1 =	spop (v2sf)  }
0x59c: {  	v23 =	vmul.bf16 v23, v23;
	v20 =	vsub.bf16 v20, v26;
	v26 =	vmul.bf16 v37, v37;
	v19 =	vld [tilespmem:s25+$0xFFFFFF70];
	s1 =	ssub.f32 $0.0e+00, s1  }
0x59d: {  	v28 =	vmul.bf16 v28, v28;
	v31 =	vmul.bf16 v31, v31;
	v21 =	vld [tilespmem:s24+$0xFFFFFF80];
	v11 =	vsel vm0, s0, v11  }
0x59e: {  	v27 =	vadd.bf16 v29, v27;
	v29 =	vmul.bf16 v22, v22;
	v36 =	vld [tilespmem:s25+$0xFFFFFF80];
	v11 =	vsel vm1, s1, v11  }
0x59f: {  	v12 =	vadd.bf16 v30, v12;
	v13 =	vadd.bf16 v24, v13;
	v24 =	vmul.bf16 v33, v33;
	v22 =	vld [tilespmem:s24+$0xFFFFFFD0]  }
0x5a0: {  	v25 =	vadd.bf16 v25, v32;
	v20 =	vmul.bf16 v20, v20;
	v26 =	vadd.bf16 v26, v34;
	v37 =	vld [tilespmem:s25+$0xFFFFFFD0]  }
0x5a1: {  	v23 =	vadd.bf16 v28, v23;
	v29 =	vadd.bf16 v29, v31;
	v38 =	vld [tilespmem:s24+$0xFFFFFFE0]  }
0x5a2: {  	v28 =	vunpack.i.u.bf16.f32 v27;
	v27 =	vunpack.i.l.bf16.f32 v27;
	v20 =	vadd.bf16 v20, v24;
	v39 =	vld [tilespmem:s25+$0xFFFFFFE0]  }
0x5a3: {  	v30 =	vunpack.i.u.bf16.f32 v12;
	v24 =	vunpack.i.u.bf16.f32 v25;
	v25 =	vunpack.i.l.bf16.f32 v25;
	v40 =	vld [tilespmem:s24+$0xFFFFFF50]  }
0x5a4: {  	v12 =	vunpack.i.l.bf16.f32 v12;
	v25 =	vadd.f32 $0.0e+00, v25;
	v24 =	vadd.f32 $0.0e+00, v24;
	v41 =	vld [tilespmem:s25+$0xFFFFFF50]  }
0x5a5: {  	v31 =	vunpack.i.u.bf16.f32 v13;
	v13 =	vunpack.i.l.bf16.f32 v13;
	v32 =	vunpack.i.u.bf16.f32 v20;
	v44 =	vld [tilespmem:s24+$0xFFFFFF60]  }
0x5a6: {  	v20 =	vunpack.i.l.bf16.f32 v20;
	v13 =	vadd.f32 v13, v25;
	v24 =	vadd.f32 v31, v24;
	v45 =	vld [tilespmem:s25+$0xFFFFFF60]  }
0x5a7: {  	v20 =	vadd.f32 $0.0e+00, v20;
	v25 =	vadd.f32 $0.0e+00, v32;
	v31 =	vunpack.i.u.bf16.f32 v29;
	v46 =	vld [tilespmem:s24+$0xFFFFFFB0]  }
0x5a8: {  	v12 =	vadd.f32 v12, v13;
	v13 =	vadd.f32 v30, v24;
	v24 =	vunpack.i.l.bf16.f32 v29;
	v47 =	vld [tilespmem:s25+$0xFFFFFFB0]  }
0x5a9: {  	v20 =	vadd.f32 v24, v20;
	v24 =	vadd.f32 v31, v25;
	v25 =	vunpack.i.u.bf16.f32 v23;
	v48 =	vld [tilespmem:s24+$0xFFFFFFC0]  }
0x5aa: {  	v23 =	vunpack.i.l.bf16.f32 v23;
	v12 =	vadd.f32 v27, v12;
	v13 =	vadd.f32 v28, v13;
	v49 =	vld [tilespmem:s25+$0xFFFFFFC0]  }
0x5ab: {  	v20 =	vadd.f32 v23, v20;
	v23 =	vadd.f32 v25, v24;
	v50 =	vld [tilespmem:s24+$0xFFFFFF30]  }
0x5ac: {  	v24 =	vunpack.i.l.bf16.f32 v26;
	v13 =	vadd.f32 v12, v13;
	v12 =	vunpack.i.u.bf16.f32 v26;
	v51 =	vld [tilespmem:s25+$0xFFFFFF30]  }
0x5ad: {  	v20 =	vadd.f32 v24, v20;
	v23 =	vadd.f32 v12, v23;
	v52 =	vld [tilespmem:s24+$0xFFFFFF40]  }
0x5ae: {  	v12 =	vmov s26;
	v53 =	vld [tilespmem:s25+$0xFFFFFF40];
	(xrf2) =	vadd.scan.msk.f32 $0xffff, v13  }
0x5af: {  	v23 =	vadd.f32 v20, v23;
	v13 =	vperm.xlane v10, v12;
	v54 =	vld [tilespmem:s24+$0xFFFFFF90]  }
0x5b0: {  	v55 =	vld [tilespmem:s25+$0xFFFFFF90]  }
0x5b1: {  	v30 =	vshll.u32 v13, $0x7;
	v20 =	vld [tilespmem:s24+$0xFFFFFFA0];
	(xrf2) =	vadd.scan.msk.f32 $0xffff, v23  }
0x5b2: {  	v28 =	vor.u32 v6, v30;
	v23 =	vld [tilespmem:s25+$0xFFFFFFA0]  }
0x5b3: {  	v29 =	vor.u32 v7, v30;
	v24 =	vld [tilespmem:s24+$0xFFFFFF10]  }
0x5b4: {  	v31 =	vor.u32 v4, v30;
	v26 =	vld [tilespmem:s25+$0xFFFFFF10]  }
0x5b5: {  	s0 =	sadd.s32 $0x1, s26;
	v32 =	vor.u32 v5, v30;
	v25 =	vld [tilespmem:s24+$0xFFFFFF20]  }
0x5b6: {  	v13 =	vmov s0;
	v33 =	vor.u32 v2, v30;
	v27 =	vld [tilespmem:s25+$0xFFFFFF20]  }
0x5b7: {  	v42 =	vor.u32 v3, v30;
	v34 =	vperm.xlane v10, v13;
	v28 =	vld.idx.msk [tilespmem:v28+s10+$0x0], $0xffff  }
0x5b8: {  	v43 =	vor.u32 v0, v30;
	v29 =	vld.idx.msk [tilespmem:v29+s10+$0x0], $0xffff;
	v56, _, _ =	vpop (xrf2)  }
0x5b9: {  	v14 =	vadd.bf16 v15, v14;
	v57 =	vor.u32 v1, v30;
	v34 =	vshll.u32 v34, $0x7;
	v31 =	vld.idx.msk [tilespmem:v31+s10+$0x0], $0xffff  }
0x5ba: {  	v15 =	vadd.bf16 v17, v16;
	v35 =	vadd.bf16 v19, v18;
	v58 =	vor.u32 v6, v34;
	v30 =	vld.idx.msk [tilespmem:v32+s10+$0x0], $0xffff  }
0x5bb: {  	v36 =	vadd.bf16 v36, v21;
	v59 =	vor.u32 v7, v34;
	v32 =	vld.idx.msk [tilespmem:v33+s10+$0x0], $0xffff;
	(v2sf) =	vpush v56, $0xF;
	v16, _, _ =	vpop (xrf2)  }
.Ltmp8:
0x5bc: {  	v19 =	vadd.bf16 v37, v22;
	v33 =	vld.idx.msk [tilespmem:v42+s10+$0x0], $0xffff;
	v42 =	vor.u32 v4, v34;
	(v2sf) =	vpush v16, $0xF;
	(pc) =	sbr.rel @p0 .LBB2_18-.Ltmp8, $4  }
0x5bd: {  	v40 =	vadd.bf16 v41, v40;
	v16 =	vadd.bf16 v39, v38;
	v22 =	vld.idx.msk [tilespmem:v43+s10+$0x0], $0xffff;
	v43 =	vor.u32 v5, v34  }
0x5be: {  	v41 =	vadd.bf16 v45, v44;
	v17 =	vadd.bf16 v47, v46;
	v44 =	vor.u32 v2, v34;
	v37 =	vld.idx.msk [tilespmem:v57+s10+$0x0], $0xffff  }
0x5bf: {  	v18 =	vadd.bf16 v49, v48;
	v46 =	vadd.bf16 v51, v50;
	v45 =	vor.u32 v3, v34;
	v39 =	vld.idx.msk [tilespmem:v58+s10+$0x0], $0xffff  }
0x5c0: {  	s26 =	sadd.s32 $0x2, s26;
	v47 =	vadd.bf16 v53, v52;
	v48 =	vor.u32 v0, v34;
	v21 =	vadd.bf16 v55, v54;
	v38 =	vld.idx.msk [tilespmem:v59+s10+$0x0], $0xffff  }
0x5c1: {  	_ =	sdelay $0x2  }
0x5c2: {  	v10 =	vadd.bf16 v26, v24;
	v20 =	vadd.bf16 v23, v20  }
0x5c3: {  	v24 =	vld.idx.msk [tilespmem:v42+s10+$0x0], $0xffff;
	v25 =	vadd.bf16 v27, v25;
	v26 =	vsub.bf16 v35, v28  }
0x5c4: {  	v27 =	vld.idx.msk [tilespmem:v43+s10+$0x0], $0xffff;
	v28 =	vsub.bf16 v40, v31;
	v29 =	vsub.bf16 v36, v29  }
0x5c5: {  	v23 =	vor.u32 v1, v34;
	v31 =	vld.idx.msk [tilespmem:v44+s10+$0x0], $0xffff;
	v32 =	vsub.bf16 v46, v32;
	v10 =	vsub.bf16 v10, v22  }
0x5c6: {  	v55 =	vld.idx.msk [tilespmem:v45+s10+$0x0], $0xffff;
	v22 =	vsub.bf16 v47, v33;
	v25 =	vsub.bf16 v25, v37  }
0x5c7: {  	v30 =	vsub.bf16 v41, v30;
	v56 =	vld.idx.msk [tilespmem:v48+s10+$0x0], $0xffff;
	v14 =	vsub.bf16 v14, v39;
	v10 =	vmul.bf16 v10, v10  }
0x5c8: {  	v15 =	vsub.bf16 v15, v38;
	v22 =	vmul.bf16 v22, v22;
	v25 =	vmul.bf16 v25, v25  }
0x5c9: {  	v19 =	vsub.bf16 v19, v24;
	v24 =	vmul.bf16 v28, v28;
	v28 =	vmul.bf16 v29, v29  }
0x5ca: {  	v23 =	vld.idx.msk [tilespmem:v23+s10+$0x0], $0xffff;
	v16 =	vsub.bf16 v16, v27;
	v27 =	vmul.bf16 v32, v32;
	v29 =	vmul.bf16 v30, v30  }
0x5cb: {  	v17 =	vsub.bf16 v17, v31;
	v18 =	vsub.bf16 v18, v55;
	v14 =	vmul.bf16 v14, v14  }
0x5cc: {  	v21 =	vsub.bf16 v21, v56;
	v15 =	vmul.bf16 v15, v15;
	v19 =	vmul.bf16 v19, v19  }
0x5cd: {  	v10 =	vadd.bf16 v25, v10;
	v17 =	vmul.bf16 v17, v17;
	v16 =	vmul.bf16 v16, v16  }
0x5ce: {  	v18 =	vmul.bf16 v18, v18;
	v22 =	vadd.bf16 v22, v27;
	v24 =	vadd.bf16 v29, v24  }
0x5cf: {  	v26 =	vmul.bf16 v26, v26;
	v14 =	vadd.bf16 v15, v14;
	v20 =	vsub.bf16 v20, v23  }
0x5d0: {  	v21 =	vmul.bf16 v21, v21;
	v15 =	vadd.bf16 v18, v17;
	v16 =	vadd.bf16 v16, v19  }
0x5d1: {  	v18 =	vunpack.i.u.bf16.f32 v10;
	v10 =	vunpack.i.l.bf16.f32 v10;
	v20 =	vmul.bf16 v20, v20  }
0x5d2: {  	v19 =	vunpack.i.u.bf16.f32 v24;
	v10 =	vadd.f32 $0.0e+00, v10;
	v18 =	vadd.f32 $0.0e+00, v18  }
0x5d3: {  	v17 =	vadd.bf16 v20, v21;
	v21 =	vunpack.i.u.bf16.f32 v22;
	v22 =	vunpack.i.l.bf16.f32 v22  }
0x5d4: {  	v23 =	vadd.bf16 v28, v26;
	v20 =	vunpack.i.l.bf16.f32 v24;
	v10 =	vadd.f32 v22, v10  }
0x5d5: {  	v18 =	vadd.f32 v21, v18;
	v24 =	vunpack.i.u.bf16.f32 v17;
	v17 =	vunpack.i.l.bf16.f32 v17  }
0x5d6: {  	v22 =	vunpack.i.u.bf16.f32 v15;
	v17 =	vadd.f32 $0.0e+00, v17;
	v21 =	vadd.f32 $0.0e+00, v24  }
0x5d7: {  	v15 =	vunpack.i.l.bf16.f32 v15;
	v10 =	vadd.f32 v20, v10;
	v18 =	vadd.f32 v19, v18  }
0x5d8: {  	v19 =	vunpack.i.l.bf16.f32 v23;
	v15 =	vadd.f32 v15, v17;
	v17 =	vadd.f32 v22, v21  }
0x5d9: {  	v20 =	vunpack.i.u.bf16.f32 v16;
	v16 =	vunpack.i.l.bf16.f32 v16;
	v10 =	vadd.f32 v19, v10  }
0x5da: {  	v19 =	vunpack.i.u.bf16.f32 v23;
	v15 =	vadd.f32 v16, v15;
	v16 =	vadd.f32 v20, v17  }
0x5db: {  	v17 =	vadd.f32 v19, v18;
	v18 =	vunpack.i.u.bf16.f32 v14;
	v14 =	vunpack.i.l.bf16.f32 v14  }
0x5dc: {  	v14 =	vadd.f32 v14, v15;
	v15 =	vadd.f32 v18, v16  }
0x5dd: {  	v10 =	vadd.f32 v10, v17  }
0x5de: {  	v14 =	vadd.f32 v14, v15  }
0x5df: {  	(xrf2) =	vadd.scan.msk.f32 $0xffff, v10  }
0x5e0: {  	(xrf2) =	vadd.scan.msk.f32 $0xffff, v14;
	_ =	sdelay $0x8  }
0x5e1: {  	v10, _, _ =	vpop (xrf2)  }
0x5e2: {  	(v2sf) =	vpush v10, $0xF;
	v10, _, _ =	vpop (xrf2)  }
0x5e3: {  	(v2sf) =	vpush v10, $0xF;
	_ =	sdelay $0xb  }
0x5e4: {  	s0 =	spop (v2sf)  }
0x5e5: {  	s1 =	spop (v2sf);
	s0 =	ssub.f32 $0.0e+00, s0  }
0x5e6: {  	vm0 =	veq.s32 v8, v0;
	s1 =	ssub.f32 $0.0e+00, s1;
	s24 =	spop (v2sf)  }
0x5e7: {  	vm1 =	veq.s32 v9, v0;
	v8 =	vsel vm0, s0, v11;
	s30 =	ssub.f32 $0.0e+00, s24;
	s31 =	spop (v2sf)  }
0x5e8: {  	vm14 =	veq.s32 v12, v0;
	v8 =	vsel vm1, s1, v8;
	s24 =	ssub.f32 $0.0e+00, s31  }
0x5e9: {  	vm15 =	veq.s32 v13, v0;
	v8 =	vsel vm14, s30, v8  }
0x5ea: {  	v8 =	vsel vm15, s24, v8  }
0x5eb: {  	s25 =	simm.s32 $0x15920;
	v10 =	vld [tilespmem:$0x3A90];
	[tilespmem:$0x4E18] =	vst v8  }
0x5ec: {  	s26 =	simm.s32 $0x16D20;
	v11 =	vld [tilespmem:s25+$0xFFFFFFF0]  }
0x5ed: {  	v12 =	vld [tilespmem:s26+$0xFFFFFFF0]  }
0x5ee: {  	v13 =	vld [tilespmem:s25+$0x0]  }
0x5ef: {  	v14 =	vld [tilespmem:s26+$0x0]  }
0x5f0: {  	v15 =	vld [tilespmem:s25+$0xFFFFFF70]  }
0x5f1: {  	v16 =	vld [tilespmem:s26+$0xFFFFFF70]  }
0x5f2: {  	v17 =	vld [tilespmem:s25+$0xFFFFFF80]  }
0x5f3: {  	v18 =	vld [tilespmem:s26+$0xFFFFFF80]  }
0x5f4: {  	v19 =	vld [tilespmem:s25+$0xFFFFFFD0]  }
0x5f5: {  	v20 =	vld [tilespmem:s26+$0xFFFFFFD0]  }
0x5f6: {  	v21 =	vld [tilespmem:s25+$0xFFFFFFE0]  }
0x5f7: {  	v22 =	vld [tilespmem:s26+$0xFFFFFFE0]  }
0x5f8: {  	v23 =	vld [tilespmem:s25+$0xFFFFFF50]  }
0x5f9: {  	v24 =	vld [tilespmem:s26+$0xFFFFFF50]  }
0x5fa: {  	v25 =	vld [tilespmem:s25+$0xFFFFFF60]  }
0x5fb: {  	v26 =	vld [tilespmem:s26+$0xFFFFFF60]  }
0x5fc: {  	v27 =	vld [tilespmem:s25+$0xFFFFFFB0]  }
0x5fd: {  	v28 =	vld [tilespmem:s26+$0xFFFFFFB0]  }
0x5fe: {  	v29 =	vld [tilespmem:s25+$0xFFFFFFC0]  }
0x5ff: {  	v30 =	vld [tilespmem:s26+$0xFFFFFFC0]  }
0x600: {  	v31 =	vld [tilespmem:s25+$0xFFFFFF30]  }
0x601: {  	v32 =	vld [tilespmem:s26+$0xFFFFFF30]  }
0x602: {  	v33 =	vld [tilespmem:s25+$0xFFFFFF40]  }
0x603: {  	v34 =	vld [tilespmem:s26+$0xFFFFFF40]  }
0x604: {  	s28 =	simm.s32 $0x0;
	v35 =	vld [tilespmem:s25+$0xFFFFFF90]  }
0x605: {  	v8 =	vmov s28;
	v36 =	vld [tilespmem:s26+$0xFFFFFF90]  }
0x606: {  	v9 =	vperm.xlane v10, v8;
	v38 =	vld [tilespmem:s25+$0xFFFFFFA0]  }
0x607: {  	v40 =	vld [tilespmem:s26+$0xFFFFFFA0]  }
0x608: {  	v41 =	vld [tilespmem:s25+$0xFFFFFF10];
	v57 =	vshll.u32 v9, $0x7  }
0x609: {  	v43 =	vld [tilespmem:s26+$0xFFFFFF10];
	v58 =	vor.u32 v6, v57  }
0x60a: {  	v45 =	vld [tilespmem:s25+$0xFFFFFF20];
	v59 =	vor.u32 v7, v57  }
0x60b: {  	s24 =	simm.s32 $0x15A20;
	v62 =	vld [tilespmem:s26+$0xFFFFFF20];
	v60 =	vor.u32 v4, v57  }
0x60c: {  	s29 =	simm.s32 $0x1;
	v47 =	vld [tilespmem:s24+$0xFFFFFFB0];
	v61 =	vor.u32 v5, v57  }
0x60d: {  	v53 =	vld [tilespmem:s24+$0xFFFFFF40];
	v9 =	vmov s29;
	v63 =	vor.u32 v2, v57  }
0x60e: {  	v49 =	vor.u32 v3, v57;
	v50 =	vperm.xlane v10, v9;
	v39 =	vld.idx.msk [tilespmem:v58+s10+$0x0], $0xffff  }
0x60f: {  	v51 =	vor.u32 v0, v57;
	v42 =	vld.idx.msk [tilespmem:v59+s10+$0x0], $0xffff  }
0x610: {  	v37 =	vor.u32 v1, v57;
	v50 =	vshll.u32 v50, $0x7;
	v44 =	vld.idx.msk [tilespmem:v60+s10+$0x0], $0xffff  }
0x611: {  	v11 =	vadd.bf16 v12, v11;
	v52 =	vor.u32 v6, v50;
	v46 =	vld.idx.msk [tilespmem:v61+s10+$0x0], $0xffff  }
0x612: {  	v15 =	vadd.bf16 v16, v15;
	v13 =	vadd.bf16 v14, v13;
	v56 =	vor.u32 v7, v50;
	v12 =	vld.idx.msk [tilespmem:v63+s10+$0x0], $0xffff  }
0x613: {  	v17 =	vadd.bf16 v18, v17;
	v18 =	vadd.bf16 v20, v19;
	v16 =	vor.u32 v4, v50;
	v14 =	vld.idx.msk [tilespmem:v49+s10+$0x0], $0xffff  }
0x614: {  	v23 =	vadd.bf16 v24, v23;
	v21 =	vadd.bf16 v22, v21;
	v20 =	vor.u32 v5, v50;
	v19 =	vld.idx.msk [tilespmem:v51+s10+$0x0], $0xffff  }
0x615: {  	v25 =	vadd.bf16 v26, v25;
	v26 =	vadd.bf16 v28, v27;
	v24 =	vor.u32 v2, v50;
	v22 =	vld.idx.msk [tilespmem:v37+s10+$0x0], $0xffff  }
0x616: {  	v31 =	vadd.bf16 v32, v31;
	v29 =	vadd.bf16 v30, v29;
	v27 =	vor.u32 v3, v50;
	v28 =	vld.idx.msk [tilespmem:v52+s10+$0x0], $0xffff  }
0x617: {  	v33 =	vadd.bf16 v34, v33;
	v62 =	vadd.bf16 v62, v45;
	v30 =	vor.u32 v0, v50;
	v57 =	vld.idx.msk [tilespmem:v56+s10+$0x0], $0xffff  }
0x618: {  	v58 =	vadd.bf16 v36, v35;
	v60 =	vadd.bf16 v43, v41;
	v16 =	vld.idx.msk [tilespmem:v16+s10+$0x0], $0xffff  }
0x619: {  	v61 =	vadd.bf16 v40, v38;
	v20 =	vld.idx.msk [tilespmem:v20+s10+$0x0], $0xffff;
	v15 =	vsub.bf16 v15, v39  }
0x61a: {  	v59 =	vor.u32 v1, v50;
	v24 =	vld.idx.msk [tilespmem:v24+s10+$0x0], $0xffff;
	v23 =	vsub.bf16 v23, v44;
	v17 =	vsub.bf16 v17, v42  }
0x61b: {  	v27 =	vld.idx.msk [tilespmem:v27+s10+$0x0], $0xffff;
	v12 =	vsub.bf16 v31, v12;
	v25 =	vsub.bf16 v25, v46  }
0x61c: {  	v30 =	vld.idx.msk [tilespmem:v30+s10+$0x0], $0xffff;
	v19 =	vsub.bf16 v60, v19;
	v14 =	vsub.bf16 v33, v14  }
0x61d: {  	s25 =	simm.s32 $0x16E20;
	v55 =	vld [tilespmem:s24+$0xFFFFFF90];
	v22 =	vsub.bf16 v62, v22;
	v15 =	vmul.bf16 v15, v15;
	v23 =	vmul.bf16 v23, v23  }
0x61e: {  	v48 =	vld [tilespmem:s25+$0xFFFFFFB0];
	v17 =	vmul.bf16 v17, v17;
	v12 =	vmul.bf16 v12, v12;
	v11 =	vsub.bf16 v11, v28  }
0x61f: {  	v31 =	vld.idx.msk [tilespmem:v59+s10+$0x0], $0xffff;
	v25 =	vmul.bf16 v25, v25;
	v16 =	vsub.bf16 v18, v16;
	v13 =	vsub.bf16 v13, v57  }
0x620: {  	v54 =	vld [tilespmem:s25+$0xFFFFFF40];
	v14 =	vmul.bf16 v14, v14;
	v20 =	vsub.bf16 v21, v20;
	v24 =	vsub.bf16 v26, v24  }
0x621: {  	v32 =	vld [tilespmem:s25+$0x0];
	v19 =	vmul.bf16 v19, v19;
	v26 =	vsub.bf16 v29, v27;
	v27 =	vsub.bf16 v58, v30  }
0x622: {  	v45 =	vld [tilespmem:s24+$0xFFFFFF60];
	v22 =	vmul.bf16 v22, v22;
	v15 =	vadd.bf16 v17, v15;
	v12 =	vadd.bf16 v14, v12  }
0x623: {  	v35 =	vld [tilespmem:s24+$0xFFFFFF70];
	v14 =	vadd.bf16 v25, v23;
	v11 =	vmul.bf16 v11, v11;
	v16 =	vmul.bf16 v16, v16  }
0x624: {  	v36 =	vld [tilespmem:s25+$0xFFFFFF70];
	v28 =	vsub.bf16 v61, v31;
	v13 =	vmul.bf16 v13, v13;
	v24 =	vmul.bf16 v24, v24  }
0x625: {  	v37 =	vld [tilespmem:s24+$0xFFFFFF80];
	v19 =	vadd.bf16 v22, v19;
	v20 =	vmul.bf16 v20, v20;
	v17 =	vmul.bf16 v26, v26  }
0x626: {  	v63 =	vld [tilespmem:s25+$0xFFFFFF80];
	v23 =	vmul.bf16 v27, v27;
	v22 =	vmul.bf16 v28, v28;
	v11 =	vadd.bf16 v13, v11  }
0x627: {  	v40 =	vld [tilespmem:s25+$0xFFFFFFD0];
	v13 =	vadd.bf16 v17, v24;
	v16 =	vadd.bf16 v20, v16;
	v24 =	vunpack.i.u.bf16.f32 v12  }
0x628: {  	v41 =	vld [tilespmem:s24+$0xFFFFFFE0];
	v20 =	vadd.bf16 v22, v23;
	v22 =	vunpack.i.u.bf16.f32 v19;
	v19 =	vunpack.i.l.bf16.f32 v19  }
0x629: {  	v43 =	vld [tilespmem:s24+$0xFFFFFF50];
	v12 =	vunpack.i.l.bf16.f32 v12;
	v19 =	vadd.f32 $0.0e+00, v19;
	v22 =	vadd.f32 $0.0e+00, v22  }
0x62a: {  	v49 =	vld [tilespmem:s24+$0xFFFFFFC0];
	v23 =	vunpack.i.u.bf16.f32 v14;
	v14 =	vunpack.i.l.bf16.f32 v14;
	v25 =	vunpack.i.u.bf16.f32 v20  }
0x62b: {  	v50 =	vld [tilespmem:s25+$0xFFFFFFC0];
	v20 =	vunpack.i.l.bf16.f32 v20;
	v12 =	vadd.f32 v12, v19;
	v19 =	vadd.f32 v24, v22  }
0x62c: {  	v56 =	vld [tilespmem:s25+$0xFFFFFF90];
	v20 =	vadd.f32 $0.0e+00, v20;
	v22 =	vadd.f32 $0.0e+00, v25;
	v24 =	vunpack.i.u.bf16.f32 v13  }
0x62d: {  	v33 =	vld [tilespmem:s24+$0xFFFFFFF0];
	v13 =	vunpack.i.l.bf16.f32 v13;
	v12 =	vadd.f32 v14, v12;
	v14 =	vadd.f32 v23, v19  }
0x62e: {  	v39 =	vld [tilespmem:s24+$0xFFFFFFD0];
	v19 =	vunpack.i.l.bf16.f32 v15;
	v13 =	vadd.f32 v13, v20;
	v20 =	vadd.f32 v24, v22  }
0x62f: {  	v44 =	vld [tilespmem:s25+$0xFFFFFF50];
	v22 =	vunpack.i.u.bf16.f32 v16;
	v16 =	vunpack.i.l.bf16.f32 v16;
	v12 =	vadd.f32 v19, v12  }
0x630: {  	v46 =	vld [tilespmem:s25+$0xFFFFFF60];
	v15 =	vunpack.i.u.bf16.f32 v15;
	v13 =	vadd.f32 v16, v13;
	v16 =	vadd.f32 v22, v20  }
0x631: {  	v60 =	vld [tilespmem:s24+$0xFFFFFF30];
	v14 =	vadd.f32 v15, v14;
	v15 =	vunpack.i.u.bf16.f32 v11;
	v11 =	vunpack.i.l.bf16.f32 v11  }
0x632: {  	s30 =	simm.s32 $0x2;
	v18 =	vld [tilespmem:s25+$0xFFFFFFF0];
	v11 =	vadd.f32 v11, v13;
	v13 =	vadd.f32 v15, v16  }
0x633: {  	v21 =	vld [tilespmem:s24+$0x0];
	v14 =	vadd.f32 v12, v14;
	v12 =	vmov s30  }
0x634: {  	v61 =	vld [tilespmem:s25+$0xFFFFFF30];
	v15 =	vperm.xlane v10, v12;
	v11 =	vadd.f32 v11, v13  }
0x635: {  	v26 =	vld [tilespmem:s25+$0xFFFFFF10];
	(xrf2) =	vadd.scan.msk.f32 $0xffff, v14  }
0x636: {  	v27 =	vld [tilespmem:s25+$0xFFFFFF20];
	v14 =	vshll.u32 v15, $0x7;
	(xrf2) =	vadd.scan.msk.f32 $0xffff, v11  }
0x637: {  	v17 =	vld [tilespmem:s25+$0xFFFFFFE0];
	v11 =	vor.u32 v6, v14  }
0x638: {  	v25 =	vld [tilespmem:s24+$0xFFFFFF20];
	v15 =	vor.u32 v7, v14  }
0x639: {  	v23 =	vld [tilespmem:s25+$0xFFFFFFA0];
	v16 =	vor.u32 v4, v14  }
0x63a: {  	s31 =	simm.s32 $0x3;
	v24 =	vld [tilespmem:s24+$0xFFFFFF10];
	v19 =	vor.u32 v5, v14  }
0x63b: {  	v20 =	vld [tilespmem:s24+$0xFFFFFFA0];
	v13 =	vmov s31;
	v22 =	vor.u32 v2, v14  }
0x63c: {  	v30 =	vperm.xlane v10, v13;
	v62 =	vor.u32 v3, v14;
	v28 =	vld.idx.msk [tilespmem:v11+s10+$0x0], $0xffff  }
0x63d: {  	v35 =	vadd.bf16 v36, v35;
	v57 =	vor.u32 v0, v14;
	v29 =	vld.idx.msk [tilespmem:v15+s10+$0x0], $0xffff  }
0x63e: {  	v36 =	vadd.bf16 v63, v37;
	v58 =	vor.u32 v1, v14;
	v34 =	vshll.u32 v30, $0x7;
	v31 =	vld.idx.msk [tilespmem:v16+s10+$0x0], $0xffff  }
0x63f: {  	v14 =	vadd.bf16 v18, v33;
	v18 =	vadd.bf16 v50, v49;
	v59 =	vor.u32 v6, v34;
	v30 =	vld.idx.msk [tilespmem:v19+s10+$0x0], $0xffff;
	v16, _, _ =	vpop (xrf2)  }
0x640: {  	v63 =	vor.u32 v7, v34;
	v15 =	vadd.bf16 v32, v21;
	v32 =	vld.idx.msk [tilespmem:v22+s10+$0x0], $0xffff;
	(v2sf) =	vpush v16, $0xF;
	v16, _, _ =	vpop (xrf2)  }
0x641: {  	v42 =	vor.u32 v4, v34;
	v11 =	vimm.f32 $0.0e+00;
	v33 =	vld.idx.msk [tilespmem:v62+s10+$0x0], $0xffff;
	(v2sf) =	vpush v16, $0xF  }
0x642: {  	v19 =	vadd.bf16 v40, v39;
	v22 =	vld.idx.msk [tilespmem:v57+s10+$0x0], $0xffff;
	v40 =	vadd.bf16 v44, v43;
	v43 =	vor.u32 v5, v34  }
0x643: {  	v37 =	vld.idx.msk [tilespmem:v58+s10+$0x0], $0xffff;
	v44 =	vor.u32 v2, v34;
	v21 =	vadd.bf16 v56, v55;
	v16 =	vadd.bf16 v17, v41  }
0x644: {  	v39 =	vld.idx.msk [tilespmem:v59+s10+$0x0], $0xffff;
	v41 =	vadd.bf16 v46, v45;
	v17 =	vadd.bf16 v48, v47;
	v45 =	vor.u32 v3, v34  }
0x645: {  	s26 =	simm.s32 $0x4;
	v38 =	vld.idx.msk [tilespmem:v63+s10+$0x0], $0xffff;
	v46 =	vadd.bf16 v61, v60;
	v47 =	vadd.bf16 v54, v53;
	v48 =	vor.u32 v0, v34  }
.LBB2_20:
0x646: {  	p0 =	slt.u32 s26, $0x6;
	v24 =	vadd.bf16 v26, v24;
	v26 =	vor.u32 v1, v34;
	v20 =	vadd.bf16 v23, v20;
	v23 =	vld.idx.msk [tilespmem:v42+s10+$0x0], $0xffff  }
0x647: {  	v25 =	vadd.bf16 v27, v25;
	v27 =	vsub.bf16 v35, v28;
	v28 =	vld.idx.msk [tilespmem:v43+s10+$0x0], $0xffff  }
0x648: {  	v31 =	vsub.bf16 v40, v31;
	v29 =	vsub.bf16 v36, v29;
	v34 =	vld.idx.msk [tilespmem:v44+s10+$0x0], $0xffff  }
0x649: {  	v32 =	vsub.bf16 v46, v32;
	v30 =	vsub.bf16 v41, v30;
	v35 =	vld.idx.msk [tilespmem:v45+s10+$0x0], $0xffff  }
0x64a: {  	vm0 =	veq.s32 v8, v0;
	v22 =	vsub.bf16 v24, v22;
	v24 =	vsub.bf16 v47, v33;
	v33 =	vld.idx.msk [tilespmem:v48+s10+$0x0], $0xffff  }
0x64b: {  	s24 =	sadd.s32 $0x100, s24;
	vm1 =	veq.s32 v9, v0;
	v25 =	vsub.bf16 v25, v37;
	v36 =	vsub.bf16 v14, v39;
	v26 =	vld.idx.msk [tilespmem:v26+s10+$0x0], $0xffff  }
0x64c: {  	s25 =	sadd.s32 $0x100, s25;
	v8 =	vmovc v12;
	v27 =	vmul.bf16 v27, v27;
	v37 =	vsub.bf16 v15, v38;
	v23 =	vsub.bf16 v19, v23;
	v14 =	vld [tilespmem:s24+$0xFFFFFFF0]  }
0x64d: {  	v9 =	vmovc v13;
	v12 =	vmul.bf16 v31, v31;
	v29 =	vmul.bf16 v29, v29;
	v28 =	vsub.bf16 v16, v28;
	v15 =	vld [tilespmem:s25+$0xFFFFFFF0]  }
0x64e: {  	v13 =	vmul.bf16 v32, v32;
	v30 =	vmul.bf16 v30, v30;
	v31 =	vsub.bf16 v17, v34;
	v16 =	vld [tilespmem:s24+$0x0]  }
0x64f: {  	v32 =	vmul.bf16 v22, v22;
	v24 =	vmul.bf16 v24, v24;
	v22 =	vsub.bf16 v18, v35;
	v17 =	vld [tilespmem:s25+$0x0];
	s0 =	spop (v2sf)  }
0x650: {  	v25 =	vmul.bf16 v25, v25;
	v34 =	vmul.bf16 v36, v36;
	v33 =	vsub.bf16 v21, v33;
	v18 =	vld [tilespmem:s24+$0xFFFFFF70];
	s0 =	ssub.f32 $0.0e+00, s0;
	s1 =	spop (v2sf)  }
0x651: {  	v23 =	vmul.bf16 v23, v23;
	v20 =	vsub.bf16 v20, v26;
	v26 =	vmul.bf16 v37, v37;
	v19 =	vld [tilespmem:s25+$0xFFFFFF70];
	s1 =	ssub.f32 $0.0e+00, s1  }
0x652: {  	v28 =	vmul.bf16 v28, v28;
	v31 =	vmul.bf16 v31, v31;
	v21 =	vld [tilespmem:s24+$0xFFFFFF80];
	v11 =	vsel vm0, s0, v11  }
0x653: {  	v27 =	vadd.bf16 v29, v27;
	v29 =	vmul.bf16 v22, v22;
	v36 =	vld [tilespmem:s25+$0xFFFFFF80];
	v11 =	vsel vm1, s1, v11  }
0x654: {  	v12 =	vadd.bf16 v30, v12;
	v13 =	vadd.bf16 v24, v13;
	v24 =	vmul.bf16 v33, v33;
	v22 =	vld [tilespmem:s24+$0xFFFFFFD0]  }
0x655: {  	v25 =	vadd.bf16 v25, v32;
	v20 =	vmul.bf16 v20, v20;
	v26 =	vadd.bf16 v26, v34;
	v37 =	vld [tilespmem:s25+$0xFFFFFFD0]  }
0x656: {  	v23 =	vadd.bf16 v28, v23;
	v29 =	vadd.bf16 v29, v31;
	v38 =	vld [tilespmem:s24+$0xFFFFFFE0]  }
0x657: {  	v28 =	vunpack.i.u.bf16.f32 v27;
	v27 =	vunpack.i.l.bf16.f32 v27;
	v20 =	vadd.bf16 v20, v24;
	v39 =	vld [tilespmem:s25+$0xFFFFFFE0]  }
0x658: {  	v30 =	vunpack.i.u.bf16.f32 v12;
	v24 =	vunpack.i.u.bf16.f32 v25;
	v25 =	vunpack.i.l.bf16.f32 v25;
	v40 =	vld [tilespmem:s24+$0xFFFFFF50]  }
0x659: {  	v12 =	vunpack.i.l.bf16.f32 v12;
	v25 =	vadd.f32 $0.0e+00, v25;
	v24 =	vadd.f32 $0.0e+00, v24;
	v41 =	vld [tilespmem:s25+$0xFFFFFF50]  }
0x65a: {  	v31 =	vunpack.i.u.bf16.f32 v13;
	v13 =	vunpack.i.l.bf16.f32 v13;
	v32 =	vunpack.i.u.bf16.f32 v20;
	v44 =	vld [tilespmem:s24+$0xFFFFFF60]  }
0x65b: {  	v20 =	vunpack.i.l.bf16.f32 v20;
	v13 =	vadd.f32 v13, v25;
	v24 =	vadd.f32 v31, v24;
	v45 =	vld [tilespmem:s25+$0xFFFFFF60]  }
0x65c: {  	v20 =	vadd.f32 $0.0e+00, v20;
	v25 =	vadd.f32 $0.0e+00, v32;
	v31 =	vunpack.i.u.bf16.f32 v29;
	v46 =	vld [tilespmem:s24+$0xFFFFFFB0]  }
0x65d: {  	v12 =	vadd.f32 v12, v13;
	v13 =	vadd.f32 v30, v24;
	v24 =	vunpack.i.l.bf16.f32 v29;
	v47 =	vld [tilespmem:s25+$0xFFFFFFB0]  }
0x65e: {  	v20 =	vadd.f32 v24, v20;
	v24 =	vadd.f32 v31, v25;
	v25 =	vunpack.i.u.bf16.f32 v23;
	v48 =	vld [tilespmem:s24+$0xFFFFFFC0]  }
0x65f: {  	v23 =	vunpack.i.l.bf16.f32 v23;
	v12 =	vadd.f32 v27, v12;
	v13 =	vadd.f32 v28, v13;
	v49 =	vld [tilespmem:s25+$0xFFFFFFC0]  }
0x660: {  	v20 =	vadd.f32 v23, v20;
	v23 =	vadd.f32 v25, v24;
	v50 =	vld [tilespmem:s24+$0xFFFFFF30]  }
0x661: {  	v24 =	vunpack.i.l.bf16.f32 v26;
	v13 =	vadd.f32 v12, v13;
	v12 =	vunpack.i.u.bf16.f32 v26;
	v51 =	vld [tilespmem:s25+$0xFFFFFF30]  }
0x662: {  	v20 =	vadd.f32 v24, v20;
	v23 =	vadd.f32 v12, v23;
	v52 =	vld [tilespmem:s24+$0xFFFFFF40]  }
0x663: {  	v12 =	vmov s26;
	v53 =	vld [tilespmem:s25+$0xFFFFFF40];
	(xrf2) =	vadd.scan.msk.f32 $0xffff, v13  }
0x664: {  	v23 =	vadd.f32 v20, v23;
	v13 =	vperm.xlane v10, v12;
	v54 =	vld [tilespmem:s24+$0xFFFFFF90]  }
0x665: {  	v55 =	vld [tilespmem:s25+$0xFFFFFF90]  }
0x666: {  	v30 =	vshll.u32 v13, $0x7;
	v20 =	vld [tilespmem:s24+$0xFFFFFFA0];
	(xrf2) =	vadd.scan.msk.f32 $0xffff, v23  }
0x667: {  	v28 =	vor.u32 v6, v30;
	v23 =	vld [tilespmem:s25+$0xFFFFFFA0]  }
0x668: {  	v29 =	vor.u32 v7, v30;
	v24 =	vld [tilespmem:s24+$0xFFFFFF10]  }
0x669: {  	v31 =	vor.u32 v4, v30;
	v26 =	vld [tilespmem:s25+$0xFFFFFF10]  }
0x66a: {  	s0 =	sadd.s32 $0x1, s26;
	v32 =	vor.u32 v5, v30;
	v25 =	vld [tilespmem:s24+$0xFFFFFF20]  }
0x66b: {  	v13 =	vmov s0;
	v33 =	vor.u32 v2, v30;
	v27 =	vld [tilespmem:s25+$0xFFFFFF20]  }
0x66c: {  	v42 =	vor.u32 v3, v30;
	v34 =	vperm.xlane v10, v13;
	v28 =	vld.idx.msk [tilespmem:v28+s10+$0x0], $0xffff  }
0x66d: {  	v43 =	vor.u32 v0, v30;
	v29 =	vld.idx.msk [tilespmem:v29+s10+$0x0], $0xffff;
	v56, _, _ =	vpop (xrf2)  }
0x66e: {  	v14 =	vadd.bf16 v15, v14;
	v57 =	vor.u32 v1, v30;
	v34 =	vshll.u32 v34, $0x7;
	v31 =	vld.idx.msk [tilespmem:v31+s10+$0x0], $0xffff  }
0x66f: {  	v15 =	vadd.bf16 v17, v16;
	v35 =	vadd.bf16 v19, v18;
	v58 =	vor.u32 v6, v34;
	v30 =	vld.idx.msk [tilespmem:v32+s10+$0x0], $0xffff  }
0x670: {  	v36 =	vadd.bf16 v36, v21;
	v59 =	vor.u32 v7, v34;
	v32 =	vld.idx.msk [tilespmem:v33+s10+$0x0], $0xffff;
	(v2sf) =	vpush v56, $0xF;
	v16, _, _ =	vpop (xrf2)  }
.Ltmp9:
0x671: {  	v19 =	vadd.bf16 v37, v22;
	v33 =	vld.idx.msk [tilespmem:v42+s10+$0x0], $0xffff;
	v42 =	vor.u32 v4, v34;
	(v2sf) =	vpush v16, $0xF;
	(pc) =	sbr.rel @p0 .LBB2_20-.Ltmp9, $4  }
0x672: {  	v40 =	vadd.bf16 v41, v40;
	v16 =	vadd.bf16 v39, v38;
	v22 =	vld.idx.msk [tilespmem:v43+s10+$0x0], $0xffff;
	v43 =	vor.u32 v5, v34  }
0x673: {  	v41 =	vadd.bf16 v45, v44;
	v17 =	vadd.bf16 v47, v46;
	v44 =	vor.u32 v2, v34;
	v37 =	vld.idx.msk [tilespmem:v57+s10+$0x0], $0xffff  }
0x674: {  	v18 =	vadd.bf16 v49, v48;
	v46 =	vadd.bf16 v51, v50;
	v45 =	vor.u32 v3, v34;
	v39 =	vld.idx.msk [tilespmem:v58+s10+$0x0], $0xffff  }
0x675: {  	s26 =	sadd.s32 $0x2, s26;
	v47 =	vadd.bf16 v53, v52;
	v48 =	vor.u32 v0, v34;
	v21 =	vadd.bf16 v55, v54;
	v38 =	vld.idx.msk [tilespmem:v59+s10+$0x0], $0xffff  }
0x676: {  	_ =	sdelay $0x2  }
0x677: {  	v10 =	vadd.bf16 v26, v24;
	v20 =	vadd.bf16 v23, v20  }
0x678: {  	v57 =	vld.idx.msk [tilespmem:v42+s10+$0x0], $0xffff;
	v25 =	vadd.bf16 v27, v25;
	v58 =	vsub.bf16 v35, v28  }
0x679: {  	v59 =	vld.idx.msk [tilespmem:v43+s10+$0x0], $0xffff;
	v60 =	vsub.bf16 v40, v31;
	v29 =	vsub.bf16 v36, v29  }
0x67a: {  	v56 =	vor.u32 v1, v34;
	v61 =	vld.idx.msk [tilespmem:v44+s10+$0x0], $0xffff;
	v32 =	vsub.bf16 v46, v32;
	v30 =	vsub.bf16 v41, v30  }
0x67b: {  	v62 =	vld.idx.msk [tilespmem:v45+s10+$0x0], $0xffff;
	v63 =	vsub.bf16 v47, v33;
	v10 =	vsub.bf16 v10, v22  }
0x67c: {  	v36 =	vld.idx.msk [tilespmem:v48+s10+$0x0], $0xffff;
	v25 =	vsub.bf16 v25, v37;
	v26 =	vmul.bf16 v58, v58;
	v41 =	vmul.bf16 v29, v29  }
0x67d: {  	v40 =	vmul.bf16 v60, v60;
	v43 =	vmul.bf16 v30, v30;
	v14 =	vsub.bf16 v14, v39  }
0x67e: {  	v42 =	vmul.bf16 v32, v32;
	v15 =	vsub.bf16 v15, v38;
	v44 =	vadd.bf16 v41, v26  }
0x67f: {  	v22 =	vmul.bf16 v63, v63;
	v24 =	vadd.bf16 v43, v40;
	v23 =	vld.idx.msk [tilespmem:v56+s10+$0x0], $0xffff;
	v19 =	vsub.bf16 v19, v57  }
0x680: {  	v10 =	vmul.bf16 v10, v10;
	v16 =	vsub.bf16 v16, v59;
	v17 =	vsub.bf16 v17, v61  }
0x681: {  	v25 =	vmul.bf16 v25, v25;
	v18 =	vsub.bf16 v18, v62;
	v21 =	vsub.bf16 v21, v36  }
0x682: {  	v14 =	vmul.bf16 v14, v14;
	v22 =	vadd.bf16 v22, v42;
	v15 =	vmul.bf16 v15, v15  }
0x683: {  	v10 =	vadd.bf16 v25, v10;
	v48 =	vunpack.i.u.bf16.f32 v24;
	v49 =	vunpack.i.l.bf16.f32 v24  }
0x684: {  	v19 =	vmul.bf16 v19, v19;
	v17 =	vmul.bf16 v17, v17;
	v20 =	vsub.bf16 v20, v23  }
0x685: {  	v54 =	vunpack.i.l.bf16.f32 v44;
	v16 =	vmul.bf16 v16, v16;
	v18 =	vmul.bf16 v18, v18  }
0x686: {  	v21 =	vmul.bf16 v21, v21;
	v14 =	vadd.bf16 v15, v14;
	v20 =	vmul.bf16 v20, v20  }
0x687: {  	v47 =	vunpack.i.u.bf16.f32 v10;
	v10 =	vunpack.i.l.bf16.f32 v10;
	v45 =	vadd.bf16 v18, v17  }
0x688: {  	v50 =	vunpack.i.u.bf16.f32 v22;
	v10 =	vadd.f32 $0.0e+00, v10;
	v46 =	vadd.bf16 v20, v21  }
0x689: {  	v22 =	vunpack.i.l.bf16.f32 v22;
	v16 =	vadd.bf16 v16, v19;
	v18 =	vadd.f32 $0.0e+00, v47  }
0x68a: {  	v10 =	vadd.f32 v22, v10;
	v51 =	vunpack.i.u.bf16.f32 v46;
	v17 =	vunpack.i.l.bf16.f32 v46  }
0x68b: {  	v57 =	vunpack.i.u.bf16.f32 v44;
	v17 =	vadd.f32 $0.0e+00, v17;
	v52 =	vadd.f32 $0.0e+00, v51  }
0x68c: {  	v18 =	vadd.f32 v50, v18;
	v53 =	vunpack.i.u.bf16.f32 v45;
	v15 =	vunpack.i.l.bf16.f32 v45  }
0x68d: {  	v56 =	vunpack.i.u.bf16.f32 v16;
	v15 =	vadd.f32 v15, v17;
	v55 =	vadd.f32 v53, v52  }
0x68e: {  	v16 =	vunpack.i.l.bf16.f32 v16;
	v10 =	vadd.f32 v49, v10;
	v18 =	vadd.f32 v48, v18  }
0x68f: {  	v60 =	vunpack.i.u.bf16.f32 v14;
	v15 =	vadd.f32 v16, v15;
	v58 =	vadd.f32 v56, v55  }
0x690: {  	v14 =	vunpack.i.l.bf16.f32 v14;
	v10 =	vadd.f32 v54, v10;
	v59 =	vadd.f32 v57, v18  }
0x691: {  	v14 =	vadd.f32 v14, v15;
	v61 =	vadd.f32 v60, v58  }
0x692: {  	v10 =	vadd.f32 v10, v59  }
0x693: {  	v14 =	vadd.f32 v14, v61  }
0x694: {  	(xrf2) =	vadd.scan.msk.f32 $0xffff, v10  }
0x695: {  	(xrf2) =	vadd.scan.msk.f32 $0xffff, v14;
	_ =	sdelay $0x8  }
0x696: {  	v10, _, _ =	vpop (xrf2)  }
0x697: {  	(v2sf) =	vpush v10, $0xF;
	v62, _, _ =	vpop (xrf2)  }
0x698: {  	(v2sf) =	vpush v62, $0xF;
	_ =	sdelay $0xb  }
0x699: {  	s0 =	spop (v2sf)  }
0x69a: {  	s1 =	spop (v2sf);
	s0 =	ssub.f32 $0.0e+00, s0  }
0x69b: {  	vm0 =	veq.s32 v8, v0;
	v8 =	vor.u32 $0x1380, v0;
	s1 =	ssub.f32 $0.0e+00, s1;
	s24 =	spop (v2sf)  }
0x69c: {  	vm1 =	veq.s32 v9, v0;
	v63 =	vsel vm0, s0, v11;
	s29 =	ssub.f32 $0.0e+00, s24;
	s30 =	spop (v2sf)  }
0x69d: {  	vm14 =	veq.s32 v12, v0;
	v9 =	vsel vm1, s1, v63;
	s31 =	ssub.f32 $0.0e+00, s30  }
0x69e: {  	vm15 =	veq.s32 v13, v0;
	s23 =	sadd.s32 $0x1, s23;
	v9 =	vsel vm14, s29, v9  }
0x69f: {  	p0 =	sne.s32 s23, s9;
	v9 =	vsel vm15, s31, v9  }
.Ltmp10:
0x6a0: {  	[tilespmem:v8+s21+$0x0] =	vst.idx.msk $0xff, v9;
	(pc) =	sbr.rel @p0 .LBB2_1-.Ltmp10, $4  }
0x6a1: {  	[hbm4b:s8+s2] =	stream.linear.scatter [tilespmem:s21], [sflag:$0x4], $0x1388, $0x38;
	[tilespmem:$0x19830] =	vst v63  }
0x6a2: {  	_ =	swait.ge [sflag:s11], $0x1388  }
0x6a3: {  	[sflag:s11] =	ssyncset.done $0x0  }
0x6a4: {  	[sflag:s11] =	ssyncadd.s32 $0xFFFFEC78  }
0x6a5: {  	_ =	sfence.sel $0x180000  }
0x6a6: {  	[bflag:$0x0] =	sbarrier.arrive $0xFFFF  }
0x6a7: {  	_ =	strace $0x90000047  }
0x6a8: {  	s0 =	stileid.u32;
	[bflag:$0x2] =	sbarrier.arrive $0xFFFF  }
0x6a9: {  	p0 =	sne.s32 s0, $0x0;
	s0 =	rddreg [dreg:$0x3]  }
0x6aa: {  	s0 =	sadd.s32 @!p0 $0x100000, s0  }
0x6ab: {  	[sflag:s0] =	ssyncadd.tile.s32 @!p0 $0x1;
	_ =	shalt  }
.Lfunc_end2:
_tile_overlayer_lowered:
.L_overlay_start_2:
0x6ac: {  	(tag) =	ssettag $0x2  }
0x6ad: {  	s0 =	rddreg [dreg:$0x0];
	s2 =	stileid.u32  }
0x6ae: {  	s1 =	rddreg [dreg:$0x1];
	p0 =	sne.s32 s2, $0x0  }
0x6af: {  	s3 =	rddreg [dreg:$0x2];
	[bflag:$0x3] =	sbarrier.arrive $0xFFFF;
	s2 =	simm.s32 @!p0 $0x1C04  }
0x6b0: {  	[timem:s3], [sflag:s2] =	dma.local @!p0 [hbm:s0], s1  }
0x6b1: {  	s0 =	simm.s32 @!p0 $0x4  }
0x6b2: {  	_ =	swait.ge @!p0 [sflag:s0], s1  }
0x6b3: {  	s1 =	ssub.s32 @!p0 $0x0, s1;
	[sflag:s0] =	ssyncset.done @!p0 $0x0  }
0x6b4: {  	[sflag:s0] =	ssyncadd.s32 @!p0 s1  }
0x6b5: {  	[bflag:$0x3] =	sbarrier.arrive $0xFFFF  }
0x6b6: {  	_ =	shalt  }

</sc_bundles>
